<compile_context>
chip_gen: v7x
topology: tpu7x:2x2x1
jax: 0.10.2.dev20260603
libtpu: 0.0.44.dev20260713+nightly
codegen_flags: <defaults>
</compile_context>

<pallas_src>
import functools

import jax
import jax.numpy as jnp
from jax import lax
from jax.experimental import pallas as pl
from jax.experimental.pallas import tpu as pltpu
from jax.experimental.pallas import tpu_sc as plsc

VOCAB = 1000000
EMBED_DIM = 64
BATCH = 16384
HIST = 50

NUM_CORES = 2
NUM_SUBCORES = 16
NW = NUM_CORES * NUM_SUBCORES
B_PER_W = BATCH // NW
LB = 128
BHW = B_PER_W // LB
NSLAB = BHW * HIST
NBUF = 4
SLAB_MINOR = LB + 1


def _gather_kernel(table_hbm, idx_hbm, out_hbm, idx_v, idxt_v, rows_v, slab_v,
                   *sems):
    gsems = sems[:NBUF]
    osems = sems[NBUF:]
    wid = lax.axis_index("s") * NUM_CORES + lax.axis_index("c")
    b0 = wid * B_PER_W
    bh0 = wid * BHW

    pltpu.sync_copy(idx_hbm.at[pl.ds(b0, B_PER_W)], idx_v)

    lanes = lax.iota(jnp.int32, 16)
    row_vecs = [g * 16 + lanes for g in range(LB // 16)]
    ch_vecs = [(c0 * 16 + lanes) // 8 for c0 in range(EMBED_DIM // 16)]
    cl_vecs = [lax.rem(c0 * 16 + lanes, 8) for c0 in range(EMBED_DIM // 16)]

    def tbody(t, carry):
        for g in range(B_PER_W // 16):
            vals = plsc.load_gather(idx_v, [row_vecs[g % (LB // 16)] +
                                            (g // (LB // 16)) * LB,
                                            jnp.full((16,), t, jnp.int32)])
            idxt_v[t, pl.ds(g * 16, 16)] = vals + vals
        return carry

    lax.fori_loop(0, HIST, tbody, 0)

    def start_gather(s, buf):
        bh_l = s // HIST
        t = s % HIST
        pltpu.async_copy(
            table_hbm.at[idxt_v.at[t, pl.ds(bh_l * LB, LB)]],
            rows_v.at[buf], gsems[buf])

    def wait_gather(buf):
        pltpu.make_async_copy(table_hbm.at[idxt_v.at[0, pl.ds(0, LB)]],
                              rows_v.at[buf], gsems[buf]).wait()

    def start_out(s, buf):
        bh_l = s // HIST
        t = s % HIST
        pltpu.async_copy(slab_v.at[buf, :, :, pl.ds(0, LB)],
                         out_hbm.at[t, :, bh0 + bh_l], osems[buf])

    def wait_out(buf):
        pltpu.make_async_copy(slab_v.at[buf, :, :, pl.ds(0, LB)],
                              out_hbm.at[0, :, 0], osems[buf]).wait()

    def assemble(buf):
        rows = rows_v.at[buf]
        slab = slab_v.at[buf]

        def abody(bq, carry):
            for i in range(4):
                b = bq * 4 + i
                blv = jnp.full((16,), b, jnp.int32)
                for c0 in range(EMBED_DIM // 16):
                    v = rows[b, pl.ds(c0 * 16, 16)]
                    plsc.store_scatter(slab, [ch_vecs[c0], cl_vecs[c0], blv],
                                       v)
            return carry

        lax.fori_loop(0, LB // 4, abody, 0)

    for n in range(NBUF):
        start_gather(n, n)

    def body(g, carry):
        for n in range(NBUF):
            s = g * NBUF + n
            wait_gather(n)

            @pl.when(s >= NBUF)
            def _():
                wait_out(n)

            assemble(n)
            start_out(s, n)

            @pl.when(s + NBUF < NSLAB)
            def _():
                start_gather(s + NBUF, n)

        return carry

    lax.fori_loop(0, NSLAB // NBUF, body, 0)

    for n in range(NBUF):
        wait_out(n)


@jax.jit
def _lookup(nodes_ids, table):
    table2 = jnp.pad(table, ((0, 0), (0, 128 - EMBED_DIM))).reshape(
        2 * VOCAB, EMBED_DIM)
    mesh = plsc.VectorSubcoreMesh(core_axis_name="c", subcore_axis_name="s")
    out5d = pl.kernel(
        _gather_kernel,
        out_type=jax.ShapeDtypeStruct(
            (HIST, EMBED_DIM // 8, BATCH // LB, 8, LB), jnp.float32),
        mesh=mesh,
        scratch_types=[
            pltpu.VMEM((B_PER_W, HIST), jnp.int32),
            pltpu.VMEM((HIST, B_PER_W), jnp.int32),
            pltpu.VMEM((NBUF, LB, EMBED_DIM), jnp.float32),
            pltpu.VMEM((NBUF, EMBED_DIM // 8, 8, SLAB_MINOR), jnp.float32),
        ] + [pltpu.SemaphoreType.DMA] * (2 * NBUF),
        compiler_params=pltpu.CompilerParams(use_tc_tiling_on_sc=False,
                                             needs_layout_passes=False),
    )(table2, nodes_ids)
    return out5d.transpose(2, 4, 0, 1, 3).reshape(BATCH, HIST, EMBED_DIM)


def kernel(nodes_ids, table):
    return _lookup(nodes_ids, table)

# --- scband reference (transcript-rebuilt; emitter-appended) ---
"""Pipeline reference for scband-learnable-embedding-68624987456166 (READ-ONLY COPY).

The authoritative reference and input builder live on the scoring server;
editing this copy changes nothing except your own understanding.
"""

import jax, jax.numpy as jnp
import numpy as np

VOCAB = 1000000
EMBED_DIM = 64
BATCH = 16384
HIST = 50

def setup_inputs(seed: int = 0) -> dict:
    key = jax.random.key(seed)
    k_idx, k_tab = jax.random.split(key)
    nodes_ids = jax.random.randint(k_idx, (BATCH, HIST), 0, VOCAB, dtype=jnp.int64 if jax.config.read('jax_enable_x64') else jnp.int32)
    table = jax.random.normal(k_tab, (VOCAB, EMBED_DIM), dtype=jnp.float32)
    return {"nodes_ids": nodes_ids, "table": table}

def reference(nodes_ids, table):
    # Faithful translation of torch.nn.Embedding lookup:
    # out[b, t, :] = table[nodes_ids[b, t], :]
    return jnp.take(table, nodes_ids, axis=0)

if __name__ == "__main__":
    import jax
    _d = setup_inputs()
    print(jax.jit(kernel)(*tuple(_d.values())))

</pallas_src>

<mosaic_0001>
#map = affine_map<(d0, d1) -> (0, 0)>
#map1 = affine_map<(d0, d1) -> (0, 0, 0, 0, 0)>
module attributes {stable_mosaic.version = 14 : i64} {
  func.func @_gather_kernel(%arg0: i32, %arg1: i32, %arg2: memref<2000000x64xf32, #tpu.memory_space<hbm>>, %arg3: memref<16384x50xi32, #tpu.memory_space<hbm>>, %arg4: memref<50x8x128x8x128xf32, #tpu.memory_space<hbm>>, %arg5: memref<512x50xi32, #tpu.memory_space<vmem>>, %arg6: memref<50x512xi32, #tpu.memory_space<vmem>>, %arg7: memref<4x128x64xf32, #tpu.memory_space<vmem>>, %arg8: memref<4x8x8x129xf32, #tpu.memory_space<vmem>>, %arg9: memref<!tpu.dma_semaphore, #tpu.memory_space<semaphore_mem>>, %arg10: memref<!tpu.dma_semaphore, #tpu.memory_space<semaphore_mem>>, %arg11: memref<!tpu.dma_semaphore, #tpu.memory_space<semaphore_mem>>, %arg12: memref<!tpu.dma_semaphore, #tpu.memory_space<semaphore_mem>>, %arg13: memref<!tpu.dma_semaphore, #tpu.memory_space<semaphore_mem>>, %arg14: memref<!tpu.dma_semaphore, #tpu.memory_space<semaphore_mem>>, %arg15: memref<!tpu.dma_semaphore, #tpu.memory_space<semaphore_mem>>, %arg16: memref<!tpu.dma_semaphore, #tpu.memory_space<semaphore_mem>>) attributes {dimension_semantics = [#tpu.dimension_semantics<core_parallel>, #tpu.dimension_semantics<subcore_parallel>], iteration_bounds = array<i64: 2, 16>, scalar_prefetch = 0 : i64, scratch_operands = 12 : i64, tpu.core_type = #tpu.core_type<sc_vector_subcore>, window_params = [{transform_indices = #map}, {transform_indices = #map}, {transform_indices = #map1}]} {
    %mul3A = arith.constant 2 : i32
    %mul3A_0 = arith.muli %arg1, %mul3A : i32
    %add3A = arith.addi %mul3A_0, %arg0 : i32
    %mul3A_1 = arith.constant 512 : i32
    %mul3A_2 = arith.muli %add3A, %mul3A_1 : i32
    %mul3A_3 = arith.constant 4 : i32
    %mul3A_4 = arith.muli %add3A, %mul3A_3 : i32
    "tpu.region"() ({
      %run_scoped3A = tpu.sem_alloc : memref<!tpu.dma_semaphore, #tpu.memory_space<semaphore_mem>>
      %dma_start3A_330 = arith.constant 0 : i32
      %dma_start3A_331 = tpu.memref_slice %arg3[%mul3A_2, %dma_start3A_330] : memref<16384x50xi32, #tpu.memory_space<hbm>> -> memref<512x50xi32, #tpu.memory_space<hbm>>
      %dma_start3A_332 = arith.constant 0 : i32
      %dma_start3A_333 = tpu.memref_slice %arg3[%mul3A_2, %dma_start3A_332] : memref<16384x50xi32, #tpu.memory_space<hbm>> -> memref<512x50xi32, #tpu.memory_space<hbm>>
      tpu.enqueue_dma source(%dma_start3A_333 : memref<512x50xi32, #tpu.memory_space<hbm>>) target(%arg5 : memref<512x50xi32, #tpu.memory_space<vmem>>) target_semaphore(%run_scoped3A : memref<!tpu.dma_semaphore, #tpu.memory_space<semaphore_mem>>)
      %dma_wait3A_334 = arith.constant 0 : i32
      %dma_wait3A_335 = tpu.memref_slice %arg3[%mul3A_2, %dma_wait3A_334] : memref<16384x50xi32, #tpu.memory_space<hbm>> -> memref<512x50xi32, #tpu.memory_space<hbm>>
      %dma_wait3A_336 = arith.constant 0 : i32
      %dma_wait3A_337 = tpu.memref_slice %arg3[%mul3A_2, %dma_wait3A_336] : memref<16384x50xi32, #tpu.memory_space<hbm>> -> memref<512x50xi32, #tpu.memory_space<hbm>>
      tpu.wait_dma2 semaphore(%run_scoped3A : memref<!tpu.dma_semaphore, #tpu.memory_space<semaphore_mem>>) src(%dma_wait3A_337 : memref<512x50xi32, #tpu.memory_space<hbm>>) dst(%arg5 : memref<512x50xi32, #tpu.memory_space<vmem>>)
      tpu.yield
    }) : () -> ()
    %iota3A = tpu.iota {dimensions = array<i32: 0>} : vector<16xi32>
    %add3A_5 = arith.constant 0 : i32
    %add3A_6 = vector.broadcast %add3A_5 : i32 to vector<16xi32>
    %add3A_7 = arith.addi %add3A_6, %iota3A : vector<16xi32>
    %add3A_8 = arith.constant 16 : i32
    %add3A_9 = vector.broadcast %add3A_8 : i32 to vector<16xi32>
    %add3A_10 = arith.addi %add3A_9, %iota3A : vector<16xi32>
    %add3A_11 = arith.constant 32 : i32
    %add3A_12 = vector.broadcast %add3A_11 : i32 to vector<16xi32>
    %add3A_13 = arith.addi %add3A_12, %iota3A : vector<16xi32>
    %add3A_14 = arith.constant 48 : i32
    %add3A_15 = vector.broadcast %add3A_14 : i32 to vector<16xi32>
    %add3A_16 = arith.addi %add3A_15, %iota3A : vector<16xi32>
    %add3A_17 = arith.constant 64 : i32
    %add3A_18 = vector.broadcast %add3A_17 : i32 to vector<16xi32>
    %add3A_19 = arith.addi %add3A_18, %iota3A : vector<16xi32>
    %add3A_20 = arith.constant 80 : i32
    %add3A_21 = vector.broadcast %add3A_20 : i32 to vector<16xi32>
    %add3A_22 = arith.addi %add3A_21, %iota3A : vector<16xi32>
    %add3A_23 = arith.constant 96 : i32
    %add3A_24 = vector.broadcast %add3A_23 : i32 to vector<16xi32>
    %add3A_25 = arith.addi %add3A_24, %iota3A : vector<16xi32>
    %add3A_26 = arith.constant 112 : i32
    %add3A_27 = vector.broadcast %add3A_26 : i32 to vector<16xi32>
    %add3A_28 = arith.addi %add3A_27, %iota3A : vector<16xi32>
    %add3A_29 = arith.constant 0 : i32
    %add3A_30 = vector.broadcast %add3A_29 : i32 to vector<16xi32>
    %add3A_31 = arith.addi %add3A_30, %iota3A : vector<16xi32>
    %jit3A = arith.constant 8 : i32
    %div3A = vector.broadcast %jit3A : i32 to vector<16xi32>
    %div3A_32 = arith.divsi %add3A_31, %div3A : vector<16xi32>
    %sign3A = arith.constant 0 : i32
    %sign3A_33 = vector.broadcast %sign3A : i32 to vector<16xi32>
    %sign3A_34 = arith.cmpi sgt, %add3A_31, %sign3A_33 : vector<16xi32>
    %sign3A_35 = arith.extui %sign3A_34 : vector<16xi1> to vector<16xi32>
    %sign3A_36 = arith.constant 0 : i32
    %sign3A_37 = vector.broadcast %sign3A_36 : i32 to vector<16xi32>
    %sign3A_38 = arith.cmpi slt, %add3A_31, %sign3A_37 : vector<16xi32>
    %sign3A_39 = arith.extui %sign3A_38 : vector<16xi1> to vector<16xi32>
    %sign3A_40 = arith.subi %sign3A_35, %sign3A_39 : vector<16xi32>
    %sign3A_41 = arith.constant 0 : i32
    %sign3A_42 = arith.cmpi sgt, %jit3A, %sign3A_41 : i32
    %sign3A_43 = arith.extui %sign3A_42 : i1 to i32
    %sign3A_44 = arith.constant 0 : i32
    %sign3A_45 = arith.cmpi slt, %jit3A, %sign3A_44 : i32
    %sign3A_46 = arith.extui %sign3A_45 : i1 to i32
    %sign3A_47 = arith.subi %sign3A_43, %sign3A_46 : i32
    %ne3A = vector.broadcast %sign3A_47 : i32 to vector<16xi32>
    %ne3A_48 = arith.cmpi ne, %sign3A_40, %ne3A : vector<16xi32>
    %rem3A = vector.broadcast %jit3A : i32 to vector<16xi32>
    %rem3A_49 = arith.remsi %add3A_31, %rem3A : vector<16xi32>
    %ne3A_50 = arith.constant 0 : i32
    %ne3A_51 = vector.broadcast %ne3A_50 : i32 to vector<16xi32>
    %ne3A_52 = arith.cmpi ne, %rem3A_49, %ne3A_51 : vector<16xi32>
    %and3A = arith.andi %ne3A_48, %ne3A_52 : vector<16xi1>
    %sub3A = arith.constant 1 : i32
    %sub3A_53 = vector.broadcast %sub3A : i32 to vector<16xi32>
    %sub3A_54 = arith.subi %div3A_32, %sub3A_53 : vector<16xi32>
    %select_n3A = arith.select %and3A, %sub3A_54, %div3A_32 : vector<16xi1>, vector<16xi32>
    %add3A_55 = arith.constant 16 : i32
    %add3A_56 = vector.broadcast %add3A_55 : i32 to vector<16xi32>
    %add3A_57 = arith.addi %add3A_56, %iota3A : vector<16xi32>
    %jit3A_58 = arith.constant 8 : i32
    %div3A_59 = vector.broadcast %jit3A_58 : i32 to vector<16xi32>
    %div3A_60 = arith.divsi %add3A_57, %div3A_59 : vector<16xi32>
    %sign3A_61 = arith.constant 0 : i32
    %sign3A_62 = vector.broadcast %sign3A_61 : i32 to vector<16xi32>
    %sign3A_63 = arith.cmpi sgt, %add3A_57, %sign3A_62 : vector<16xi32>
    %sign3A_64 = arith.extui %sign3A_63 : vector<16xi1> to vector<16xi32>
    %sign3A_65 = arith.constant 0 : i32
    %sign3A_66 = vector.broadcast %sign3A_65 : i32 to vector<16xi32>
    %sign3A_67 = arith.cmpi slt, %add3A_57, %sign3A_66 : vector<16xi32>
    %sign3A_68 = arith.extui %sign3A_67 : vector<16xi1> to vector<16xi32>
    %sign3A_69 = arith.subi %sign3A_64, %sign3A_68 : vector<16xi32>
    %sign3A_70 = arith.constant 0 : i32
    %sign3A_71 = arith.cmpi sgt, %jit3A_58, %sign3A_70 : i32
    %sign3A_72 = arith.extui %sign3A_71 : i1 to i32
    %sign3A_73 = arith.constant 0 : i32
    %sign3A_74 = arith.cmpi slt, %jit3A_58, %sign3A_73 : i32
    %sign3A_75 = arith.extui %sign3A_74 : i1 to i32
    %sign3A_76 = arith.subi %sign3A_72, %sign3A_75 : i32
    %ne3A_77 = vector.broadcast %sign3A_76 : i32 to vector<16xi32>
    %ne3A_78 = arith.cmpi ne, %sign3A_69, %ne3A_77 : vector<16xi32>
    %rem3A_79 = vector.broadcast %jit3A_58 : i32 to vector<16xi32>
    %rem3A_80 = arith.remsi %add3A_57, %rem3A_79 : vector<16xi32>
    %ne3A_81 = arith.constant 0 : i32
    %ne3A_82 = vector.broadcast %ne3A_81 : i32 to vector<16xi32>
    %ne3A_83 = arith.cmpi ne, %rem3A_80, %ne3A_82 : vector<16xi32>
    %and3A_84 = arith.andi %ne3A_78, %ne3A_83 : vector<16xi1>
    %sub3A_85 = arith.constant 1 : i32
    %sub3A_86 = vector.broadcast %sub3A_85 : i32 to vector<16xi32>
    %sub3A_87 = arith.subi %div3A_60, %sub3A_86 : vector<16xi32>
    %select_n3A_88 = arith.select %and3A_84, %sub3A_87, %div3A_60 : vector<16xi1>, vector<16xi32>
    %add3A_89 = arith.constant 32 : i32
    %add3A_90 = vector.broadcast %add3A_89 : i32 to vector<16xi32>
    %add3A_91 = arith.addi %add3A_90, %iota3A : vector<16xi32>
    %jit3A_92 = arith.constant 8 : i32
    %div3A_93 = vector.broadcast %jit3A_92 : i32 to vector<16xi32>
    %div3A_94 = arith.divsi %add3A_91, %div3A_93 : vector<16xi32>
    %sign3A_95 = arith.constant 0 : i32
    %sign3A_96 = vector.broadcast %sign3A_95 : i32 to vector<16xi32>
    %sign3A_97 = arith.cmpi sgt, %add3A_91, %sign3A_96 : vector<16xi32>
    %sign3A_98 = arith.extui %sign3A_97 : vector<16xi1> to vector<16xi32>
    %sign3A_99 = arith.constant 0 : i32
    %sign3A_100 = vector.broadcast %sign3A_99 : i32 to vector<16xi32>
    %sign3A_101 = arith.cmpi slt, %add3A_91, %sign3A_100 : vector<16xi32>
    %sign3A_102 = arith.extui %sign3A_101 : vector<16xi1> to vector<16xi32>
    %sign3A_103 = arith.subi %sign3A_98, %sign3A_102 : vector<16xi32>
    %sign3A_104 = arith.constant 0 : i32
    %sign3A_105 = arith.cmpi sgt, %jit3A_92, %sign3A_104 : i32
    %sign3A_106 = arith.extui %sign3A_105 : i1 to i32
    %sign3A_107 = arith.constant 0 : i32
    %sign3A_108 = arith.cmpi slt, %jit3A_92, %sign3A_107 : i32
    %sign3A_109 = arith.extui %sign3A_108 : i1 to i32
    %sign3A_110 = arith.subi %sign3A_106, %sign3A_109 : i32
    %ne3A_111 = vector.broadcast %sign3A_110 : i32 to vector<16xi32>
    %ne3A_112 = arith.cmpi ne, %sign3A_103, %ne3A_111 : vector<16xi32>
    %rem3A_113 = vector.broadcast %jit3A_92 : i32 to vector<16xi32>
    %rem3A_114 = arith.remsi %add3A_91, %rem3A_113 : vector<16xi32>
    %ne3A_115 = arith.constant 0 : i32
    %ne3A_116 = vector.broadcast %ne3A_115 : i32 to vector<16xi32>
    %ne3A_117 = arith.cmpi ne, %rem3A_114, %ne3A_116 : vector<16xi32>
    %and3A_118 = arith.andi %ne3A_112, %ne3A_117 : vector<16xi1>
    %sub3A_119 = arith.constant 1 : i32
    %sub3A_120 = vector.broadcast %sub3A_119 : i32 to vector<16xi32>
    %sub3A_121 = arith.subi %div3A_94, %sub3A_120 : vector<16xi32>
    %select_n3A_122 = arith.select %and3A_118, %sub3A_121, %div3A_94 : vector<16xi1>, vector<16xi32>
    %add3A_123 = arith.constant 48 : i32
    %add3A_124 = vector.broadcast %add3A_123 : i32 to vector<16xi32>
    %add3A_125 = arith.addi %add3A_124, %iota3A : vector<16xi32>
    %jit3A_126 = arith.constant 8 : i32
    %div3A_127 = vector.broadcast %jit3A_126 : i32 to vector<16xi32>
    %div3A_128 = arith.divsi %add3A_125, %div3A_127 : vector<16xi32>
    %sign3A_129 = arith.constant 0 : i32
    %sign3A_130 = vector.broadcast %sign3A_129 : i32 to vector<16xi32>
    %sign3A_131 = arith.cmpi sgt, %add3A_125, %sign3A_130 : vector<16xi32>
    %sign3A_132 = arith.extui %sign3A_131 : vector<16xi1> to vector<16xi32>
    %sign3A_133 = arith.constant 0 : i32
    %sign3A_134 = vector.broadcast %sign3A_133 : i32 to vector<16xi32>
    %sign3A_135 = arith.cmpi slt, %add3A_125, %sign3A_134 : vector<16xi32>
    %sign3A_136 = arith.extui %sign3A_135 : vector<16xi1> to vector<16xi32>
    %sign3A_137 = arith.subi %sign3A_132, %sign3A_136 : vector<16xi32>
    %sign3A_138 = arith.constant 0 : i32
    %sign3A_139 = arith.cmpi sgt, %jit3A_126, %sign3A_138 : i32
    %sign3A_140 = arith.extui %sign3A_139 : i1 to i32
    %sign3A_141 = arith.constant 0 : i32
    %sign3A_142 = arith.cmpi slt, %jit3A_126, %sign3A_141 : i32
    %sign3A_143 = arith.extui %sign3A_142 : i1 to i32
    %sign3A_144 = arith.subi %sign3A_140, %sign3A_143 : i32
    %ne3A_145 = vector.broadcast %sign3A_144 : i32 to vector<16xi32>
    %ne3A_146 = arith.cmpi ne, %sign3A_137, %ne3A_145 : vector<16xi32>
    %rem3A_147 = vector.broadcast %jit3A_126 : i32 to vector<16xi32>
    %rem3A_148 = arith.remsi %add3A_125, %rem3A_147 : vector<16xi32>
    %ne3A_149 = arith.constant 0 : i32
    %ne3A_150 = vector.broadcast %ne3A_149 : i32 to vector<16xi32>
    %ne3A_151 = arith.cmpi ne, %rem3A_148, %ne3A_150 : vector<16xi32>
    %and3A_152 = arith.andi %ne3A_146, %ne3A_151 : vector<16xi1>
    %sub3A_153 = arith.constant 1 : i32
    %sub3A_154 = vector.broadcast %sub3A_153 : i32 to vector<16xi32>
    %sub3A_155 = arith.subi %div3A_128, %sub3A_154 : vector<16xi32>
    %select_n3A_156 = arith.select %and3A_152, %sub3A_155, %div3A_128 : vector<16xi1>, vector<16xi32>
    %add3A_157 = arith.constant 0 : i32
    %add3A_158 = vector.broadcast %add3A_157 : i32 to vector<16xi32>
    %add3A_159 = arith.addi %add3A_158, %iota3A : vector<16xi32>
    %rem3A_160 = arith.constant 8 : i32
    %rem3A_161 = vector.broadcast %rem3A_160 : i32 to vector<16xi32>
    %rem3A_162 = arith.remsi %add3A_159, %rem3A_161 : vector<16xi32>
    %add3A_163 = arith.constant 16 : i32
    %add3A_164 = vector.broadcast %add3A_163 : i32 to vector<16xi32>
    %add3A_165 = arith.addi %add3A_164, %iota3A : vector<16xi32>
    %rem3A_166 = arith.constant 8 : i32
    %rem3A_167 = vector.broadcast %rem3A_166 : i32 to vector<16xi32>
    %rem3A_168 = arith.remsi %add3A_165, %rem3A_167 : vector<16xi32>
    %add3A_169 = arith.constant 32 : i32
    %add3A_170 = vector.broadcast %add3A_169 : i32 to vector<16xi32>
    %add3A_171 = arith.addi %add3A_170, %iota3A : vector<16xi32>
    %rem3A_172 = arith.constant 8 : i32
    %rem3A_173 = vector.broadcast %rem3A_172 : i32 to vector<16xi32>
    %rem3A_174 = arith.remsi %add3A_171, %rem3A_173 : vector<16xi32>
    %add3A_175 = arith.constant 48 : i32
    %add3A_176 = vector.broadcast %add3A_175 : i32 to vector<16xi32>
    %add3A_177 = arith.addi %add3A_176, %iota3A : vector<16xi32>
    %rem3A_178 = arith.constant 8 : i32
    %rem3A_179 = vector.broadcast %rem3A_178 : i32 to vector<16xi32>
    %rem3A_180 = arith.remsi %add3A_177, %rem3A_179 : vector<16xi32>
    %scan3A = arith.constant 0 : i32
    %scan3A_181 = arith.constant 0 : i32
    %scan3A_182 = arith.constant 50 : i32
    %scan3A_183 = arith.addi %scan3A_181, %scan3A_182 : i32
    %scan3A_184 = arith.constant 1 : i32
    scf.for %scan3A_330 = %scan3A_181 to %scan3A_183 step %scan3A_184  : i32 {
      %add3A_331 = arith.constant 0 : i32
      %add3A_332 = vector.broadcast %add3A_331 : i32 to vector<16xi32>
      %add3A_333 = arith.addi %add3A_7, %add3A_332 : vector<16xi32>
      %broadcast_in_dim3A = vector.broadcast %scan3A_330 : i32 to vector<16xi32>
      %gather3A = tpu.vector_load_idx %arg5[%add3A_333, %broadcast_in_dim3A] : memref<512x50xi32, #tpu.memory_space<vmem>>[vector<16xi32>, vector<16xi32>], vector<16xi32>,
      %add3A_334 = arith.addi %gather3A, %gather3A : vector<16xi32>
      %swap3A = arith.index_cast %scan3A_330 : i32 to index
      %swap3A_335 = arith.constant 0 : index
      %swap3A_336 = tpu.vector_load %arg6[%swap3A, %swap3A_335] {strides = array<i32>} : memref<50x512xi32, #tpu.memory_space<vmem>>, vector<16xi32>,
      tpu.vector_store %arg6[%swap3A, %swap3A_335], %add3A_334 {strides = array<i32>} : memref<50x512xi32, #tpu.memory_space<vmem>>, vector<16xi32>,
      %add3A_337 = arith.constant 0 : i32
      %add3A_338 = vector.broadcast %add3A_337 : i32 to vector<16xi32>
      %add3A_339 = arith.addi %add3A_10, %add3A_338 : vector<16xi32>
      %broadcast_in_dim3A_340 = vector.broadcast %scan3A_330 : i32 to vector<16xi32>
      %gather3A_341 = tpu.vector_load_idx %arg5[%add3A_339, %broadcast_in_dim3A_340] : memref<512x50xi32, #tpu.memory_space<vmem>>[vector<16xi32>, vector<16xi32>], vector<16xi32>,
      %add3A_342 = arith.addi %gather3A_341, %gather3A_341 : vector<16xi32>
      %swap3A_343 = arith.index_cast %scan3A_330 : i32 to index
      %swap3A_344 = arith.constant 16 : index
      %swap3A_345 = tpu.vector_load %arg6[%swap3A_343, %swap3A_344] {strides = array<i32>} : memref<50x512xi32, #tpu.memory_space<vmem>>, vector<16xi32>,
      tpu.vector_store %arg6[%swap3A_343, %swap3A_344], %add3A_342 {strides = array<i32>} : memref<50x512xi32, #tpu.memory_space<vmem>>, vector<16xi32>,
      %add3A_346 = arith.constant 0 : i32
      %add3A_347 = vector.broadcast %add3A_346 : i32 to vector<16xi32>
      %add3A_348 = arith.addi %add3A_13, %add3A_347 : vector<16xi32>
      %broadcast_in_dim3A_349 = vector.broadcast %scan3A_330 : i32 to vector<16xi32>
      %gather3A_350 = tpu.vector_load_idx %arg5[%add3A_348, %broadcast_in_dim3A_349] : memref<512x50xi32, #tpu.memory_space<vmem>>[vector<16xi32>, vector<16xi32>], vector<16xi32>,
      %add3A_351 = arith.addi %gather3A_350, %gather3A_350 : vector<16xi32>
      %swap3A_352 = arith.index_cast %scan3A_330 : i32 to index
      %swap3A_353 = arith.constant 32 : index
      %swap3A_354 = tpu.vector_load %arg6[%swap3A_352, %swap3A_353] {strides = array<i32>} : memref<50x512xi32, #tpu.memory_space<vmem>>, vector<16xi32>,
      tpu.vector_store %arg6[%swap3A_352, %swap3A_353], %add3A_351 {strides = array<i32>} : memref<50x512xi32, #tpu.memory_space<vmem>>, vector<16xi32>,
      %add3A_355 = arith.constant 0 : i32
      %add3A_356 = vector.broadcast %add3A_355 : i32 to vector<16xi32>
      %add3A_357 = arith.addi %add3A_16, %add3A_356 : vector<16xi32>
      %broadcast_in_dim3A_358 = vector.broadcast %scan3A_330 : i32 to vector<16xi32>
      %gather3A_359 = tpu.vector_load_idx %arg5[%add3A_357, %broadcast_in_dim3A_358] : memref<512x50xi32, #tpu.memory_space<vmem>>[vector<16xi32>, vector<16xi32>], vector<16xi32>,
      %add3A_360 = arith.addi %gather3A_359, %gather3A_359 : vector<16xi32>
      %swap3A_361 = arith.index_cast %scan3A_330 : i32 to index
      %swap3A_362 = arith.constant 48 : index
      %swap3A_363 = tpu.vector_load %arg6[%swap3A_361, %swap3A_362] {strides = array<i32>} : memref<50x512xi32, #tpu.memory_space<vmem>>, vector<16xi32>,
      tpu.vector_store %arg6[%swap3A_361, %swap3A_362], %add3A_360 {strides = array<i32>} : memref<50x512xi32, #tpu.memory_space<vmem>>, vector<16xi32>,
      %add3A_364 = arith.constant 0 : i32
      %add3A_365 = vector.broadcast %add3A_364 : i32 to vector<16xi32>
      %add3A_366 = arith.addi %add3A_19, %add3A_365 : vector<16xi32>
      %broadcast_in_dim3A_367 = vector.broadcast %scan3A_330 : i32 to vector<16xi32>
      %gather3A_368 = tpu.vector_load_idx %arg5[%add3A_366, %broadcast_in_dim3A_367] : memref<512x50xi32, #tpu.memory_space<vmem>>[vector<16xi32>, vector<16xi32>], vector<16xi32>,
      %add3A_369 = arith.addi %gather3A_368, %gather3A_368 : vector<16xi32>
      %swap3A_370 = arith.index_cast %scan3A_330 : i32 to index
      %swap3A_371 = arith.constant 64 : index
      %swap3A_372 = tpu.vector_load %arg6[%swap3A_370, %swap3A_371] {strides = array<i32>} : memref<50x512xi32, #tpu.memory_space<vmem>>, vector<16xi32>,
      tpu.vector_store %arg6[%swap3A_370, %swap3A_371], %add3A_369 {strides = array<i32>} : memref<50x512xi32, #tpu.memory_space<vmem>>, vector<16xi32>,
      %add3A_373 = arith.constant 0 : i32
      %add3A_374 = vector.broadcast %add3A_373 : i32 to vector<16xi32>
      %add3A_375 = arith.addi %add3A_22, %add3A_374 : vector<16xi32>
      %broadcast_in_dim3A_376 = vector.broadcast %scan3A_330 : i32 to vector<16xi32>
      %gather3A_377 = tpu.vector_load_idx %arg5[%add3A_375, %broadcast_in_dim3A_376] : memref<512x50xi32, #tpu.memory_space<vmem>>[vector<16xi32>, vector<16xi32>], vector<16xi32>,
      %add3A_378 = arith.addi %gather3A_377, %gather3A_377 : vector<16xi32>
      %swap3A_379 = arith.index_cast %scan3A_330 : i32 to index
      %swap3A_380 = arith.constant 80 : index
      %swap3A_381 = tpu.vector_load %arg6[%swap3A_379, %swap3A_380] {strides = array<i32>} : memref<50x512xi32, #tpu.memory_space<vmem>>, vector<16xi32>,
      tpu.vector_store %arg6[%swap3A_379, %swap3A_380], %add3A_378 {strides = array<i32>} : memref<50x512xi32, #tpu.memory_space<vmem>>, vector<16xi32>,
      %add3A_382 = arith.constant 0 : i32
      %add3A_383 = vector.broadcast %add3A_382 : i32 to vector<16xi32>
      %add3A_384 = arith.addi %add3A_25, %add3A_383 : vector<16xi32>
      %broadcast_in_dim3A_385 = vector.broadcast %scan3A_330 : i32 to vector<16xi32>
      %gather3A_386 = tpu.vector_load_idx %arg5[%add3A_384, %broadcast_in_dim3A_385] : memref<512x50xi32, #tpu.memory_space<vmem>>[vector<16xi32>, vector<16xi32>], vector<16xi32>,
      %add3A_387 = arith.addi %gather3A_386, %gather3A_386 : vector<16xi32>
      %swap3A_388 = arith.index_cast %scan3A_330 : i32 to index
      %swap3A_389 = arith.constant 96 : index
      %swap3A_390 = tpu.vector_load %arg6[%swap3A_388, %swap3A_389] {strides = array<i32>} : memref<50x512xi32, #tpu.memory_space<vmem>>, vector<16xi32>,
      tpu.vector_store %arg6[%swap3A_388, %swap3A_389], %add3A_387 {strides = array<i32>} : memref<50x512xi32, #tpu.memory_space<vmem>>, vector<16xi32>,
      %add3A_391 = arith.constant 0 : i32
      %add3A_392 = vector.broadcast %add3A_391 : i32 to vector<16xi32>
      %add3A_393 = arith.addi %add3A_28, %add3A_392 : vector<16xi32>
      %broadcast_in_dim3A_394 = vector.broadcast %scan3A_330 : i32 to vector<16xi32>
      %gather3A_395 = tpu.vector_load_idx %arg5[%add3A_393, %broadcast_in_dim3A_394] : memref<512x50xi32, #tpu.memory_space<vmem>>[vector<16xi32>, vector<16xi32>], vector<16xi32>,
      %add3A_396 = arith.addi %gather3A_395, %gather3A_395 : vector<16xi32>
      %swap3A_397 = arith.index_cast %scan3A_330 : i32 to index
      %swap3A_398 = arith.constant 112 : index
      %swap3A_399 = tpu.vector_load %arg6[%swap3A_397, %swap3A_398] {strides = array<i32>} : memref<50x512xi32, #tpu.memory_space<vmem>>, vector<16xi32>,
      tpu.vector_store %arg6[%swap3A_397, %swap3A_398], %add3A_396 {strides = array<i32>} : memref<50x512xi32, #tpu.memory_space<vmem>>, vector<16xi32>,
      %add3A_400 = arith.constant 128 : i32
      %add3A_401 = vector.broadcast %add3A_400 : i32 to vector<16xi32>
      %add3A_402 = arith.addi %add3A_7, %add3A_401 : vector<16xi32>
      %broadcast_in_dim3A_403 = vector.broadcast %scan3A_330 : i32 to vector<16xi32>
      %gather3A_404 = tpu.vector_load_idx %arg5[%add3A_402, %broadcast_in_dim3A_403] : memref<512x50xi32, #tpu.memory_space<vmem>>[vector<16xi32>, vector<16xi32>], vector<16xi32>,
      %add3A_405 = arith.addi %gather3A_404, %gather3A_404 : vector<16xi32>
      %swap3A_406 = arith.index_cast %scan3A_330 : i32 to index
      %swap3A_407 = arith.constant 128 : index
      %swap3A_408 = tpu.vector_load %arg6[%swap3A_406, %swap3A_407] {strides = array<i32>} : memref<50x512xi32, #tpu.memory_space<vmem>>, vector<16xi32>,
      tpu.vector_store %arg6[%swap3A_406, %swap3A_407], %add3A_405 {strides = array<i32>} : memref<50x512xi32, #tpu.memory_space<vmem>>, vector<16xi32>,
      %add3A_409 = arith.constant 128 : i32
      %add3A_410 = vector.broadcast %add3A_409 : i32 to vector<16xi32>
      %add3A_411 = arith.addi %add3A_10, %add3A_410 : vector<16xi32>
      %broadcast_in_dim3A_412 = vector.broadcast %scan3A_330 : i32 to vector<16xi32>
      %gather3A_413 = tpu.vector_load_idx %arg5[%add3A_411, %broadcast_in_dim3A_412] : memref<512x50xi32, #tpu.memory_space<vmem>>[vector<16xi32>, vector<16xi32>], vector<16xi32>,
      %add3A_414 = arith.addi %gather3A_413, %gather3A_413 : vector<16xi32>
      %swap3A_415 = arith.index_cast %scan3A_330 : i32 to index
      %swap3A_416 = arith.constant 144 : index
      %swap3A_417 = tpu.vector_load %arg6[%swap3A_415, %swap3A_416] {strides = array<i32>} : memref<50x512xi32, #tpu.memory_space<vmem>>, vector<16xi32>,
      tpu.vector_store %arg6[%swap3A_415, %swap3A_416], %add3A_414 {strides = array<i32>} : memref<50x512xi32, #tpu.memory_space<vmem>>, vector<16xi32>,
      %add3A_418 = arith.constant 128 : i32
      %add3A_419 = vector.broadcast %add3A_418 : i32 to vector<16xi32>
      %add3A_420 = arith.addi %add3A_13, %add3A_419 : vector<16xi32>
      %broadcast_in_dim3A_421 = vector.broadcast %scan3A_330 : i32 to vector<16xi32>
      %gather3A_422 = tpu.vector_load_idx %arg5[%add3A_420, %broadcast_in_dim3A_421] : memref<512x50xi32, #tpu.memory_space<vmem>>[vector<16xi32>, vector<16xi32>], vector<16xi32>,
      %add3A_423 = arith.addi %gather3A_422, %gather3A_422 : vector<16xi32>
      %swap3A_424 = arith.index_cast %scan3A_330 : i32 to index
      %swap3A_425 = arith.constant 160 : index
      %swap3A_426 = tpu.vector_load %arg6[%swap3A_424, %swap3A_425] {strides = array<i32>} : memref<50x512xi32, #tpu.memory_space<vmem>>, vector<16xi32>,
      tpu.vector_store %arg6[%swap3A_424, %swap3A_425], %add3A_423 {strides = array<i32>} : memref<50x512xi32, #tpu.memory_space<vmem>>, vector<16xi32>,
      %add3A_427 = arith.constant 128 : i32
      %add3A_428 = vector.broadcast %add3A_427 : i32 to vector<16xi32>
      %add3A_429 = arith.addi %add3A_16, %add3A_428 : vector<16xi32>
      %broadcast_in_dim3A_430 = vector.broadcast %scan3A_330 : i32 to vector<16xi32>
      %gather3A_431 = tpu.vector_load_idx %arg5[%add3A_429, %broadcast_in_dim3A_430] : memref<512x50xi32, #tpu.memory_space<vmem>>[vector<16xi32>, vector<16xi32>], vector<16xi32>,
      %add3A_432 = arith.addi %gather3A_431, %gather3A_431 : vector<16xi32>
      %swap3A_433 = arith.index_cast %scan3A_330 : i32 to index
      %swap3A_434 = arith.constant 176 : index
      %swap3A_435 = tpu.vector_load %arg6[%swap3A_433, %swap3A_434] {strides = array<i32>} : memref<50x512xi32, #tpu.memory_space<vmem>>, vector<16xi32>,
      tpu.vector_store %arg6[%swap3A_433, %swap3A_434], %add3A_432 {strides = array<i32>} : memref<50x512xi32, #tpu.memory_space<vmem>>, vector<16xi32>,
      %add3A_436 = arith.constant 128 : i32
      %add3A_437 = vector.broadcast %add3A_436 : i32 to vector<16xi32>
      %add3A_438 = arith.addi %add3A_19, %add3A_437 : vector<16xi32>
      %broadcast_in_dim3A_439 = vector.broadcast %scan3A_330 : i32 to vector<16xi32>
      %gather3A_440 = tpu.vector_load_idx %arg5[%add3A_438, %broadcast_in_dim3A_439] : memref<512x50xi32, #tpu.memory_space<vmem>>[vector<16xi32>, vector<16xi32>], vector<16xi32>,
      %add3A_441 = arith.addi %gather3A_440, %gather3A_440 : vector<16xi32>
      %swap3A_442 = arith.index_cast %scan3A_330 : i32 to index
      %swap3A_443 = arith.constant 192 : index
      %swap3A_444 = tpu.vector_load %arg6[%swap3A_442, %swap3A_443] {strides = array<i32>} : memref<50x512xi32, #tpu.memory_space<vmem>>, vector<16xi32>,
      tpu.vector_store %arg6[%swap3A_442, %swap3A_443], %add3A_441 {strides = array<i32>} : memref<50x512xi32, #tpu.memory_space<vmem>>, vector<16xi32>,
      %add3A_445 = arith.constant 128 : i32
      %add3A_446 = vector.broadcast %add3A_445 : i32 to vector<16xi32>
      %add3A_447 = arith.addi %add3A_22, %add3A_446 : vector<16xi32>
      %broadcast_in_dim3A_448 = vector.broadcast %scan3A_330 : i32 to vector<16xi32>
      %gather3A_449 = tpu.vector_load_idx %arg5[%add3A_447, %broadcast_in_dim3A_448] : memref<512x50xi32, #tpu.memory_space<vmem>>[vector<16xi32>, vector<16xi32>], vector<16xi32>,
      %add3A_450 = arith.addi %gather3A_449, %gather3A_449 : vector<16xi32>
      %swap3A_451 = arith.index_cast %scan3A_330 : i32 to index
      %swap3A_452 = arith.constant 208 : index
      %swap3A_453 = tpu.vector_load %arg6[%swap3A_451, %swap3A_452] {strides = array<i32>} : memref<50x512xi32, #tpu.memory_space<vmem>>, vector<16xi32>,
      tpu.vector_store %arg6[%swap3A_451, %swap3A_452], %add3A_450 {strides = array<i32>} : memref<50x512xi32, #tpu.memory_space<vmem>>, vector<16xi32>,
      %add3A_454 = arith.constant 128 : i32
      %add3A_455 = vector.broadcast %add3A_454 : i32 to vector<16xi32>
      %add3A_456 = arith.addi %add3A_25, %add3A_455 : vector<16xi32>
      %broadcast_in_dim3A_457 = vector.broadcast %scan3A_330 : i32 to vector<16xi32>
      %gather3A_458 = tpu.vector_load_idx %arg5[%add3A_456, %broadcast_in_dim3A_457] : memref<512x50xi32, #tpu.memory_space<vmem>>[vector<16xi32>, vector<16xi32>], vector<16xi32>,
      %add3A_459 = arith.addi %gather3A_458, %gather3A_458 : vector<16xi32>
      %swap3A_460 = arith.index_cast %scan3A_330 : i32 to index
      %swap3A_461 = arith.constant 224 : index
      %swap3A_462 = tpu.vector_load %arg6[%swap3A_460, %swap3A_461] {strides = array<i32>} : memref<50x512xi32, #tpu.memory_space<vmem>>, vector<16xi32>,
      tpu.vector_store %arg6[%swap3A_460, %swap3A_461], %add3A_459 {strides = array<i32>} : memref<50x512xi32, #tpu.memory_space<vmem>>, vector<16xi32>,
      %add3A_463 = arith.constant 128 : i32
      %add3A_464 = vector.broadcast %add3A_463 : i32 to vector<16xi32>
      %add3A_465 = arith.addi %add3A_28, %add3A_464 : vector<16xi32>
      %broadcast_in_dim3A_466 = vector.broadcast %scan3A_330 : i32 to vector<16xi32>
      %gather3A_467 = tpu.vector_load_idx %arg5[%add3A_465, %broadcast_in_dim3A_466] : memref<512x50xi32, #tpu.memory_space<vmem>>[vector<16xi32>, vector<16xi32>], vector<16xi32>,
      %add3A_468 = arith.addi %gather3A_467, %gather3A_467 : vector<16xi32>
      %swap3A_469 = arith.index_cast %scan3A_330 : i32 to index
      %swap3A_470 = arith.constant 240 : index
      %swap3A_471 = tpu.vector_load %arg6[%swap3A_469, %swap3A_470] {strides = array<i32>} : memref<50x512xi32, #tpu.memory_space<vmem>>, vector<16xi32>,
      tpu.vector_store %arg6[%swap3A_469, %swap3A_470], %add3A_468 {strides = array<i32>} : memref<50x512xi32, #tpu.memory_space<vmem>>, vector<16xi32>,
      %add3A_472 = arith.constant 256 : i32
      %add3A_473 = vector.broadcast %add3A_472 : i32 to vector<16xi32>
      %add3A_474 = arith.addi %add3A_7, %add3A_473 : vector<16xi32>
      %broadcast_in_dim3A_475 = vector.broadcast %scan3A_330 : i32 to vector<16xi32>
      %gather3A_476 = tpu.vector_load_idx %arg5[%add3A_474, %broadcast_in_dim3A_475] : memref<512x50xi32, #tpu.memory_space<vmem>>[vector<16xi32>, vector<16xi32>], vector<16xi32>,
      %add3A_477 = arith.addi %gather3A_476, %gather3A_476 : vector<16xi32>
      %swap3A_478 = arith.index_cast %scan3A_330 : i32 to index
      %swap3A_479 = arith.constant 256 : index
      %swap3A_480 = tpu.vector_load %arg6[%swap3A_478, %swap3A_479] {strides = array<i32>} : memref<50x512xi32, #tpu.memory_space<vmem>>, vector<16xi32>,
      tpu.vector_store %arg6[%swap3A_478, %swap3A_479], %add3A_477 {strides = array<i32>} : memref<50x512xi32, #tpu.memory_space<vmem>>, vector<16xi32>,
      %add3A_481 = arith.constant 256 : i32
      %add3A_482 = vector.broadcast %add3A_481 : i32 to vector<16xi32>
      %add3A_483 = arith.addi %add3A_10, %add3A_482 : vector<16xi32>
      %broadcast_in_dim3A_484 = vector.broadcast %scan3A_330 : i32 to vector<16xi32>
      %gather3A_485 = tpu.vector_load_idx %arg5[%add3A_483, %broadcast_in_dim3A_484] : memref<512x50xi32, #tpu.memory_space<vmem>>[vector<16xi32>, vector<16xi32>], vector<16xi32>,
      %add3A_486 = arith.addi %gather3A_485, %gather3A_485 : vector<16xi32>
      %swap3A_487 = arith.index_cast %scan3A_330 : i32 to index
      %swap3A_488 = arith.constant 272 : index
      %swap3A_489 = tpu.vector_load %arg6[%swap3A_487, %swap3A_488] {strides = array<i32>} : memref<50x512xi32, #tpu.memory_space<vmem>>, vector<16xi32>,
      tpu.vector_store %arg6[%swap3A_487, %swap3A_488], %add3A_486 {strides = array<i32>} : memref<50x512xi32, #tpu.memory_space<vmem>>, vector<16xi32>,
      %add3A_490 = arith.constant 256 : i32
      %add3A_491 = vector.broadcast %add3A_490 : i32 to vector<16xi32>
      %add3A_492 = arith.addi %add3A_13, %add3A_491 : vector<16xi32>
      %broadcast_in_dim3A_493 = vector.broadcast %scan3A_330 : i32 to vector<16xi32>
      %gather3A_494 = tpu.vector_load_idx %arg5[%add3A_492, %broadcast_in_dim3A_493] : memref<512x50xi32, #tpu.memory_space<vmem>>[vector<16xi32>, vector<16xi32>], vector<16xi32>,
      %add3A_495 = arith.addi %gather3A_494, %gather3A_494 : vector<16xi32>
      %swap3A_496 = arith.index_cast %scan3A_330 : i32 to index
      %swap3A_497 = arith.constant 288 : index
      %swap3A_498 = tpu.vector_load %arg6[%swap3A_496, %swap3A_497] {strides = array<i32>} : memref<50x512xi32, #tpu.memory_space<vmem>>, vector<16xi32>,
      tpu.vector_store %arg6[%swap3A_496, %swap3A_497], %add3A_495 {strides = array<i32>} : memref<50x512xi32, #tpu.memory_space<vmem>>, vector<16xi32>,
      %add3A_499 = arith.constant 256 : i32
      %add3A_500 = vector.broadcast %add3A_499 : i32 to vector<16xi32>
      %add3A_501 = arith.addi %add3A_16, %add3A_500 : vector<16xi32>
      %broadcast_in_dim3A_502 = vector.broadcast %scan3A_330 : i32 to vector<16xi32>
      %gather3A_503 = tpu.vector_load_idx %arg5[%add3A_501, %broadcast_in_dim3A_502] : memref<512x50xi32, #tpu.memory_space<vmem>>[vector<16xi32>, vector<16xi32>], vector<16xi32>,
      %add3A_504 = arith.addi %gather3A_503, %gather3A_503 : vector<16xi32>
      %swap3A_505 = arith.index_cast %scan3A_330 : i32 to index
      %swap3A_506 = arith.constant 304 : index
      %swap3A_507 = tpu.vector_load %arg6[%swap3A_505, %swap3A_506] {strides = array<i32>} : memref<50x512xi32, #tpu.memory_space<vmem>>, vector<16xi32>,
      tpu.vector_store %arg6[%swap3A_505, %swap3A_506], %add3A_504 {strides = array<i32>} : memref<50x512xi32, #tpu.memory_space<vmem>>, vector<16xi32>,
      %add3A_508 = arith.constant 256 : i32
      %add3A_509 = vector.broadcast %add3A_508 : i32 to vector<16xi32>
      %add3A_510 = arith.addi %add3A_19, %add3A_509 : vector<16xi32>
      %broadcast_in_dim3A_511 = vector.broadcast %scan3A_330 : i32 to vector<16xi32>
      %gather3A_512 = tpu.vector_load_idx %arg5[%add3A_510, %broadcast_in_dim3A_511] : memref<512x50xi32, #tpu.memory_space<vmem>>[vector<16xi32>, vector<16xi32>], vector<16xi32>,
      %add3A_513 = arith.addi %gather3A_512, %gather3A_512 : vector<16xi32>
      %swap3A_514 = arith.index_cast %scan3A_330 : i32 to index
      %swap3A_515 = arith.constant 320 : index
      %swap3A_516 = tpu.vector_load %arg6[%swap3A_514, %swap3A_515] {strides = array<i32>} : memref<50x512xi32, #tpu.memory_space<vmem>>, vector<16xi32>,
      tpu.vector_store %arg6[%swap3A_514, %swap3A_515], %add3A_513 {strides = array<i32>} : memref<50x512xi32, #tpu.memory_space<vmem>>, vector<16xi32>,
      %add3A_517 = arith.constant 256 : i32
      %add3A_518 = vector.broadcast %add3A_517 : i32 to vector<16xi32>
      %add3A_519 = arith.addi %add3A_22, %add3A_518 : vector<16xi32>
      %broadcast_in_dim3A_520 = vector.broadcast %scan3A_330 : i32 to vector<16xi32>
      %gather3A_521 = tpu.vector_load_idx %arg5[%add3A_519, %broadcast_in_dim3A_520] : memref<512x50xi32, #tpu.memory_space<vmem>>[vector<16xi32>, vector<16xi32>], vector<16xi32>,
      %add3A_522 = arith.addi %gather3A_521, %gather3A_521 : vector<16xi32>
      %swap3A_523 = arith.index_cast %scan3A_330 : i32 to index
      %swap3A_524 = arith.constant 336 : index
      %swap3A_525 = tpu.vector_load %arg6[%swap3A_523, %swap3A_524] {strides = array<i32>} : memref<50x512xi32, #tpu.memory_space<vmem>>, vector<16xi32>,
      tpu.vector_store %arg6[%swap3A_523, %swap3A_524], %add3A_522 {strides = array<i32>} : memref<50x512xi32, #tpu.memory_space<vmem>>, vector<16xi32>,
      %add3A_526 = arith.constant 256 : i32
      %add3A_527 = vector.broadcast %add3A_526 : i32 to vector<16xi32>
      %add3A_528 = arith.addi %add3A_25, %add3A_527 : vector<16xi32>
      %broadcast_in_dim3A_529 = vector.broadcast %scan3A_330 : i32 to vector<16xi32>
      %gather3A_530 = tpu.vector_load_idx %arg5[%add3A_528, %broadcast_in_dim3A_529] : memref<512x50xi32, #tpu.memory_space<vmem>>[vector<16xi32>, vector<16xi32>], vector<16xi32>,
      %add3A_531 = arith.addi %gather3A_530, %gather3A_530 : vector<16xi32>
      %swap3A_532 = arith.index_cast %scan3A_330 : i32 to index
      %swap3A_533 = arith.constant 352 : index
      %swap3A_534 = tpu.vector_load %arg6[%swap3A_532, %swap3A_533] {strides = array<i32>} : memref<50x512xi32, #tpu.memory_space<vmem>>, vector<16xi32>,
      tpu.vector_store %arg6[%swap3A_532, %swap3A_533], %add3A_531 {strides = array<i32>} : memref<50x512xi32, #tpu.memory_space<vmem>>, vector<16xi32>,
      %add3A_535 = arith.constant 256 : i32
      %add3A_536 = vector.broadcast %add3A_535 : i32 to vector<16xi32>
      %add3A_537 = arith.addi %add3A_28, %add3A_536 : vector<16xi32>
      %broadcast_in_dim3A_538 = vector.broadcast %scan3A_330 : i32 to vector<16xi32>
      %gather3A_539 = tpu.vector_load_idx %arg5[%add3A_537, %broadcast_in_dim3A_538] : memref<512x50xi32, #tpu.memory_space<vmem>>[vector<16xi32>, vector<16xi32>], vector<16xi32>,
      %add3A_540 = arith.addi %gather3A_539, %gather3A_539 : vector<16xi32>
      %swap3A_541 = arith.index_cast %scan3A_330 : i32 to index
      %swap3A_542 = arith.constant 368 : index
      %swap3A_543 = tpu.vector_load %arg6[%swap3A_541, %swap3A_542] {strides = array<i32>} : memref<50x512xi32, #tpu.memory_space<vmem>>, vector<16xi32>,
      tpu.vector_store %arg6[%swap3A_541, %swap3A_542], %add3A_540 {strides = array<i32>} : memref<50x512xi32, #tpu.memory_space<vmem>>, vector<16xi32>,
      %add3A_544 = arith.constant 384 : i32
      %add3A_545 = vector.broadcast %add3A_544 : i32 to vector<16xi32>
      %add3A_546 = arith.addi %add3A_7, %add3A_545 : vector<16xi32>
      %broadcast_in_dim3A_547 = vector.broadcast %scan3A_330 : i32 to vector<16xi32>
      %gather3A_548 = tpu.vector_load_idx %arg5[%add3A_546, %broadcast_in_dim3A_547] : memref<512x50xi32, #tpu.memory_space<vmem>>[vector<16xi32>, vector<16xi32>], vector<16xi32>,
      %add3A_549 = arith.addi %gather3A_548, %gather3A_548 : vector<16xi32>
      %swap3A_550 = arith.index_cast %scan3A_330 : i32 to index
      %swap3A_551 = arith.constant 384 : index
      %swap3A_552 = tpu.vector_load %arg6[%swap3A_550, %swap3A_551] {strides = array<i32>} : memref<50x512xi32, #tpu.memory_space<vmem>>, vector<16xi32>,
      tpu.vector_store %arg6[%swap3A_550, %swap3A_551], %add3A_549 {strides = array<i32>} : memref<50x512xi32, #tpu.memory_space<vmem>>, vector<16xi32>,
      %add3A_553 = arith.constant 384 : i32
      %add3A_554 = vector.broadcast %add3A_553 : i32 to vector<16xi32>
      %add3A_555 = arith.addi %add3A_10, %add3A_554 : vector<16xi32>
      %broadcast_in_dim3A_556 = vector.broadcast %scan3A_330 : i32 to vector<16xi32>
      %gather3A_557 = tpu.vector_load_idx %arg5[%add3A_555, %broadcast_in_dim3A_556] : memref<512x50xi32, #tpu.memory_space<vmem>>[vector<16xi32>, vector<16xi32>], vector<16xi32>,
      %add3A_558 = arith.addi %gather3A_557, %gather3A_557 : vector<16xi32>
      %swap3A_559 = arith.index_cast %scan3A_330 : i32 to index
      %swap3A_560 = arith.constant 400 : index
      %swap3A_561 = tpu.vector_load %arg6[%swap3A_559, %swap3A_560] {strides = array<i32>} : memref<50x512xi32, #tpu.memory_space<vmem>>, vector<16xi32>,
      tpu.vector_store %arg6[%swap3A_559, %swap3A_560], %add3A_558 {strides = array<i32>} : memref<50x512xi32, #tpu.memory_space<vmem>>, vector<16xi32>,
      %add3A_562 = arith.constant 384 : i32
      %add3A_563 = vector.broadcast %add3A_562 : i32 to vector<16xi32>
      %add3A_564 = arith.addi %add3A_13, %add3A_563 : vector<16xi32>
      %broadcast_in_dim3A_565 = vector.broadcast %scan3A_330 : i32 to vector<16xi32>
      %gather3A_566 = tpu.vector_load_idx %arg5[%add3A_564, %broadcast_in_dim3A_565] : memref<512x50xi32, #tpu.memory_space<vmem>>[vector<16xi32>, vector<16xi32>], vector<16xi32>,
      %add3A_567 = arith.addi %gather3A_566, %gather3A_566 : vector<16xi32>
      %swap3A_568 = arith.index_cast %scan3A_330 : i32 to index
      %swap3A_569 = arith.constant 416 : index
      %swap3A_570 = tpu.vector_load %arg6[%swap3A_568, %swap3A_569] {strides = array<i32>} : memref<50x512xi32, #tpu.memory_space<vmem>>, vector<16xi32>,
      tpu.vector_store %arg6[%swap3A_568, %swap3A_569], %add3A_567 {strides = array<i32>} : memref<50x512xi32, #tpu.memory_space<vmem>>, vector<16xi32>,
      %add3A_571 = arith.constant 384 : i32
      %add3A_572 = vector.broadcast %add3A_571 : i32 to vector<16xi32>
      %add3A_573 = arith.addi %add3A_16, %add3A_572 : vector<16xi32>
      %broadcast_in_dim3A_574 = vector.broadcast %scan3A_330 : i32 to vector<16xi32>
      %gather3A_575 = tpu.vector_load_idx %arg5[%add3A_573, %broadcast_in_dim3A_574] : memref<512x50xi32, #tpu.memory_space<vmem>>[vector<16xi32>, vector<16xi32>], vector<16xi32>,
      %add3A_576 = arith.addi %gather3A_575, %gather3A_575 : vector<16xi32>
      %swap3A_577 = arith.index_cast %scan3A_330 : i32 to index
      %swap3A_578 = arith.constant 432 : index
      %swap3A_579 = tpu.vector_load %arg6[%swap3A_577, %swap3A_578] {strides = array<i32>} : memref<50x512xi32, #tpu.memory_space<vmem>>, vector<16xi32>,
      tpu.vector_store %arg6[%swap3A_577, %swap3A_578], %add3A_576 {strides = array<i32>} : memref<50x512xi32, #tpu.memory_space<vmem>>, vector<16xi32>,
      %add3A_580 = arith.constant 384 : i32
      %add3A_581 = vector.broadcast %add3A_580 : i32 to vector<16xi32>
      %add3A_582 = arith.addi %add3A_19, %add3A_581 : vector<16xi32>
      %broadcast_in_dim3A_583 = vector.broadcast %scan3A_330 : i32 to vector<16xi32>
      %gather3A_584 = tpu.vector_load_idx %arg5[%add3A_582, %broadcast_in_dim3A_583] : memref<512x50xi32, #tpu.memory_space<vmem>>[vector<16xi32>, vector<16xi32>], vector<16xi32>,
      %add3A_585 = arith.addi %gather3A_584, %gather3A_584 : vector<16xi32>
      %swap3A_586 = arith.index_cast %scan3A_330 : i32 to index
      %swap3A_587 = arith.constant 448 : index
      %swap3A_588 = tpu.vector_load %arg6[%swap3A_586, %swap3A_587] {strides = array<i32>} : memref<50x512xi32, #tpu.memory_space<vmem>>, vector<16xi32>,
      tpu.vector_store %arg6[%swap3A_586, %swap3A_587], %add3A_585 {strides = array<i32>} : memref<50x512xi32, #tpu.memory_space<vmem>>, vector<16xi32>,
      %add3A_589 = arith.constant 384 : i32
      %add3A_590 = vector.broadcast %add3A_589 : i32 to vector<16xi32>
      %add3A_591 = arith.addi %add3A_22, %add3A_590 : vector<16xi32>
      %broadcast_in_dim3A_592 = vector.broadcast %scan3A_330 : i32 to vector<16xi32>
      %gather3A_593 = tpu.vector_load_idx %arg5[%add3A_591, %broadcast_in_dim3A_592] : memref<512x50xi32, #tpu.memory_space<vmem>>[vector<16xi32>, vector<16xi32>], vector<16xi32>,
      %add3A_594 = arith.addi %gather3A_593, %gather3A_593 : vector<16xi32>
      %swap3A_595 = arith.index_cast %scan3A_330 : i32 to index
      %swap3A_596 = arith.constant 464 : index
      %swap3A_597 = tpu.vector_load %arg6[%swap3A_595, %swap3A_596] {strides = array<i32>} : memref<50x512xi32, #tpu.memory_space<vmem>>, vector<16xi32>,
      tpu.vector_store %arg6[%swap3A_595, %swap3A_596], %add3A_594 {strides = array<i32>} : memref<50x512xi32, #tpu.memory_space<vmem>>, vector<16xi32>,
      %add3A_598 = arith.constant 384 : i32
      %add3A_599 = vector.broadcast %add3A_598 : i32 to vector<16xi32>
      %add3A_600 = arith.addi %add3A_25, %add3A_599 : vector<16xi32>
      %broadcast_in_dim3A_601 = vector.broadcast %scan3A_330 : i32 to vector<16xi32>
      %gather3A_602 = tpu.vector_load_idx %arg5[%add3A_600, %broadcast_in_dim3A_601] : memref<512x50xi32, #tpu.memory_space<vmem>>[vector<16xi32>, vector<16xi32>], vector<16xi32>,
      %add3A_603 = arith.addi %gather3A_602, %gather3A_602 : vector<16xi32>
      %swap3A_604 = arith.index_cast %scan3A_330 : i32 to index
      %swap3A_605 = arith.constant 480 : index
      %swap3A_606 = tpu.vector_load %arg6[%swap3A_604, %swap3A_605] {strides = array<i32>} : memref<50x512xi32, #tpu.memory_space<vmem>>, vector<16xi32>,
      tpu.vector_store %arg6[%swap3A_604, %swap3A_605], %add3A_603 {strides = array<i32>} : memref<50x512xi32, #tpu.memory_space<vmem>>, vector<16xi32>,
      %add3A_607 = arith.constant 384 : i32
      %add3A_608 = vector.broadcast %add3A_607 : i32 to vector<16xi32>
      %add3A_609 = arith.addi %add3A_28, %add3A_608 : vector<16xi32>
      %broadcast_in_dim3A_610 = vector.broadcast %scan3A_330 : i32 to vector<16xi32>
      %gather3A_611 = tpu.vector_load_idx %arg5[%add3A_609, %broadcast_in_dim3A_610] : memref<512x50xi32, #tpu.memory_space<vmem>>[vector<16xi32>, vector<16xi32>], vector<16xi32>,
      %add3A_612 = arith.addi %gather3A_611, %gather3A_611 : vector<16xi32>
      %swap3A_613 = arith.index_cast %scan3A_330 : i32 to index
      %swap3A_614 = arith.constant 496 : index
      %swap3A_615 = tpu.vector_load %arg6[%swap3A_613, %swap3A_614] {strides = array<i32>} : memref<50x512xi32, #tpu.memory_space<vmem>>, vector<16xi32>,
      tpu.vector_store %arg6[%swap3A_613, %swap3A_614], %add3A_612 {strides = array<i32>} : memref<50x512xi32, #tpu.memory_space<vmem>>, vector<16xi32>,
    }
    %scan3A_185 = arith.constant 50 : i32
    %dma_start3A = arith.constant 0 : i32
    %dma_start3A_186 = arith.constant 0 : i32
    %dma_start3A_187 = arith.constant 0 : i32
    %dma_start3A_188 = arith.constant 0 : i32
    %dma_start3A_189 = tpu.memref_slice %arg7[%dma_start3A_186, %dma_start3A_187, %dma_start3A_188] : memref<4x128x64xf32, #tpu.memory_space<vmem>> -> memref<1x128x64xf32, #tpu.memory_space<vmem>>
    %dma_start3A_190 = tpu.memref_squeeze %dma_start3A_189 : memref<1x128x64xf32, #tpu.memory_space<vmem>> -> memref<128x64xf32, #tpu.memory_space<vmem>>
    %dma_start3A_191 = arith.constant 0 : i32
    %dma_start3A_192 = tpu.memref_slice %arg6[%dma_start3A, %dma_start3A_191] : memref<50x512xi32, #tpu.memory_space<vmem>> -> memref<1x128xi32, #tpu.memory_space<vmem>>
    %dma_start3A_193 = tpu.memref_squeeze %dma_start3A_192 : memref<1x128xi32, #tpu.memory_space<vmem>> -> memref<128xi32, #tpu.memory_space<vmem>>
    %dma_start3A_194 = arith.constant 0 : i32
    %dma_start3A_195 = arith.constant 0 : i32
    %dma_start3A_196 = tpu.memref_slice %arg2[%dma_start3A_194, %dma_start3A_195] : memref<2000000x64xf32, #tpu.memory_space<hbm>> -> memref<2000000x64xf32, #tpu.memory_space<hbm>>
    tpu.enqueue_indirect_dma source(%dma_start3A_196 : memref<2000000x64xf32, #tpu.memory_space<hbm>>) target(%dma_start3A_190 : memref<128x64xf32, #tpu.memory_space<vmem>>) offsets(%dma_start3A_193 : memref<128xi32, #tpu.memory_space<vmem>>) semaphore(%arg9 : memref<!tpu.dma_semaphore, #tpu.memory_space<semaphore_mem>>)
    %dma_start3A_197 = arith.constant 1 : i32
    %dma_start3A_198 = arith.constant 1 : i32
    %dma_start3A_199 = arith.constant 0 : i32
    %dma_start3A_200 = arith.constant 0 : i32
    %dma_start3A_201 = tpu.memref_slice %arg7[%dma_start3A_198, %dma_start3A_199, %dma_start3A_200] : memref<4x128x64xf32, #tpu.memory_space<vmem>> -> memref<1x128x64xf32, #tpu.memory_space<vmem>>
    %dma_start3A_202 = tpu.memref_squeeze %dma_start3A_201 : memref<1x128x64xf32, #tpu.memory_space<vmem>> -> memref<128x64xf32, #tpu.memory_space<vmem>>
    %dma_start3A_203 = arith.constant 0 : i32
    %dma_start3A_204 = tpu.memref_slice %arg6[%dma_start3A_197, %dma_start3A_203] : memref<50x512xi32, #tpu.memory_space<vmem>> -> memref<1x128xi32, #tpu.memory_space<vmem>>
    %dma_start3A_205 = tpu.memref_squeeze %dma_start3A_204 : memref<1x128xi32, #tpu.memory_space<vmem>> -> memref<128xi32, #tpu.memory_space<vmem>>
    %dma_start3A_206 = arith.constant 0 : i32
    %dma_start3A_207 = arith.constant 0 : i32
    %dma_start3A_208 = tpu.memref_slice %arg2[%dma_start3A_206, %dma_start3A_207] : memref<2000000x64xf32, #tpu.memory_space<hbm>> -> memref<2000000x64xf32, #tpu.memory_space<hbm>>
    tpu.enqueue_indirect_dma source(%dma_start3A_208 : memref<2000000x64xf32, #tpu.memory_space<hbm>>) target(%dma_start3A_202 : memref<128x64xf32, #tpu.memory_space<vmem>>) offsets(%dma_start3A_205 : memref<128xi32, #tpu.memory_space<vmem>>) semaphore(%arg10 : memref<!tpu.dma_semaphore, #tpu.memory_space<semaphore_mem>>)
    %dma_start3A_209 = arith.constant 2 : i32
    %dma_start3A_210 = arith.constant 2 : i32
    %dma_start3A_211 = arith.constant 0 : i32
    %dma_start3A_212 = arith.constant 0 : i32
    %dma_start3A_213 = tpu.memref_slice %arg7[%dma_start3A_210, %dma_start3A_211, %dma_start3A_212] : memref<4x128x64xf32, #tpu.memory_space<vmem>> -> memref<1x128x64xf32, #tpu.memory_space<vmem>>
    %dma_start3A_214 = tpu.memref_squeeze %dma_start3A_213 : memref<1x128x64xf32, #tpu.memory_space<vmem>> -> memref<128x64xf32, #tpu.memory_space<vmem>>
    %dma_start3A_215 = arith.constant 0 : i32
    %dma_start3A_216 = tpu.memref_slice %arg6[%dma_start3A_209, %dma_start3A_215] : memref<50x512xi32, #tpu.memory_space<vmem>> -> memref<1x128xi32, #tpu.memory_space<vmem>>
    %dma_start3A_217 = tpu.memref_squeeze %dma_start3A_216 : memref<1x128xi32, #tpu.memory_space<vmem>> -> memref<128xi32, #tpu.memory_space<vmem>>
    %dma_start3A_218 = arith.constant 0 : i32
    %dma_start3A_219 = arith.constant 0 : i32
    %dma_start3A_220 = tpu.memref_slice %arg2[%dma_start3A_218, %dma_start3A_219] : memref<2000000x64xf32, #tpu.memory_space<hbm>> -> memref<2000000x64xf32, #tpu.memory_space<hbm>>
    tpu.enqueue_indirect_dma source(%dma_start3A_220 : memref<2000000x64xf32, #tpu.memory_space<hbm>>) target(%dma_start3A_214 : memref<128x64xf32, #tpu.memory_space<vmem>>) offsets(%dma_start3A_217 : memref<128xi32, #tpu.memory_space<vmem>>) semaphore(%arg11 : memref<!tpu.dma_semaphore, #tpu.memory_space<semaphore_mem>>)
    %dma_start3A_221 = arith.constant 3 : i32
    %dma_start3A_222 = arith.constant 3 : i32
    %dma_start3A_223 = arith.constant 0 : i32
    %dma_start3A_224 = arith.constant 0 : i32
    %dma_start3A_225 = tpu.memref_slice %arg7[%dma_start3A_222, %dma_start3A_223, %dma_start3A_224] : memref<4x128x64xf32, #tpu.memory_space<vmem>> -> memref<1x128x64xf32, #tpu.memory_space<vmem>>
    %dma_start3A_226 = tpu.memref_squeeze %dma_start3A_225 : memref<1x128x64xf32, #tpu.memory_space<vmem>> -> memref<128x64xf32, #tpu.memory_space<vmem>>
    %dma_start3A_227 = arith.constant 0 : i32
    %dma_start3A_228 = tpu.memref_slice %arg6[%dma_start3A_221, %dma_start3A_227] : memref<50x512xi32, #tpu.memory_space<vmem>> -> memref<1x128xi32, #tpu.memory_space<vmem>>
    %dma_start3A_229 = tpu.memref_squeeze %dma_start3A_228 : memref<1x128xi32, #tpu.memory_space<vmem>> -> memref<128xi32, #tpu.memory_space<vmem>>
    %dma_start3A_230 = arith.constant 0 : i32
    %dma_start3A_231 = arith.constant 0 : i32
    %dma_start3A_232 = tpu.memref_slice %arg2[%dma_start3A_230, %dma_start3A_231] : memref<2000000x64xf32, #tpu.memory_space<hbm>> -> memref<2000000x64xf32, #tpu.memory_space<hbm>>
    tpu.enqueue_indirect_dma source(%dma_start3A_232 : memref<2000000x64xf32, #tpu.memory_space<hbm>>) target(%dma_start3A_226 : memref<128x64xf32, #tpu.memory_space<vmem>>) offsets(%dma_start3A_229 : memref<128xi32, #tpu.memory_space<vmem>>) semaphore(%arg12 : memref<!tpu.dma_semaphore, #tpu.memory_space<semaphore_mem>>)
    %scan3A_233 = arith.constant 0 : i32
    %scan3A_234 = arith.constant 0 : i32
    %scan3A_235 = arith.constant 50 : i32
    %scan3A_236 = arith.addi %scan3A_234, %scan3A_235 : i32
    %scan3A_237 = arith.constant 1 : i32
    scf.for %scan3A_330 = %scan3A_234 to %scan3A_236 step %scan3A_237  : i32 {
      %mul3A_331 = arith.constant 4 : i32
      %mul3A_332 = arith.muli %scan3A_330, %mul3A_331 : i32
      %add3A_333 = arith.constant 0 : i32
      %add3A_334 = arith.addi %mul3A_332, %add3A_333 : i32
      %dma_wait3A_335 = arith.constant 0 : i32
      %dma_wait3A_336 = arith.constant 0 : i32
      %dma_wait3A_337 = arith.constant 0 : i32
      %dma_wait3A_338 = arith.constant 0 : i32
      %dma_wait3A_339 = tpu.memref_slice %arg7[%dma_wait3A_336, %dma_wait3A_337, %dma_wait3A_338] : memref<4x128x64xf32, #tpu.memory_space<vmem>> -> memref<1x128x64xf32, #tpu.memory_space<vmem>>
      %dma_wait3A_340 = tpu.memref_squeeze %dma_wait3A_339 : memref<1x128x64xf32, #tpu.memory_space<vmem>> -> memref<128x64xf32, #tpu.memory_space<vmem>>
      %dma_wait3A_341 = arith.constant 0 : i32
      %dma_wait3A_342 = tpu.memref_slice %arg6[%dma_wait3A_335, %dma_wait3A_341] : memref<50x512xi32, #tpu.memory_space<vmem>> -> memref<1x128xi32, #tpu.memory_space<vmem>>
      %dma_wait3A_343 = tpu.memref_squeeze %dma_wait3A_342 : memref<1x128xi32, #tpu.memory_space<vmem>> -> memref<128xi32, #tpu.memory_space<vmem>>
      %dma_wait3A_344 = arith.constant 0 : i32
      %dma_wait3A_345 = arith.constant 0 : i32
      %dma_wait3A_346 = tpu.memref_slice %arg2[%dma_wait3A_344, %dma_wait3A_345] : memref<2000000x64xf32, #tpu.memory_space<hbm>> -> memref<2000000x64xf32, #tpu.memory_space<hbm>>
      tpu.wait_indirect_dma semaphore(%arg9 : memref<!tpu.dma_semaphore, #tpu.memory_space<semaphore_mem>>) src(%dma_wait3A_346 : memref<2000000x64xf32, #tpu.memory_space<hbm>>) dst(%dma_wait3A_340 : memref<128x64xf32, #tpu.memory_space<vmem>>)
      %ge3A = arith.constant 4 : i32
      %ge3A_347 = arith.cmpi sge, %add3A_334, %ge3A : i32
      %convert_element_type3A = arith.extui %ge3A_347 : i1 to i32
      %cond3A = arith.constant 0 : i32
      %cond3A_348 = arith.cmpi ne, %convert_element_type3A, %cond3A : i32
      scf.if %cond3A_348 {
        %dma_wait3A_718 = arith.constant 0 : i32
        %dma_wait3A_719 = arith.constant 0 : i32
        %dma_wait3A_720 = arith.constant 0 : i32
        %dma_wait3A_721 = arith.constant 0 : i32
        %dma_wait3A_722 = arith.constant 0 : i32
        %dma_wait3A_723 = arith.constant 0 : i32
        %dma_wait3A_724 = tpu.memref_slice %arg8[%dma_wait3A_718, %dma_wait3A_721, %dma_wait3A_722, %dma_wait3A_723] : memref<4x8x8x129xf32, #tpu.memory_space<vmem>> -> memref<1x8x8x128xf32, #tpu.memory_space<vmem>>
        %dma_wait3A_725 = tpu.memref_squeeze %dma_wait3A_724 : memref<1x8x8x128xf32, #tpu.memory_space<vmem>> -> memref<8x8x128xf32, #tpu.memory_space<vmem>>
        %dma_wait3A_726 = arith.constant 0 : i32
        %dma_wait3A_727 = arith.constant 0 : i32
        %dma_wait3A_728 = arith.constant 0 : i32
        %dma_wait3A_729 = tpu.memref_slice %arg4[%dma_wait3A_719, %dma_wait3A_726, %dma_wait3A_720, %dma_wait3A_727, %dma_wait3A_728] : memref<50x8x128x8x128xf32, #tpu.memory_space<hbm>> -> memref<1x8x1x8x128xf32, #tpu.memory_space<hbm>>
        %dma_wait3A_730 = tpu.memref_squeeze %dma_wait3A_729 : memref<1x8x1x8x128xf32, #tpu.memory_space<hbm>> -> memref<8x8x128xf32, #tpu.memory_space<hbm>>
        %dma_wait3A_731 = arith.constant 0 : i32
        %dma_wait3A_732 = arith.constant 0 : i32
        %dma_wait3A_733 = arith.constant 0 : i32
        %dma_wait3A_734 = tpu.memref_slice %arg4[%dma_wait3A_719, %dma_wait3A_731, %dma_wait3A_720, %dma_wait3A_732, %dma_wait3A_733] : memref<50x8x128x8x128xf32, #tpu.memory_space<hbm>> -> memref<1x8x1x8x128xf32, #tpu.memory_space<hbm>>
        %dma_wait3A_735 = tpu.memref_squeeze %dma_wait3A_734 : memref<1x8x1x8x128xf32, #tpu.memory_space<hbm>> -> memref<8x8x128xf32, #tpu.memory_space<hbm>>
        %dma_wait3A_736 = arith.constant 0 : i32
        %dma_wait3A_737 = arith.constant 0 : i32
        %dma_wait3A_738 = arith.constant 0 : i32
        %dma_wait3A_739 = tpu.memref_slice %arg8[%dma_wait3A_718, %dma_wait3A_736, %dma_wait3A_737, %dma_wait3A_738] : memref<4x8x8x129xf32, #tpu.memory_space<vmem>> -> memref<1x8x8x128xf32, #tpu.memory_space<vmem>>
        %dma_wait3A_740 = tpu.memref_squeeze %dma_wait3A_739 : memref<1x8x8x128xf32, #tpu.memory_space<vmem>> -> memref<8x8x128xf32, #tpu.memory_space<vmem>>
        tpu.wait_dma2 semaphore(%arg13 : memref<!tpu.dma_semaphore, #tpu.memory_space<semaphore_mem>>) src(%dma_wait3A_740 : memref<8x8x128xf32, #tpu.memory_space<vmem>>) dst(%dma_wait3A_735 : memref<8x8x128xf32, #tpu.memory_space<hbm>>)
      } else {
      }
      %scan3A_349 = arith.constant 0 : i32
      %scan3A_350 = arith.constant 0 : i32
      %scan3A_351 = arith.constant 0 : i32
      %scan3A_352 = arith.constant 0 : i32
      %scan3A_353 = arith.constant 32 : i32
      %scan3A_354 = arith.addi %scan3A_352, %scan3A_353 : i32
      %scan3A_355 = arith.constant 1 : i32
      scf.for %scan3A_718 = %scan3A_352 to %scan3A_354 step %scan3A_355  : i32 {
        %mul3A_719 = arith.constant 4 : i32
        %mul3A_720 = arith.muli %scan3A_718, %mul3A_719 : i32
        %add3A_721 = arith.constant 0 : i32
        %add3A_722 = arith.addi %mul3A_720, %add3A_721 : i32
        %broadcast_in_dim3A = vector.broadcast %add3A_722 : i32 to vector<16xi32>
        %get3A = arith.constant 0 : i32
        %get3A_723 = arith.constant 0 : i32
        %get3A_724 = tpu.memref_slice %arg7[%scan3A_350, %get3A, %get3A_723] : memref<4x128x64xf32, #tpu.memory_space<vmem>> -> memref<1x128x64xf32, #tpu.memory_space<vmem>>
        %get3A_725 = tpu.memref_squeeze %get3A_724 : memref<1x128x64xf32, #tpu.memory_space<vmem>> -> memref<128x64xf32, #tpu.memory_space<vmem>>
        %get3A_726 = arith.index_cast %add3A_722 : i32 to index
        %get3A_727 = arith.constant 0 : index
        %get3A_728 = tpu.vector_load %get3A_725[%get3A_726, %get3A_727] {strides = array<i32>} : memref<128x64xf32, #tpu.memory_space<vmem>>, vector<16xf32>,
        %scatter3A = arith.constant 0 : i32
        %scatter3A_729 = arith.constant 0 : i32
        %scatter3A_730 = arith.constant 0 : i32
        %scatter3A_731 = tpu.memref_slice %arg8[%scan3A_351, %scatter3A, %scatter3A_729, %scatter3A_730] : memref<4x8x8x129xf32, #tpu.memory_space<vmem>> -> memref<1x8x8x129xf32, #tpu.memory_space<vmem>>
        %scatter3A_732 = tpu.memref_squeeze %scatter3A_731 : memref<1x8x8x129xf32, #tpu.memory_space<vmem>> -> memref<8x8x129xf32, #tpu.memory_space<vmem>>
        tpu.vector_store_idx %scatter3A_732[%select_n3A, %rem3A_162, %broadcast_in_dim3A], %get3A_728 : memref<8x8x129xf32, #tpu.memory_space<vmem>>[vector<16xi32>, vector<16xi32>, vector<16xi32>], vector<16xf32>,
        %get3A_733 = arith.constant 0 : i32
        %get3A_734 = arith.constant 0 : i32
        %get3A_735 = tpu.memref_slice %arg7[%scan3A_350, %get3A_733, %get3A_734] : memref<4x128x64xf32, #tpu.memory_space<vmem>> -> memref<1x128x64xf32, #tpu.memory_space<vmem>>
        %get3A_736 = tpu.memref_squeeze %get3A_735 : memref<1x128x64xf32, #tpu.memory_space<vmem>> -> memref<128x64xf32, #tpu.memory_space<vmem>>
        %get3A_737 = arith.index_cast %add3A_722 : i32 to index
        %get3A_738 = arith.constant 16 : index
        %get3A_739 = tpu.vector_load %get3A_736[%get3A_737, %get3A_738] {strides = array<i32>} : memref<128x64xf32, #tpu.memory_space<vmem>>, vector<16xf32>,
        %scatter3A_740 = arith.constant 0 : i32
        %scatter3A_741 = arith.constant 0 : i32
        %scatter3A_742 = arith.constant 0 : i32
        %scatter3A_743 = tpu.memref_slice %arg8[%scan3A_351, %scatter3A_740, %scatter3A_741, %scatter3A_742] : memref<4x8x8x129xf32, #tpu.memory_space<vmem>> -> memref<1x8x8x129xf32, #tpu.memory_space<vmem>>
        %scatter3A_744 = tpu.memref_squeeze %scatter3A_743 : memref<1x8x8x129xf32, #tpu.memory_space<vmem>> -> memref<8x8x129xf32, #tpu.memory_space<vmem>>
        tpu.vector_store_idx %scatter3A_744[%select_n3A_88, %rem3A_168, %broadcast_in_dim3A], %get3A_739 : memref<8x8x129xf32, #tpu.memory_space<vmem>>[vector<16xi32>, vector<16xi32>, vector<16xi32>], vector<16xf32>,
        %get3A_745 = arith.constant 0 : i32
        %get3A_746 = arith.constant 0 : i32
        %get3A_747 = tpu.memref_slice %arg7[%scan3A_350, %get3A_745, %get3A_746] : memref<4x128x64xf32, #tpu.memory_space<vmem>> -> memref<1x128x64xf32, #tpu.memory_space<vmem>>
        %get3A_748 = tpu.memref_squeeze %get3A_747 : memref<1x128x64xf32, #tpu.memory_space<vmem>> -> memref<128x64xf32, #tpu.memory_space<vmem>>
        %get3A_749 = arith.index_cast %add3A_722 : i32 to index
        %get3A_750 = arith.constant 32 : index
        %get3A_751 = tpu.vector_load %get3A_748[%get3A_749, %get3A_750] {strides = array<i32>} : memref<128x64xf32, #tpu.memory_space<vmem>>, vector<16xf32>,
        %scatter3A_752 = arith.constant 0 : i32
        %scatter3A_753 = arith.constant 0 : i32
        %scatter3A_754 = arith.constant 0 : i32
        %scatter3A_755 = tpu.memref_slice %arg8[%scan3A_351, %scatter3A_752, %scatter3A_753, %scatter3A_754] : memref<4x8x8x129xf32, #tpu.memory_space<vmem>> -> memref<1x8x8x129xf32, #tpu.memory_space<vmem>>
        %scatter3A_756 = tpu.memref_squeeze %scatter3A_755 : memref<1x8x8x129xf32, #tpu.memory_space<vmem>> -> memref<8x8x129xf32, #tpu.memory_space<vmem>>
        tpu.vector_store_idx %scatter3A_756[%select_n3A_122, %rem3A_174, %broadcast_in_dim3A], %get3A_751 : memref<8x8x129xf32, #tpu.memory_space<vmem>>[vector<16xi32>, vector<16xi32>, vector<16xi32>], vector<16xf32>,
        %get3A_757 = arith.constant 0 : i32
        %get3A_758 = arith.constant 0 : i32
        %get3A_759 = tpu.memref_slice %arg7[%scan3A_350, %get3A_757, %get3A_758] : memref<4x128x64xf32, #tpu.memory_space<vmem>> -> memref<1x128x64xf32, #tpu.memory_space<vmem>>
        %get3A_760 = tpu.memref_squeeze %get3A_759 : memref<1x128x64xf32, #tpu.memory_space<vmem>> -> memref<128x64xf32, #tpu.memory_space<vmem>>
        %get3A_761 = arith.index_cast %add3A_722 : i32 to index
        %get3A_762 = arith.constant 48 : index
        %get3A_763 = tpu.vector_load %get3A_760[%get3A_761, %get3A_762] {strides = array<i32>} : memref<128x64xf32, #tpu.memory_space<vmem>>, vector<16xf32>,
        %scatter3A_764 = arith.constant 0 : i32
        %scatter3A_765 = arith.constant 0 : i32
        %scatter3A_766 = arith.constant 0 : i32
        %scatter3A_767 = tpu.memref_slice %arg8[%scan3A_351, %scatter3A_764, %scatter3A_765, %scatter3A_766] : memref<4x8x8x129xf32, #tpu.memory_space<vmem>> -> memref<1x8x8x129xf32, #tpu.memory_space<vmem>>
        %scatter3A_768 = tpu.memref_squeeze %scatter3A_767 : memref<1x8x8x129xf32, #tpu.memory_space<vmem>> -> memref<8x8x129xf32, #tpu.memory_space<vmem>>
        tpu.vector_store_idx %scatter3A_768[%select_n3A_156, %rem3A_180, %broadcast_in_dim3A], %get3A_763 : memref<8x8x129xf32, #tpu.memory_space<vmem>>[vector<16xi32>, vector<16xi32>, vector<16xi32>], vector<16xf32>,
        %mul3A_769 = arith.constant 4 : i32
        %mul3A_770 = arith.muli %scan3A_718, %mul3A_769 : i32
        %add3A_771 = arith.constant 1 : i32
        %add3A_772 = arith.addi %mul3A_770, %add3A_771 : i32
        %broadcast_in_dim3A_773 = vector.broadcast %add3A_772 : i32 to vector<16xi32>
        %get3A_774 = arith.constant 0 : i32
        %get3A_775 = arith.constant 0 : i32
        %get3A_776 = tpu.memref_slice %arg7[%scan3A_350, %get3A_774, %get3A_775] : memref<4x128x64xf32, #tpu.memory_space<vmem>> -> memref<1x128x64xf32, #tpu.memory_space<vmem>>
        %get3A_777 = tpu.memref_squeeze %get3A_776 : memref<1x128x64xf32, #tpu.memory_space<vmem>> -> memref<128x64xf32, #tpu.memory_space<vmem>>
        %get3A_778 = arith.index_cast %add3A_772 : i32 to index
        %get3A_779 = arith.constant 0 : index
        %get3A_780 = tpu.vector_load %get3A_777[%get3A_778, %get3A_779] {strides = array<i32>} : memref<128x64xf32, #tpu.memory_space<vmem>>, vector<16xf32>,
        %scatter3A_781 = arith.constant 0 : i32
        %scatter3A_782 = arith.constant 0 : i32
        %scatter3A_783 = arith.constant 0 : i32
        %scatter3A_784 = tpu.memref_slice %arg8[%scan3A_351, %scatter3A_781, %scatter3A_782, %scatter3A_783] : memref<4x8x8x129xf32, #tpu.memory_space<vmem>> -> memref<1x8x8x129xf32, #tpu.memory_space<vmem>>
        %scatter3A_785 = tpu.memref_squeeze %scatter3A_784 : memref<1x8x8x129xf32, #tpu.memory_space<vmem>> -> memref<8x8x129xf32, #tpu.memory_space<vmem>>
        tpu.vector_store_idx %scatter3A_785[%select_n3A, %rem3A_162, %broadcast_in_dim3A_773], %get3A_780 : memref<8x8x129xf32, #tpu.memory_space<vmem>>[vector<16xi32>, vector<16xi32>, vector<16xi32>], vector<16xf32>,
        %get3A_786 = arith.constant 0 : i32
        %get3A_787 = arith.constant 0 : i32
        %get3A_788 = tpu.memref_slice %arg7[%scan3A_350, %get3A_786, %get3A_787] : memref<4x128x64xf32, #tpu.memory_space<vmem>> -> memref<1x128x64xf32, #tpu.memory_space<vmem>>
        %get3A_789 = tpu.memref_squeeze %get3A_788 : memref<1x128x64xf32, #tpu.memory_space<vmem>> -> memref<128x64xf32, #tpu.memory_space<vmem>>
        %get3A_790 = arith.index_cast %add3A_772 : i32 to index
        %get3A_791 = arith.constant 16 : index
        %get3A_792 = tpu.vector_load %get3A_789[%get3A_790, %get3A_791] {strides = array<i32>} : memref<128x64xf32, #tpu.memory_space<vmem>>, vector<16xf32>,
        %scatter3A_793 = arith.constant 0 : i32
        %scatter3A_794 = arith.constant 0 : i32
        %scatter3A_795 = arith.constant 0 : i32
        %scatter3A_796 = tpu.memref_slice %arg8[%scan3A_351, %scatter3A_793, %scatter3A_794, %scatter3A_795] : memref<4x8x8x129xf32, #tpu.memory_space<vmem>> -> memref<1x8x8x129xf32, #tpu.memory_space<vmem>>
        %scatter3A_797 = tpu.memref_squeeze %scatter3A_796 : memref<1x8x8x129xf32, #tpu.memory_space<vmem>> -> memref<8x8x129xf32, #tpu.memory_space<vmem>>
        tpu.vector_store_idx %scatter3A_797[%select_n3A_88, %rem3A_168, %broadcast_in_dim3A_773], %get3A_792 : memref<8x8x129xf32, #tpu.memory_space<vmem>>[vector<16xi32>, vector<16xi32>, vector<16xi32>], vector<16xf32>,
        %get3A_798 = arith.constant 0 : i32
        %get3A_799 = arith.constant 0 : i32
        %get3A_800 = tpu.memref_slice %arg7[%scan3A_350, %get3A_798, %get3A_799] : memref<4x128x64xf32, #tpu.memory_space<vmem>> -> memref<1x128x64xf32, #tpu.memory_space<vmem>>
        %get3A_801 = tpu.memref_squeeze %get3A_800 : memref<1x128x64xf32, #tpu.memory_space<vmem>> -> memref<128x64xf32, #tpu.memory_space<vmem>>
        %get3A_802 = arith.index_cast %add3A_772 : i32 to index
        %get3A_803 = arith.constant 32 : index
        %get3A_804 = tpu.vector_load %get3A_801[%get3A_802, %get3A_803] {strides = array<i32>} : memref<128x64xf32, #tpu.memory_space<vmem>>, vector<16xf32>,
        %scatter3A_805 = arith.constant 0 : i32
        %scatter3A_806 = arith.constant 0 : i32
        %scatter3A_807 = arith.constant 0 : i32
        %scatter3A_808 = tpu.memref_slice %arg8[%scan3A_351, %scatter3A_805, %scatter3A_806, %scatter3A_807] : memref<4x8x8x129xf32, #tpu.memory_space<vmem>> -> memref<1x8x8x129xf32, #tpu.memory_space<vmem>>
        %scatter3A_809 = tpu.memref_squeeze %scatter3A_808 : memref<1x8x8x129xf32, #tpu.memory_space<vmem>> -> memref<8x8x129xf32, #tpu.memory_space<vmem>>
        tpu.vector_store_idx %scatter3A_809[%select_n3A_122, %rem3A_174, %broadcast_in_dim3A_773], %get3A_804 : memref<8x8x129xf32, #tpu.memory_space<vmem>>[vector<16xi32>, vector<16xi32>, vector<16xi32>], vector<16xf32>,
        %get3A_810 = arith.constant 0 : i32
        %get3A_811 = arith.constant 0 : i32
        %get3A_812 = tpu.memref_slice %arg7[%scan3A_350, %get3A_810, %get3A_811] : memref<4x128x64xf32, #tpu.memory_space<vmem>> -> memref<1x128x64xf32, #tpu.memory_space<vmem>>
        %get3A_813 = tpu.memref_squeeze %get3A_812 : memref<1x128x64xf32, #tpu.memory_space<vmem>> -> memref<128x64xf32, #tpu.memory_space<vmem>>
        %get3A_814 = arith.index_cast %add3A_772 : i32 to index
        %get3A_815 = arith.constant 48 : index
        %get3A_816 = tpu.vector_load %get3A_813[%get3A_814, %get3A_815] {strides = array<i32>} : memref<128x64xf32, #tpu.memory_space<vmem>>, vector<16xf32>,
        %scatter3A_817 = arith.constant 0 : i32
        %scatter3A_818 = arith.constant 0 : i32
        %scatter3A_819 = arith.constant 0 : i32
        %scatter3A_820 = tpu.memref_slice %arg8[%scan3A_351, %scatter3A_817, %scatter3A_818, %scatter3A_819] : memref<4x8x8x129xf32, #tpu.memory_space<vmem>> -> memref<1x8x8x129xf32, #tpu.memory_space<vmem>>
        %scatter3A_821 = tpu.memref_squeeze %scatter3A_820 : memref<1x8x8x129xf32, #tpu.memory_space<vmem>> -> memref<8x8x129xf32, #tpu.memory_space<vmem>>
        tpu.vector_store_idx %scatter3A_821[%select_n3A_156, %rem3A_180, %broadcast_in_dim3A_773], %get3A_816 : memref<8x8x129xf32, #tpu.memory_space<vmem>>[vector<16xi32>, vector<16xi32>, vector<16xi32>], vector<16xf32>,
        %mul3A_822 = arith.constant 4 : i32
        %mul3A_823 = arith.muli %scan3A_718, %mul3A_822 : i32
        %add3A_824 = arith.constant 2 : i32
        %add3A_825 = arith.addi %mul3A_823, %add3A_824 : i32
        %broadcast_in_dim3A_826 = vector.broadcast %add3A_825 : i32 to vector<16xi32>
        %get3A_827 = arith.constant 0 : i32
        %get3A_828 = arith.constant 0 : i32
        %get3A_829 = tpu.memref_slice %arg7[%scan3A_350, %get3A_827, %get3A_828] : memref<4x128x64xf32, #tpu.memory_space<vmem>> -> memref<1x128x64xf32, #tpu.memory_space<vmem>>
        %get3A_830 = tpu.memref_squeeze %get3A_829 : memref<1x128x64xf32, #tpu.memory_space<vmem>> -> memref<128x64xf32, #tpu.memory_space<vmem>>
        %get3A_831 = arith.index_cast %add3A_825 : i32 to index
        %get3A_832 = arith.constant 0 : index
        %get3A_833 = tpu.vector_load %get3A_830[%get3A_831, %get3A_832] {strides = array<i32>} : memref<128x64xf32, #tpu.memory_space<vmem>>, vector<16xf32>,
        %scatter3A_834 = arith.constant 0 : i32
        %scatter3A_835 = arith.constant 0 : i32
        %scatter3A_836 = arith.constant 0 : i32
        %scatter3A_837 = tpu.memref_slice %arg8[%scan3A_351, %scatter3A_834, %scatter3A_835, %scatter3A_836] : memref<4x8x8x129xf32, #tpu.memory_space<vmem>> -> memref<1x8x8x129xf32, #tpu.memory_space<vmem>>
        %scatter3A_838 = tpu.memref_squeeze %scatter3A_837 : memref<1x8x8x129xf32, #tpu.memory_space<vmem>> -> memref<8x8x129xf32, #tpu.memory_space<vmem>>
        tpu.vector_store_idx %scatter3A_838[%select_n3A, %rem3A_162, %broadcast_in_dim3A_826], %get3A_833 : memref<8x8x129xf32, #tpu.memory_space<vmem>>[vector<16xi32>, vector<16xi32>, vector<16xi32>], vector<16xf32>,
        %get3A_839 = arith.constant 0 : i32
        %get3A_840 = arith.constant 0 : i32
        %get3A_841 = tpu.memref_slice %arg7[%scan3A_350, %get3A_839, %get3A_840] : memref<4x128x64xf32, #tpu.memory_space<vmem>> -> memref<1x128x64xf32, #tpu.memory_space<vmem>>
        %get3A_842 = tpu.memref_squeeze %get3A_841 : memref<1x128x64xf32, #tpu.memory_space<vmem>> -> memref<128x64xf32, #tpu.memory_space<vmem>>
        %get3A_843 = arith.index_cast %add3A_825 : i32 to index
        %get3A_844 = arith.constant 16 : index
        %get3A_845 = tpu.vector_load %get3A_842[%get3A_843, %get3A_844] {strides = array<i32>} : memref<128x64xf32, #tpu.memory_space<vmem>>, vector<16xf32>,
        %scatter3A_846 = arith.constant 0 : i32
        %scatter3A_847 = arith.constant 0 : i32
        %scatter3A_848 = arith.constant 0 : i32
        %scatter3A_849 = tpu.memref_slice %arg8[%scan3A_351, %scatter3A_846, %scatter3A_847, %scatter3A_848] : memref<4x8x8x129xf32, #tpu.memory_space<vmem>> -> memref<1x8x8x129xf32, #tpu.memory_space<vmem>>
        %scatter3A_850 = tpu.memref_squeeze %scatter3A_849 : memref<1x8x8x129xf32, #tpu.memory_space<vmem>> -> memref<8x8x129xf32, #tpu.memory_space<vmem>>
        tpu.vector_store_idx %scatter3A_850[%select_n3A_88, %rem3A_168, %broadcast_in_dim3A_826], %get3A_845 : memref<8x8x129xf32, #tpu.memory_space<vmem>>[vector<16xi32>, vector<16xi32>, vector<16xi32>], vector<16xf32>,
        %get3A_851 = arith.constant 0 : i32
        %get3A_852 = arith.constant 0 : i32
        %get3A_853 = tpu.memref_slice %arg7[%scan3A_350, %get3A_851, %get3A_852] : memref<4x128x64xf32, #tpu.memory_space<vmem>> -> memref<1x128x64xf32, #tpu.memory_space<vmem>>
        %get3A_854 = tpu.memref_squeeze %get3A_853 : memref<1x128x64xf32, #tpu.memory_space<vmem>> -> memref<128x64xf32, #tpu.memory_space<vmem>>
        %get3A_855 = arith.index_cast %add3A_825 : i32 to index
        %get3A_856 = arith.constant 32 : index
        %get3A_857 = tpu.vector_load %get3A_854[%get3A_855, %get3A_856] {strides = array<i32>} : memref<128x64xf32, #tpu.memory_space<vmem>>, vector<16xf32>,
        %scatter3A_858 = arith.constant 0 : i32
        %scatter3A_859 = arith.constant 0 : i32
        %scatter3A_860 = arith.constant 0 : i32
        %scatter3A_861 = tpu.memref_slice %arg8[%scan3A_351, %scatter3A_858, %scatter3A_859, %scatter3A_860] : memref<4x8x8x129xf32, #tpu.memory_space<vmem>> -> memref<1x8x8x129xf32, #tpu.memory_space<vmem>>
        %scatter3A_862 = tpu.memref_squeeze %scatter3A_861 : memref<1x8x8x129xf32, #tpu.memory_space<vmem>> -> memref<8x8x129xf32, #tpu.memory_space<vmem>>
        tpu.vector_store_idx %scatter3A_862[%select_n3A_122, %rem3A_174, %broadcast_in_dim3A_826], %get3A_857 : memref<8x8x129xf32, #tpu.memory_space<vmem>>[vector<16xi32>, vector<16xi32>, vector<16xi32>], vector<16xf32>,
        %get3A_863 = arith.constant 0 : i32
        %get3A_864 = arith.constant 0 : i32
        %get3A_865 = tpu.memref_slice %arg7[%scan3A_350, %get3A_863, %get3A_864] : memref<4x128x64xf32, #tpu.memory_space<vmem>> -> memref<1x128x64xf32, #tpu.memory_space<vmem>>
        %get3A_866 = tpu.memref_squeeze %get3A_865 : memref<1x128x64xf32, #tpu.memory_space<vmem>> -> memref<128x64xf32, #tpu.memory_space<vmem>>
        %get3A_867 = arith.index_cast %add3A_825 : i32 to index
        %get3A_868 = arith.constant 48 : index
        %get3A_869 = tpu.vector_load %get3A_866[%get3A_867, %get3A_868] {strides = array<i32>} : memref<128x64xf32, #tpu.memory_space<vmem>>, vector<16xf32>,
        %scatter3A_870 = arith.constant 0 : i32
        %scatter3A_871 = arith.constant 0 : i32
        %scatter3A_872 = arith.constant 0 : i32
        %scatter3A_873 = tpu.memref_slice %arg8[%scan3A_351, %scatter3A_870, %scatter3A_871, %scatter3A_872] : memref<4x8x8x129xf32, #tpu.memory_space<vmem>> -> memref<1x8x8x129xf32, #tpu.memory_space<vmem>>
        %scatter3A_874 = tpu.memref_squeeze %scatter3A_873 : memref<1x8x8x129xf32, #tpu.memory_space<vmem>> -> memref<8x8x129xf32, #tpu.memory_space<vmem>>
        tpu.vector_store_idx %scatter3A_874[%select_n3A_156, %rem3A_180, %broadcast_in_dim3A_826], %get3A_869 : memref<8x8x129xf32, #tpu.memory_space<vmem>>[vector<16xi32>, vector<16xi32>, vector<16xi32>], vector<16xf32>,
        %mul3A_875 = arith.constant 4 : i32
        %mul3A_876 = arith.muli %scan3A_718, %mul3A_875 : i32
        %add3A_877 = arith.constant 3 : i32
        %add3A_878 = arith.addi %mul3A_876, %add3A_877 : i32
        %broadcast_in_dim3A_879 = vector.broadcast %add3A_878 : i32 to vector<16xi32>
        %get3A_880 = arith.constant 0 : i32
        %get3A_881 = arith.constant 0 : i32
        %get3A_882 = tpu.memref_slice %arg7[%scan3A_350, %get3A_880, %get3A_881] : memref<4x128x64xf32, #tpu.memory_space<vmem>> -> memref<1x128x64xf32, #tpu.memory_space<vmem>>
        %get3A_883 = tpu.memref_squeeze %get3A_882 : memref<1x128x64xf32, #tpu.memory_space<vmem>> -> memref<128x64xf32, #tpu.memory_space<vmem>>
        %get3A_884 = arith.index_cast %add3A_878 : i32 to index
        %get3A_885 = arith.constant 0 : index
        %get3A_886 = tpu.vector_load %get3A_883[%get3A_884, %get3A_885] {strides = array<i32>} : memref<128x64xf32, #tpu.memory_space<vmem>>, vector<16xf32>,
        %scatter3A_887 = arith.constant 0 : i32
        %scatter3A_888 = arith.constant 0 : i32
        %scatter3A_889 = arith.constant 0 : i32
        %scatter3A_890 = tpu.memref_slice %arg8[%scan3A_351, %scatter3A_887, %scatter3A_888, %scatter3A_889] : memref<4x8x8x129xf32, #tpu.memory_space<vmem>> -> memref<1x8x8x129xf32, #tpu.memory_space<vmem>>
        %scatter3A_891 = tpu.memref_squeeze %scatter3A_890 : memref<1x8x8x129xf32, #tpu.memory_space<vmem>> -> memref<8x8x129xf32, #tpu.memory_space<vmem>>
        tpu.vector_store_idx %scatter3A_891[%select_n3A, %rem3A_162, %broadcast_in_dim3A_879], %get3A_886 : memref<8x8x129xf32, #tpu.memory_space<vmem>>[vector<16xi32>, vector<16xi32>, vector<16xi32>], vector<16xf32>,
        %get3A_892 = arith.constant 0 : i32
        %get3A_893 = arith.constant 0 : i32
        %get3A_894 = tpu.memref_slice %arg7[%scan3A_350, %get3A_892, %get3A_893] : memref<4x128x64xf32, #tpu.memory_space<vmem>> -> memref<1x128x64xf32, #tpu.memory_space<vmem>>
        %get3A_895 = tpu.memref_squeeze %get3A_894 : memref<1x128x64xf32, #tpu.memory_space<vmem>> -> memref<128x64xf32, #tpu.memory_space<vmem>>
        %get3A_896 = arith.index_cast %add3A_878 : i32 to index
        %get3A_897 = arith.constant 16 : index
        %get3A_898 = tpu.vector_load %get3A_895[%get3A_896, %get3A_897] {strides = array<i32>} : memref<128x64xf32, #tpu.memory_space<vmem>>, vector<16xf32>,
        %scatter3A_899 = arith.constant 0 : i32
        %scatter3A_900 = arith.constant 0 : i32
        %scatter3A_901 = arith.constant 0 : i32
        %scatter3A_902 = tpu.memref_slice %arg8[%scan3A_351, %scatter3A_899, %scatter3A_900, %scatter3A_901] : memref<4x8x8x129xf32, #tpu.memory_space<vmem>> -> memref<1x8x8x129xf32, #tpu.memory_space<vmem>>
        %scatter3A_903 = tpu.memref_squeeze %scatter3A_902 : memref<1x8x8x129xf32, #tpu.memory_space<vmem>> -> memref<8x8x129xf32, #tpu.memory_space<vmem>>
        tpu.vector_store_idx %scatter3A_903[%select_n3A_88, %rem3A_168, %broadcast_in_dim3A_879], %get3A_898 : memref<8x8x129xf32, #tpu.memory_space<vmem>>[vector<16xi32>, vector<16xi32>, vector<16xi32>], vector<16xf32>,
        %get3A_904 = arith.constant 0 : i32
        %get3A_905 = arith.constant 0 : i32
        %get3A_906 = tpu.memref_slice %arg7[%scan3A_350, %get3A_904, %get3A_905] : memref<4x128x64xf32, #tpu.memory_space<vmem>> -> memref<1x128x64xf32, #tpu.memory_space<vmem>>
        %get3A_907 = tpu.memref_squeeze %get3A_906 : memref<1x128x64xf32, #tpu.memory_space<vmem>> -> memref<128x64xf32, #tpu.memory_space<vmem>>
        %get3A_908 = arith.index_cast %add3A_878 : i32 to index
        %get3A_909 = arith.constant 32 : index
        %get3A_910 = tpu.vector_load %get3A_907[%get3A_908, %get3A_909] {strides = array<i32>} : memref<128x64xf32, #tpu.memory_space<vmem>>, vector<16xf32>,
        %scatter3A_911 = arith.constant 0 : i32
        %scatter3A_912 = arith.constant 0 : i32
        %scatter3A_913 = arith.constant 0 : i32
        %scatter3A_914 = tpu.memref_slice %arg8[%scan3A_351, %scatter3A_911, %scatter3A_912, %scatter3A_913] : memref<4x8x8x129xf32, #tpu.memory_space<vmem>> -> memref<1x8x8x129xf32, #tpu.memory_space<vmem>>
        %scatter3A_915 = tpu.memref_squeeze %scatter3A_914 : memref<1x8x8x129xf32, #tpu.memory_space<vmem>> -> memref<8x8x129xf32, #tpu.memory_space<vmem>>
        tpu.vector_store_idx %scatter3A_915[%select_n3A_122, %rem3A_174, %broadcast_in_dim3A_879], %get3A_910 : memref<8x8x129xf32, #tpu.memory_space<vmem>>[vector<16xi32>, vector<16xi32>, vector<16xi32>], vector<16xf32>,
        %get3A_916 = arith.constant 0 : i32
        %get3A_917 = arith.constant 0 : i32
        %get3A_918 = tpu.memref_slice %arg7[%scan3A_350, %get3A_916, %get3A_917] : memref<4x128x64xf32, #tpu.memory_space<vmem>> -> memref<1x128x64xf32, #tpu.memory_space<vmem>>
        %get3A_919 = tpu.memref_squeeze %get3A_918 : memref<1x128x64xf32, #tpu.memory_space<vmem>> -> memref<128x64xf32, #tpu.memory_space<vmem>>
        %get3A_920 = arith.index_cast %add3A_878 : i32 to index
        %get3A_921 = arith.constant 48 : index
        %get3A_922 = tpu.vector_load %get3A_919[%get3A_920, %get3A_921] {strides = array<i32>} : memref<128x64xf32, #tpu.memory_space<vmem>>, vector<16xf32>,
        %scatter3A_923 = arith.constant 0 : i32
        %scatter3A_924 = arith.constant 0 : i32
        %scatter3A_925 = arith.constant 0 : i32
        %scatter3A_926 = tpu.memref_slice %arg8[%scan3A_351, %scatter3A_923, %scatter3A_924, %scatter3A_925] : memref<4x8x8x129xf32, #tpu.memory_space<vmem>> -> memref<1x8x8x129xf32, #tpu.memory_space<vmem>>
        %scatter3A_927 = tpu.memref_squeeze %scatter3A_926 : memref<1x8x8x129xf32, #tpu.memory_space<vmem>> -> memref<8x8x129xf32, #tpu.memory_space<vmem>>
        tpu.vector_store_idx %scatter3A_927[%select_n3A_156, %rem3A_180, %broadcast_in_dim3A_879], %get3A_922 : memref<8x8x129xf32, #tpu.memory_space<vmem>>[vector<16xi32>, vector<16xi32>, vector<16xi32>], vector<16xf32>,
      }
      %scan3A_356 = arith.constant 32 : i32
      %jit3A_357 = arith.constant 50 : i32
      %div3A_358 = arith.divsi %add3A_334, %jit3A_357 : i32
      %sign3A_359 = arith.constant 0 : i32
      %sign3A_360 = arith.cmpi sgt, %add3A_334, %sign3A_359 : i32
      %sign3A_361 = arith.extui %sign3A_360 : i1 to i32
      %sign3A_362 = arith.constant 0 : i32
      %sign3A_363 = arith.cmpi slt, %add3A_334, %sign3A_362 : i32
      %sign3A_364 = arith.extui %sign3A_363 : i1 to i32
      %sign3A_365 = arith.subi %sign3A_361, %sign3A_364 : i32
      %sign3A_366 = arith.constant 0 : i32
      %sign3A_367 = arith.cmpi sgt, %jit3A_357, %sign3A_366 : i32
      %sign3A_368 = arith.extui %sign3A_367 : i1 to i32
      %sign3A_369 = arith.constant 0 : i32
      %sign3A_370 = arith.cmpi slt, %jit3A_357, %sign3A_369 : i32
      %sign3A_371 = arith.extui %sign3A_370 : i1 to i32
      %sign3A_372 = arith.subi %sign3A_368, %sign3A_371 : i32
      %ne3A_373 = arith.cmpi ne, %sign3A_365, %sign3A_372 : i32
      %rem3A_374 = arith.remsi %add3A_334, %jit3A_357 : i32
      %ne3A_375 = arith.constant 0 : i32
      %ne3A_376 = arith.cmpi ne, %rem3A_374, %ne3A_375 : i32
      %and3A_377 = arith.andi %ne3A_373, %ne3A_376 : i1
      %sub3A_378 = arith.constant 1 : i32
      %sub3A_379 = arith.subi %div3A_358, %sub3A_378 : i32
      %select_n3A_380 = arith.select %and3A_377, %sub3A_379, %div3A_358 : i32
      %jit3A_381 = arith.constant 50 : i32
      %eq3A = arith.constant 0 : i32
      %eq3A_382 = arith.cmpi eq, %jit3A_381, %eq3A : i32
      %jit3A_383 = arith.constant 1 : i32
      %select_n3A_384 = arith.select %eq3A_382, %jit3A_383, %jit3A_381 : i32
      %rem3A_385 = arith.remsi %add3A_334, %select_n3A_384 : i32
      %ne3A_386 = arith.constant 0 : i32
      %ne3A_387 = arith.cmpi ne, %rem3A_385, %ne3A_386 : i32
      %lt3A = arith.constant 0 : i32
      %lt3A_388 = arith.cmpi slt, %rem3A_385, %lt3A : i32
      %lt3A_389 = arith.constant 0 : i32
      %lt3A_390 = arith.cmpi slt, %select_n3A_384, %lt3A_389 : i32
      %ne3A_391 = arith.xori %lt3A_388, %lt3A_390 : i1
      %and3A_392 = arith.andi %ne3A_391, %ne3A_387 : i1
      %add3A_393 = arith.addi %rem3A_385, %select_n3A_384 : i32
      %select_n3A_394 = arith.select %and3A_392, %add3A_393, %rem3A_385 : i32
      %add3A_395 = arith.addi %mul3A_4, %select_n3A_380 : i32
      %dma_start3A_396 = arith.constant 0 : i32
      %dma_start3A_397 = arith.constant 0 : i32
      %dma_start3A_398 = arith.constant 0 : i32
      %dma_start3A_399 = arith.constant 0 : i32
      %dma_start3A_400 = tpu.memref_slice %arg8[%dma_start3A_396, %dma_start3A_397, %dma_start3A_398, %dma_start3A_399] : memref<4x8x8x129xf32, #tpu.memory_space<vmem>> -> memref<1x8x8x128xf32, #tpu.memory_space<vmem>>
      %dma_start3A_401 = tpu.memref_squeeze %dma_start3A_400 : memref<1x8x8x128xf32, #tpu.memory_space<vmem>> -> memref<8x8x128xf32, #tpu.memory_space<vmem>>
      %dma_start3A_402 = arith.constant 0 : i32
      %dma_start3A_403 = arith.constant 0 : i32
      %dma_start3A_404 = arith.constant 0 : i32
      %dma_start3A_405 = tpu.memref_slice %arg4[%select_n3A_394, %dma_start3A_402, %add3A_395, %dma_start3A_403, %dma_start3A_404] : memref<50x8x128x8x128xf32, #tpu.memory_space<hbm>> -> memref<1x8x1x8x128xf32, #tpu.memory_space<hbm>>
      %dma_start3A_406 = tpu.memref_squeeze %dma_start3A_405 : memref<1x8x1x8x128xf32, #tpu.memory_space<hbm>> -> memref<8x8x128xf32, #tpu.memory_space<hbm>>
      %dma_start3A_407 = arith.constant 0 : i32
      %dma_start3A_408 = arith.constant 0 : i32
      %dma_start3A_409 = arith.constant 0 : i32
      %dma_start3A_410 = tpu.memref_slice %arg4[%select_n3A_394, %dma_start3A_407, %add3A_395, %dma_start3A_408, %dma_start3A_409] : memref<50x8x128x8x128xf32, #tpu.memory_space<hbm>> -> memref<1x8x1x8x128xf32, #tpu.memory_space<hbm>>
      %dma_start3A_411 = tpu.memref_squeeze %dma_start3A_410 : memref<1x8x1x8x128xf32, #tpu.memory_space<hbm>> -> memref<8x8x128xf32, #tpu.memory_space<hbm>>
      %dma_start3A_412 = arith.constant 0 : i32
      %dma_start3A_413 = arith.constant 0 : i32
      %dma_start3A_414 = arith.constant 0 : i32
      %dma_start3A_415 = tpu.memref_slice %arg8[%dma_start3A_396, %dma_start3A_412, %dma_start3A_413, %dma_start3A_414] : memref<4x8x8x129xf32, #tpu.memory_space<vmem>> -> memref<1x8x8x128xf32, #tpu.memory_space<vmem>>
      %dma_start3A_416 = tpu.memref_squeeze %dma_start3A_415 : memref<1x8x8x128xf32, #tpu.memory_space<vmem>> -> memref<8x8x128xf32, #tpu.memory_space<vmem>>
      tpu.enqueue_dma source(%dma_start3A_416 : memref<8x8x128xf32, #tpu.memory_space<vmem>>) target(%dma_start3A_411 : memref<8x8x128xf32, #tpu.memory_space<hbm>>) target_semaphore(%arg13 : memref<!tpu.dma_semaphore, #tpu.memory_space<semaphore_mem>>)
      %add3A_417 = arith.constant 4 : i32
      %add3A_418 = arith.addi %add3A_334, %add3A_417 : i32
      %lt3A_419 = arith.constant 200 : i32
      %lt3A_420 = arith.cmpi slt, %add3A_418, %lt3A_419 : i32
      %convert_element_type3A_421 = arith.extui %lt3A_420 : i1 to i32
      %cond3A_422 = arith.constant 0 : i32
      %cond3A_423 = arith.cmpi ne, %convert_element_type3A_421, %cond3A_422 : i32
      scf.if %cond3A_423 {
        %add3A_718 = arith.constant 4 : i32
        %add3A_719 = arith.addi %add3A_334, %add3A_718 : i32
        %jit3A_720 = arith.constant 50 : i32
        %div3A_721 = arith.divsi %add3A_719, %jit3A_720 : i32
        %sign3A_722 = arith.constant 0 : i32
        %sign3A_723 = arith.cmpi sgt, %add3A_719, %sign3A_722 : i32
        %sign3A_724 = arith.extui %sign3A_723 : i1 to i32
        %sign3A_725 = arith.constant 0 : i32
        %sign3A_726 = arith.cmpi slt, %add3A_719, %sign3A_725 : i32
        %sign3A_727 = arith.extui %sign3A_726 : i1 to i32
        %sign3A_728 = arith.subi %sign3A_724, %sign3A_727 : i32
        %sign3A_729 = arith.constant 0 : i32
        %sign3A_730 = arith.cmpi sgt, %jit3A_720, %sign3A_729 : i32
        %sign3A_731 = arith.extui %sign3A_730 : i1 to i32
        %sign3A_732 = arith.constant 0 : i32
        %sign3A_733 = arith.cmpi slt, %jit3A_720, %sign3A_732 : i32
        %sign3A_734 = arith.extui %sign3A_733 : i1 to i32
        %sign3A_735 = arith.subi %sign3A_731, %sign3A_734 : i32
        %ne3A_736 = arith.cmpi ne, %sign3A_728, %sign3A_735 : i32
        %rem3A_737 = arith.remsi %add3A_719, %jit3A_720 : i32
        %ne3A_738 = arith.constant 0 : i32
        %ne3A_739 = arith.cmpi ne, %rem3A_737, %ne3A_738 : i32
        %and3A_740 = arith.andi %ne3A_736, %ne3A_739 : i1
        %sub3A_741 = arith.constant 1 : i32
        %sub3A_742 = arith.subi %div3A_721, %sub3A_741 : i32
        %select_n3A_743 = arith.select %and3A_740, %sub3A_742, %div3A_721 : i32
        %jit3A_744 = arith.constant 50 : i32
        %eq3A_745 = arith.constant 0 : i32
        %eq3A_746 = arith.cmpi eq, %jit3A_744, %eq3A_745 : i32
        %jit3A_747 = arith.constant 1 : i32
        %select_n3A_748 = arith.select %eq3A_746, %jit3A_747, %jit3A_744 : i32
        %rem3A_749 = arith.remsi %add3A_719, %select_n3A_748 : i32
        %ne3A_750 = arith.constant 0 : i32
        %ne3A_751 = arith.cmpi ne, %rem3A_749, %ne3A_750 : i32
        %lt3A_752 = arith.constant 0 : i32
        %lt3A_753 = arith.cmpi slt, %rem3A_749, %lt3A_752 : i32
        %lt3A_754 = arith.constant 0 : i32
        %lt3A_755 = arith.cmpi slt, %select_n3A_748, %lt3A_754 : i32
        %ne3A_756 = arith.xori %lt3A_753, %lt3A_755 : i1
        %and3A_757 = arith.andi %ne3A_756, %ne3A_751 : i1
        %add3A_758 = arith.addi %rem3A_749, %select_n3A_748 : i32
        %select_n3A_759 = arith.select %and3A_757, %add3A_758, %rem3A_749 : i32
        %mul3A_760 = arith.constant 128 : i32
        %mul3A_761 = arith.muli %select_n3A_743, %mul3A_760 : i32
        %dma_start3A_762 = arith.constant 0 : i32
        %dma_start3A_763 = arith.constant 0 : i32
        %dma_start3A_764 = arith.constant 0 : i32
        %dma_start3A_765 = tpu.memref_slice %arg7[%dma_start3A_762, %dma_start3A_763, %dma_start3A_764] : memref<4x128x64xf32, #tpu.memory_space<vmem>> -> memref<1x128x64xf32, #tpu.memory_space<vmem>>
        %dma_start3A_766 = tpu.memref_squeeze %dma_start3A_765 : memref<1x128x64xf32, #tpu.memory_space<vmem>> -> memref<128x64xf32, #tpu.memory_space<vmem>>
        %dma_start3A_767 = tpu.memref_slice %arg6[%select_n3A_759, %mul3A_761] : memref<50x512xi32, #tpu.memory_space<vmem>> -> memref<1x128xi32, #tpu.memory_space<vmem>>
        %dma_start3A_768 = tpu.memref_squeeze %dma_start3A_767 : memref<1x128xi32, #tpu.memory_space<vmem>> -> memref<128xi32, #tpu.memory_space<vmem>>
        %dma_start3A_769 = arith.constant 0 : i32
        %dma_start3A_770 = arith.constant 0 : i32
        %dma_start3A_771 = tpu.memref_slice %arg2[%dma_start3A_769, %dma_start3A_770] : memref<2000000x64xf32, #tpu.memory_space<hbm>> -> memref<2000000x64xf32, #tpu.memory_space<hbm>>
        tpu.enqueue_indirect_dma source(%dma_start3A_771 : memref<2000000x64xf32, #tpu.memory_space<hbm>>) target(%dma_start3A_766 : memref<128x64xf32, #tpu.memory_space<vmem>>) offsets(%dma_start3A_768 : memref<128xi32, #tpu.memory_space<vmem>>) semaphore(%arg9 : memref<!tpu.dma_semaphore, #tpu.memory_space<semaphore_mem>>)
      } else {
      }
      %mul3A_424 = arith.constant 4 : i32
      %mul3A_425 = arith.muli %scan3A_330, %mul3A_424 : i32
      %add3A_426 = arith.constant 1 : i32
      %add3A_427 = arith.addi %mul3A_425, %add3A_426 : i32
      %dma_wait3A_428 = arith.constant 0 : i32
      %dma_wait3A_429 = arith.constant 1 : i32
      %dma_wait3A_430 = arith.constant 0 : i32
      %dma_wait3A_431 = arith.constant 0 : i32
      %dma_wait3A_432 = tpu.memref_slice %arg7[%dma_wait3A_429, %dma_wait3A_430, %dma_wait3A_431] : memref<4x128x64xf32, #tpu.memory_space<vmem>> -> memref<1x128x64xf32, #tpu.memory_space<vmem>>
      %dma_wait3A_433 = tpu.memref_squeeze %dma_wait3A_432 : memref<1x128x64xf32, #tpu.memory_space<vmem>> -> memref<128x64xf32, #tpu.memory_space<vmem>>
      %dma_wait3A_434 = arith.constant 0 : i32
      %dma_wait3A_435 = tpu.memref_slice %arg6[%dma_wait3A_428, %dma_wait3A_434] : memref<50x512xi32, #tpu.memory_space<vmem>> -> memref<1x128xi32, #tpu.memory_space<vmem>>
      %dma_wait3A_436 = tpu.memref_squeeze %dma_wait3A_435 : memref<1x128xi32, #tpu.memory_space<vmem>> -> memref<128xi32, #tpu.memory_space<vmem>>
      %dma_wait3A_437 = arith.constant 0 : i32
      %dma_wait3A_438 = arith.constant 0 : i32
      %dma_wait3A_439 = tpu.memref_slice %arg2[%dma_wait3A_437, %dma_wait3A_438] : memref<2000000x64xf32, #tpu.memory_space<hbm>> -> memref<2000000x64xf32, #tpu.memory_space<hbm>>
      tpu.wait_indirect_dma semaphore(%arg10 : memref<!tpu.dma_semaphore, #tpu.memory_space<semaphore_mem>>) src(%dma_wait3A_439 : memref<2000000x64xf32, #tpu.memory_space<hbm>>) dst(%dma_wait3A_433 : memref<128x64xf32, #tpu.memory_space<vmem>>)
      %ge3A_440 = arith.constant 4 : i32
      %ge3A_441 = arith.cmpi sge, %add3A_427, %ge3A_440 : i32
      %convert_element_type3A_442 = arith.extui %ge3A_441 : i1 to i32
      %cond3A_443 = arith.constant 0 : i32
      %cond3A_444 = arith.cmpi ne, %convert_element_type3A_442, %cond3A_443 : i32
      scf.if %cond3A_444 {
        %dma_wait3A_718 = arith.constant 1 : i32
        %dma_wait3A_719 = arith.constant 0 : i32
        %dma_wait3A_720 = arith.constant 0 : i32
        %dma_wait3A_721 = arith.constant 0 : i32
        %dma_wait3A_722 = arith.constant 0 : i32
        %dma_wait3A_723 = arith.constant 0 : i32
        %dma_wait3A_724 = tpu.memref_slice %arg8[%dma_wait3A_718, %dma_wait3A_721, %dma_wait3A_722, %dma_wait3A_723] : memref<4x8x8x129xf32, #tpu.memory_space<vmem>> -> memref<1x8x8x128xf32, #tpu.memory_space<vmem>>
        %dma_wait3A_725 = tpu.memref_squeeze %dma_wait3A_724 : memref<1x8x8x128xf32, #tpu.memory_space<vmem>> -> memref<8x8x128xf32, #tpu.memory_space<vmem>>
        %dma_wait3A_726 = arith.constant 0 : i32
        %dma_wait3A_727 = arith.constant 0 : i32
        %dma_wait3A_728 = arith.constant 0 : i32
        %dma_wait3A_729 = tpu.memref_slice %arg4[%dma_wait3A_719, %dma_wait3A_726, %dma_wait3A_720, %dma_wait3A_727, %dma_wait3A_728] : memref<50x8x128x8x128xf32, #tpu.memory_space<hbm>> -> memref<1x8x1x8x128xf32, #tpu.memory_space<hbm>>
        %dma_wait3A_730 = tpu.memref_squeeze %dma_wait3A_729 : memref<1x8x1x8x128xf32, #tpu.memory_space<hbm>> -> memref<8x8x128xf32, #tpu.memory_space<hbm>>
        %dma_wait3A_731 = arith.constant 0 : i32
        %dma_wait3A_732 = arith.constant 0 : i32
        %dma_wait3A_733 = arith.constant 0 : i32
        %dma_wait3A_734 = tpu.memref_slice %arg4[%dma_wait3A_719, %dma_wait3A_731, %dma_wait3A_720, %dma_wait3A_732, %dma_wait3A_733] : memref<50x8x128x8x128xf32, #tpu.memory_space<hbm>> -> memref<1x8x1x8x128xf32, #tpu.memory_space<hbm>>
        %dma_wait3A_735 = tpu.memref_squeeze %dma_wait3A_734 : memref<1x8x1x8x128xf32, #tpu.memory_space<hbm>> -> memref<8x8x128xf32, #tpu.memory_space<hbm>>
        %dma_wait3A_736 = arith.constant 0 : i32
        %dma_wait3A_737 = arith.constant 0 : i32
        %dma_wait3A_738 = arith.constant 0 : i32
        %dma_wait3A_739 = tpu.memref_slice %arg8[%dma_wait3A_718, %dma_wait3A_736, %dma_wait3A_737, %dma_wait3A_738] : memref<4x8x8x129xf32, #tpu.memory_space<vmem>> -> memref<1x8x8x128xf32, #tpu.memory_space<vmem>>
        %dma_wait3A_740 = tpu.memref_squeeze %dma_wait3A_739 : memref<1x8x8x128xf32, #tpu.memory_space<vmem>> -> memref<8x8x128xf32, #tpu.memory_space<vmem>>
        tpu.wait_dma2 semaphore(%arg14 : memref<!tpu.dma_semaphore, #tpu.memory_space<semaphore_mem>>) src(%dma_wait3A_740 : memref<8x8x128xf32, #tpu.memory_space<vmem>>) dst(%dma_wait3A_735 : memref<8x8x128xf32, #tpu.memory_space<hbm>>)
      } else {
      }
      %scan3A_445 = arith.constant 0 : i32
      %scan3A_446 = arith.constant 1 : i32
      %scan3A_447 = arith.constant 1 : i32
      %scan3A_448 = arith.constant 0 : i32
      %scan3A_449 = arith.constant 32 : i32
      %scan3A_450 = arith.addi %scan3A_448, %scan3A_449 : i32
      %scan3A_451 = arith.constant 1 : i32
      scf.for %scan3A_718 = %scan3A_448 to %scan3A_450 step %scan3A_451  : i32 {
        %mul3A_719 = arith.constant 4 : i32
        %mul3A_720 = arith.muli %scan3A_718, %mul3A_719 : i32
        %add3A_721 = arith.constant 0 : i32
        %add3A_722 = arith.addi %mul3A_720, %add3A_721 : i32
        %broadcast_in_dim3A = vector.broadcast %add3A_722 : i32 to vector<16xi32>
        %get3A = arith.constant 0 : i32
        %get3A_723 = arith.constant 0 : i32
        %get3A_724 = tpu.memref_slice %arg7[%scan3A_446, %get3A, %get3A_723] : memref<4x128x64xf32, #tpu.memory_space<vmem>> -> memref<1x128x64xf32, #tpu.memory_space<vmem>>
        %get3A_725 = tpu.memref_squeeze %get3A_724 : memref<1x128x64xf32, #tpu.memory_space<vmem>> -> memref<128x64xf32, #tpu.memory_space<vmem>>
        %get3A_726 = arith.index_cast %add3A_722 : i32 to index
        %get3A_727 = arith.constant 0 : index
        %get3A_728 = tpu.vector_load %get3A_725[%get3A_726, %get3A_727] {strides = array<i32>} : memref<128x64xf32, #tpu.memory_space<vmem>>, vector<16xf32>,
        %scatter3A = arith.constant 0 : i32
        %scatter3A_729 = arith.constant 0 : i32
        %scatter3A_730 = arith.constant 0 : i32
        %scatter3A_731 = tpu.memref_slice %arg8[%scan3A_447, %scatter3A, %scatter3A_729, %scatter3A_730] : memref<4x8x8x129xf32, #tpu.memory_space<vmem>> -> memref<1x8x8x129xf32, #tpu.memory_space<vmem>>
        %scatter3A_732 = tpu.memref_squeeze %scatter3A_731 : memref<1x8x8x129xf32, #tpu.memory_space<vmem>> -> memref<8x8x129xf32, #tpu.memory_space<vmem>>
        tpu.vector_store_idx %scatter3A_732[%select_n3A, %rem3A_162, %broadcast_in_dim3A], %get3A_728 : memref<8x8x129xf32, #tpu.memory_space<vmem>>[vector<16xi32>, vector<16xi32>, vector<16xi32>], vector<16xf32>,
        %get3A_733 = arith.constant 0 : i32
        %get3A_734 = arith.constant 0 : i32
        %get3A_735 = tpu.memref_slice %arg7[%scan3A_446, %get3A_733, %get3A_734] : memref<4x128x64xf32, #tpu.memory_space<vmem>> -> memref<1x128x64xf32, #tpu.memory_space<vmem>>
        %get3A_736 = tpu.memref_squeeze %get3A_735 : memref<1x128x64xf32, #tpu.memory_space<vmem>> -> memref<128x64xf32, #tpu.memory_space<vmem>>
        %get3A_737 = arith.index_cast %add3A_722 : i32 to index
        %get3A_738 = arith.constant 16 : index
        %get3A_739 = tpu.vector_load %get3A_736[%get3A_737, %get3A_738] {strides = array<i32>} : memref<128x64xf32, #tpu.memory_space<vmem>>, vector<16xf32>,
        %scatter3A_740 = arith.constant 0 : i32
        %scatter3A_741 = arith.constant 0 : i32
        %scatter3A_742 = arith.constant 0 : i32
        %scatter3A_743 = tpu.memref_slice %arg8[%scan3A_447, %scatter3A_740, %scatter3A_741, %scatter3A_742] : memref<4x8x8x129xf32, #tpu.memory_space<vmem>> -> memref<1x8x8x129xf32, #tpu.memory_space<vmem>>
        %scatter3A_744 = tpu.memref_squeeze %scatter3A_743 : memref<1x8x8x129xf32, #tpu.memory_space<vmem>> -> memref<8x8x129xf32, #tpu.memory_space<vmem>>
        tpu.vector_store_idx %scatter3A_744[%select_n3A_88, %rem3A_168, %broadcast_in_dim3A], %get3A_739 : memref<8x8x129xf32, #tpu.memory_space<vmem>>[vector<16xi32>, vector<16xi32>, vector<16xi32>], vector<16xf32>,
        %get3A_745 = arith.constant 0 : i32
        %get3A_746 = arith.constant 0 : i32
        %get3A_747 = tpu.memref_slice %arg7[%scan3A_446, %get3A_745, %get3A_746] : memref<4x128x64xf32, #tpu.memory_space<vmem>> -> memref<1x128x64xf32, #tpu.memory_space<vmem>>
        %get3A_748 = tpu.memref_squeeze %get3A_747 : memref<1x128x64xf32, #tpu.memory_space<vmem>> -> memref<128x64xf32, #tpu.memory_space<vmem>>
        %get3A_749 = arith.index_cast %add3A_722 : i32 to index
        %get3A_750 = arith.constant 32 : index
        %get3A_751 = tpu.vector_load %get3A_748[%get3A_749, %get3A_750] {strides = array<i32>} : memref<128x64xf32, #tpu.memory_space<vmem>>, vector<16xf32>,
        %scatter3A_752 = arith.constant 0 : i32
        %scatter3A_753 = arith.constant 0 : i32
        %scatter3A_754 = arith.constant 0 : i32
        %scatter3A_755 = tpu.memref_slice %arg8[%scan3A_447, %scatter3A_752, %scatter3A_753, %scatter3A_754] : memref<4x8x8x129xf32, #tpu.memory_space<vmem>> -> memref<1x8x8x129xf32, #tpu.memory_space<vmem>>
        %scatter3A_756 = tpu.memref_squeeze %scatter3A_755 : memref<1x8x8x129xf32, #tpu.memory_space<vmem>> -> memref<8x8x129xf32, #tpu.memory_space<vmem>>
        tpu.vector_store_idx %scatter3A_756[%select_n3A_122, %rem3A_174, %broadcast_in_dim3A], %get3A_751 : memref<8x8x129xf32, #tpu.memory_space<vmem>>[vector<16xi32>, vector<16xi32>, vector<16xi32>], vector<16xf32>,
        %get3A_757 = arith.constant 0 : i32
        %get3A_758 = arith.constant 0 : i32
        %get3A_759 = tpu.memref_slice %arg7[%scan3A_446, %get3A_757, %get3A_758] : memref<4x128x64xf32, #tpu.memory_space<vmem>> -> memref<1x128x64xf32, #tpu.memory_space<vmem>>
        %get3A_760 = tpu.memref_squeeze %get3A_759 : memref<1x128x64xf32, #tpu.memory_space<vmem>> -> memref<128x64xf32, #tpu.memory_space<vmem>>
        %get3A_761 = arith.index_cast %add3A_722 : i32 to index
        %get3A_762 = arith.constant 48 : index
        %get3A_763 = tpu.vector_load %get3A_760[%get3A_761, %get3A_762] {strides = array<i32>} : memref<128x64xf32, #tpu.memory_space<vmem>>, vector<16xf32>,
        %scatter3A_764 = arith.constant 0 : i32
        %scatter3A_765 = arith.constant 0 : i32
        %scatter3A_766 = arith.constant 0 : i32
        %scatter3A_767 = tpu.memref_slice %arg8[%scan3A_447, %scatter3A_764, %scatter3A_765, %scatter3A_766] : memref<4x8x8x129xf32, #tpu.memory_space<vmem>> -> memref<1x8x8x129xf32, #tpu.memory_space<vmem>>
        %scatter3A_768 = tpu.memref_squeeze %scatter3A_767 : memref<1x8x8x129xf32, #tpu.memory_space<vmem>> -> memref<8x8x129xf32, #tpu.memory_space<vmem>>
        tpu.vector_store_idx %scatter3A_768[%select_n3A_156, %rem3A_180, %broadcast_in_dim3A], %get3A_763 : memref<8x8x129xf32, #tpu.memory_space<vmem>>[vector<16xi32>, vector<16xi32>, vector<16xi32>], vector<16xf32>,
        %mul3A_769 = arith.constant 4 : i32
        %mul3A_770 = arith.muli %scan3A_718, %mul3A_769 : i32
        %add3A_771 = arith.constant 1 : i32
        %add3A_772 = arith.addi %mul3A_770, %add3A_771 : i32
        %broadcast_in_dim3A_773 = vector.broadcast %add3A_772 : i32 to vector<16xi32>
        %get3A_774 = arith.constant 0 : i32
        %get3A_775 = arith.constant 0 : i32
        %get3A_776 = tpu.memref_slice %arg7[%scan3A_446, %get3A_774, %get3A_775] : memref<4x128x64xf32, #tpu.memory_space<vmem>> -> memref<1x128x64xf32, #tpu.memory_space<vmem>>
        %get3A_777 = tpu.memref_squeeze %get3A_776 : memref<1x128x64xf32, #tpu.memory_space<vmem>> -> memref<128x64xf32, #tpu.memory_space<vmem>>
        %get3A_778 = arith.index_cast %add3A_772 : i32 to index
        %get3A_779 = arith.constant 0 : index
        %get3A_780 = tpu.vector_load %get3A_777[%get3A_778, %get3A_779] {strides = array<i32>} : memref<128x64xf32, #tpu.memory_space<vmem>>, vector<16xf32>,
        %scatter3A_781 = arith.constant 0 : i32
        %scatter3A_782 = arith.constant 0 : i32
        %scatter3A_783 = arith.constant 0 : i32
        %scatter3A_784 = tpu.memref_slice %arg8[%scan3A_447, %scatter3A_781, %scatter3A_782, %scatter3A_783] : memref<4x8x8x129xf32, #tpu.memory_space<vmem>> -> memref<1x8x8x129xf32, #tpu.memory_space<vmem>>
        %scatter3A_785 = tpu.memref_squeeze %scatter3A_784 : memref<1x8x8x129xf32, #tpu.memory_space<vmem>> -> memref<8x8x129xf32, #tpu.memory_space<vmem>>
        tpu.vector_store_idx %scatter3A_785[%select_n3A, %rem3A_162, %broadcast_in_dim3A_773], %get3A_780 : memref<8x8x129xf32, #tpu.memory_space<vmem>>[vector<16xi32>, vector<16xi32>, vector<16xi32>], vector<16xf32>,
        %get3A_786 = arith.constant 0 : i32
        %get3A_787 = arith.constant 0 : i32
        %get3A_788 = tpu.memref_slice %arg7[%scan3A_446, %get3A_786, %get3A_787] : memref<4x128x64xf32, #tpu.memory_space<vmem>> -> memref<1x128x64xf32, #tpu.memory_space<vmem>>
        %get3A_789 = tpu.memref_squeeze %get3A_788 : memref<1x128x64xf32, #tpu.memory_space<vmem>> -> memref<128x64xf32, #tpu.memory_space<vmem>>
        %get3A_790 = arith.index_cast %add3A_772 : i32 to index
        %get3A_791 = arith.constant 16 : index
        %get3A_792 = tpu.vector_load %get3A_789[%get3A_790, %get3A_791] {strides = array<i32>} : memref<128x64xf32, #tpu.memory_space<vmem>>, vector<16xf32>,
        %scatter3A_793 = arith.constant 0 : i32
        %scatter3A_794 = arith.constant 0 : i32
        %scatter3A_795 = arith.constant 0 : i32
        %scatter3A_796 = tpu.memref_slice %arg8[%scan3A_447, %scatter3A_793, %scatter3A_794, %scatter3A_795] : memref<4x8x8x129xf32, #tpu.memory_space<vmem>> -> memref<1x8x8x129xf32, #tpu.memory_space<vmem>>
        %scatter3A_797 = tpu.memref_squeeze %scatter3A_796 : memref<1x8x8x129xf32, #tpu.memory_space<vmem>> -> memref<8x8x129xf32, #tpu.memory_space<vmem>>
        tpu.vector_store_idx %scatter3A_797[%select_n3A_88, %rem3A_168, %broadcast_in_dim3A_773], %get3A_792 : memref<8x8x129xf32, #tpu.memory_space<vmem>>[vector<16xi32>, vector<16xi32>, vector<16xi32>], vector<16xf32>,
        %get3A_798 = arith.constant 0 : i32
        %get3A_799 = arith.constant 0 : i32
        %get3A_800 = tpu.memref_slice %arg7[%scan3A_446, %get3A_798, %get3A_799] : memref<4x128x64xf32, #tpu.memory_space<vmem>> -> memref<1x128x64xf32, #tpu.memory_space<vmem>>
        %get3A_801 = tpu.memref_squeeze %get3A_800 : memref<1x128x64xf32, #tpu.memory_space<vmem>> -> memref<128x64xf32, #tpu.memory_space<vmem>>
        %get3A_802 = arith.index_cast %add3A_772 : i32 to index
        %get3A_803 = arith.constant 32 : index
        %get3A_804 = tpu.vector_load %get3A_801[%get3A_802, %get3A_803] {strides = array<i32>} : memref<128x64xf32, #tpu.memory_space<vmem>>, vector<16xf32>,
        %scatter3A_805 = arith.constant 0 : i32
        %scatter3A_806 = arith.constant 0 : i32
        %scatter3A_807 = arith.constant 0 : i32
        %scatter3A_808 = tpu.memref_slice %arg8[%scan3A_447, %scatter3A_805, %scatter3A_806, %scatter3A_807] : memref<4x8x8x129xf32, #tpu.memory_space<vmem>> -> memref<1x8x8x129xf32, #tpu.memory_space<vmem>>
        %scatter3A_809 = tpu.memref_squeeze %scatter3A_808 : memref<1x8x8x129xf32, #tpu.memory_space<vmem>> -> memref<8x8x129xf32, #tpu.memory_space<vmem>>
        tpu.vector_store_idx %scatter3A_809[%select_n3A_122, %rem3A_174, %broadcast_in_dim3A_773], %get3A_804 : memref<8x8x129xf32, #tpu.memory_space<vmem>>[vector<16xi32>, vector<16xi32>, vector<16xi32>], vector<16xf32>,
        %get3A_810 = arith.constant 0 : i32
        %get3A_811 = arith.constant 0 : i32
        %get3A_812 = tpu.memref_slice %arg7[%scan3A_446, %get3A_810, %get3A_811] : memref<4x128x64xf32, #tpu.memory_space<vmem>> -> memref<1x128x64xf32, #tpu.memory_space<vmem>>
        %get3A_813 = tpu.memref_squeeze %get3A_812 : memref<1x128x64xf32, #tpu.memory_space<vmem>> -> memref<128x64xf32, #tpu.memory_space<vmem>>
        %get3A_814 = arith.index_cast %add3A_772 : i32 to index
        %get3A_815 = arith.constant 48 : index
        %get3A_816 = tpu.vector_load %get3A_813[%get3A_814, %get3A_815] {strides = array<i32>} : memref<128x64xf32, #tpu.memory_space<vmem>>, vector<16xf32>,
        %scatter3A_817 = arith.constant 0 : i32
        %scatter3A_818 = arith.constant 0 : i32
        %scatter3A_819 = arith.constant 0 : i32
        %scatter3A_820 = tpu.memref_slice %arg8[%scan3A_447, %scatter3A_817, %scatter3A_818, %scatter3A_819] : memref<4x8x8x129xf32, #tpu.memory_space<vmem>> -> memref<1x8x8x129xf32, #tpu.memory_space<vmem>>
        %scatter3A_821 = tpu.memref_squeeze %scatter3A_820 : memref<1x8x8x129xf32, #tpu.memory_space<vmem>> -> memref<8x8x129xf32, #tpu.memory_space<vmem>>
        tpu.vector_store_idx %scatter3A_821[%select_n3A_156, %rem3A_180, %broadcast_in_dim3A_773], %get3A_816 : memref<8x8x129xf32, #tpu.memory_space<vmem>>[vector<16xi32>, vector<16xi32>, vector<16xi32>], vector<16xf32>,
        %mul3A_822 = arith.constant 4 : i32
        %mul3A_823 = arith.muli %scan3A_718, %mul3A_822 : i32
        %add3A_824 = arith.constant 2 : i32
        %add3A_825 = arith.addi %mul3A_823, %add3A_824 : i32
        %broadcast_in_dim3A_826 = vector.broadcast %add3A_825 : i32 to vector<16xi32>
        %get3A_827 = arith.constant 0 : i32
        %get3A_828 = arith.constant 0 : i32
        %get3A_829 = tpu.memref_slice %arg7[%scan3A_446, %get3A_827, %get3A_828] : memref<4x128x64xf32, #tpu.memory_space<vmem>> -> memref<1x128x64xf32, #tpu.memory_space<vmem>>
        %get3A_830 = tpu.memref_squeeze %get3A_829 : memref<1x128x64xf32, #tpu.memory_space<vmem>> -> memref<128x64xf32, #tpu.memory_space<vmem>>
        %get3A_831 = arith.index_cast %add3A_825 : i32 to index
        %get3A_832 = arith.constant 0 : index
        %get3A_833 = tpu.vector_load %get3A_830[%get3A_831, %get3A_832] {strides = array<i32>} : memref<128x64xf32, #tpu.memory_space<vmem>>, vector<16xf32>,
        %scatter3A_834 = arith.constant 0 : i32
        %scatter3A_835 = arith.constant 0 : i32
        %scatter3A_836 = arith.constant 0 : i32
        %scatter3A_837 = tpu.memref_slice %arg8[%scan3A_447, %scatter3A_834, %scatter3A_835, %scatter3A_836] : memref<4x8x8x129xf32, #tpu.memory_space<vmem>> -> memref<1x8x8x129xf32, #tpu.memory_space<vmem>>
        %scatter3A_838 = tpu.memref_squeeze %scatter3A_837 : memref<1x8x8x129xf32, #tpu.memory_space<vmem>> -> memref<8x8x129xf32, #tpu.memory_space<vmem>>
        tpu.vector_store_idx %scatter3A_838[%select_n3A, %rem3A_162, %broadcast_in_dim3A_826], %get3A_833 : memref<8x8x129xf32, #tpu.memory_space<vmem>>[vector<16xi32>, vector<16xi32>, vector<16xi32>], vector<16xf32>,
        %get3A_839 = arith.constant 0 : i32
        %get3A_840 = arith.constant 0 : i32
        %get3A_841 = tpu.memref_slice %arg7[%scan3A_446, %get3A_839, %get3A_840] : memref<4x128x64xf32, #tpu.memory_space<vmem>> -> memref<1x128x64xf32, #tpu.memory_space<vmem>>
        %get3A_842 = tpu.memref_squeeze %get3A_841 : memref<1x128x64xf32, #tpu.memory_space<vmem>> -> memref<128x64xf32, #tpu.memory_space<vmem>>
        %get3A_843 = arith.index_cast %add3A_825 : i32 to index
        %get3A_844 = arith.constant 16 : index
        %get3A_845 = tpu.vector_load %get3A_842[%get3A_843, %get3A_844] {strides = array<i32>} : memref<128x64xf32, #tpu.memory_space<vmem>>, vector<16xf32>,
        %scatter3A_846 = arith.constant 0 : i32
        %scatter3A_847 = arith.constant 0 : i32
        %scatter3A_848 = arith.constant 0 : i32
        %scatter3A_849 = tpu.memref_slice %arg8[%scan3A_447, %scatter3A_846, %scatter3A_847, %scatter3A_848] : memref<4x8x8x129xf32, #tpu.memory_space<vmem>> -> memref<1x8x8x129xf32, #tpu.memory_space<vmem>>
        %scatter3A_850 = tpu.memref_squeeze %scatter3A_849 : memref<1x8x8x129xf32, #tpu.memory_space<vmem>> -> memref<8x8x129xf32, #tpu.memory_space<vmem>>
        tpu.vector_store_idx %scatter3A_850[%select_n3A_88, %rem3A_168, %broadcast_in_dim3A_826], %get3A_845 : memref<8x8x129xf32, #tpu.memory_space<vmem>>[vector<16xi32>, vector<16xi32>, vector<16xi32>], vector<16xf32>,
        %get3A_851 = arith.constant 0 : i32
        %get3A_852 = arith.constant 0 : i32
        %get3A_853 = tpu.memref_slice %arg7[%scan3A_446, %get3A_851, %get3A_852] : memref<4x128x64xf32, #tpu.memory_space<vmem>> -> memref<1x128x64xf32, #tpu.memory_space<vmem>>
        %get3A_854 = tpu.memref_squeeze %get3A_853 : memref<1x128x64xf32, #tpu.memory_space<vmem>> -> memref<128x64xf32, #tpu.memory_space<vmem>>
        %get3A_855 = arith.index_cast %add3A_825 : i32 to index
        %get3A_856 = arith.constant 32 : index
        %get3A_857 = tpu.vector_load %get3A_854[%get3A_855, %get3A_856] {strides = array<i32>} : memref<128x64xf32, #tpu.memory_space<vmem>>, vector<16xf32>,
        %scatter3A_858 = arith.constant 0 : i32
        %scatter3A_859 = arith.constant 0 : i32
        %scatter3A_860 = arith.constant 0 : i32
        %scatter3A_861 = tpu.memref_slice %arg8[%scan3A_447, %scatter3A_858, %scatter3A_859, %scatter3A_860] : memref<4x8x8x129xf32, #tpu.memory_space<vmem>> -> memref<1x8x8x129xf32, #tpu.memory_space<vmem>>
        %scatter3A_862 = tpu.memref_squeeze %scatter3A_861 : memref<1x8x8x129xf32, #tpu.memory_space<vmem>> -> memref<8x8x129xf32, #tpu.memory_space<vmem>>
        tpu.vector_store_idx %scatter3A_862[%select_n3A_122, %rem3A_174, %broadcast_in_dim3A_826], %get3A_857 : memref<8x8x129xf32, #tpu.memory_space<vmem>>[vector<16xi32>, vector<16xi32>, vector<16xi32>], vector<16xf32>,
        %get3A_863 = arith.constant 0 : i32
        %get3A_864 = arith.constant 0 : i32
        %get3A_865 = tpu.memref_slice %arg7[%scan3A_446, %get3A_863, %get3A_864] : memref<4x128x64xf32, #tpu.memory_space<vmem>> -> memref<1x128x64xf32, #tpu.memory_space<vmem>>
        %get3A_866 = tpu.memref_squeeze %get3A_865 : memref<1x128x64xf32, #tpu.memory_space<vmem>> -> memref<128x64xf32, #tpu.memory_space<vmem>>
        %get3A_867 = arith.index_cast %add3A_825 : i32 to index
        %get3A_868 = arith.constant 48 : index
        %get3A_869 = tpu.vector_load %get3A_866[%get3A_867, %get3A_868] {strides = array<i32>} : memref<128x64xf32, #tpu.memory_space<vmem>>, vector<16xf32>,
        %scatter3A_870 = arith.constant 0 : i32
        %scatter3A_871 = arith.constant 0 : i32
        %scatter3A_872 = arith.constant 0 : i32
        %scatter3A_873 = tpu.memref_slice %arg8[%scan3A_447, %scatter3A_870, %scatter3A_871, %scatter3A_872] : memref<4x8x8x129xf32, #tpu.memory_space<vmem>> -> memref<1x8x8x129xf32, #tpu.memory_space<vmem>>
        %scatter3A_874 = tpu.memref_squeeze %scatter3A_873 : memref<1x8x8x129xf32, #tpu.memory_space<vmem>> -> memref<8x8x129xf32, #tpu.memory_space<vmem>>
        tpu.vector_store_idx %scatter3A_874[%select_n3A_156, %rem3A_180, %broadcast_in_dim3A_826], %get3A_869 : memref<8x8x129xf32, #tpu.memory_space<vmem>>[vector<16xi32>, vector<16xi32>, vector<16xi32>], vector<16xf32>,
        %mul3A_875 = arith.constant 4 : i32
        %mul3A_876 = arith.muli %scan3A_718, %mul3A_875 : i32
        %add3A_877 = arith.constant 3 : i32
        %add3A_878 = arith.addi %mul3A_876, %add3A_877 : i32
        %broadcast_in_dim3A_879 = vector.broadcast %add3A_878 : i32 to vector<16xi32>
        %get3A_880 = arith.constant 0 : i32
        %get3A_881 = arith.constant 0 : i32
        %get3A_882 = tpu.memref_slice %arg7[%scan3A_446, %get3A_880, %get3A_881] : memref<4x128x64xf32, #tpu.memory_space<vmem>> -> memref<1x128x64xf32, #tpu.memory_space<vmem>>
        %get3A_883 = tpu.memref_squeeze %get3A_882 : memref<1x128x64xf32, #tpu.memory_space<vmem>> -> memref<128x64xf32, #tpu.memory_space<vmem>>
        %get3A_884 = arith.index_cast %add3A_878 : i32 to index
        %get3A_885 = arith.constant 0 : index
        %get3A_886 = tpu.vector_load %get3A_883[%get3A_884, %get3A_885] {strides = array<i32>} : memref<128x64xf32, #tpu.memory_space<vmem>>, vector<16xf32>,
        %scatter3A_887 = arith.constant 0 : i32
        %scatter3A_888 = arith.constant 0 : i32
        %scatter3A_889 = arith.constant 0 : i32
        %scatter3A_890 = tpu.memref_slice %arg8[%scan3A_447, %scatter3A_887, %scatter3A_888, %scatter3A_889] : memref<4x8x8x129xf32, #tpu.memory_space<vmem>> -> memref<1x8x8x129xf32, #tpu.memory_space<vmem>>
        %scatter3A_891 = tpu.memref_squeeze %scatter3A_890 : memref<1x8x8x129xf32, #tpu.memory_space<vmem>> -> memref<8x8x129xf32, #tpu.memory_space<vmem>>
        tpu.vector_store_idx %scatter3A_891[%select_n3A, %rem3A_162, %broadcast_in_dim3A_879], %get3A_886 : memref<8x8x129xf32, #tpu.memory_space<vmem>>[vector<16xi32>, vector<16xi32>, vector<16xi32>], vector<16xf32>,
        %get3A_892 = arith.constant 0 : i32
        %get3A_893 = arith.constant 0 : i32
        %get3A_894 = tpu.memref_slice %arg7[%scan3A_446, %get3A_892, %get3A_893] : memref<4x128x64xf32, #tpu.memory_space<vmem>> -> memref<1x128x64xf32, #tpu.memory_space<vmem>>
        %get3A_895 = tpu.memref_squeeze %get3A_894 : memref<1x128x64xf32, #tpu.memory_space<vmem>> -> memref<128x64xf32, #tpu.memory_space<vmem>>
        %get3A_896 = arith.index_cast %add3A_878 : i32 to index
        %get3A_897 = arith.constant 16 : index
        %get3A_898 = tpu.vector_load %get3A_895[%get3A_896, %get3A_897] {strides = array<i32>} : memref<128x64xf32, #tpu.memory_space<vmem>>, vector<16xf32>,
        %scatter3A_899 = arith.constant 0 : i32
        %scatter3A_900 = arith.constant 0 : i32
        %scatter3A_901 = arith.constant 0 : i32
        %scatter3A_902 = tpu.memref_slice %arg8[%scan3A_447, %scatter3A_899, %scatter3A_900, %scatter3A_901] : memref<4x8x8x129xf32, #tpu.memory_space<vmem>> -> memref<1x8x8x129xf32, #tpu.memory_space<vmem>>
        %scatter3A_903 = tpu.memref_squeeze %scatter3A_902 : memref<1x8x8x129xf32, #tpu.memory_space<vmem>> -> memref<8x8x129xf32, #tpu.memory_space<vmem>>
        tpu.vector_store_idx %scatter3A_903[%select_n3A_88, %rem3A_168, %broadcast_in_dim3A_879], %get3A_898 : memref<8x8x129xf32, #tpu.memory_space<vmem>>[vector<16xi32>, vector<16xi32>, vector<16xi32>], vector<16xf32>,
        %get3A_904 = arith.constant 0 : i32
        %get3A_905 = arith.constant 0 : i32
        %get3A_906 = tpu.memref_slice %arg7[%scan3A_446, %get3A_904, %get3A_905] : memref<4x128x64xf32, #tpu.memory_space<vmem>> -> memref<1x128x64xf32, #tpu.memory_space<vmem>>
        %get3A_907 = tpu.memref_squeeze %get3A_906 : memref<1x128x64xf32, #tpu.memory_space<vmem>> -> memref<128x64xf32, #tpu.memory_space<vmem>>
        %get3A_908 = arith.index_cast %add3A_878 : i32 to index
        %get3A_909 = arith.constant 32 : index
        %get3A_910 = tpu.vector_load %get3A_907[%get3A_908, %get3A_909] {strides = array<i32>} : memref<128x64xf32, #tpu.memory_space<vmem>>, vector<16xf32>,
        %scatter3A_911 = arith.constant 0 : i32
        %scatter3A_912 = arith.constant 0 : i32
        %scatter3A_913 = arith.constant 0 : i32
        %scatter3A_914 = tpu.memref_slice %arg8[%scan3A_447, %scatter3A_911, %scatter3A_912, %scatter3A_913] : memref<4x8x8x129xf32, #tpu.memory_space<vmem>> -> memref<1x8x8x129xf32, #tpu.memory_space<vmem>>
        %scatter3A_915 = tpu.memref_squeeze %scatter3A_914 : memref<1x8x8x129xf32, #tpu.memory_space<vmem>> -> memref<8x8x129xf32, #tpu.memory_space<vmem>>
        tpu.vector_store_idx %scatter3A_915[%select_n3A_122, %rem3A_174, %broadcast_in_dim3A_879], %get3A_910 : memref<8x8x129xf32, #tpu.memory_space<vmem>>[vector<16xi32>, vector<16xi32>, vector<16xi32>], vector<16xf32>,
        %get3A_916 = arith.constant 0 : i32
        %get3A_917 = arith.constant 0 : i32
        %get3A_918 = tpu.memref_slice %arg7[%scan3A_446, %get3A_916, %get3A_917] : memref<4x128x64xf32, #tpu.memory_space<vmem>> -> memref<1x128x64xf32, #tpu.memory_space<vmem>>
        %get3A_919 = tpu.memref_squeeze %get3A_918 : memref<1x128x64xf32, #tpu.memory_space<vmem>> -> memref<128x64xf32, #tpu.memory_space<vmem>>
        %get3A_920 = arith.index_cast %add3A_878 : i32 to index
        %get3A_921 = arith.constant 48 : index
        %get3A_922 = tpu.vector_load %get3A_919[%get3A_920, %get3A_921] {strides = array<i32>} : memref<128x64xf32, #tpu.memory_space<vmem>>, vector<16xf32>,
        %scatter3A_923 = arith.constant 0 : i32
        %scatter3A_924 = arith.constant 0 : i32
        %scatter3A_925 = arith.constant 0 : i32
        %scatter3A_926 = tpu.memref_slice %arg8[%scan3A_447, %scatter3A_923, %scatter3A_924, %scatter3A_925] : memref<4x8x8x129xf32, #tpu.memory_space<vmem>> -> memref<1x8x8x129xf32, #tpu.memory_space<vmem>>
        %scatter3A_927 = tpu.memref_squeeze %scatter3A_926 : memref<1x8x8x129xf32, #tpu.memory_space<vmem>> -> memref<8x8x129xf32, #tpu.memory_space<vmem>>
        tpu.vector_store_idx %scatter3A_927[%select_n3A_156, %rem3A_180, %broadcast_in_dim3A_879], %get3A_922 : memref<8x8x129xf32, #tpu.memory_space<vmem>>[vector<16xi32>, vector<16xi32>, vector<16xi32>], vector<16xf32>,
      }
      %scan3A_452 = arith.constant 32 : i32
      %jit3A_453 = arith.constant 50 : i32
      %div3A_454 = arith.divsi %add3A_427, %jit3A_453 : i32
      %sign3A_455 = arith.constant 0 : i32
      %sign3A_456 = arith.cmpi sgt, %add3A_427, %sign3A_455 : i32
      %sign3A_457 = arith.extui %sign3A_456 : i1 to i32
      %sign3A_458 = arith.constant 0 : i32
      %sign3A_459 = arith.cmpi slt, %add3A_427, %sign3A_458 : i32
      %sign3A_460 = arith.extui %sign3A_459 : i1 to i32
      %sign3A_461 = arith.subi %sign3A_457, %sign3A_460 : i32
      %sign3A_462 = arith.constant 0 : i32
      %sign3A_463 = arith.cmpi sgt, %jit3A_453, %sign3A_462 : i32
      %sign3A_464 = arith.extui %sign3A_463 : i1 to i32
      %sign3A_465 = arith.constant 0 : i32
      %sign3A_466 = arith.cmpi slt, %jit3A_453, %sign3A_465 : i32
      %sign3A_467 = arith.extui %sign3A_466 : i1 to i32
      %sign3A_468 = arith.subi %sign3A_464, %sign3A_467 : i32
      %ne3A_469 = arith.cmpi ne, %sign3A_461, %sign3A_468 : i32
      %rem3A_470 = arith.remsi %add3A_427, %jit3A_453 : i32
      %ne3A_471 = arith.constant 0 : i32
      %ne3A_472 = arith.cmpi ne, %rem3A_470, %ne3A_471 : i32
      %and3A_473 = arith.andi %ne3A_469, %ne3A_472 : i1
      %sub3A_474 = arith.constant 1 : i32
      %sub3A_475 = arith.subi %div3A_454, %sub3A_474 : i32
      %select_n3A_476 = arith.select %and3A_473, %sub3A_475, %div3A_454 : i32
      %jit3A_477 = arith.constant 50 : i32
      %eq3A_478 = arith.constant 0 : i32
      %eq3A_479 = arith.cmpi eq, %jit3A_477, %eq3A_478 : i32
      %jit3A_480 = arith.constant 1 : i32
      %select_n3A_481 = arith.select %eq3A_479, %jit3A_480, %jit3A_477 : i32
      %rem3A_482 = arith.remsi %add3A_427, %select_n3A_481 : i32
      %ne3A_483 = arith.constant 0 : i32
      %ne3A_484 = arith.cmpi ne, %rem3A_482, %ne3A_483 : i32
      %lt3A_485 = arith.constant 0 : i32
      %lt3A_486 = arith.cmpi slt, %rem3A_482, %lt3A_485 : i32
      %lt3A_487 = arith.constant 0 : i32
      %lt3A_488 = arith.cmpi slt, %select_n3A_481, %lt3A_487 : i32
      %ne3A_489 = arith.xori %lt3A_486, %lt3A_488 : i1
      %and3A_490 = arith.andi %ne3A_489, %ne3A_484 : i1
      %add3A_491 = arith.addi %rem3A_482, %select_n3A_481 : i32
      %select_n3A_492 = arith.select %and3A_490, %add3A_491, %rem3A_482 : i32
      %add3A_493 = arith.addi %mul3A_4, %select_n3A_476 : i32
      %dma_start3A_494 = arith.constant 1 : i32
      %dma_start3A_495 = arith.constant 0 : i32
      %dma_start3A_496 = arith.constant 0 : i32
      %dma_start3A_497 = arith.constant 0 : i32
      %dma_start3A_498 = tpu.memref_slice %arg8[%dma_start3A_494, %dma_start3A_495, %dma_start3A_496, %dma_start3A_497] : memref<4x8x8x129xf32, #tpu.memory_space<vmem>> -> memref<1x8x8x128xf32, #tpu.memory_space<vmem>>
      %dma_start3A_499 = tpu.memref_squeeze %dma_start3A_498 : memref<1x8x8x128xf32, #tpu.memory_space<vmem>> -> memref<8x8x128xf32, #tpu.memory_space<vmem>>
      %dma_start3A_500 = arith.constant 0 : i32
      %dma_start3A_501 = arith.constant 0 : i32
      %dma_start3A_502 = arith.constant 0 : i32
      %dma_start3A_503 = tpu.memref_slice %arg4[%select_n3A_492, %dma_start3A_500, %add3A_493, %dma_start3A_501, %dma_start3A_502] : memref<50x8x128x8x128xf32, #tpu.memory_space<hbm>> -> memref<1x8x1x8x128xf32, #tpu.memory_space<hbm>>
      %dma_start3A_504 = tpu.memref_squeeze %dma_start3A_503 : memref<1x8x1x8x128xf32, #tpu.memory_space<hbm>> -> memref<8x8x128xf32, #tpu.memory_space<hbm>>
      %dma_start3A_505 = arith.constant 0 : i32
      %dma_start3A_506 = arith.constant 0 : i32
      %dma_start3A_507 = arith.constant 0 : i32
      %dma_start3A_508 = tpu.memref_slice %arg4[%select_n3A_492, %dma_start3A_505, %add3A_493, %dma_start3A_506, %dma_start3A_507] : memref<50x8x128x8x128xf32, #tpu.memory_space<hbm>> -> memref<1x8x1x8x128xf32, #tpu.memory_space<hbm>>
      %dma_start3A_509 = tpu.memref_squeeze %dma_start3A_508 : memref<1x8x1x8x128xf32, #tpu.memory_space<hbm>> -> memref<8x8x128xf32, #tpu.memory_space<hbm>>
      %dma_start3A_510 = arith.constant 0 : i32
      %dma_start3A_511 = arith.constant 0 : i32
      %dma_start3A_512 = arith.constant 0 : i32
      %dma_start3A_513 = tpu.memref_slice %arg8[%dma_start3A_494, %dma_start3A_510, %dma_start3A_511, %dma_start3A_512] : memref<4x8x8x129xf32, #tpu.memory_space<vmem>> -> memref<1x8x8x128xf32, #tpu.memory_space<vmem>>
      %dma_start3A_514 = tpu.memref_squeeze %dma_start3A_513 : memref<1x8x8x128xf32, #tpu.memory_space<vmem>> -> memref<8x8x128xf32, #tpu.memory_space<vmem>>
      tpu.enqueue_dma source(%dma_start3A_514 : memref<8x8x128xf32, #tpu.memory_space<vmem>>) target(%dma_start3A_509 : memref<8x8x128xf32, #tpu.memory_space<hbm>>) target_semaphore(%arg14 : memref<!tpu.dma_semaphore, #tpu.memory_space<semaphore_mem>>)
      %add3A_515 = arith.constant 4 : i32
      %add3A_516 = arith.addi %add3A_427, %add3A_515 : i32
      %lt3A_517 = arith.constant 200 : i32
      %lt3A_518 = arith.cmpi slt, %add3A_516, %lt3A_517 : i32
      %convert_element_type3A_519 = arith.extui %lt3A_518 : i1 to i32
      %cond3A_520 = arith.constant 0 : i32
      %cond3A_521 = arith.cmpi ne, %convert_element_type3A_519, %cond3A_520 : i32
      scf.if %cond3A_521 {
        %add3A_718 = arith.constant 4 : i32
        %add3A_719 = arith.addi %add3A_427, %add3A_718 : i32
        %jit3A_720 = arith.constant 50 : i32
        %div3A_721 = arith.divsi %add3A_719, %jit3A_720 : i32
        %sign3A_722 = arith.constant 0 : i32
        %sign3A_723 = arith.cmpi sgt, %add3A_719, %sign3A_722 : i32
        %sign3A_724 = arith.extui %sign3A_723 : i1 to i32
        %sign3A_725 = arith.constant 0 : i32
        %sign3A_726 = arith.cmpi slt, %add3A_719, %sign3A_725 : i32
        %sign3A_727 = arith.extui %sign3A_726 : i1 to i32
        %sign3A_728 = arith.subi %sign3A_724, %sign3A_727 : i32
        %sign3A_729 = arith.constant 0 : i32
        %sign3A_730 = arith.cmpi sgt, %jit3A_720, %sign3A_729 : i32
        %sign3A_731 = arith.extui %sign3A_730 : i1 to i32
        %sign3A_732 = arith.constant 0 : i32
        %sign3A_733 = arith.cmpi slt, %jit3A_720, %sign3A_732 : i32
        %sign3A_734 = arith.extui %sign3A_733 : i1 to i32
        %sign3A_735 = arith.subi %sign3A_731, %sign3A_734 : i32
        %ne3A_736 = arith.cmpi ne, %sign3A_728, %sign3A_735 : i32
        %rem3A_737 = arith.remsi %add3A_719, %jit3A_720 : i32
        %ne3A_738 = arith.constant 0 : i32
        %ne3A_739 = arith.cmpi ne, %rem3A_737, %ne3A_738 : i32
        %and3A_740 = arith.andi %ne3A_736, %ne3A_739 : i1
        %sub3A_741 = arith.constant 1 : i32
        %sub3A_742 = arith.subi %div3A_721, %sub3A_741 : i32
        %select_n3A_743 = arith.select %and3A_740, %sub3A_742, %div3A_721 : i32
        %jit3A_744 = arith.constant 50 : i32
        %eq3A_745 = arith.constant 0 : i32
        %eq3A_746 = arith.cmpi eq, %jit3A_744, %eq3A_745 : i32
        %jit3A_747 = arith.constant 1 : i32
        %select_n3A_748 = arith.select %eq3A_746, %jit3A_747, %jit3A_744 : i32
        %rem3A_749 = arith.remsi %add3A_719, %select_n3A_748 : i32
        %ne3A_750 = arith.constant 0 : i32
        %ne3A_751 = arith.cmpi ne, %rem3A_749, %ne3A_750 : i32
        %lt3A_752 = arith.constant 0 : i32
        %lt3A_753 = arith.cmpi slt, %rem3A_749, %lt3A_752 : i32
        %lt3A_754 = arith.constant 0 : i32
        %lt3A_755 = arith.cmpi slt, %select_n3A_748, %lt3A_754 : i32
        %ne3A_756 = arith.xori %lt3A_753, %lt3A_755 : i1
        %and3A_757 = arith.andi %ne3A_756, %ne3A_751 : i1
        %add3A_758 = arith.addi %rem3A_749, %select_n3A_748 : i32
        %select_n3A_759 = arith.select %and3A_757, %add3A_758, %rem3A_749 : i32
        %mul3A_760 = arith.constant 128 : i32
        %mul3A_761 = arith.muli %select_n3A_743, %mul3A_760 : i32
        %dma_start3A_762 = arith.constant 1 : i32
        %dma_start3A_763 = arith.constant 0 : i32
        %dma_start3A_764 = arith.constant 0 : i32
        %dma_start3A_765 = tpu.memref_slice %arg7[%dma_start3A_762, %dma_start3A_763, %dma_start3A_764] : memref<4x128x64xf32, #tpu.memory_space<vmem>> -> memref<1x128x64xf32, #tpu.memory_space<vmem>>
        %dma_start3A_766 = tpu.memref_squeeze %dma_start3A_765 : memref<1x128x64xf32, #tpu.memory_space<vmem>> -> memref<128x64xf32, #tpu.memory_space<vmem>>
        %dma_start3A_767 = tpu.memref_slice %arg6[%select_n3A_759, %mul3A_761] : memref<50x512xi32, #tpu.memory_space<vmem>> -> memref<1x128xi32, #tpu.memory_space<vmem>>
        %dma_start3A_768 = tpu.memref_squeeze %dma_start3A_767 : memref<1x128xi32, #tpu.memory_space<vmem>> -> memref<128xi32, #tpu.memory_space<vmem>>
        %dma_start3A_769 = arith.constant 0 : i32
        %dma_start3A_770 = arith.constant 0 : i32
        %dma_start3A_771 = tpu.memref_slice %arg2[%dma_start3A_769, %dma_start3A_770] : memref<2000000x64xf32, #tpu.memory_space<hbm>> -> memref<2000000x64xf32, #tpu.memory_space<hbm>>
        tpu.enqueue_indirect_dma source(%dma_start3A_771 : memref<2000000x64xf32, #tpu.memory_space<hbm>>) target(%dma_start3A_766 : memref<128x64xf32, #tpu.memory_space<vmem>>) offsets(%dma_start3A_768 : memref<128xi32, #tpu.memory_space<vmem>>) semaphore(%arg10 : memref<!tpu.dma_semaphore, #tpu.memory_space<semaphore_mem>>)
      } else {
      }
      %mul3A_522 = arith.constant 4 : i32
      %mul3A_523 = arith.muli %scan3A_330, %mul3A_522 : i32
      %add3A_524 = arith.constant 2 : i32
      %add3A_525 = arith.addi %mul3A_523, %add3A_524 : i32
      %dma_wait3A_526 = arith.constant 0 : i32
      %dma_wait3A_527 = arith.constant 2 : i32
      %dma_wait3A_528 = arith.constant 0 : i32
      %dma_wait3A_529 = arith.constant 0 : i32
      %dma_wait3A_530 = tpu.memref_slice %arg7[%dma_wait3A_527, %dma_wait3A_528, %dma_wait3A_529] : memref<4x128x64xf32, #tpu.memory_space<vmem>> -> memref<1x128x64xf32, #tpu.memory_space<vmem>>
      %dma_wait3A_531 = tpu.memref_squeeze %dma_wait3A_530 : memref<1x128x64xf32, #tpu.memory_space<vmem>> -> memref<128x64xf32, #tpu.memory_space<vmem>>
      %dma_wait3A_532 = arith.constant 0 : i32
      %dma_wait3A_533 = tpu.memref_slice %arg6[%dma_wait3A_526, %dma_wait3A_532] : memref<50x512xi32, #tpu.memory_space<vmem>> -> memref<1x128xi32, #tpu.memory_space<vmem>>
      %dma_wait3A_534 = tpu.memref_squeeze %dma_wait3A_533 : memref<1x128xi32, #tpu.memory_space<vmem>> -> memref<128xi32, #tpu.memory_space<vmem>>
      %dma_wait3A_535 = arith.constant 0 : i32
      %dma_wait3A_536 = arith.constant 0 : i32
      %dma_wait3A_537 = tpu.memref_slice %arg2[%dma_wait3A_535, %dma_wait3A_536] : memref<2000000x64xf32, #tpu.memory_space<hbm>> -> memref<2000000x64xf32, #tpu.memory_space<hbm>>
      tpu.wait_indirect_dma semaphore(%arg11 : memref<!tpu.dma_semaphore, #tpu.memory_space<semaphore_mem>>) src(%dma_wait3A_537 : memref<2000000x64xf32, #tpu.memory_space<hbm>>) dst(%dma_wait3A_531 : memref<128x64xf32, #tpu.memory_space<vmem>>)
      %ge3A_538 = arith.constant 4 : i32
      %ge3A_539 = arith.cmpi sge, %add3A_525, %ge3A_538 : i32
      %convert_element_type3A_540 = arith.extui %ge3A_539 : i1 to i32
      %cond3A_541 = arith.constant 0 : i32
      %cond3A_542 = arith.cmpi ne, %convert_element_type3A_540, %cond3A_541 : i32
      scf.if %cond3A_542 {
        %dma_wait3A_718 = arith.constant 2 : i32
        %dma_wait3A_719 = arith.constant 0 : i32
        %dma_wait3A_720 = arith.constant 0 : i32
        %dma_wait3A_721 = arith.constant 0 : i32
        %dma_wait3A_722 = arith.constant 0 : i32
        %dma_wait3A_723 = arith.constant 0 : i32
        %dma_wait3A_724 = tpu.memref_slice %arg8[%dma_wait3A_718, %dma_wait3A_721, %dma_wait3A_722, %dma_wait3A_723] : memref<4x8x8x129xf32, #tpu.memory_space<vmem>> -> memref<1x8x8x128xf32, #tpu.memory_space<vmem>>
        %dma_wait3A_725 = tpu.memref_squeeze %dma_wait3A_724 : memref<1x8x8x128xf32, #tpu.memory_space<vmem>> -> memref<8x8x128xf32, #tpu.memory_space<vmem>>
        %dma_wait3A_726 = arith.constant 0 : i32
        %dma_wait3A_727 = arith.constant 0 : i32
        %dma_wait3A_728 = arith.constant 0 : i32
        %dma_wait3A_729 = tpu.memref_slice %arg4[%dma_wait3A_719, %dma_wait3A_726, %dma_wait3A_720, %dma_wait3A_727, %dma_wait3A_728] : memref<50x8x128x8x128xf32, #tpu.memory_space<hbm>> -> memref<1x8x1x8x128xf32, #tpu.memory_space<hbm>>
        %dma_wait3A_730 = tpu.memref_squeeze %dma_wait3A_729 : memref<1x8x1x8x128xf32, #tpu.memory_space<hbm>> -> memref<8x8x128xf32, #tpu.memory_space<hbm>>
        %dma_wait3A_731 = arith.constant 0 : i32
        %dma_wait3A_732 = arith.constant 0 : i32
        %dma_wait3A_733 = arith.constant 0 : i32
        %dma_wait3A_734 = tpu.memref_slice %arg4[%dma_wait3A_719, %dma_wait3A_731, %dma_wait3A_720, %dma_wait3A_732, %dma_wait3A_733] : memref<50x8x128x8x128xf32, #tpu.memory_space<hbm>> -> memref<1x8x1x8x128xf32, #tpu.memory_space<hbm>>
        %dma_wait3A_735 = tpu.memref_squeeze %dma_wait3A_734 : memref<1x8x1x8x128xf32, #tpu.memory_space<hbm>> -> memref<8x8x128xf32, #tpu.memory_space<hbm>>
        %dma_wait3A_736 = arith.constant 0 : i32
        %dma_wait3A_737 = arith.constant 0 : i32
        %dma_wait3A_738 = arith.constant 0 : i32
        %dma_wait3A_739 = tpu.memref_slice %arg8[%dma_wait3A_718, %dma_wait3A_736, %dma_wait3A_737, %dma_wait3A_738] : memref<4x8x8x129xf32, #tpu.memory_space<vmem>> -> memref<1x8x8x128xf32, #tpu.memory_space<vmem>>
        %dma_wait3A_740 = tpu.memref_squeeze %dma_wait3A_739 : memref<1x8x8x128xf32, #tpu.memory_space<vmem>> -> memref<8x8x128xf32, #tpu.memory_space<vmem>>
        tpu.wait_dma2 semaphore(%arg15 : memref<!tpu.dma_semaphore, #tpu.memory_space<semaphore_mem>>) src(%dma_wait3A_740 : memref<8x8x128xf32, #tpu.memory_space<vmem>>) dst(%dma_wait3A_735 : memref<8x8x128xf32, #tpu.memory_space<hbm>>)
      } else {
      }
      %scan3A_543 = arith.constant 0 : i32
      %scan3A_544 = arith.constant 2 : i32
      %scan3A_545 = arith.constant 2 : i32
      %scan3A_546 = arith.constant 0 : i32
      %scan3A_547 = arith.constant 32 : i32
      %scan3A_548 = arith.addi %scan3A_546, %scan3A_547 : i32
      %scan3A_549 = arith.constant 1 : i32
      scf.for %scan3A_718 = %scan3A_546 to %scan3A_548 step %scan3A_549  : i32 {
        %mul3A_719 = arith.constant 4 : i32
        %mul3A_720 = arith.muli %scan3A_718, %mul3A_719 : i32
        %add3A_721 = arith.constant 0 : i32
        %add3A_722 = arith.addi %mul3A_720, %add3A_721 : i32
        %broadcast_in_dim3A = vector.broadcast %add3A_722 : i32 to vector<16xi32>
        %get3A = arith.constant 0 : i32
        %get3A_723 = arith.constant 0 : i32
        %get3A_724 = tpu.memref_slice %arg7[%scan3A_544, %get3A, %get3A_723] : memref<4x128x64xf32, #tpu.memory_space<vmem>> -> memref<1x128x64xf32, #tpu.memory_space<vmem>>
        %get3A_725 = tpu.memref_squeeze %get3A_724 : memref<1x128x64xf32, #tpu.memory_space<vmem>> -> memref<128x64xf32, #tpu.memory_space<vmem>>
        %get3A_726 = arith.index_cast %add3A_722 : i32 to index
        %get3A_727 = arith.constant 0 : index
        %get3A_728 = tpu.vector_load %get3A_725[%get3A_726, %get3A_727] {strides = array<i32>} : memref<128x64xf32, #tpu.memory_space<vmem>>, vector<16xf32>,
        %scatter3A = arith.constant 0 : i32
        %scatter3A_729 = arith.constant 0 : i32
        %scatter3A_730 = arith.constant 0 : i32
        %scatter3A_731 = tpu.memref_slice %arg8[%scan3A_545, %scatter3A, %scatter3A_729, %scatter3A_730] : memref<4x8x8x129xf32, #tpu.memory_space<vmem>> -> memref<1x8x8x129xf32, #tpu.memory_space<vmem>>
        %scatter3A_732 = tpu.memref_squeeze %scatter3A_731 : memref<1x8x8x129xf32, #tpu.memory_space<vmem>> -> memref<8x8x129xf32, #tpu.memory_space<vmem>>
        tpu.vector_store_idx %scatter3A_732[%select_n3A, %rem3A_162, %broadcast_in_dim3A], %get3A_728 : memref<8x8x129xf32, #tpu.memory_space<vmem>>[vector<16xi32>, vector<16xi32>, vector<16xi32>], vector<16xf32>,
        %get3A_733 = arith.constant 0 : i32
        %get3A_734 = arith.constant 0 : i32
        %get3A_735 = tpu.memref_slice %arg7[%scan3A_544, %get3A_733, %get3A_734] : memref<4x128x64xf32, #tpu.memory_space<vmem>> -> memref<1x128x64xf32, #tpu.memory_space<vmem>>
        %get3A_736 = tpu.memref_squeeze %get3A_735 : memref<1x128x64xf32, #tpu.memory_space<vmem>> -> memref<128x64xf32, #tpu.memory_space<vmem>>
        %get3A_737 = arith.index_cast %add3A_722 : i32 to index
        %get3A_738 = arith.constant 16 : index
        %get3A_739 = tpu.vector_load %get3A_736[%get3A_737, %get3A_738] {strides = array<i32>} : memref<128x64xf32, #tpu.memory_space<vmem>>, vector<16xf32>,
        %scatter3A_740 = arith.constant 0 : i32
        %scatter3A_741 = arith.constant 0 : i32
        %scatter3A_742 = arith.constant 0 : i32
        %scatter3A_743 = tpu.memref_slice %arg8[%scan3A_545, %scatter3A_740, %scatter3A_741, %scatter3A_742] : memref<4x8x8x129xf32, #tpu.memory_space<vmem>> -> memref<1x8x8x129xf32, #tpu.memory_space<vmem>>
        %scatter3A_744 = tpu.memref_squeeze %scatter3A_743 : memref<1x8x8x129xf32, #tpu.memory_space<vmem>> -> memref<8x8x129xf32, #tpu.memory_space<vmem>>
        tpu.vector_store_idx %scatter3A_744[%select_n3A_88, %rem3A_168, %broadcast_in_dim3A], %get3A_739 : memref<8x8x129xf32, #tpu.memory_space<vmem>>[vector<16xi32>, vector<16xi32>, vector<16xi32>], vector<16xf32>,
        %get3A_745 = arith.constant 0 : i32
        %get3A_746 = arith.constant 0 : i32
        %get3A_747 = tpu.memref_slice %arg7[%scan3A_544, %get3A_745, %get3A_746] : memref<4x128x64xf32, #tpu.memory_space<vmem>> -> memref<1x128x64xf32, #tpu.memory_space<vmem>>
        %get3A_748 = tpu.memref_squeeze %get3A_747 : memref<1x128x64xf32, #tpu.memory_space<vmem>> -> memref<128x64xf32, #tpu.memory_space<vmem>>
        %get3A_749 = arith.index_cast %add3A_722 : i32 to index
        %get3A_750 = arith.constant 32 : index
        %get3A_751 = tpu.vector_load %get3A_748[%get3A_749, %get3A_750] {strides = array<i32>} : memref<128x64xf32, #tpu.memory_space<vmem>>, vector<16xf32>,
        %scatter3A_752 = arith.constant 0 : i32
        %scatter3A_753 = arith.constant 0 : i32
        %scatter3A_754 = arith.constant 0 : i32
        %scatter3A_755 = tpu.memref_slice %arg8[%scan3A_545, %scatter3A_752, %scatter3A_753, %scatter3A_754] : memref<4x8x8x129xf32, #tpu.memory_space<vmem>> -> memref<1x8x8x129xf32, #tpu.memory_space<vmem>>
        %scatter3A_756 = tpu.memref_squeeze %scatter3A_755 : memref<1x8x8x129xf32, #tpu.memory_space<vmem>> -> memref<8x8x129xf32, #tpu.memory_space<vmem>>
        tpu.vector_store_idx %scatter3A_756[%select_n3A_122, %rem3A_174, %broadcast_in_dim3A], %get3A_751 : memref<8x8x129xf32, #tpu.memory_space<vmem>>[vector<16xi32>, vector<16xi32>, vector<16xi32>], vector<16xf32>,
        %get3A_757 = arith.constant 0 : i32
        %get3A_758 = arith.constant 0 : i32
        %get3A_759 = tpu.memref_slice %arg7[%scan3A_544, %get3A_757, %get3A_758] : memref<4x128x64xf32, #tpu.memory_space<vmem>> -> memref<1x128x64xf32, #tpu.memory_space<vmem>>
        %get3A_760 = tpu.memref_squeeze %get3A_759 : memref<1x128x64xf32, #tpu.memory_space<vmem>> -> memref<128x64xf32, #tpu.memory_space<vmem>>
        %get3A_761 = arith.index_cast %add3A_722 : i32 to index
        %get3A_762 = arith.constant 48 : index
        %get3A_763 = tpu.vector_load %get3A_760[%get3A_761, %get3A_762] {strides = array<i32>} : memref<128x64xf32, #tpu.memory_space<vmem>>, vector<16xf32>,
        %scatter3A_764 = arith.constant 0 : i32
        %scatter3A_765 = arith.constant 0 : i32
        %scatter3A_766 = arith.constant 0 : i32
        %scatter3A_767 = tpu.memref_slice %arg8[%scan3A_545, %scatter3A_764, %scatter3A_765, %scatter3A_766] : memref<4x8x8x129xf32, #tpu.memory_space<vmem>> -> memref<1x8x8x129xf32, #tpu.memory_space<vmem>>
        %scatter3A_768 = tpu.memref_squeeze %scatter3A_767 : memref<1x8x8x129xf32, #tpu.memory_space<vmem>> -> memref<8x8x129xf32, #tpu.memory_space<vmem>>
        tpu.vector_store_idx %scatter3A_768[%select_n3A_156, %rem3A_180, %broadcast_in_dim3A], %get3A_763 : memref<8x8x129xf32, #tpu.memory_space<vmem>>[vector<16xi32>, vector<16xi32>, vector<16xi32>], vector<16xf32>,
        %mul3A_769 = arith.constant 4 : i32
        %mul3A_770 = arith.muli %scan3A_718, %mul3A_769 : i32
        %add3A_771 = arith.constant 1 : i32
        %add3A_772 = arith.addi %mul3A_770, %add3A_771 : i32
        %broadcast_in_dim3A_773 = vector.broadcast %add3A_772 : i32 to vector<16xi32>
        %get3A_774 = arith.constant 0 : i32
        %get3A_775 = arith.constant 0 : i32
        %get3A_776 = tpu.memref_slice %arg7[%scan3A_544, %get3A_774, %get3A_775] : memref<4x128x64xf32, #tpu.memory_space<vmem>> -> memref<1x128x64xf32, #tpu.memory_space<vmem>>
        %get3A_777 = tpu.memref_squeeze %get3A_776 : memref<1x128x64xf32, #tpu.memory_space<vmem>> -> memref<128x64xf32, #tpu.memory_space<vmem>>
        %get3A_778 = arith.index_cast %add3A_772 : i32 to index
        %get3A_779 = arith.constant 0 : index
        %get3A_780 = tpu.vector_load %get3A_777[%get3A_778, %get3A_779] {strides = array<i32>} : memref<128x64xf32, #tpu.memory_space<vmem>>, vector<16xf32>,
        %scatter3A_781 = arith.constant 0 : i32
        %scatter3A_782 = arith.constant 0 : i32
        %scatter3A_783 = arith.constant 0 : i32
        %scatter3A_784 = tpu.memref_slice %arg8[%scan3A_545, %scatter3A_781, %scatter3A_782, %scatter3A_783] : memref<4x8x8x129xf32, #tpu.memory_space<vmem>> -> memref<1x8x8x129xf32, #tpu.memory_space<vmem>>
        %scatter3A_785 = tpu.memref_squeeze %scatter3A_784 : memref<1x8x8x129xf32, #tpu.memory_space<vmem>> -> memref<8x8x129xf32, #tpu.memory_space<vmem>>
        tpu.vector_store_idx %scatter3A_785[%select_n3A, %rem3A_162, %broadcast_in_dim3A_773], %get3A_780 : memref<8x8x129xf32, #tpu.memory_space<vmem>>[vector<16xi32>, vector<16xi32>, vector<16xi32>], vector<16xf32>,
        %get3A_786 = arith.constant 0 : i32
        %get3A_787 = arith.constant 0 : i32
        %get3A_788 = tpu.memref_slice %arg7[%scan3A_544, %get3A_786, %get3A_787] : memref<4x128x64xf32, #tpu.memory_space<vmem>> -> memref<1x128x64xf32, #tpu.memory_space<vmem>>
        %get3A_789 = tpu.memref_squeeze %get3A_788 : memref<1x128x64xf32, #tpu.memory_space<vmem>> -> memref<128x64xf32, #tpu.memory_space<vmem>>
        %get3A_790 = arith.index_cast %add3A_772 : i32 to index
        %get3A_791 = arith.constant 16 : index
        %get3A_792 = tpu.vector_load %get3A_789[%get3A_790, %get3A_791] {strides = array<i32>} : memref<128x64xf32, #tpu.memory_space<vmem>>, vector<16xf32>,
        %scatter3A_793 = arith.constant 0 : i32
        %scatter3A_794 = arith.constant 0 : i32
        %scatter3A_795 = arith.constant 0 : i32
        %scatter3A_796 = tpu.memref_slice %arg8[%scan3A_545, %scatter3A_793, %scatter3A_794, %scatter3A_795] : memref<4x8x8x129xf32, #tpu.memory_space<vmem>> -> memref<1x8x8x129xf32, #tpu.memory_space<vmem>>
        %scatter3A_797 = tpu.memref_squeeze %scatter3A_796 : memref<1x8x8x129xf32, #tpu.memory_space<vmem>> -> memref<8x8x129xf32, #tpu.memory_space<vmem>>
        tpu.vector_store_idx %scatter3A_797[%select_n3A_88, %rem3A_168, %broadcast_in_dim3A_773], %get3A_792 : memref<8x8x129xf32, #tpu.memory_space<vmem>>[vector<16xi32>, vector<16xi32>, vector<16xi32>], vector<16xf32>,
        %get3A_798 = arith.constant 0 : i32
        %get3A_799 = arith.constant 0 : i32
        %get3A_800 = tpu.memref_slice %arg7[%scan3A_544, %get3A_798, %get3A_799] : memref<4x128x64xf32, #tpu.memory_space<vmem>> -> memref<1x128x64xf32, #tpu.memory_space<vmem>>
        %get3A_801 = tpu.memref_squeeze %get3A_800 : memref<1x128x64xf32, #tpu.memory_space<vmem>> -> memref<128x64xf32, #tpu.memory_space<vmem>>
        %get3A_802 = arith.index_cast %add3A_772 : i32 to index
        %get3A_803 = arith.constant 32 : index
        %get3A_804 = tpu.vector_load %get3A_801[%get3A_802, %get3A_803] {strides = array<i32>} : memref<128x64xf32, #tpu.memory_space<vmem>>, vector<16xf32>,
        %scatter3A_805 = arith.constant 0 : i32
        %scatter3A_806 = arith.constant 0 : i32
        %scatter3A_807 = arith.constant 0 : i32
        %scatter3A_808 = tpu.memref_slice %arg8[%scan3A_545, %scatter3A_805, %scatter3A_806, %scatter3A_807] : memref<4x8x8x129xf32, #tpu.memory_space<vmem>> -> memref<1x8x8x129xf32, #tpu.memory_space<vmem>>
        %scatter3A_809 = tpu.memref_squeeze %scatter3A_808 : memref<1x8x8x129xf32, #tpu.memory_space<vmem>> -> memref<8x8x129xf32, #tpu.memory_space<vmem>>
        tpu.vector_store_idx %scatter3A_809[%select_n3A_122, %rem3A_174, %broadcast_in_dim3A_773], %get3A_804 : memref<8x8x129xf32, #tpu.memory_space<vmem>>[vector<16xi32>, vector<16xi32>, vector<16xi32>], vector<16xf32>,
        %get3A_810 = arith.constant 0 : i32
        %get3A_811 = arith.constant 0 : i32
        %get3A_812 = tpu.memref_slice %arg7[%scan3A_544, %get3A_810, %get3A_811] : memref<4x128x64xf32, #tpu.memory_space<vmem>> -> memref<1x128x64xf32, #tpu.memory_space<vmem>>
        %get3A_813 = tpu.memref_squeeze %get3A_812 : memref<1x128x64xf32, #tpu.memory_space<vmem>> -> memref<128x64xf32, #tpu.memory_space<vmem>>
        %get3A_814 = arith.index_cast %add3A_772 : i32 to index
        %get3A_815 = arith.constant 48 : index
        %get3A_816 = tpu.vector_load %get3A_813[%get3A_814, %get3A_815] {strides = array<i32>} : memref<128x64xf32, #tpu.memory_space<vmem>>, vector<16xf32>,
        %scatter3A_817 = arith.constant 0 : i32
        %scatter3A_818 = arith.constant 0 : i32
        %scatter3A_819 = arith.constant 0 : i32
        %scatter3A_820 = tpu.memref_slice %arg8[%scan3A_545, %scatter3A_817, %scatter3A_818, %scatter3A_819] : memref<4x8x8x129xf32, #tpu.memory_space<vmem>> -> memref<1x8x8x129xf32, #tpu.memory_space<vmem>>
        %scatter3A_821 = tpu.memref_squeeze %scatter3A_820 : memref<1x8x8x129xf32, #tpu.memory_space<vmem>> -> memref<8x8x129xf32, #tpu.memory_space<vmem>>
        tpu.vector_store_idx %scatter3A_821[%select_n3A_156, %rem3A_180, %broadcast_in_dim3A_773], %get3A_816 : memref<8x8x129xf32, #tpu.memory_space<vmem>>[vector<16xi32>, vector<16xi32>, vector<16xi32>], vector<16xf32>,
        %mul3A_822 = arith.constant 4 : i32
        %mul3A_823 = arith.muli %scan3A_718, %mul3A_822 : i32
        %add3A_824 = arith.constant 2 : i32
        %add3A_825 = arith.addi %mul3A_823, %add3A_824 : i32
        %broadcast_in_dim3A_826 = vector.broadcast %add3A_825 : i32 to vector<16xi32>
        %get3A_827 = arith.constant 0 : i32
        %get3A_828 = arith.constant 0 : i32
        %get3A_829 = tpu.memref_slice %arg7[%scan3A_544, %get3A_827, %get3A_828] : memref<4x128x64xf32, #tpu.memory_space<vmem>> -> memref<1x128x64xf32, #tpu.memory_space<vmem>>
        %get3A_830 = tpu.memref_squeeze %get3A_829 : memref<1x128x64xf32, #tpu.memory_space<vmem>> -> memref<128x64xf32, #tpu.memory_space<vmem>>
        %get3A_831 = arith.index_cast %add3A_825 : i32 to index
        %get3A_832 = arith.constant 0 : index
        %get3A_833 = tpu.vector_load %get3A_830[%get3A_831, %get3A_832] {strides = array<i32>} : memref<128x64xf32, #tpu.memory_space<vmem>>, vector<16xf32>,
        %scatter3A_834 = arith.constant 0 : i32
        %scatter3A_835 = arith.constant 0 : i32
        %scatter3A_836 = arith.constant 0 : i32
        %scatter3A_837 = tpu.memref_slice %arg8[%scan3A_545, %scatter3A_834, %scatter3A_835, %scatter3A_836] : memref<4x8x8x129xf32, #tpu.memory_space<vmem>> -> memref<1x8x8x129xf32, #tpu.memory_space<vmem>>
        %scatter3A_838 = tpu.memref_squeeze %scatter3A_837 : memref<1x8x8x129xf32, #tpu.memory_space<vmem>> -> memref<8x8x129xf32, #tpu.memory_space<vmem>>
        tpu.vector_store_idx %scatter3A_838[%select_n3A, %rem3A_162, %broadcast_in_dim3A_826], %get3A_833 : memref<8x8x129xf32, #tpu.memory_space<vmem>>[vector<16xi32>, vector<16xi32>, vector<16xi32>], vector<16xf32>,
        %get3A_839 = arith.constant 0 : i32
        %get3A_840 = arith.constant 0 : i32
        %get3A_841 = tpu.memref_slice %arg7[%scan3A_544, %get3A_839, %get3A_840] : memref<4x128x64xf32, #tpu.memory_space<vmem>> -> memref<1x128x64xf32, #tpu.memory_space<vmem>>
        %get3A_842 = tpu.memref_squeeze %get3A_841 : memref<1x128x64xf32, #tpu.memory_space<vmem>> -> memref<128x64xf32, #tpu.memory_space<vmem>>
        %get3A_843 = arith.index_cast %add3A_825 : i32 to index
        %get3A_844 = arith.constant 16 : index
        %get3A_845 = tpu.vector_load %get3A_842[%get3A_843, %get3A_844] {strides = array<i32>} : memref<128x64xf32, #tpu.memory_space<vmem>>, vector<16xf32>,
        %scatter3A_846 = arith.constant 0 : i32
        %scatter3A_847 = arith.constant 0 : i32
        %scatter3A_848 = arith.constant 0 : i32
        %scatter3A_849 = tpu.memref_slice %arg8[%scan3A_545, %scatter3A_846, %scatter3A_847, %scatter3A_848] : memref<4x8x8x129xf32, #tpu.memory_space<vmem>> -> memref<1x8x8x129xf32, #tpu.memory_space<vmem>>
        %scatter3A_850 = tpu.memref_squeeze %scatter3A_849 : memref<1x8x8x129xf32, #tpu.memory_space<vmem>> -> memref<8x8x129xf32, #tpu.memory_space<vmem>>
        tpu.vector_store_idx %scatter3A_850[%select_n3A_88, %rem3A_168, %broadcast_in_dim3A_826], %get3A_845 : memref<8x8x129xf32, #tpu.memory_space<vmem>>[vector<16xi32>, vector<16xi32>, vector<16xi32>], vector<16xf32>,
        %get3A_851 = arith.constant 0 : i32
        %get3A_852 = arith.constant 0 : i32
        %get3A_853 = tpu.memref_slice %arg7[%scan3A_544, %get3A_851, %get3A_852] : memref<4x128x64xf32, #tpu.memory_space<vmem>> -> memref<1x128x64xf32, #tpu.memory_space<vmem>>
        %get3A_854 = tpu.memref_squeeze %get3A_853 : memref<1x128x64xf32, #tpu.memory_space<vmem>> -> memref<128x64xf32, #tpu.memory_space<vmem>>
        %get3A_855 = arith.index_cast %add3A_825 : i32 to index
        %get3A_856 = arith.constant 32 : index
        %get3A_857 = tpu.vector_load %get3A_854[%get3A_855, %get3A_856] {strides = array<i32>} : memref<128x64xf32, #tpu.memory_space<vmem>>, vector<16xf32>,
        %scatter3A_858 = arith.constant 0 : i32
        %scatter3A_859 = arith.constant 0 : i32
        %scatter3A_860 = arith.constant 0 : i32
        %scatter3A_861 = tpu.memref_slice %arg8[%scan3A_545, %scatter3A_858, %scatter3A_859, %scatter3A_860] : memref<4x8x8x129xf32, #tpu.memory_space<vmem>> -> memref<1x8x8x129xf32, #tpu.memory_space<vmem>>
        %scatter3A_862 = tpu.memref_squeeze %scatter3A_861 : memref<1x8x8x129xf32, #tpu.memory_space<vmem>> -> memref<8x8x129xf32, #tpu.memory_space<vmem>>
        tpu.vector_store_idx %scatter3A_862[%select_n3A_122, %rem3A_174, %broadcast_in_dim3A_826], %get3A_857 : memref<8x8x129xf32, #tpu.memory_space<vmem>>[vector<16xi32>, vector<16xi32>, vector<16xi32>], vector<16xf32>,
        %get3A_863 = arith.constant 0 : i32
        %get3A_864 = arith.constant 0 : i32
        %get3A_865 = tpu.memref_slice %arg7[%scan3A_544, %get3A_863, %get3A_864] : memref<4x128x64xf32, #tpu.memory_space<vmem>> -> memref<1x128x64xf32, #tpu.memory_space<vmem>>
        %get3A_866 = tpu.memref_squeeze %get3A_865 : memref<1x128x64xf32, #tpu.memory_space<vmem>> -> memref<128x64xf32, #tpu.memory_space<vmem>>
        %get3A_867 = arith.index_cast %add3A_825 : i32 to index
        %get3A_868 = arith.constant 48 : index
        %get3A_869 = tpu.vector_load %get3A_866[%get3A_867, %get3A_868] {strides = array<i32>} : memref<128x64xf32, #tpu.memory_space<vmem>>, vector<16xf32>,
        %scatter3A_870 = arith.constant 0 : i32
        %scatter3A_871 = arith.constant 0 : i32
        %scatter3A_872 = arith.constant 0 : i32
        %scatter3A_873 = tpu.memref_slice %arg8[%scan3A_545, %scatter3A_870, %scatter3A_871, %scatter3A_872] : memref<4x8x8x129xf32, #tpu.memory_space<vmem>> -> memref<1x8x8x129xf32, #tpu.memory_space<vmem>>
        %scatter3A_874 = tpu.memref_squeeze %scatter3A_873 : memref<1x8x8x129xf32, #tpu.memory_space<vmem>> -> memref<8x8x129xf32, #tpu.memory_space<vmem>>
        tpu.vector_store_idx %scatter3A_874[%select_n3A_156, %rem3A_180, %broadcast_in_dim3A_826], %get3A_869 : memref<8x8x129xf32, #tpu.memory_space<vmem>>[vector<16xi32>, vector<16xi32>, vector<16xi32>], vector<16xf32>,
        %mul3A_875 = arith.constant 4 : i32
        %mul3A_876 = arith.muli %scan3A_718, %mul3A_875 : i32
        %add3A_877 = arith.constant 3 : i32
        %add3A_878 = arith.addi %mul3A_876, %add3A_877 : i32
        %broadcast_in_dim3A_879 = vector.broadcast %add3A_878 : i32 to vector<16xi32>
        %get3A_880 = arith.constant 0 : i32
        %get3A_881 = arith.constant 0 : i32
        %get3A_882 = tpu.memref_slice %arg7[%scan3A_544, %get3A_880, %get3A_881] : memref<4x128x64xf32, #tpu.memory_space<vmem>> -> memref<1x128x64xf32, #tpu.memory_space<vmem>>
        %get3A_883 = tpu.memref_squeeze %get3A_882 : memref<1x128x64xf32, #tpu.memory_space<vmem>> -> memref<128x64xf32, #tpu.memory_space<vmem>>
        %get3A_884 = arith.index_cast %add3A_878 : i32 to index
        %get3A_885 = arith.constant 0 : index
        %get3A_886 = tpu.vector_load %get3A_883[%get3A_884, %get3A_885] {strides = array<i32>} : memref<128x64xf32, #tpu.memory_space<vmem>>, vector<16xf32>,
        %scatter3A_887 = arith.constant 0 : i32
        %scatter3A_888 = arith.constant 0 : i32
        %scatter3A_889 = arith.constant 0 : i32
        %scatter3A_890 = tpu.memref_slice %arg8[%scan3A_545, %scatter3A_887, %scatter3A_888, %scatter3A_889] : memref<4x8x8x129xf32, #tpu.memory_space<vmem>> -> memref<1x8x8x129xf32, #tpu.memory_space<vmem>>
        %scatter3A_891 = tpu.memref_squeeze %scatter3A_890 : memref<1x8x8x129xf32, #tpu.memory_space<vmem>> -> memref<8x8x129xf32, #tpu.memory_space<vmem>>
        tpu.vector_store_idx %scatter3A_891[%select_n3A, %rem3A_162, %broadcast_in_dim3A_879], %get3A_886 : memref<8x8x129xf32, #tpu.memory_space<vmem>>[vector<16xi32>, vector<16xi32>, vector<16xi32>], vector<16xf32>,
        %get3A_892 = arith.constant 0 : i32
        %get3A_893 = arith.constant 0 : i32
        %get3A_894 = tpu.memref_slice %arg7[%scan3A_544, %get3A_892, %get3A_893] : memref<4x128x64xf32, #tpu.memory_space<vmem>> -> memref<1x128x64xf32, #tpu.memory_space<vmem>>
        %get3A_895 = tpu.memref_squeeze %get3A_894 : memref<1x128x64xf32, #tpu.memory_space<vmem>> -> memref<128x64xf32, #tpu.memory_space<vmem>>
        %get3A_896 = arith.index_cast %add3A_878 : i32 to index
        %get3A_897 = arith.constant 16 : index
        %get3A_898 = tpu.vector_load %get3A_895[%get3A_896, %get3A_897] {strides = array<i32>} : memref<128x64xf32, #tpu.memory_space<vmem>>, vector<16xf32>,
        %scatter3A_899 = arith.constant 0 : i32
        %scatter3A_900 = arith.constant 0 : i32
        %scatter3A_901 = arith.constant 0 : i32
        %scatter3A_902 = tpu.memref_slice %arg8[%scan3A_545, %scatter3A_899, %scatter3A_900, %scatter3A_901] : memref<4x8x8x129xf32, #tpu.memory_space<vmem>> -> memref<1x8x8x129xf32, #tpu.memory_space<vmem>>
        %scatter3A_903 = tpu.memref_squeeze %scatter3A_902 : memref<1x8x8x129xf32, #tpu.memory_space<vmem>> -> memref<8x8x129xf32, #tpu.memory_space<vmem>>
        tpu.vector_store_idx %scatter3A_903[%select_n3A_88, %rem3A_168, %broadcast_in_dim3A_879], %get3A_898 : memref<8x8x129xf32, #tpu.memory_space<vmem>>[vector<16xi32>, vector<16xi32>, vector<16xi32>], vector<16xf32>,
        %get3A_904 = arith.constant 0 : i32
        %get3A_905 = arith.constant 0 : i32
        %get3A_906 = tpu.memref_slice %arg7[%scan3A_544, %get3A_904, %get3A_905] : memref<4x128x64xf32, #tpu.memory_space<vmem>> -> memref<1x128x64xf32, #tpu.memory_space<vmem>>
        %get3A_907 = tpu.memref_squeeze %get3A_906 : memref<1x128x64xf32, #tpu.memory_space<vmem>> -> memref<128x64xf32, #tpu.memory_space<vmem>>
        %get3A_908 = arith.index_cast %add3A_878 : i32 to index
        %get3A_909 = arith.constant 32 : index
        %get3A_910 = tpu.vector_load %get3A_907[%get3A_908, %get3A_909] {strides = array<i32>} : memref<128x64xf32, #tpu.memory_space<vmem>>, vector<16xf32>,
        %scatter3A_911 = arith.constant 0 : i32
        %scatter3A_912 = arith.constant 0 : i32
        %scatter3A_913 = arith.constant 0 : i32
        %scatter3A_914 = tpu.memref_slice %arg8[%scan3A_545, %scatter3A_911, %scatter3A_912, %scatter3A_913] : memref<4x8x8x129xf32, #tpu.memory_space<vmem>> -> memref<1x8x8x129xf32, #tpu.memory_space<vmem>>
        %scatter3A_915 = tpu.memref_squeeze %scatter3A_914 : memref<1x8x8x129xf32, #tpu.memory_space<vmem>> -> memref<8x8x129xf32, #tpu.memory_space<vmem>>
        tpu.vector_store_idx %scatter3A_915[%select_n3A_122, %rem3A_174, %broadcast_in_dim3A_879], %get3A_910 : memref<8x8x129xf32, #tpu.memory_space<vmem>>[vector<16xi32>, vector<16xi32>, vector<16xi32>], vector<16xf32>,
        %get3A_916 = arith.constant 0 : i32
        %get3A_917 = arith.constant 0 : i32
        %get3A_918 = tpu.memref_slice %arg7[%scan3A_544, %get3A_916, %get3A_917] : memref<4x128x64xf32, #tpu.memory_space<vmem>> -> memref<1x128x64xf32, #tpu.memory_space<vmem>>
        %get3A_919 = tpu.memref_squeeze %get3A_918 : memref<1x128x64xf32, #tpu.memory_space<vmem>> -> memref<128x64xf32, #tpu.memory_space<vmem>>
        %get3A_920 = arith.index_cast %add3A_878 : i32 to index
        %get3A_921 = arith.constant 48 : index
        %get3A_922 = tpu.vector_load %get3A_919[%get3A_920, %get3A_921] {strides = array<i32>} : memref<128x64xf32, #tpu.memory_space<vmem>>, vector<16xf32>,
        %scatter3A_923 = arith.constant 0 : i32
        %scatter3A_924 = arith.constant 0 : i32
        %scatter3A_925 = arith.constant 0 : i32
        %scatter3A_926 = tpu.memref_slice %arg8[%scan3A_545, %scatter3A_923, %scatter3A_924, %scatter3A_925] : memref<4x8x8x129xf32, #tpu.memory_space<vmem>> -> memref<1x8x8x129xf32, #tpu.memory_space<vmem>>
        %scatter3A_927 = tpu.memref_squeeze %scatter3A_926 : memref<1x8x8x129xf32, #tpu.memory_space<vmem>> -> memref<8x8x129xf32, #tpu.memory_space<vmem>>
        tpu.vector_store_idx %scatter3A_927[%select_n3A_156, %rem3A_180, %broadcast_in_dim3A_879], %get3A_922 : memref<8x8x129xf32, #tpu.memory_space<vmem>>[vector<16xi32>, vector<16xi32>, vector<16xi32>], vector<16xf32>,
      }
      %scan3A_550 = arith.constant 32 : i32
      %jit3A_551 = arith.constant 50 : i32
      %div3A_552 = arith.divsi %add3A_525, %jit3A_551 : i32
      %sign3A_553 = arith.constant 0 : i32
      %sign3A_554 = arith.cmpi sgt, %add3A_525, %sign3A_553 : i32
      %sign3A_555 = arith.extui %sign3A_554 : i1 to i32
      %sign3A_556 = arith.constant 0 : i32
      %sign3A_557 = arith.cmpi slt, %add3A_525, %sign3A_556 : i32
      %sign3A_558 = arith.extui %sign3A_557 : i1 to i32
      %sign3A_559 = arith.subi %sign3A_555, %sign3A_558 : i32
      %sign3A_560 = arith.constant 0 : i32
      %sign3A_561 = arith.cmpi sgt, %jit3A_551, %sign3A_560 : i32
      %sign3A_562 = arith.extui %sign3A_561 : i1 to i32
      %sign3A_563 = arith.constant 0 : i32
      %sign3A_564 = arith.cmpi slt, %jit3A_551, %sign3A_563 : i32
      %sign3A_565 = arith.extui %sign3A_564 : i1 to i32
      %sign3A_566 = arith.subi %sign3A_562, %sign3A_565 : i32
      %ne3A_567 = arith.cmpi ne, %sign3A_559, %sign3A_566 : i32
      %rem3A_568 = arith.remsi %add3A_525, %jit3A_551 : i32
      %ne3A_569 = arith.constant 0 : i32
      %ne3A_570 = arith.cmpi ne, %rem3A_568, %ne3A_569 : i32
      %and3A_571 = arith.andi %ne3A_567, %ne3A_570 : i1
      %sub3A_572 = arith.constant 1 : i32
      %sub3A_573 = arith.subi %div3A_552, %sub3A_572 : i32
      %select_n3A_574 = arith.select %and3A_571, %sub3A_573, %div3A_552 : i32
      %jit3A_575 = arith.constant 50 : i32
      %eq3A_576 = arith.constant 0 : i32
      %eq3A_577 = arith.cmpi eq, %jit3A_575, %eq3A_576 : i32
      %jit3A_578 = arith.constant 1 : i32
      %select_n3A_579 = arith.select %eq3A_577, %jit3A_578, %jit3A_575 : i32
      %rem3A_580 = arith.remsi %add3A_525, %select_n3A_579 : i32
      %ne3A_581 = arith.constant 0 : i32
      %ne3A_582 = arith.cmpi ne, %rem3A_580, %ne3A_581 : i32
      %lt3A_583 = arith.constant 0 : i32
      %lt3A_584 = arith.cmpi slt, %rem3A_580, %lt3A_583 : i32
      %lt3A_585 = arith.constant 0 : i32
      %lt3A_586 = arith.cmpi slt, %select_n3A_579, %lt3A_585 : i32
      %ne3A_587 = arith.xori %lt3A_584, %lt3A_586 : i1
      %and3A_588 = arith.andi %ne3A_587, %ne3A_582 : i1
      %add3A_589 = arith.addi %rem3A_580, %select_n3A_579 : i32
      %select_n3A_590 = arith.select %and3A_588, %add3A_589, %rem3A_580 : i32
      %add3A_591 = arith.addi %mul3A_4, %select_n3A_574 : i32
      %dma_start3A_592 = arith.constant 2 : i32
      %dma_start3A_593 = arith.constant 0 : i32
      %dma_start3A_594 = arith.constant 0 : i32
      %dma_start3A_595 = arith.constant 0 : i32
      %dma_start3A_596 = tpu.memref_slice %arg8[%dma_start3A_592, %dma_start3A_593, %dma_start3A_594, %dma_start3A_595] : memref<4x8x8x129xf32, #tpu.memory_space<vmem>> -> memref<1x8x8x128xf32, #tpu.memory_space<vmem>>
      %dma_start3A_597 = tpu.memref_squeeze %dma_start3A_596 : memref<1x8x8x128xf32, #tpu.memory_space<vmem>> -> memref<8x8x128xf32, #tpu.memory_space<vmem>>
      %dma_start3A_598 = arith.constant 0 : i32
      %dma_start3A_599 = arith.constant 0 : i32
      %dma_start3A_600 = arith.constant 0 : i32
      %dma_start3A_601 = tpu.memref_slice %arg4[%select_n3A_590, %dma_start3A_598, %add3A_591, %dma_start3A_599, %dma_start3A_600] : memref<50x8x128x8x128xf32, #tpu.memory_space<hbm>> -> memref<1x8x1x8x128xf32, #tpu.memory_space<hbm>>
      %dma_start3A_602 = tpu.memref_squeeze %dma_start3A_601 : memref<1x8x1x8x128xf32, #tpu.memory_space<hbm>> -> memref<8x8x128xf32, #tpu.memory_space<hbm>>
      %dma_start3A_603 = arith.constant 0 : i32
      %dma_start3A_604 = arith.constant 0 : i32
      %dma_start3A_605 = arith.constant 0 : i32
      %dma_start3A_606 = tpu.memref_slice %arg4[%select_n3A_590, %dma_start3A_603, %add3A_591, %dma_start3A_604, %dma_start3A_605] : memref<50x8x128x8x128xf32, #tpu.memory_space<hbm>> -> memref<1x8x1x8x128xf32, #tpu.memory_space<hbm>>
      %dma_start3A_607 = tpu.memref_squeeze %dma_start3A_606 : memref<1x8x1x8x128xf32, #tpu.memory_space<hbm>> -> memref<8x8x128xf32, #tpu.memory_space<hbm>>
      %dma_start3A_608 = arith.constant 0 : i32
      %dma_start3A_609 = arith.constant 0 : i32
      %dma_start3A_610 = arith.constant 0 : i32
      %dma_start3A_611 = tpu.memref_slice %arg8[%dma_start3A_592, %dma_start3A_608, %dma_start3A_609, %dma_start3A_610] : memref<4x8x8x129xf32, #tpu.memory_space<vmem>> -> memref<1x8x8x128xf32, #tpu.memory_space<vmem>>
      %dma_start3A_612 = tpu.memref_squeeze %dma_start3A_611 : memref<1x8x8x128xf32, #tpu.memory_space<vmem>> -> memref<8x8x128xf32, #tpu.memory_space<vmem>>
      tpu.enqueue_dma source(%dma_start3A_612 : memref<8x8x128xf32, #tpu.memory_space<vmem>>) target(%dma_start3A_607 : memref<8x8x128xf32, #tpu.memory_space<hbm>>) target_semaphore(%arg15 : memref<!tpu.dma_semaphore, #tpu.memory_space<semaphore_mem>>)
      %add3A_613 = arith.constant 4 : i32
      %add3A_614 = arith.addi %add3A_525, %add3A_613 : i32
      %lt3A_615 = arith.constant 200 : i32
      %lt3A_616 = arith.cmpi slt, %add3A_614, %lt3A_615 : i32
      %convert_element_type3A_617 = arith.extui %lt3A_616 : i1 to i32
      %cond3A_618 = arith.constant 0 : i32
      %cond3A_619 = arith.cmpi ne, %convert_element_type3A_617, %cond3A_618 : i32
      scf.if %cond3A_619 {
        %add3A_718 = arith.constant 4 : i32
        %add3A_719 = arith.addi %add3A_525, %add3A_718 : i32
        %jit3A_720 = arith.constant 50 : i32
        %div3A_721 = arith.divsi %add3A_719, %jit3A_720 : i32
        %sign3A_722 = arith.constant 0 : i32
        %sign3A_723 = arith.cmpi sgt, %add3A_719, %sign3A_722 : i32
        %sign3A_724 = arith.extui %sign3A_723 : i1 to i32
        %sign3A_725 = arith.constant 0 : i32
        %sign3A_726 = arith.cmpi slt, %add3A_719, %sign3A_725 : i32
        %sign3A_727 = arith.extui %sign3A_726 : i1 to i32
        %sign3A_728 = arith.subi %sign3A_724, %sign3A_727 : i32
        %sign3A_729 = arith.constant 0 : i32
        %sign3A_730 = arith.cmpi sgt, %jit3A_720, %sign3A_729 : i32
        %sign3A_731 = arith.extui %sign3A_730 : i1 to i32
        %sign3A_732 = arith.constant 0 : i32
        %sign3A_733 = arith.cmpi slt, %jit3A_720, %sign3A_732 : i32
        %sign3A_734 = arith.extui %sign3A_733 : i1 to i32
        %sign3A_735 = arith.subi %sign3A_731, %sign3A_734 : i32
        %ne3A_736 = arith.cmpi ne, %sign3A_728, %sign3A_735 : i32
        %rem3A_737 = arith.remsi %add3A_719, %jit3A_720 : i32
        %ne3A_738 = arith.constant 0 : i32
        %ne3A_739 = arith.cmpi ne, %rem3A_737, %ne3A_738 : i32
        %and3A_740 = arith.andi %ne3A_736, %ne3A_739 : i1
        %sub3A_741 = arith.constant 1 : i32
        %sub3A_742 = arith.subi %div3A_721, %sub3A_741 : i32
        %select_n3A_743 = arith.select %and3A_740, %sub3A_742, %div3A_721 : i32
        %jit3A_744 = arith.constant 50 : i32
        %eq3A_745 = arith.constant 0 : i32
        %eq3A_746 = arith.cmpi eq, %jit3A_744, %eq3A_745 : i32
        %jit3A_747 = arith.constant 1 : i32
        %select_n3A_748 = arith.select %eq3A_746, %jit3A_747, %jit3A_744 : i32
        %rem3A_749 = arith.remsi %add3A_719, %select_n3A_748 : i32
        %ne3A_750 = arith.constant 0 : i32
        %ne3A_751 = arith.cmpi ne, %rem3A_749, %ne3A_750 : i32
        %lt3A_752 = arith.constant 0 : i32
        %lt3A_753 = arith.cmpi slt, %rem3A_749, %lt3A_752 : i32
        %lt3A_754 = arith.constant 0 : i32
        %lt3A_755 = arith.cmpi slt, %select_n3A_748, %lt3A_754 : i32
        %ne3A_756 = arith.xori %lt3A_753, %lt3A_755 : i1
        %and3A_757 = arith.andi %ne3A_756, %ne3A_751 : i1
        %add3A_758 = arith.addi %rem3A_749, %select_n3A_748 : i32
        %select_n3A_759 = arith.select %and3A_757, %add3A_758, %rem3A_749 : i32
        %mul3A_760 = arith.constant 128 : i32
        %mul3A_761 = arith.muli %select_n3A_743, %mul3A_760 : i32
        %dma_start3A_762 = arith.constant 2 : i32
        %dma_start3A_763 = arith.constant 0 : i32
        %dma_start3A_764 = arith.constant 0 : i32
        %dma_start3A_765 = tpu.memref_slice %arg7[%dma_start3A_762, %dma_start3A_763, %dma_start3A_764] : memref<4x128x64xf32, #tpu.memory_space<vmem>> -> memref<1x128x64xf32, #tpu.memory_space<vmem>>
        %dma_start3A_766 = tpu.memref_squeeze %dma_start3A_765 : memref<1x128x64xf32, #tpu.memory_space<vmem>> -> memref<128x64xf32, #tpu.memory_space<vmem>>
        %dma_start3A_767 = tpu.memref_slice %arg6[%select_n3A_759, %mul3A_761] : memref<50x512xi32, #tpu.memory_space<vmem>> -> memref<1x128xi32, #tpu.memory_space<vmem>>
        %dma_start3A_768 = tpu.memref_squeeze %dma_start3A_767 : memref<1x128xi32, #tpu.memory_space<vmem>> -> memref<128xi32, #tpu.memory_space<vmem>>
        %dma_start3A_769 = arith.constant 0 : i32
        %dma_start3A_770 = arith.constant 0 : i32
        %dma_start3A_771 = tpu.memref_slice %arg2[%dma_start3A_769, %dma_start3A_770] : memref<2000000x64xf32, #tpu.memory_space<hbm>> -> memref<2000000x64xf32, #tpu.memory_space<hbm>>
        tpu.enqueue_indirect_dma source(%dma_start3A_771 : memref<2000000x64xf32, #tpu.memory_space<hbm>>) target(%dma_start3A_766 : memref<128x64xf32, #tpu.memory_space<vmem>>) offsets(%dma_start3A_768 : memref<128xi32, #tpu.memory_space<vmem>>) semaphore(%arg11 : memref<!tpu.dma_semaphore, #tpu.memory_space<semaphore_mem>>)
      } else {
      }
      %mul3A_620 = arith.constant 4 : i32
      %mul3A_621 = arith.muli %scan3A_330, %mul3A_620 : i32
      %add3A_622 = arith.constant 3 : i32
      %add3A_623 = arith.addi %mul3A_621, %add3A_622 : i32
      %dma_wait3A_624 = arith.constant 0 : i32
      %dma_wait3A_625 = arith.constant 3 : i32
      %dma_wait3A_626 = arith.constant 0 : i32
      %dma_wait3A_627 = arith.constant 0 : i32
      %dma_wait3A_628 = tpu.memref_slice %arg7[%dma_wait3A_625, %dma_wait3A_626, %dma_wait3A_627] : memref<4x128x64xf32, #tpu.memory_space<vmem>> -> memref<1x128x64xf32, #tpu.memory_space<vmem>>
      %dma_wait3A_629 = tpu.memref_squeeze %dma_wait3A_628 : memref<1x128x64xf32, #tpu.memory_space<vmem>> -> memref<128x64xf32, #tpu.memory_space<vmem>>
      %dma_wait3A_630 = arith.constant 0 : i32
      %dma_wait3A_631 = tpu.memref_slice %arg6[%dma_wait3A_624, %dma_wait3A_630] : memref<50x512xi32, #tpu.memory_space<vmem>> -> memref<1x128xi32, #tpu.memory_space<vmem>>
      %dma_wait3A_632 = tpu.memref_squeeze %dma_wait3A_631 : memref<1x128xi32, #tpu.memory_space<vmem>> -> memref<128xi32, #tpu.memory_space<vmem>>
      %dma_wait3A_633 = arith.constant 0 : i32
      %dma_wait3A_634 = arith.constant 0 : i32
      %dma_wait3A_635 = tpu.memref_slice %arg2[%dma_wait3A_633, %dma_wait3A_634] : memref<2000000x64xf32, #tpu.memory_space<hbm>> -> memref<2000000x64xf32, #tpu.memory_space<hbm>>
      tpu.wait_indirect_dma semaphore(%arg12 : memref<!tpu.dma_semaphore, #tpu.memory_space<semaphore_mem>>) src(%dma_wait3A_635 : memref<2000000x64xf32, #tpu.memory_space<hbm>>) dst(%dma_wait3A_629 : memref<128x64xf32, #tpu.memory_space<vmem>>)
      %ge3A_636 = arith.constant 4 : i32
      %ge3A_637 = arith.cmpi sge, %add3A_623, %ge3A_636 : i32
      %convert_element_type3A_638 = arith.extui %ge3A_637 : i1 to i32
      %cond3A_639 = arith.constant 0 : i32
      %cond3A_640 = arith.cmpi ne, %convert_element_type3A_638, %cond3A_639 : i32
      scf.if %cond3A_640 {
        %dma_wait3A_718 = arith.constant 3 : i32
        %dma_wait3A_719 = arith.constant 0 : i32
        %dma_wait3A_720 = arith.constant 0 : i32
        %dma_wait3A_721 = arith.constant 0 : i32
        %dma_wait3A_722 = arith.constant 0 : i32
        %dma_wait3A_723 = arith.constant 0 : i32
        %dma_wait3A_724 = tpu.memref_slice %arg8[%dma_wait3A_718, %dma_wait3A_721, %dma_wait3A_722, %dma_wait3A_723] : memref<4x8x8x129xf32, #tpu.memory_space<vmem>> -> memref<1x8x8x128xf32, #tpu.memory_space<vmem>>
        %dma_wait3A_725 = tpu.memref_squeeze %dma_wait3A_724 : memref<1x8x8x128xf32, #tpu.memory_space<vmem>> -> memref<8x8x128xf32, #tpu.memory_space<vmem>>
        %dma_wait3A_726 = arith.constant 0 : i32
        %dma_wait3A_727 = arith.constant 0 : i32
        %dma_wait3A_728 = arith.constant 0 : i32
        %dma_wait3A_729 = tpu.memref_slice %arg4[%dma_wait3A_719, %dma_wait3A_726, %dma_wait3A_720, %dma_wait3A_727, %dma_wait3A_728] : memref<50x8x128x8x128xf32, #tpu.memory_space<hbm>> -> memref<1x8x1x8x128xf32, #tpu.memory_space<hbm>>
        %dma_wait3A_730 = tpu.memref_squeeze %dma_wait3A_729 : memref<1x8x1x8x128xf32, #tpu.memory_space<hbm>> -> memref<8x8x128xf32, #tpu.memory_space<hbm>>
        %dma_wait3A_731 = arith.constant 0 : i32
        %dma_wait3A_732 = arith.constant 0 : i32
        %dma_wait3A_733 = arith.constant 0 : i32
        %dma_wait3A_734 = tpu.memref_slice %arg4[%dma_wait3A_719, %dma_wait3A_731, %dma_wait3A_720, %dma_wait3A_732, %dma_wait3A_733] : memref<50x8x128x8x128xf32, #tpu.memory_space<hbm>> -> memref<1x8x1x8x128xf32, #tpu.memory_space<hbm>>
        %dma_wait3A_735 = tpu.memref_squeeze %dma_wait3A_734 : memref<1x8x1x8x128xf32, #tpu.memory_space<hbm>> -> memref<8x8x128xf32, #tpu.memory_space<hbm>>
        %dma_wait3A_736 = arith.constant 0 : i32
        %dma_wait3A_737 = arith.constant 0 : i32
        %dma_wait3A_738 = arith.constant 0 : i32
        %dma_wait3A_739 = tpu.memref_slice %arg8[%dma_wait3A_718, %dma_wait3A_736, %dma_wait3A_737, %dma_wait3A_738] : memref<4x8x8x129xf32, #tpu.memory_space<vmem>> -> memref<1x8x8x128xf32, #tpu.memory_space<vmem>>
        %dma_wait3A_740 = tpu.memref_squeeze %dma_wait3A_739 : memref<1x8x8x128xf32, #tpu.memory_space<vmem>> -> memref<8x8x128xf32, #tpu.memory_space<vmem>>
        tpu.wait_dma2 semaphore(%arg16 : memref<!tpu.dma_semaphore, #tpu.memory_space<semaphore_mem>>) src(%dma_wait3A_740 : memref<8x8x128xf32, #tpu.memory_space<vmem>>) dst(%dma_wait3A_735 : memref<8x8x128xf32, #tpu.memory_space<hbm>>)
      } else {
      }
      %scan3A_641 = arith.constant 0 : i32
      %scan3A_642 = arith.constant 3 : i32
      %scan3A_643 = arith.constant 3 : i32
      %scan3A_644 = arith.constant 0 : i32
      %scan3A_645 = arith.constant 32 : i32
      %scan3A_646 = arith.addi %scan3A_644, %scan3A_645 : i32
      %scan3A_647 = arith.constant 1 : i32
      scf.for %scan3A_718 = %scan3A_644 to %scan3A_646 step %scan3A_647  : i32 {
        %mul3A_719 = arith.constant 4 : i32
        %mul3A_720 = arith.muli %scan3A_718, %mul3A_719 : i32
        %add3A_721 = arith.constant 0 : i32
        %add3A_722 = arith.addi %mul3A_720, %add3A_721 : i32
        %broadcast_in_dim3A = vector.broadcast %add3A_722 : i32 to vector<16xi32>
        %get3A = arith.constant 0 : i32
        %get3A_723 = arith.constant 0 : i32
        %get3A_724 = tpu.memref_slice %arg7[%scan3A_642, %get3A, %get3A_723] : memref<4x128x64xf32, #tpu.memory_space<vmem>> -> memref<1x128x64xf32, #tpu.memory_space<vmem>>
        %get3A_725 = tpu.memref_squeeze %get3A_724 : memref<1x128x64xf32, #tpu.memory_space<vmem>> -> memref<128x64xf32, #tpu.memory_space<vmem>>
        %get3A_726 = arith.index_cast %add3A_722 : i32 to index
        %get3A_727 = arith.constant 0 : index
        %get3A_728 = tpu.vector_load %get3A_725[%get3A_726, %get3A_727] {strides = array<i32>} : memref<128x64xf32, #tpu.memory_space<vmem>>, vector<16xf32>,
        %scatter3A = arith.constant 0 : i32
        %scatter3A_729 = arith.constant 0 : i32
        %scatter3A_730 = arith.constant 0 : i32
        %scatter3A_731 = tpu.memref_slice %arg8[%scan3A_643, %scatter3A, %scatter3A_729, %scatter3A_730] : memref<4x8x8x129xf32, #tpu.memory_space<vmem>> -> memref<1x8x8x129xf32, #tpu.memory_space<vmem>>
        %scatter3A_732 = tpu.memref_squeeze %scatter3A_731 : memref<1x8x8x129xf32, #tpu.memory_space<vmem>> -> memref<8x8x129xf32, #tpu.memory_space<vmem>>
        tpu.vector_store_idx %scatter3A_732[%select_n3A, %rem3A_162, %broadcast_in_dim3A], %get3A_728 : memref<8x8x129xf32, #tpu.memory_space<vmem>>[vector<16xi32>, vector<16xi32>, vector<16xi32>], vector<16xf32>,
        %get3A_733 = arith.constant 0 : i32
        %get3A_734 = arith.constant 0 : i32
        %get3A_735 = tpu.memref_slice %arg7[%scan3A_642, %get3A_733, %get3A_734] : memref<4x128x64xf32, #tpu.memory_space<vmem>> -> memref<1x128x64xf32, #tpu.memory_space<vmem>>
        %get3A_736 = tpu.memref_squeeze %get3A_735 : memref<1x128x64xf32, #tpu.memory_space<vmem>> -> memref<128x64xf32, #tpu.memory_space<vmem>>
        %get3A_737 = arith.index_cast %add3A_722 : i32 to index
        %get3A_738 = arith.constant 16 : index
        %get3A_739 = tpu.vector_load %get3A_736[%get3A_737, %get3A_738] {strides = array<i32>} : memref<128x64xf32, #tpu.memory_space<vmem>>, vector<16xf32>,
        %scatter3A_740 = arith.constant 0 : i32
        %scatter3A_741 = arith.constant 0 : i32
        %scatter3A_742 = arith.constant 0 : i32
        %scatter3A_743 = tpu.memref_slice %arg8[%scan3A_643, %scatter3A_740, %scatter3A_741, %scatter3A_742] : memref<4x8x8x129xf32, #tpu.memory_space<vmem>> -> memref<1x8x8x129xf32, #tpu.memory_space<vmem>>
        %scatter3A_744 = tpu.memref_squeeze %scatter3A_743 : memref<1x8x8x129xf32, #tpu.memory_space<vmem>> -> memref<8x8x129xf32, #tpu.memory_space<vmem>>
        tpu.vector_store_idx %scatter3A_744[%select_n3A_88, %rem3A_168, %broadcast_in_dim3A], %get3A_739 : memref<8x8x129xf32, #tpu.memory_space<vmem>>[vector<16xi32>, vector<16xi32>, vector<16xi32>], vector<16xf32>,
        %get3A_745 = arith.constant 0 : i32
        %get3A_746 = arith.constant 0 : i32
        %get3A_747 = tpu.memref_slice %arg7[%scan3A_642, %get3A_745, %get3A_746] : memref<4x128x64xf32, #tpu.memory_space<vmem>> -> memref<1x128x64xf32, #tpu.memory_space<vmem>>
        %get3A_748 = tpu.memref_squeeze %get3A_747 : memref<1x128x64xf32, #tpu.memory_space<vmem>> -> memref<128x64xf32, #tpu.memory_space<vmem>>
        %get3A_749 = arith.index_cast %add3A_722 : i32 to index
        %get3A_750 = arith.constant 32 : index
        %get3A_751 = tpu.vector_load %get3A_748[%get3A_749, %get3A_750] {strides = array<i32>} : memref<128x64xf32, #tpu.memory_space<vmem>>, vector<16xf32>,
        %scatter3A_752 = arith.constant 0 : i32
        %scatter3A_753 = arith.constant 0 : i32
        %scatter3A_754 = arith.constant 0 : i32
        %scatter3A_755 = tpu.memref_slice %arg8[%scan3A_643, %scatter3A_752, %scatter3A_753, %scatter3A_754] : memref<4x8x8x129xf32, #tpu.memory_space<vmem>> -> memref<1x8x8x129xf32, #tpu.memory_space<vmem>>
        %scatter3A_756 = tpu.memref_squeeze %scatter3A_755 : memref<1x8x8x129xf32, #tpu.memory_space<vmem>> -> memref<8x8x129xf32, #tpu.memory_space<vmem>>
        tpu.vector_store_idx %scatter3A_756[%select_n3A_122, %rem3A_174, %broadcast_in_dim3A], %get3A_751 : memref<8x8x129xf32, #tpu.memory_space<vmem>>[vector<16xi32>, vector<16xi32>, vector<16xi32>], vector<16xf32>,
        %get3A_757 = arith.constant 0 : i32
        %get3A_758 = arith.constant 0 : i32
        %get3A_759 = tpu.memref_slice %arg7[%scan3A_642, %get3A_757, %get3A_758] : memref<4x128x64xf32, #tpu.memory_space<vmem>> -> memref<1x128x64xf32, #tpu.memory_space<vmem>>
        %get3A_760 = tpu.memref_squeeze %get3A_759 : memref<1x128x64xf32, #tpu.memory_space<vmem>> -> memref<128x64xf32, #tpu.memory_space<vmem>>
        %get3A_761 = arith.index_cast %add3A_722 : i32 to index
        %get3A_762 = arith.constant 48 : index
        %get3A_763 = tpu.vector_load %get3A_760[%get3A_761, %get3A_762] {strides = array<i32>} : memref<128x64xf32, #tpu.memory_space<vmem>>, vector<16xf32>,
        %scatter3A_764 = arith.constant 0 : i32
        %scatter3A_765 = arith.constant 0 : i32
        %scatter3A_766 = arith.constant 0 : i32
        %scatter3A_767 = tpu.memref_slice %arg8[%scan3A_643, %scatter3A_764, %scatter3A_765, %scatter3A_766] : memref<4x8x8x129xf32, #tpu.memory_space<vmem>> -> memref<1x8x8x129xf32, #tpu.memory_space<vmem>>
        %scatter3A_768 = tpu.memref_squeeze %scatter3A_767 : memref<1x8x8x129xf32, #tpu.memory_space<vmem>> -> memref<8x8x129xf32, #tpu.memory_space<vmem>>
        tpu.vector_store_idx %scatter3A_768[%select_n3A_156, %rem3A_180, %broadcast_in_dim3A], %get3A_763 : memref<8x8x129xf32, #tpu.memory_space<vmem>>[vector<16xi32>, vector<16xi32>, vector<16xi32>], vector<16xf32>,
        %mul3A_769 = arith.constant 4 : i32
        %mul3A_770 = arith.muli %scan3A_718, %mul3A_769 : i32
        %add3A_771 = arith.constant 1 : i32
        %add3A_772 = arith.addi %mul3A_770, %add3A_771 : i32
        %broadcast_in_dim3A_773 = vector.broadcast %add3A_772 : i32 to vector<16xi32>
        %get3A_774 = arith.constant 0 : i32
        %get3A_775 = arith.constant 0 : i32
        %get3A_776 = tpu.memref_slice %arg7[%scan3A_642, %get3A_774, %get3A_775] : memref<4x128x64xf32, #tpu.memory_space<vmem>> -> memref<1x128x64xf32, #tpu.memory_space<vmem>>
        %get3A_777 = tpu.memref_squeeze %get3A_776 : memref<1x128x64xf32, #tpu.memory_space<vmem>> -> memref<128x64xf32, #tpu.memory_space<vmem>>
        %get3A_778 = arith.index_cast %add3A_772 : i32 to index
        %get3A_779 = arith.constant 0 : index
        %get3A_780 = tpu.vector_load %get3A_777[%get3A_778, %get3A_779] {strides = array<i32>} : memref<128x64xf32, #tpu.memory_space<vmem>>, vector<16xf32>,
        %scatter3A_781 = arith.constant 0 : i32
        %scatter3A_782 = arith.constant 0 : i32
        %scatter3A_783 = arith.constant 0 : i32
        %scatter3A_784 = tpu.memref_slice %arg8[%scan3A_643, %scatter3A_781, %scatter3A_782, %scatter3A_783] : memref<4x8x8x129xf32, #tpu.memory_space<vmem>> -> memref<1x8x8x129xf32, #tpu.memory_space<vmem>>
        %scatter3A_785 = tpu.memref_squeeze %scatter3A_784 : memref<1x8x8x129xf32, #tpu.memory_space<vmem>> -> memref<8x8x129xf32, #tpu.memory_space<vmem>>
        tpu.vector_store_idx %scatter3A_785[%select_n3A, %rem3A_162, %broadcast_in_dim3A_773], %get3A_780 : memref<8x8x129xf32, #tpu.memory_space<vmem>>[vector<16xi32>, vector<16xi32>, vector<16xi32>], vector<16xf32>,
        %get3A_786 = arith.constant 0 : i32
        %get3A_787 = arith.constant 0 : i32
        %get3A_788 = tpu.memref_slice %arg7[%scan3A_642, %get3A_786, %get3A_787] : memref<4x128x64xf32, #tpu.memory_space<vmem>> -> memref<1x128x64xf32, #tpu.memory_space<vmem>>
        %get3A_789 = tpu.memref_squeeze %get3A_788 : memref<1x128x64xf32, #tpu.memory_space<vmem>> -> memref<128x64xf32, #tpu.memory_space<vmem>>
        %get3A_790 = arith.index_cast %add3A_772 : i32 to index
        %get3A_791 = arith.constant 16 : index
        %get3A_792 = tpu.vector_load %get3A_789[%get3A_790, %get3A_791] {strides = array<i32>} : memref<128x64xf32, #tpu.memory_space<vmem>>, vector<16xf32>,
        %scatter3A_793 = arith.constant 0 : i32
        %scatter3A_794 = arith.constant 0 : i32
        %scatter3A_795 = arith.constant 0 : i32
        %scatter3A_796 = tpu.memref_slice %arg8[%scan3A_643, %scatter3A_793, %scatter3A_794, %scatter3A_795] : memref<4x8x8x129xf32, #tpu.memory_space<vmem>> -> memref<1x8x8x129xf32, #tpu.memory_space<vmem>>
        %scatter3A_797 = tpu.memref_squeeze %scatter3A_796 : memref<1x8x8x129xf32, #tpu.memory_space<vmem>> -> memref<8x8x129xf32, #tpu.memory_space<vmem>>
        tpu.vector_store_idx %scatter3A_797[%select_n3A_88, %rem3A_168, %broadcast_in_dim3A_773], %get3A_792 : memref<8x8x129xf32, #tpu.memory_space<vmem>>[vector<16xi32>, vector<16xi32>, vector<16xi32>], vector<16xf32>,
        %get3A_798 = arith.constant 0 : i32
        %get3A_799 = arith.constant 0 : i32
        %get3A_800 = tpu.memref_slice %arg7[%scan3A_642, %get3A_798, %get3A_799] : memref<4x128x64xf32, #tpu.memory_space<vmem>> -> memref<1x128x64xf32, #tpu.memory_space<vmem>>
        %get3A_801 = tpu.memref_squeeze %get3A_800 : memref<1x128x64xf32, #tpu.memory_space<vmem>> -> memref<128x64xf32, #tpu.memory_space<vmem>>
        %get3A_802 = arith.index_cast %add3A_772 : i32 to index
        %get3A_803 = arith.constant 32 : index
        %get3A_804 = tpu.vector_load %get3A_801[%get3A_802, %get3A_803] {strides = array<i32>} : memref<128x64xf32, #tpu.memory_space<vmem>>, vector<16xf32>,
        %scatter3A_805 = arith.constant 0 : i32
        %scatter3A_806 = arith.constant 0 : i32
        %scatter3A_807 = arith.constant 0 : i32
        %scatter3A_808 = tpu.memref_slice %arg8[%scan3A_643, %scatter3A_805, %scatter3A_806, %scatter3A_807] : memref<4x8x8x129xf32, #tpu.memory_space<vmem>> -> memref<1x8x8x129xf32, #tpu.memory_space<vmem>>
        %scatter3A_809 = tpu.memref_squeeze %scatter3A_808 : memref<1x8x8x129xf32, #tpu.memory_space<vmem>> -> memref<8x8x129xf32, #tpu.memory_space<vmem>>
        tpu.vector_store_idx %scatter3A_809[%select_n3A_122, %rem3A_174, %broadcast_in_dim3A_773], %get3A_804 : memref<8x8x129xf32, #tpu.memory_space<vmem>>[vector<16xi32>, vector<16xi32>, vector<16xi32>], vector<16xf32>,
        %get3A_810 = arith.constant 0 : i32
        %get3A_811 = arith.constant 0 : i32
        %get3A_812 = tpu.memref_slice %arg7[%scan3A_642, %get3A_810, %get3A_811] : memref<4x128x64xf32, #tpu.memory_space<vmem>> -> memref<1x128x64xf32, #tpu.memory_space<vmem>>
        %get3A_813 = tpu.memref_squeeze %get3A_812 : memref<1x128x64xf32, #tpu.memory_space<vmem>> -> memref<128x64xf32, #tpu.memory_space<vmem>>
        %get3A_814 = arith.index_cast %add3A_772 : i32 to index
        %get3A_815 = arith.constant 48 : index
        %get3A_816 = tpu.vector_load %get3A_813[%get3A_814, %get3A_815] {strides = array<i32>} : memref<128x64xf32, #tpu.memory_space<vmem>>, vector<16xf32>,
        %scatter3A_817 = arith.constant 0 : i32
        %scatter3A_818 = arith.constant 0 : i32
        %scatter3A_819 = arith.constant 0 : i32
        %scatter3A_820 = tpu.memref_slice %arg8[%scan3A_643, %scatter3A_817, %scatter3A_818, %scatter3A_819] : memref<4x8x8x129xf32, #tpu.memory_space<vmem>> -> memref<1x8x8x129xf32, #tpu.memory_space<vmem>>
        %scatter3A_821 = tpu.memref_squeeze %scatter3A_820 : memref<1x8x8x129xf32, #tpu.memory_space<vmem>> -> memref<8x8x129xf32, #tpu.memory_space<vmem>>
        tpu.vector_store_idx %scatter3A_821[%select_n3A_156, %rem3A_180, %broadcast_in_dim3A_773], %get3A_816 : memref<8x8x129xf32, #tpu.memory_space<vmem>>[vector<16xi32>, vector<16xi32>, vector<16xi32>], vector<16xf32>,
        %mul3A_822 = arith.constant 4 : i32
        %mul3A_823 = arith.muli %scan3A_718, %mul3A_822 : i32
        %add3A_824 = arith.constant 2 : i32
        %add3A_825 = arith.addi %mul3A_823, %add3A_824 : i32
        %broadcast_in_dim3A_826 = vector.broadcast %add3A_825 : i32 to vector<16xi32>
        %get3A_827 = arith.constant 0 : i32
        %get3A_828 = arith.constant 0 : i32
        %get3A_829 = tpu.memref_slice %arg7[%scan3A_642, %get3A_827, %get3A_828] : memref<4x128x64xf32, #tpu.memory_space<vmem>> -> memref<1x128x64xf32, #tpu.memory_space<vmem>>
        %get3A_830 = tpu.memref_squeeze %get3A_829 : memref<1x128x64xf32, #tpu.memory_space<vmem>> -> memref<128x64xf32, #tpu.memory_space<vmem>>
        %get3A_831 = arith.index_cast %add3A_825 : i32 to index
        %get3A_832 = arith.constant 0 : index
        %get3A_833 = tpu.vector_load %get3A_830[%get3A_831, %get3A_832] {strides = array<i32>} : memref<128x64xf32, #tpu.memory_space<vmem>>, vector<16xf32>,
        %scatter3A_834 = arith.constant 0 : i32
        %scatter3A_835 = arith.constant 0 : i32
        %scatter3A_836 = arith.constant 0 : i32
        %scatter3A_837 = tpu.memref_slice %arg8[%scan3A_643, %scatter3A_834, %scatter3A_835, %scatter3A_836] : memref<4x8x8x129xf32, #tpu.memory_space<vmem>> -> memref<1x8x8x129xf32, #tpu.memory_space<vmem>>
        %scatter3A_838 = tpu.memref_squeeze %scatter3A_837 : memref<1x8x8x129xf32, #tpu.memory_space<vmem>> -> memref<8x8x129xf32, #tpu.memory_space<vmem>>
        tpu.vector_store_idx %scatter3A_838[%select_n3A, %rem3A_162, %broadcast_in_dim3A_826], %get3A_833 : memref<8x8x129xf32, #tpu.memory_space<vmem>>[vector<16xi32>, vector<16xi32>, vector<16xi32>], vector<16xf32>,
        %get3A_839 = arith.constant 0 : i32
        %get3A_840 = arith.constant 0 : i32
        %get3A_841 = tpu.memref_slice %arg7[%scan3A_642, %get3A_839, %get3A_840] : memref<4x128x64xf32, #tpu.memory_space<vmem>> -> memref<1x128x64xf32, #tpu.memory_space<vmem>>
        %get3A_842 = tpu.memref_squeeze %get3A_841 : memref<1x128x64xf32, #tpu.memory_space<vmem>> -> memref<128x64xf32, #tpu.memory_space<vmem>>
        %get3A_843 = arith.index_cast %add3A_825 : i32 to index
        %get3A_844 = arith.constant 16 : index
        %get3A_845 = tpu.vector_load %get3A_842[%get3A_843, %get3A_844] {strides = array<i32>} : memref<128x64xf32, #tpu.memory_space<vmem>>, vector<16xf32>,
        %scatter3A_846 = arith.constant 0 : i32
        %scatter3A_847 = arith.constant 0 : i32
        %scatter3A_848 = arith.constant 0 : i32
        %scatter3A_849 = tpu.memref_slice %arg8[%scan3A_643, %scatter3A_846, %scatter3A_847, %scatter3A_848] : memref<4x8x8x129xf32, #tpu.memory_space<vmem>> -> memref<1x8x8x129xf32, #tpu.memory_space<vmem>>
        %scatter3A_850 = tpu.memref_squeeze %scatter3A_849 : memref<1x8x8x129xf32, #tpu.memory_space<vmem>> -> memref<8x8x129xf32, #tpu.memory_space<vmem>>
        tpu.vector_store_idx %scatter3A_850[%select_n3A_88, %rem3A_168, %broadcast_in_dim3A_826], %get3A_845 : memref<8x8x129xf32, #tpu.memory_space<vmem>>[vector<16xi32>, vector<16xi32>, vector<16xi32>], vector<16xf32>,
        %get3A_851 = arith.constant 0 : i32
        %get3A_852 = arith.constant 0 : i32
        %get3A_853 = tpu.memref_slice %arg7[%scan3A_642, %get3A_851, %get3A_852] : memref<4x128x64xf32, #tpu.memory_space<vmem>> -> memref<1x128x64xf32, #tpu.memory_space<vmem>>
        %get3A_854 = tpu.memref_squeeze %get3A_853 : memref<1x128x64xf32, #tpu.memory_space<vmem>> -> memref<128x64xf32, #tpu.memory_space<vmem>>
        %get3A_855 = arith.index_cast %add3A_825 : i32 to index
        %get3A_856 = arith.constant 32 : index
        %get3A_857 = tpu.vector_load %get3A_854[%get3A_855, %get3A_856] {strides = array<i32>} : memref<128x64xf32, #tpu.memory_space<vmem>>, vector<16xf32>,
        %scatter3A_858 = arith.constant 0 : i32
        %scatter3A_859 = arith.constant 0 : i32
        %scatter3A_860 = arith.constant 0 : i32
        %scatter3A_861 = tpu.memref_slice %arg8[%scan3A_643, %scatter3A_858, %scatter3A_859, %scatter3A_860] : memref<4x8x8x129xf32, #tpu.memory_space<vmem>> -> memref<1x8x8x129xf32, #tpu.memory_space<vmem>>
        %scatter3A_862 = tpu.memref_squeeze %scatter3A_861 : memref<1x8x8x129xf32, #tpu.memory_space<vmem>> -> memref<8x8x129xf32, #tpu.memory_space<vmem>>
        tpu.vector_store_idx %scatter3A_862[%select_n3A_122, %rem3A_174, %broadcast_in_dim3A_826], %get3A_857 : memref<8x8x129xf32, #tpu.memory_space<vmem>>[vector<16xi32>, vector<16xi32>, vector<16xi32>], vector<16xf32>,
        %get3A_863 = arith.constant 0 : i32
        %get3A_864 = arith.constant 0 : i32
        %get3A_865 = tpu.memref_slice %arg7[%scan3A_642, %get3A_863, %get3A_864] : memref<4x128x64xf32, #tpu.memory_space<vmem>> -> memref<1x128x64xf32, #tpu.memory_space<vmem>>
        %get3A_866 = tpu.memref_squeeze %get3A_865 : memref<1x128x64xf32, #tpu.memory_space<vmem>> -> memref<128x64xf32, #tpu.memory_space<vmem>>
        %get3A_867 = arith.index_cast %add3A_825 : i32 to index
        %get3A_868 = arith.constant 48 : index
        %get3A_869 = tpu.vector_load %get3A_866[%get3A_867, %get3A_868] {strides = array<i32>} : memref<128x64xf32, #tpu.memory_space<vmem>>, vector<16xf32>,
        %scatter3A_870 = arith.constant 0 : i32
        %scatter3A_871 = arith.constant 0 : i32
        %scatter3A_872 = arith.constant 0 : i32
        %scatter3A_873 = tpu.memref_slice %arg8[%scan3A_643, %scatter3A_870, %scatter3A_871, %scatter3A_872] : memref<4x8x8x129xf32, #tpu.memory_space<vmem>> -> memref<1x8x8x129xf32, #tpu.memory_space<vmem>>
        %scatter3A_874 = tpu.memref_squeeze %scatter3A_873 : memref<1x8x8x129xf32, #tpu.memory_space<vmem>> -> memref<8x8x129xf32, #tpu.memory_space<vmem>>
        tpu.vector_store_idx %scatter3A_874[%select_n3A_156, %rem3A_180, %broadcast_in_dim3A_826], %get3A_869 : memref<8x8x129xf32, #tpu.memory_space<vmem>>[vector<16xi32>, vector<16xi32>, vector<16xi32>], vector<16xf32>,
        %mul3A_875 = arith.constant 4 : i32
        %mul3A_876 = arith.muli %scan3A_718, %mul3A_875 : i32
        %add3A_877 = arith.constant 3 : i32
        %add3A_878 = arith.addi %mul3A_876, %add3A_877 : i32
        %broadcast_in_dim3A_879 = vector.broadcast %add3A_878 : i32 to vector<16xi32>
        %get3A_880 = arith.constant 0 : i32
        %get3A_881 = arith.constant 0 : i32
        %get3A_882 = tpu.memref_slice %arg7[%scan3A_642, %get3A_880, %get3A_881] : memref<4x128x64xf32, #tpu.memory_space<vmem>> -> memref<1x128x64xf32, #tpu.memory_space<vmem>>
        %get3A_883 = tpu.memref_squeeze %get3A_882 : memref<1x128x64xf32, #tpu.memory_space<vmem>> -> memref<128x64xf32, #tpu.memory_space<vmem>>
        %get3A_884 = arith.index_cast %add3A_878 : i32 to index
        %get3A_885 = arith.constant 0 : index
        %get3A_886 = tpu.vector_load %get3A_883[%get3A_884, %get3A_885] {strides = array<i32>} : memref<128x64xf32, #tpu.memory_space<vmem>>, vector<16xf32>,
        %scatter3A_887 = arith.constant 0 : i32
        %scatter3A_888 = arith.constant 0 : i32
        %scatter3A_889 = arith.constant 0 : i32
        %scatter3A_890 = tpu.memref_slice %arg8[%scan3A_643, %scatter3A_887, %scatter3A_888, %scatter3A_889] : memref<4x8x8x129xf32, #tpu.memory_space<vmem>> -> memref<1x8x8x129xf32, #tpu.memory_space<vmem>>
        %scatter3A_891 = tpu.memref_squeeze %scatter3A_890 : memref<1x8x8x129xf32, #tpu.memory_space<vmem>> -> memref<8x8x129xf32, #tpu.memory_space<vmem>>
        tpu.vector_store_idx %scatter3A_891[%select_n3A, %rem3A_162, %broadcast_in_dim3A_879], %get3A_886 : memref<8x8x129xf32, #tpu.memory_space<vmem>>[vector<16xi32>, vector<16xi32>, vector<16xi32>], vector<16xf32>,
        %get3A_892 = arith.constant 0 : i32
        %get3A_893 = arith.constant 0 : i32
        %get3A_894 = tpu.memref_slice %arg7[%scan3A_642, %get3A_892, %get3A_893] : memref<4x128x64xf32, #tpu.memory_space<vmem>> -> memref<1x128x64xf32, #tpu.memory_space<vmem>>
        %get3A_895 = tpu.memref_squeeze %get3A_894 : memref<1x128x64xf32, #tpu.memory_space<vmem>> -> memref<128x64xf32, #tpu.memory_space<vmem>>
        %get3A_896 = arith.index_cast %add3A_878 : i32 to index
        %get3A_897 = arith.constant 16 : index
        %get3A_898 = tpu.vector_load %get3A_895[%get3A_896, %get3A_897] {strides = array<i32>} : memref<128x64xf32, #tpu.memory_space<vmem>>, vector<16xf32>,
        %scatter3A_899 = arith.constant 0 : i32
        %scatter3A_900 = arith.constant 0 : i32
        %scatter3A_901 = arith.constant 0 : i32
        %scatter3A_902 = tpu.memref_slice %arg8[%scan3A_643, %scatter3A_899, %scatter3A_900, %scatter3A_901] : memref<4x8x8x129xf32, #tpu.memory_space<vmem>> -> memref<1x8x8x129xf32, #tpu.memory_space<vmem>>
        %scatter3A_903 = tpu.memref_squeeze %scatter3A_902 : memref<1x8x8x129xf32, #tpu.memory_space<vmem>> -> memref<8x8x129xf32, #tpu.memory_space<vmem>>
        tpu.vector_store_idx %scatter3A_903[%select_n3A_88, %rem3A_168, %broadcast_in_dim3A_879], %get3A_898 : memref<8x8x129xf32, #tpu.memory_space<vmem>>[vector<16xi32>, vector<16xi32>, vector<16xi32>], vector<16xf32>,
        %get3A_904 = arith.constant 0 : i32
        %get3A_905 = arith.constant 0 : i32
        %get3A_906 = tpu.memref_slice %arg7[%scan3A_642, %get3A_904, %get3A_905] : memref<4x128x64xf32, #tpu.memory_space<vmem>> -> memref<1x128x64xf32, #tpu.memory_space<vmem>>
        %get3A_907 = tpu.memref_squeeze %get3A_906 : memref<1x128x64xf32, #tpu.memory_space<vmem>> -> memref<128x64xf32, #tpu.memory_space<vmem>>
        %get3A_908 = arith.index_cast %add3A_878 : i32 to index
        %get3A_909 = arith.constant 32 : index
        %get3A_910 = tpu.vector_load %get3A_907[%get3A_908, %get3A_909] {strides = array<i32>} : memref<128x64xf32, #tpu.memory_space<vmem>>, vector<16xf32>,
        %scatter3A_911 = arith.constant 0 : i32
        %scatter3A_912 = arith.constant 0 : i32
        %scatter3A_913 = arith.constant 0 : i32
        %scatter3A_914 = tpu.memref_slice %arg8[%scan3A_643, %scatter3A_911, %scatter3A_912, %scatter3A_913] : memref<4x8x8x129xf32, #tpu.memory_space<vmem>> -> memref<1x8x8x129xf32, #tpu.memory_space<vmem>>
        %scatter3A_915 = tpu.memref_squeeze %scatter3A_914 : memref<1x8x8x129xf32, #tpu.memory_space<vmem>> -> memref<8x8x129xf32, #tpu.memory_space<vmem>>
        tpu.vector_store_idx %scatter3A_915[%select_n3A_122, %rem3A_174, %broadcast_in_dim3A_879], %get3A_910 : memref<8x8x129xf32, #tpu.memory_space<vmem>>[vector<16xi32>, vector<16xi32>, vector<16xi32>], vector<16xf32>,
        %get3A_916 = arith.constant 0 : i32
        %get3A_917 = arith.constant 0 : i32
        %get3A_918 = tpu.memref_slice %arg7[%scan3A_642, %get3A_916, %get3A_917] : memref<4x128x64xf32, #tpu.memory_space<vmem>> -> memref<1x128x64xf32, #tpu.memory_space<vmem>>
        %get3A_919 = tpu.memref_squeeze %get3A_918 : memref<1x128x64xf32, #tpu.memory_space<vmem>> -> memref<128x64xf32, #tpu.memory_space<vmem>>
        %get3A_920 = arith.index_cast %add3A_878 : i32 to index
        %get3A_921 = arith.constant 48 : index
        %get3A_922 = tpu.vector_load %get3A_919[%get3A_920, %get3A_921] {strides = array<i32>} : memref<128x64xf32, #tpu.memory_space<vmem>>, vector<16xf32>,
        %scatter3A_923 = arith.constant 0 : i32
        %scatter3A_924 = arith.constant 0 : i32
        %scatter3A_925 = arith.constant 0 : i32
        %scatter3A_926 = tpu.memref_slice %arg8[%scan3A_643, %scatter3A_923, %scatter3A_924, %scatter3A_925] : memref<4x8x8x129xf32, #tpu.memory_space<vmem>> -> memref<1x8x8x129xf32, #tpu.memory_space<vmem>>
        %scatter3A_927 = tpu.memref_squeeze %scatter3A_926 : memref<1x8x8x129xf32, #tpu.memory_space<vmem>> -> memref<8x8x129xf32, #tpu.memory_space<vmem>>
        tpu.vector_store_idx %scatter3A_927[%select_n3A_156, %rem3A_180, %broadcast_in_dim3A_879], %get3A_922 : memref<8x8x129xf32, #tpu.memory_space<vmem>>[vector<16xi32>, vector<16xi32>, vector<16xi32>], vector<16xf32>,
      }
      %scan3A_648 = arith.constant 32 : i32
      %jit3A_649 = arith.constant 50 : i32
      %div3A_650 = arith.divsi %add3A_623, %jit3A_649 : i32
      %sign3A_651 = arith.constant 0 : i32
      %sign3A_652 = arith.cmpi sgt, %add3A_623, %sign3A_651 : i32
      %sign3A_653 = arith.extui %sign3A_652 : i1 to i32
      %sign3A_654 = arith.constant 0 : i32
      %sign3A_655 = arith.cmpi slt, %add3A_623, %sign3A_654 : i32
      %sign3A_656 = arith.extui %sign3A_655 : i1 to i32
      %sign3A_657 = arith.subi %sign3A_653, %sign3A_656 : i32
      %sign3A_658 = arith.constant 0 : i32
      %sign3A_659 = arith.cmpi sgt, %jit3A_649, %sign3A_658 : i32
      %sign3A_660 = arith.extui %sign3A_659 : i1 to i32
      %sign3A_661 = arith.constant 0 : i32
      %sign3A_662 = arith.cmpi slt, %jit3A_649, %sign3A_661 : i32
      %sign3A_663 = arith.extui %sign3A_662 : i1 to i32
      %sign3A_664 = arith.subi %sign3A_660, %sign3A_663 : i32
      %ne3A_665 = arith.cmpi ne, %sign3A_657, %sign3A_664 : i32
      %rem3A_666 = arith.remsi %add3A_623, %jit3A_649 : i32
      %ne3A_667 = arith.constant 0 : i32
      %ne3A_668 = arith.cmpi ne, %rem3A_666, %ne3A_667 : i32
      %and3A_669 = arith.andi %ne3A_665, %ne3A_668 : i1
      %sub3A_670 = arith.constant 1 : i32
      %sub3A_671 = arith.subi %div3A_650, %sub3A_670 : i32
      %select_n3A_672 = arith.select %and3A_669, %sub3A_671, %div3A_650 : i32
      %jit3A_673 = arith.constant 50 : i32
      %eq3A_674 = arith.constant 0 : i32
      %eq3A_675 = arith.cmpi eq, %jit3A_673, %eq3A_674 : i32
      %jit3A_676 = arith.constant 1 : i32
      %select_n3A_677 = arith.select %eq3A_675, %jit3A_676, %jit3A_673 : i32
      %rem3A_678 = arith.remsi %add3A_623, %select_n3A_677 : i32
      %ne3A_679 = arith.constant 0 : i32
      %ne3A_680 = arith.cmpi ne, %rem3A_678, %ne3A_679 : i32
      %lt3A_681 = arith.constant 0 : i32
      %lt3A_682 = arith.cmpi slt, %rem3A_678, %lt3A_681 : i32
      %lt3A_683 = arith.constant 0 : i32
      %lt3A_684 = arith.cmpi slt, %select_n3A_677, %lt3A_683 : i32
      %ne3A_685 = arith.xori %lt3A_682, %lt3A_684 : i1
      %and3A_686 = arith.andi %ne3A_685, %ne3A_680 : i1
      %add3A_687 = arith.addi %rem3A_678, %select_n3A_677 : i32
      %select_n3A_688 = arith.select %and3A_686, %add3A_687, %rem3A_678 : i32
      %add3A_689 = arith.addi %mul3A_4, %select_n3A_672 : i32
      %dma_start3A_690 = arith.constant 3 : i32
      %dma_start3A_691 = arith.constant 0 : i32
      %dma_start3A_692 = arith.constant 0 : i32
      %dma_start3A_693 = arith.constant 0 : i32
      %dma_start3A_694 = tpu.memref_slice %arg8[%dma_start3A_690, %dma_start3A_691, %dma_start3A_692, %dma_start3A_693] : memref<4x8x8x129xf32, #tpu.memory_space<vmem>> -> memref<1x8x8x128xf32, #tpu.memory_space<vmem>>
      %dma_start3A_695 = tpu.memref_squeeze %dma_start3A_694 : memref<1x8x8x128xf32, #tpu.memory_space<vmem>> -> memref<8x8x128xf32, #tpu.memory_space<vmem>>
      %dma_start3A_696 = arith.constant 0 : i32
      %dma_start3A_697 = arith.constant 0 : i32
      %dma_start3A_698 = arith.constant 0 : i32
      %dma_start3A_699 = tpu.memref_slice %arg4[%select_n3A_688, %dma_start3A_696, %add3A_689, %dma_start3A_697, %dma_start3A_698] : memref<50x8x128x8x128xf32, #tpu.memory_space<hbm>> -> memref<1x8x1x8x128xf32, #tpu.memory_space<hbm>>
      %dma_start3A_700 = tpu.memref_squeeze %dma_start3A_699 : memref<1x8x1x8x128xf32, #tpu.memory_space<hbm>> -> memref<8x8x128xf32, #tpu.memory_space<hbm>>
      %dma_start3A_701 = arith.constant 0 : i32
      %dma_start3A_702 = arith.constant 0 : i32
      %dma_start3A_703 = arith.constant 0 : i32
      %dma_start3A_704 = tpu.memref_slice %arg4[%select_n3A_688, %dma_start3A_701, %add3A_689, %dma_start3A_702, %dma_start3A_703] : memref<50x8x128x8x128xf32, #tpu.memory_space<hbm>> -> memref<1x8x1x8x128xf32, #tpu.memory_space<hbm>>
      %dma_start3A_705 = tpu.memref_squeeze %dma_start3A_704 : memref<1x8x1x8x128xf32, #tpu.memory_space<hbm>> -> memref<8x8x128xf32, #tpu.memory_space<hbm>>
      %dma_start3A_706 = arith.constant 0 : i32
      %dma_start3A_707 = arith.constant 0 : i32
      %dma_start3A_708 = arith.constant 0 : i32
      %dma_start3A_709 = tpu.memref_slice %arg8[%dma_start3A_690, %dma_start3A_706, %dma_start3A_707, %dma_start3A_708] : memref<4x8x8x129xf32, #tpu.memory_space<vmem>> -> memref<1x8x8x128xf32, #tpu.memory_space<vmem>>
      %dma_start3A_710 = tpu.memref_squeeze %dma_start3A_709 : memref<1x8x8x128xf32, #tpu.memory_space<vmem>> -> memref<8x8x128xf32, #tpu.memory_space<vmem>>
      tpu.enqueue_dma source(%dma_start3A_710 : memref<8x8x128xf32, #tpu.memory_space<vmem>>) target(%dma_start3A_705 : memref<8x8x128xf32, #tpu.memory_space<hbm>>) target_semaphore(%arg16 : memref<!tpu.dma_semaphore, #tpu.memory_space<semaphore_mem>>)
      %add3A_711 = arith.constant 4 : i32
      %add3A_712 = arith.addi %add3A_623, %add3A_711 : i32
      %lt3A_713 = arith.constant 200 : i32
      %lt3A_714 = arith.cmpi slt, %add3A_712, %lt3A_713 : i32
      %convert_element_type3A_715 = arith.extui %lt3A_714 : i1 to i32
      %cond3A_716 = arith.constant 0 : i32
      %cond3A_717 = arith.cmpi ne, %convert_element_type3A_715, %cond3A_716 : i32
      scf.if %cond3A_717 {
        %add3A_718 = arith.constant 4 : i32
        %add3A_719 = arith.addi %add3A_623, %add3A_718 : i32
        %jit3A_720 = arith.constant 50 : i32
        %div3A_721 = arith.divsi %add3A_719, %jit3A_720 : i32
        %sign3A_722 = arith.constant 0 : i32
        %sign3A_723 = arith.cmpi sgt, %add3A_719, %sign3A_722 : i32
        %sign3A_724 = arith.extui %sign3A_723 : i1 to i32
        %sign3A_725 = arith.constant 0 : i32
        %sign3A_726 = arith.cmpi slt, %add3A_719, %sign3A_725 : i32
        %sign3A_727 = arith.extui %sign3A_726 : i1 to i32
        %sign3A_728 = arith.subi %sign3A_724, %sign3A_727 : i32
        %sign3A_729 = arith.constant 0 : i32
        %sign3A_730 = arith.cmpi sgt, %jit3A_720, %sign3A_729 : i32
        %sign3A_731 = arith.extui %sign3A_730 : i1 to i32
        %sign3A_732 = arith.constant 0 : i32
        %sign3A_733 = arith.cmpi slt, %jit3A_720, %sign3A_732 : i32
        %sign3A_734 = arith.extui %sign3A_733 : i1 to i32
        %sign3A_735 = arith.subi %sign3A_731, %sign3A_734 : i32
        %ne3A_736 = arith.cmpi ne, %sign3A_728, %sign3A_735 : i32
        %rem3A_737 = arith.remsi %add3A_719, %jit3A_720 : i32
        %ne3A_738 = arith.constant 0 : i32
        %ne3A_739 = arith.cmpi ne, %rem3A_737, %ne3A_738 : i32
        %and3A_740 = arith.andi %ne3A_736, %ne3A_739 : i1
        %sub3A_741 = arith.constant 1 : i32
        %sub3A_742 = arith.subi %div3A_721, %sub3A_741 : i32
        %select_n3A_743 = arith.select %and3A_740, %sub3A_742, %div3A_721 : i32
        %jit3A_744 = arith.constant 50 : i32
        %eq3A_745 = arith.constant 0 : i32
        %eq3A_746 = arith.cmpi eq, %jit3A_744, %eq3A_745 : i32
        %jit3A_747 = arith.constant 1 : i32
        %select_n3A_748 = arith.select %eq3A_746, %jit3A_747, %jit3A_744 : i32
        %rem3A_749 = arith.remsi %add3A_719, %select_n3A_748 : i32
        %ne3A_750 = arith.constant 0 : i32
        %ne3A_751 = arith.cmpi ne, %rem3A_749, %ne3A_750 : i32
        %lt3A_752 = arith.constant 0 : i32
        %lt3A_753 = arith.cmpi slt, %rem3A_749, %lt3A_752 : i32
        %lt3A_754 = arith.constant 0 : i32
        %lt3A_755 = arith.cmpi slt, %select_n3A_748, %lt3A_754 : i32
        %ne3A_756 = arith.xori %lt3A_753, %lt3A_755 : i1
        %and3A_757 = arith.andi %ne3A_756, %ne3A_751 : i1
        %add3A_758 = arith.addi %rem3A_749, %select_n3A_748 : i32
        %select_n3A_759 = arith.select %and3A_757, %add3A_758, %rem3A_749 : i32
        %mul3A_760 = arith.constant 128 : i32
        %mul3A_761 = arith.muli %select_n3A_743, %mul3A_760 : i32
        %dma_start3A_762 = arith.constant 3 : i32
        %dma_start3A_763 = arith.constant 0 : i32
        %dma_start3A_764 = arith.constant 0 : i32
        %dma_start3A_765 = tpu.memref_slice %arg7[%dma_start3A_762, %dma_start3A_763, %dma_start3A_764] : memref<4x128x64xf32, #tpu.memory_space<vmem>> -> memref<1x128x64xf32, #tpu.memory_space<vmem>>
        %dma_start3A_766 = tpu.memref_squeeze %dma_start3A_765 : memref<1x128x64xf32, #tpu.memory_space<vmem>> -> memref<128x64xf32, #tpu.memory_space<vmem>>
        %dma_start3A_767 = tpu.memref_slice %arg6[%select_n3A_759, %mul3A_761] : memref<50x512xi32, #tpu.memory_space<vmem>> -> memref<1x128xi32, #tpu.memory_space<vmem>>
        %dma_start3A_768 = tpu.memref_squeeze %dma_start3A_767 : memref<1x128xi32, #tpu.memory_space<vmem>> -> memref<128xi32, #tpu.memory_space<vmem>>
        %dma_start3A_769 = arith.constant 0 : i32
        %dma_start3A_770 = arith.constant 0 : i32
        %dma_start3A_771 = tpu.memref_slice %arg2[%dma_start3A_769, %dma_start3A_770] : memref<2000000x64xf32, #tpu.memory_space<hbm>> -> memref<2000000x64xf32, #tpu.memory_space<hbm>>
        tpu.enqueue_indirect_dma source(%dma_start3A_771 : memref<2000000x64xf32, #tpu.memory_space<hbm>>) target(%dma_start3A_766 : memref<128x64xf32, #tpu.memory_space<vmem>>) offsets(%dma_start3A_768 : memref<128xi32, #tpu.memory_space<vmem>>) semaphore(%arg12 : memref<!tpu.dma_semaphore, #tpu.memory_space<semaphore_mem>>)
      } else {
      }
    }
    %scan3A_238 = arith.constant 50 : i32
    %dma_wait3A = arith.constant 0 : i32
    %dma_wait3A_239 = arith.constant 0 : i32
    %dma_wait3A_240 = arith.constant 0 : i32
    %dma_wait3A_241 = arith.constant 0 : i32
    %dma_wait3A_242 = arith.constant 0 : i32
    %dma_wait3A_243 = arith.constant 0 : i32
    %dma_wait3A_244 = tpu.memref_slice %arg8[%dma_wait3A, %dma_wait3A_241, %dma_wait3A_242, %dma_wait3A_243] : memref<4x8x8x129xf32, #tpu.memory_space<vmem>> -> memref<1x8x8x128xf32, #tpu.memory_space<vmem>>
    %dma_wait3A_245 = tpu.memref_squeeze %dma_wait3A_244 : memref<1x8x8x128xf32, #tpu.memory_space<vmem>> -> memref<8x8x128xf32, #tpu.memory_space<vmem>>
    %dma_wait3A_246 = arith.constant 0 : i32
    %dma_wait3A_247 = arith.constant 0 : i32
    %dma_wait3A_248 = arith.constant 0 : i32
    %dma_wait3A_249 = tpu.memref_slice %arg4[%dma_wait3A_239, %dma_wait3A_246, %dma_wait3A_240, %dma_wait3A_247, %dma_wait3A_248] : memref<50x8x128x8x128xf32, #tpu.memory_space<hbm>> -> memref<1x8x1x8x128xf32, #tpu.memory_space<hbm>>
    %dma_wait3A_250 = tpu.memref_squeeze %dma_wait3A_249 : memref<1x8x1x8x128xf32, #tpu.memory_space<hbm>> -> memref<8x8x128xf32, #tpu.memory_space<hbm>>
    %dma_wait3A_251 = arith.constant 0 : i32
    %dma_wait3A_252 = arith.constant 0 : i32
    %dma_wait3A_253 = arith.constant 0 : i32
    %dma_wait3A_254 = tpu.memref_slice %arg4[%dma_wait3A_239, %dma_wait3A_251, %dma_wait3A_240, %dma_wait3A_252, %dma_wait3A_253] : memref<50x8x128x8x128xf32, #tpu.memory_space<hbm>> -> memref<1x8x1x8x128xf32, #tpu.memory_space<hbm>>
    %dma_wait3A_255 = tpu.memref_squeeze %dma_wait3A_254 : memref<1x8x1x8x128xf32, #tpu.memory_space<hbm>> -> memref<8x8x128xf32, #tpu.memory_space<hbm>>
    %dma_wait3A_256 = arith.constant 0 : i32
    %dma_wait3A_257 = arith.constant 0 : i32
    %dma_wait3A_258 = arith.constant 0 : i32
    %dma_wait3A_259 = tpu.memref_slice %arg8[%dma_wait3A, %dma_wait3A_256, %dma_wait3A_257, %dma_wait3A_258] : memref<4x8x8x129xf32, #tpu.memory_space<vmem>> -> memref<1x8x8x128xf32, #tpu.memory_space<vmem>>
    %dma_wait3A_260 = tpu.memref_squeeze %dma_wait3A_259 : memref<1x8x8x128xf32, #tpu.memory_space<vmem>> -> memref<8x8x128xf32, #tpu.memory_space<vmem>>
    tpu.wait_dma2 semaphore(%arg13 : memref<!tpu.dma_semaphore, #tpu.memory_space<semaphore_mem>>) src(%dma_wait3A_260 : memref<8x8x128xf32, #tpu.memory_space<vmem>>) dst(%dma_wait3A_255 : memref<8x8x128xf32, #tpu.memory_space<hbm>>)
    %dma_wait3A_261 = arith.constant 1 : i32
    %dma_wait3A_262 = arith.constant 0 : i32
    %dma_wait3A_263 = arith.constant 0 : i32
    %dma_wait3A_264 = arith.constant 0 : i32
    %dma_wait3A_265 = arith.constant 0 : i32
    %dma_wait3A_266 = arith.constant 0 : i32
    %dma_wait3A_267 = tpu.memref_slice %arg8[%dma_wait3A_261, %dma_wait3A_264, %dma_wait3A_265, %dma_wait3A_266] : memref<4x8x8x129xf32, #tpu.memory_space<vmem>> -> memref<1x8x8x128xf32, #tpu.memory_space<vmem>>
    %dma_wait3A_268 = tpu.memref_squeeze %dma_wait3A_267 : memref<1x8x8x128xf32, #tpu.memory_space<vmem>> -> memref<8x8x128xf32, #tpu.memory_space<vmem>>
    %dma_wait3A_269 = arith.constant 0 : i32
    %dma_wait3A_270 = arith.constant 0 : i32
    %dma_wait3A_271 = arith.constant 0 : i32
    %dma_wait3A_272 = tpu.memref_slice %arg4[%dma_wait3A_262, %dma_wait3A_269, %dma_wait3A_263, %dma_wait3A_270, %dma_wait3A_271] : memref<50x8x128x8x128xf32, #tpu.memory_space<hbm>> -> memref<1x8x1x8x128xf32, #tpu.memory_space<hbm>>
    %dma_wait3A_273 = tpu.memref_squeeze %dma_wait3A_272 : memref<1x8x1x8x128xf32, #tpu.memory_space<hbm>> -> memref<8x8x128xf32, #tpu.memory_space<hbm>>
    %dma_wait3A_274 = arith.constant 0 : i32
    %dma_wait3A_275 = arith.constant 0 : i32
    %dma_wait3A_276 = arith.constant 0 : i32
    %dma_wait3A_277 = tpu.memref_slice %arg4[%dma_wait3A_262, %dma_wait3A_274, %dma_wait3A_263, %dma_wait3A_275, %dma_wait3A_276] : memref<50x8x128x8x128xf32, #tpu.memory_space<hbm>> -> memref<1x8x1x8x128xf32, #tpu.memory_space<hbm>>
    %dma_wait3A_278 = tpu.memref_squeeze %dma_wait3A_277 : memref<1x8x1x8x128xf32, #tpu.memory_space<hbm>> -> memref<8x8x128xf32, #tpu.memory_space<hbm>>
    %dma_wait3A_279 = arith.constant 0 : i32
    %dma_wait3A_280 = arith.constant 0 : i32
    %dma_wait3A_281 = arith.constant 0 : i32
    %dma_wait3A_282 = tpu.memref_slice %arg8[%dma_wait3A_261, %dma_wait3A_279, %dma_wait3A_280, %dma_wait3A_281] : memref<4x8x8x129xf32, #tpu.memory_space<vmem>> -> memref<1x8x8x128xf32, #tpu.memory_space<vmem>>
    %dma_wait3A_283 = tpu.memref_squeeze %dma_wait3A_282 : memref<1x8x8x128xf32, #tpu.memory_space<vmem>> -> memref<8x8x128xf32, #tpu.memory_space<vmem>>
    tpu.wait_dma2 semaphore(%arg14 : memref<!tpu.dma_semaphore, #tpu.memory_space<semaphore_mem>>) src(%dma_wait3A_283 : memref<8x8x128xf32, #tpu.memory_space<vmem>>) dst(%dma_wait3A_278 : memref<8x8x128xf32, #tpu.memory_space<hbm>>)
    %dma_wait3A_284 = arith.constant 2 : i32
    %dma_wait3A_285 = arith.constant 0 : i32
    %dma_wait3A_286 = arith.constant 0 : i32
    %dma_wait3A_287 = arith.constant 0 : i32
    %dma_wait3A_288 = arith.constant 0 : i32
    %dma_wait3A_289 = arith.constant 0 : i32
    %dma_wait3A_290 = tpu.memref_slice %arg8[%dma_wait3A_284, %dma_wait3A_287, %dma_wait3A_288, %dma_wait3A_289] : memref<4x8x8x129xf32, #tpu.memory_space<vmem>> -> memref<1x8x8x128xf32, #tpu.memory_space<vmem>>
    %dma_wait3A_291 = tpu.memref_squeeze %dma_wait3A_290 : memref<1x8x8x128xf32, #tpu.memory_space<vmem>> -> memref<8x8x128xf32, #tpu.memory_space<vmem>>
    %dma_wait3A_292 = arith.constant 0 : i32
    %dma_wait3A_293 = arith.constant 0 : i32
    %dma_wait3A_294 = arith.constant 0 : i32
    %dma_wait3A_295 = tpu.memref_slice %arg4[%dma_wait3A_285, %dma_wait3A_292, %dma_wait3A_286, %dma_wait3A_293, %dma_wait3A_294] : memref<50x8x128x8x128xf32, #tpu.memory_space<hbm>> -> memref<1x8x1x8x128xf32, #tpu.memory_space<hbm>>
    %dma_wait3A_296 = tpu.memref_squeeze %dma_wait3A_295 : memref<1x8x1x8x128xf32, #tpu.memory_space<hbm>> -> memref<8x8x128xf32, #tpu.memory_space<hbm>>
    %dma_wait3A_297 = arith.constant 0 : i32
    %dma_wait3A_298 = arith.constant 0 : i32
    %dma_wait3A_299 = arith.constant 0 : i32
    %dma_wait3A_300 = tpu.memref_slice %arg4[%dma_wait3A_285, %dma_wait3A_297, %dma_wait3A_286, %dma_wait3A_298, %dma_wait3A_299] : memref<50x8x128x8x128xf32, #tpu.memory_space<hbm>> -> memref<1x8x1x8x128xf32, #tpu.memory_space<hbm>>
    %dma_wait3A_301 = tpu.memref_squeeze %dma_wait3A_300 : memref<1x8x1x8x128xf32, #tpu.memory_space<hbm>> -> memref<8x8x128xf32, #tpu.memory_space<hbm>>
    %dma_wait3A_302 = arith.constant 0 : i32
    %dma_wait3A_303 = arith.constant 0 : i32
    %dma_wait3A_304 = arith.constant 0 : i32
    %dma_wait3A_305 = tpu.memref_slice %arg8[%dma_wait3A_284, %dma_wait3A_302, %dma_wait3A_303, %dma_wait3A_304] : memref<4x8x8x129xf32, #tpu.memory_space<vmem>> -> memref<1x8x8x128xf32, #tpu.memory_space<vmem>>
    %dma_wait3A_306 = tpu.memref_squeeze %dma_wait3A_305 : memref<1x8x8x128xf32, #tpu.memory_space<vmem>> -> memref<8x8x128xf32, #tpu.memory_space<vmem>>
    tpu.wait_dma2 semaphore(%arg15 : memref<!tpu.dma_semaphore, #tpu.memory_space<semaphore_mem>>) src(%dma_wait3A_306 : memref<8x8x128xf32, #tpu.memory_space<vmem>>) dst(%dma_wait3A_301 : memref<8x8x128xf32, #tpu.memory_space<hbm>>)
    %dma_wait3A_307 = arith.constant 3 : i32
    %dma_wait3A_308 = arith.constant 0 : i32
    %dma_wait3A_309 = arith.constant 0 : i32
    %dma_wait3A_310 = arith.constant 0 : i32
    %dma_wait3A_311 = arith.constant 0 : i32
    %dma_wait3A_312 = arith.constant 0 : i32
    %dma_wait3A_313 = tpu.memref_slice %arg8[%dma_wait3A_307, %dma_wait3A_310, %dma_wait3A_311, %dma_wait3A_312] : memref<4x8x8x129xf32, #tpu.memory_space<vmem>> -> memref<1x8x8x128xf32, #tpu.memory_space<vmem>>
    %dma_wait3A_314 = tpu.memref_squeeze %dma_wait3A_313 : memref<1x8x8x128xf32, #tpu.memory_space<vmem>> -> memref<8x8x128xf32, #tpu.memory_space<vmem>>
    %dma_wait3A_315 = arith.constant 0 : i32
    %dma_wait3A_316 = arith.constant 0 : i32
    %dma_wait3A_317 = arith.constant 0 : i32
    %dma_wait3A_318 = tpu.memref_slice %arg4[%dma_wait3A_308, %dma_wait3A_315, %dma_wait3A_309, %dma_wait3A_316, %dma_wait3A_317] : memref<50x8x128x8x128xf32, #tpu.memory_space<hbm>> -> memref<1x8x1x8x128xf32, #tpu.memory_space<hbm>>
    %dma_wait3A_319 = tpu.memref_squeeze %dma_wait3A_318 : memref<1x8x1x8x128xf32, #tpu.memory_space<hbm>> -> memref<8x8x128xf32, #tpu.memory_space<hbm>>
    %dma_wait3A_320 = arith.constant 0 : i32
    %dma_wait3A_321 = arith.constant 0 : i32
    %dma_wait3A_322 = arith.constant 0 : i32
    %dma_wait3A_323 = tpu.memref_slice %arg4[%dma_wait3A_308, %dma_wait3A_320, %dma_wait3A_309, %dma_wait3A_321, %dma_wait3A_322] : memref<50x8x128x8x128xf32, #tpu.memory_space<hbm>> -> memref<1x8x1x8x128xf32, #tpu.memory_space<hbm>>
    %dma_wait3A_324 = tpu.memref_squeeze %dma_wait3A_323 : memref<1x8x1x8x128xf32, #tpu.memory_space<hbm>> -> memref<8x8x128xf32, #tpu.memory_space<hbm>>
    %dma_wait3A_325 = arith.constant 0 : i32
    %dma_wait3A_326 = arith.constant 0 : i32
    %dma_wait3A_327 = arith.constant 0 : i32
    %dma_wait3A_328 = tpu.memref_slice %arg8[%dma_wait3A_307, %dma_wait3A_325, %dma_wait3A_326, %dma_wait3A_327] : memref<4x8x8x129xf32, #tpu.memory_space<vmem>> -> memref<1x8x8x128xf32, #tpu.memory_space<vmem>>
    %dma_wait3A_329 = tpu.memref_squeeze %dma_wait3A_328 : memref<1x8x8x128xf32, #tpu.memory_space<vmem>> -> memref<8x8x128xf32, #tpu.memory_space<vmem>>
    tpu.wait_dma2 semaphore(%arg16 : memref<!tpu.dma_semaphore, #tpu.memory_space<semaphore_mem>>) src(%dma_wait3A_329 : memref<8x8x128xf32, #tpu.memory_space<vmem>>) dst(%dma_wait3A_324 : memref<8x8x128xf32, #tpu.memory_space<hbm>>)
    return
  }
}

</mosaic_0001>

<sc_bundles>
// kernel: _lookup.3.cloned.1.call-start
scs
__scs_entry_jumppad:
0x0: {  	(pc) =	sbr.rel $0x88, $3  }
0x1: {  	(tag) =	ssettag $0x0;
	lr =	simm.s32 $0x1  }
0x2: {  	[smem:$0x3F9F] =	sst lr;
	_ =	strace $0xD0000000  }
0x3: {  	_ = 	snop  }
0x4: {  	_ = 	snop  }
0x5: {  	_ = 	snop  }
0x6: {  	_ = 	snop  }
0x7: {  	_ = 	snop  }
__scs_overlays_trampoline_lowered:
0x8: {  	[smem:$0x3FAE] =	sst s0  }
0x9: {  	[smem:$0x3FAF] =	sst s1  }
0xa: {  	[smem:$0x3FB0] =	sst s2  }
0xb: {  	[smem:$0x3FB1] =	sst s3  }
0xc: {  	[smem:$0x3FB2] =	sst s4  }
0xd: {  	[smem:$0x3FB3] =	sst s5  }
0xe: {  	[smem:$0x3FB4] =	sst s6  }
0xf: {  	[smem:$0x3FB5] =	sst s7  }
0x10: {  	[smem:$0x3FB6] =	sst s8  }
0x11: {  	[smem:$0x3FB7] =	sst s9;
	s0 =	simm.s32 @!p0 $0x0  }
0x12: {  	s1 =	sld [smem:$0x3F9D];
	s0 =	simm.s32 @p0 $0x1  }
0x13: {  	[smem:$0x3FB8] =	sst s0;
	s0 =	simm.s32 @!p1 $0x0  }
0x14: {  	s2 =	sld [smem:$0x3F9C];
	s0 =	simm.s32 @p1 $0x1  }
0x15: {  	[smem:$0x3FB9] =	sst s0;
	s0 =	simm.s32 @!p2 $0x0  }
0x16: {  	s3 =	sld [smem:$0x3FDB];
	s0 =	simm.s32 @p2 $0x1  }
0x17: {  	s4 =	simm.s32 $0x1BF5;
	[smem:$0x3FBB] =	sst s0  }
0x18: {  	s0 =	sld [smem:$0x3F9E];
	_ =	swait.ge [sflag:s4], $0x0  }
0x19: {  	s7 =	sld [smem:$0x3F9F]  }
0x1a: {  	s8 =	sadd.s32 $0xFFFFE003, lr  }
0x1b: {  	s9 =	sadd.s32 $0xFFFFFEF7, lr;
	s5 =	simm.s32 $0xFFFFFFFF;
	p2 =	slt.u32 s8, $0xFFFFF086  }
0x1c: {  	p1 =	slt.u32 s9, $0xF7A;
	s5 =	simm.s32 @!p2 $0x0  }
0x1d: {  	s5 =	simm.s32 @p1 $0x1;
	p0 =	seq.s32 s7, s2  }
0x1e: {  	s7 =	smul.u32 @!p0 $0xF7A, s2;
	p2 =	seq.s32 @!p0 s5, $0x0  }
0x1f: {  	s9 =	smul.u32 $0xF7A, s1;
	s8 =	simm.s32 @!p0 $0x1BF5;
	p2 =	por !p2, p0  }
0x20: {  	[sflag:s8] =	ssyncset.s32 @!p0 $0xFFFFF086;
	s6 =	sadd.s32 @!p0 s3, s7;
	s7 =	simm.s32 @!p0 $0x108  }
0x21: {  	s3 =	sadd.s32 s3, s9;
	s6 =	sadd.s32 @!p0 $0x88, s6;
	s7 =	simm.s32 @p2 $0x1082  }
0x22: {  	[simem:s7], [sflag:s8] =	dma.local @!p0 [hbm:s6], $0xF7A  }
0x23: {  	s9 =	sor.u32 $0xD0000000, s2;
	s6 =	simm.s32 $0x108;
	_ =	swait.ge @!p0 [sflag:s8], $0x0  }
0x24: {  	s3 =	sadd.s32 $0x88, s3;
	s6 =	simm.s32 @!p1 $0x1082;
	[sflag:s4] =	ssyncset.s32 $0xFFFFF086  }
0x25: {  	[simem:s6], [sflag:s4] =	dma.local [hbm:s3], $0xF7A  }
0x26: {  	[smem:$0x3F9F] =	sst s1;
	(tag) =	ssettag s2;
	_ =	strace s9  }
0x27: {  	s1 =	sld [smem:$0x3FAF]  }
0x28: {  	s2 =	sld [smem:$0x3FB0]  }
0x29: {  	s4 =	sld [smem:$0x3FB2]  }
0x2a: {  	p0 =	seq.s32 s5, $0x0;
	s5 =	sld [smem:$0x3FB3]  }
0x2b: {  	s6 =	sld [smem:$0x3FB4]  }
0x2c: {  	s7 =	sld [smem:$0x3FB5]  }
0x2d: {  	s3 =	simm.s32 $0x108;
	s8 =	sld [smem:$0x3FB6]  }
0x2e: {  	s3 =	simm.s32 @!p0 $0x1082;
	s9 =	sld [smem:$0x3FB7]  }
0x2f: {  	lr =	sadd.s32 s0, s3;
	s0 =	sld [smem:$0x3FAE]  }
0x30: {  	s3 =	sld [smem:$0x3FB1]  }
0x31: {  	[smem:$0x3FBA] =	sst s10  }
0x32: {  	s10 =	sld [smem:$0x3FB8];
	_ =	sdelay $0x3  }
0x33: {  	p0 =	seq.s32 s10, $0x1;
	s10 =	sld [smem:$0x3FBA];
	_ =	sdelay $0x3  }
0x34: {  	[smem:$0x3FBA] =	sst s10  }
0x35: {  	s10 =	sld [smem:$0x3FB9];
	_ =	sdelay $0x3  }
0x36: {  	p1 =	seq.s32 s10, $0x1;
	s10 =	sld [smem:$0x3FBA];
	_ =	sdelay $0x3  }
0x37: {  	[smem:$0x3FBA] =	sst s10  }
0x38: {  	s10 =	sld [smem:$0x3FBB]  }
0x39: {  	_ = 	snop;
	(pc) =	sbr.ind lr, $3  }
0x3a: {  	_ = 	snop  }
0x3b: {  	_ = 	snop  }
0x3c: {  	p2 =	seq.s32 s10, $0x1;
	s10 =	sld [smem:$0x3FBA]  }
0x3d: {  	_ =	shalt  }
0x3e: {  	_ =	shalt  }
0x3f: {  	_ =	shalt  }
0x40: {  	_ =	shalt  }
0x41: {  	_ =	shalt  }
0x42: {  	_ =	shalt  }
0x43: {  	_ =	shalt  }
0x44: {  	_ =	shalt  }
0x45: {  	_ =	shalt  }
0x46: {  	_ =	shalt  }
0x47: {  	_ =	shalt  }
0x48: {  	_ =	shalt  }
0x49: {  	_ =	shalt  }
0x4a: {  	_ =	shalt  }
0x4b: {  	_ =	shalt  }
0x4c: {  	_ =	shalt  }
0x4d: {  	_ =	shalt  }
0x4e: {  	_ =	shalt  }
0x4f: {  	_ =	shalt  }
0x50: {  	_ =	shalt  }
0x51: {  	_ =	shalt  }
0x52: {  	_ =	shalt  }
0x53: {  	_ =	shalt  }
0x54: {  	_ =	shalt  }
0x55: {  	_ =	shalt  }
0x56: {  	_ =	shalt  }
0x57: {  	_ =	shalt  }
0x58: {  	_ =	shalt  }
0x59: {  	_ =	shalt  }
0x5a: {  	_ =	shalt  }
0x5b: {  	_ =	shalt  }
0x5c: {  	_ =	shalt  }
0x5d: {  	_ =	shalt  }
0x5e: {  	_ =	shalt  }
0x5f: {  	_ =	shalt  }
0x60: {  	_ =	shalt  }
0x61: {  	_ =	shalt  }
0x62: {  	_ =	shalt  }
0x63: {  	_ =	shalt  }
0x64: {  	_ =	shalt  }
0x65: {  	_ =	shalt  }
0x66: {  	_ =	shalt  }
0x67: {  	_ =	shalt  }
0x68: {  	_ =	shalt  }
0x69: {  	_ =	shalt  }
0x6a: {  	_ =	shalt  }
0x6b: {  	_ =	shalt  }
0x6c: {  	_ =	shalt  }
0x6d: {  	_ =	shalt  }
0x6e: {  	_ =	shalt  }
0x6f: {  	_ =	shalt  }
0x70: {  	_ =	shalt  }
0x71: {  	_ =	shalt  }
0x72: {  	_ =	shalt  }
0x73: {  	_ =	shalt  }
0x74: {  	_ =	shalt  }
0x75: {  	_ =	shalt  }
0x76: {  	_ =	shalt  }
0x77: {  	_ =	shalt  }
0x78: {  	_ =	shalt  }
0x79: {  	_ =	shalt  }
0x7a: {  	_ =	shalt  }
0x7b: {  	_ =	shalt  }
0x7c: {  	_ =	shalt  }
0x7d: {  	_ =	shalt  }
0x7e: {  	_ =	shalt  }
0x7f: {  	_ =	shalt  }
0x80: {  	_ =	shalt  }
0x81: {  	_ =	shalt  }
0x82: {  	_ =	shalt  }
0x83: {  	_ =	shalt  }
0x84: {  	_ =	shalt  }
0x85: {  	_ =	shalt  }
0x86: {  	_ =	shalt  }
0x87: {  	_ =	shalt  }
.Lfunc_end0:
.L_simem_size_0:
called_computation.1_lowered:
.L_overlay_start_0:
0x88: {  	s2 =	sld [smem:$0x3FD9]  }
0x89: {  	s3 =	sld [smem:$0x3FFE];
	_ =	sdelay $0x1  }
0x8a: {  	s1 =	srdreg.scid  }
0x8b: {  	s0 =	sand.u32 $0x1, s1  }
0x8c: {  	s17 =	sshll.u32 s0, $0xA;
	s2 =	sadd.s32 s3, s2  }
0x8d: {  	s2 =	sadd.s32 s2, s17  }
0x8e: {  	[smem:$0x3FC6] =	sst s2  }
0x8f: {  	_ = 	snop  }
0x90: {  	s2 =	sld [smem:$0x3FD0];
	(tm) =	ssettm $0x1  }
0x91: {  	s18 =	sld [smem:$0x3FFB];
	_ =	sdelay $0x3  }
0x92: {  	_ =	strace s18  }
0x93: {  	s3 =	sld [smem:$0x3FFC];
	_ =	sdelay $0x3  }
0x94: {  	_ =	strace s3  }
0x95: {  	s3 =	sld [smem:$0x3FFD];
	_ =	sdelay $0x3  }
0x96: {  	_ =	strace s3  }
0x97: {  	_ =	strace $0x8FFFFFFF  }
0x98: {  	s19 =	sld [smem:$0x3FDB];
	_ =	sdelay $0x1  }
0x99: {  	s4 =	simm.s32 $_scs_section_size  }
0x9a: {  	s5 =	simm.s32 $_size__tile_overlayer_lowered;
	s6 =	simm.s32 $_tile_overlayer_lowered  }
0x9b: {  	s22 =	simm.s32 $0x1BFF;
	s21 =	sshll.u32 s6, $0x1;
	s3 =	sadd.s32 s4, s19  }
0x9c: {  	s7 =	simm.s32 $0x0;
	s20 =	sshll.u32 s5, $0x1;
	s5 =	sadd.s32 s21, s3  }
0x9d: {  	[timem:s7], [sflag:s22] =	dma.local [hbm:s5], s20  }
0x9e: {  	_ =	swait.ge [sflag:s22], s20  }
0x9f: {  	s4 =	ssub.s32 $0x0, s20;
	[sflag:s22] =	ssyncset.done $0x0  }
0xa0: {  	[sflag:s22] =	ssyncadd.s32 s4;
	_ =	sdelay $0x1  }
0xa1: {  	s23 =	simm.s32 $0x1B8B  }
0xa2: {  	_ =	swait.ge [sflag:s23], $0x1  }
0xa3: {  	[sflag:s23] =	ssyncset.done $0x0  }
0xa4: {  	s25 =	simm.s32 $0x1B8E;
	s24 =	sld [smem:$0x3FFE];
	[sflag:s23] =	ssyncadd.s32 $0xFFFFFFFF  }
0xa5: {  	s26 =	simm.s32 $execute0_lowered;
	[smem:$0x3FD2] =	sst s25  }
0xa6: {  	s5 =	sshll.u32 s26, $0x1;
	_ =	strace $0x80000049;
	[dreg:$0x1] =	wrdreg $0xFFFFFFFF  }
0xa7: {  	s28 =	simm.s32 $_size_execute0_lowered;
	s3 =	sadd.s32 s3, s5;
	[dreg:$0x0] =	wrdreg $0x0  }
0xa8: {  	s5 =	sshll.u32 s28, $0x1;
	[dreg:$0x2] =	wrdreg s3  }
0xa9: {  	[dreg:$0x3] =	wrdreg s5  }
0xaa: {  	[dreg:$0x4] =	wrdreg $0xC0  }
0xab: {  	_ =	task [dreg:s7], $0x5FFFF  }
0xac: {  	[dreg:$0x1] =	wrdreg $0xFFFFFFFF  }
0xad: {  	[dreg:$0x0] =	wrdreg $0x60  }
0xae: {  	[dreg:$0x2] =	wrdreg s24  }
0xaf: {  	[dreg:$0x3] =	wrdreg s2  }
0xb0: {  	[dreg:$0x4] =	wrdreg $0x9  }
0xb1: {  	_ =	task.clear_ibuf [dreg:s7], $0x5FFFF;
	_ =	strace $0x90000049  }
0xb2: {  	s29 =	simm.s32 $0x9;
	_ =	strace $0x8000004B  }
0xb3: {  	_ =	swait.ge [sflag:s29], $0x1  }
0xb4: {  	[sflag:s29] =	ssyncadd.s32 $0xFFFFFFFF  }
0xb5: {  	_ =	strace $0x9000004B  }
0xb6: {  	_ =	sfence  }
0xb7: {  	s30 =	sld [smem:$0x0];
	_ =	sdelay $0x2  }
0xb8: {  	s31 =	sshll.u32 s1, $0xD;
	s1 =	sshrl.u32 s1, $0x2  }
0xb9: {  	s3 =	sand.u32 $0x4000, s31;
	s1 =	sadd.s32 s1, s30  }
0xba: {  	s0 =	sor.u32 s3, s0;
	s1 =	sshll.u32 s1, $0x11  }
0xbb: {  	s0 =	sor.u32 s1, s0  }
0xbc: {  	s0 =	sadd.s32 $0x8F2B, s0  }
0xbd: {  	[sflag:s0] =	ssyncadd.remote.s32 $0x1  }
0xbe: {  	_ =	sfence.sel $0xFFFF  }
0xbf: {  	[dreg:$0x0] =	wrdreg $0xFFFFFFFF;
	(pc) =	sbr.abs _section_cstart, $3  }
0xc0: {  	[dreg:$0x1] =	wrdreg $0xFFFFFFFF  }
0xc1: {  	_ =	task.clear_ibuf [dreg:s7], $0x2FFFF;
	_ =	strace $0x9FFFFFFF  }
0xc2: {  	(tm) =	ssettm $0x7FFFFFFF  }
0xc3: {  	_ =	shalt  }
tec
execute0_lowered:
.L_overlay_start_1:
0x0: {  	(tag) =	ssettag $0x1  }
0x1: {  	v29 =	vlaneseq.u32  }
0x2: {  	v0 =	vmul.u32 $0x38, v29  }
0x3: {  	s0 =	rddreg [dreg:$0x0];
	s1 =	srdreg.scid  }
0x4: {  	s3 =	stileid.u32;
	s2 =	rddreg [dreg:$0x1];
	v29 =	vmul.u32 $0x88, v29;
	v1 =	vadd.s32 $0x380, v0  }
0x5: {  	s8 =	simm.s32 $0x9;
	s9 =	simm.s32 $0x80;
	s17 =	simm.s32 $0x13400;
	v2 =	vadd.s32 $0x700, v0;
	v3 =	vadd.s32 $0xA80, v0;
	v4 =	vadd.s32 $0xE00, v0  }
0x6: {  	s18 =	simm.s32 $0x1;
	s19 =	simm.s32 $0x15400;
	s20 =	simm.s32 $0x2;
	v5 =	vadd.s32 $0x1180, v0;
	v6 =	vadd.s32 $0x1500, v0;
	v7 =	vadd.s32 $0x1880, v0  }
0x7: {  	s21 =	simm.s32 $0x17600;
	s22 =	simm.s32 $0x3;
	s23 =	simm.s32 $0x19800;
	v8 =	vor.u32 $0x1C00, v0;
	v9 =	vadd.s32 $0x1F80, v0;
	v10 =	vadd.s32 $0x2300, v0  }
0x8: {  	s24 =	simm.s32 $0x4;
	s1 =	sand.u32 $0x1, s1;
	s4 =	sshll.u32 s3, $0x1;
	v11 =	vadd.s32 $0x2680, v0;
	v12 =	vadd.s32 $0x2A00, v0;
	v13 =	vadd.s32 $0x2D80, v0  }
0x9: {  	s25 =	simm.s32 $0x1BA00;
	s28 =	simm.s32 $0x6;
	s5 =	sor.u32 s1, s4;
	v14 =	vadd.s32 $0x3100, v0;
	v15 =	vadd.s32 $0x3480, v0;
	v16 =	vor.u32 $0x3800, v0  }
0xa: {  	s29 =	simm.s32 $0x7;
	s30 =	simm.s32 $0x8;
	s6 =	smul.u32 $0xE00, s5;
	v17 =	vadd.s32 $0x3B80, v0;
	v18 =	vadd.s32 $0x3F00, v0;
	v19 =	vadd.s32 $0x4280, v0  }
.Ltmp0:
0xb: {  	s31 =	simm.s32 $0x0;
	s3 =	simm.s32 $0x0;
	v20 =	vadd.s32 $0x4600, v0;
	v21 =	vadd.s32 $0x4980, v0;
	v22 =	vadd.s32 $0x4D00, v0;
	(pc) =	sbr.rel .LBB2_1-.Ltmp0, $4  }
0xc: {  	[smem:$0x7FF] =	sst s3;
	s1 =	ssub.s32 $0x2, s1;
	s4 =	sadd.s32 $0xF5EE00, s0;
	v23 =	vadd.s32 $0x5080, v0;
	v24 =	vor.u32 $0x5400, v0;
	v25 =	vadd.s32 $0x5780, v0  }
0xd: {  	_ =	strace $0x8000004A;
	s26 =	sshrl.u32 s1, $0x1;
	v26 =	vadd.s32 $0x5B00, v0;
	v27 =	vadd.s32 $0x5E80, v0;
	v28 =	vadd.s32 $0x6200, v0;
	s0 =	sadd.s32 s6, s0  }
0xe: {  	s5 =	sshll.u32 s5, $0x2;
	v30 =	vadd.s32 $0x6580, v0;
	v31 =	vadd.s32 $0x6900, v0;
	v32 =	vadd.s32 $0x6C80, v0;
	s1 =	ssub.s32 s1, s26;
	s0 =	sadd.s32 $0xF42E00, s0  }
0xf: {  	v33 =	vadd.s32 $0x880, v29;
	v34 =	vadd.s32 $0x1100, v29;
	v35 =	vadd.s32 $0x1980, v29;
	s26 =	simm.s32 $0x5;
	s7 =	smax.u32 s1, $0x1;
	[dreg:$0x3] =	wrdreg s0  }
.LBB2_22:
0x10: {  	_ =	swait.ge [sflag:s26], $0x2000  }
0x11: {  	[sflag:s26] =	ssyncset.done $0x0  }
0x12: {  	[sflag:s26] =	ssyncadd.s32 $0xFFFFE000  }
0x13: {  	_ =	swait.ge [sflag:s28], $0x2000  }
0x14: {  	[sflag:s28] =	ssyncset.done $0x0  }
0x15: {  	s31 =	sadd.s32 $0x1, s31;
	[sflag:s28] =	ssyncadd.s32 $0xFFFFE000  }
0x16: {  	p0 =	sne.s32 s31, s7;
	_ =	swait.ge [sflag:s29], $0x2000  }
.Ltmp1:
0x17: {  	[sflag:s29] =	ssyncset.done $0x0;
	(pc) =	sbr.rel @!p0 .LBB2_23-.Ltmp1, $4  }
0x18: {  	[sflag:s29] =	ssyncadd.s32 $0xFFFFE000  }
0x19: {  	_ =	swait.ge [sflag:s30], $0x2000  }
0x1a: {  	[sflag:s30] =	ssyncset.done $0x0  }
0x1b: {  	[sflag:s30] =	ssyncadd.s32 $0xFFFFE000  }
.LBB2_1:
0x1c: {  	v36 =	vmov s3  }
0x1d: {  	v36 =	vand.u32 $0x3F, v36  }
0x1e: {  	s0 =	rddreg [dreg:$0x3];
	v37 =	vadd.s32 v0, v36  }
0x1f: {  	[tilespmem:s3], [sflag:$0x9] =	stream.linear.gather [hbm4b:s0+s3], $0x7000, $0x38;
	[tilespmem:$0x1DC00] =	vst v63  }
0x20: {  	_ =	swait.ge [sflag:s8], $0x7000  }
0x21: {  	[sflag:s8] =	ssyncset.done $0x0  }
0x22: {  	[sflag:s8] =	ssyncadd.s32 $0xFFFF9000  }
0x23: {  	v37 =	vld.idx.msk [tilespmem:v37+s3+$0x0], $0xffff;
	_ =	sdelay $0x1  }
0x24: {  	v38 =	vadd.s32 v1, v36;
	_ =	sdelay $0x2  }
0x25: {  	s0 =	simm.s32 $0x7100;
	v37 =	vshll.u32 v37, $0x1  }
0x26: {  	[tilespmem:s0+$0xFFFFFF00] =	vst v37  }
0x27: {  	v37 =	vld.idx.msk [tilespmem:v38+s3+$0x0], $0xffff;
	_ =	sdelay $0x1  }
0x28: {  	v59 =	vadd.s32 v2, v36;
	_ =	sdelay $0x2  }
0x29: {  	v37 =	vshll.u32 v37, $0x1  }
0x2a: {  	[tilespmem:s0+$0xFFFFFF10] =	vst v37  }
0x2b: {  	v37 =	vld.idx.msk [tilespmem:v59+s3+$0x0], $0xffff;
	_ =	sdelay $0x1  }
0x2c: {  	v60 =	vadd.s32 v3, v36;
	_ =	sdelay $0x2  }
0x2d: {  	v37 =	vshll.u32 v37, $0x1  }
0x2e: {  	[tilespmem:s0+$0xFFFFFF20] =	vst v37  }
0x2f: {  	v37 =	vld.idx.msk [tilespmem:v60+s3+$0x0], $0xffff;
	_ =	sdelay $0x1  }
0x30: {  	v61 =	vadd.s32 v4, v36;
	_ =	sdelay $0x2  }
0x31: {  	v37 =	vshll.u32 v37, $0x1  }
0x32: {  	[tilespmem:s0+$0xFFFFFF30] =	vst v37  }
0x33: {  	v37 =	vld.idx.msk [tilespmem:v61+s3+$0x0], $0xffff;
	_ =	sdelay $0x1  }
0x34: {  	v62 =	vadd.s32 v5, v36;
	_ =	sdelay $0x2  }
0x35: {  	v37 =	vshll.u32 v37, $0x1  }
0x36: {  	[tilespmem:s0+$0xFFFFFF40] =	vst v37  }
0x37: {  	v37 =	vld.idx.msk [tilespmem:v62+s3+$0x0], $0xffff;
	_ =	sdelay $0x1  }
0x38: {  	v63 =	vadd.s32 v6, v36;
	_ =	sdelay $0x2  }
0x39: {  	v37 =	vshll.u32 v37, $0x1  }
0x3a: {  	[tilespmem:s0+$0xFFFFFF50] =	vst v37  }
0x3b: {  	v37 =	vld.idx.msk [tilespmem:v63+s3+$0x0], $0xffff;
	_ =	sdelay $0x1  }
0x3c: {  	v40 =	vadd.s32 v7, v36;
	_ =	sdelay $0x2  }
0x3d: {  	v37 =	vshll.u32 v37, $0x1  }
0x3e: {  	[tilespmem:s0+$0xFFFFFF60] =	vst v37  }
0x3f: {  	v37 =	vld.idx.msk [tilespmem:v40+s3+$0x0], $0xffff;
	_ =	sdelay $0x1  }
0x40: {  	v41 =	vadd.s32 v8, v36;
	_ =	sdelay $0x2  }
0x41: {  	v37 =	vshll.u32 v37, $0x1  }
0x42: {  	[tilespmem:s0+$0xFFFFFF70] =	vst v37  }
0x43: {  	v37 =	vld.idx.msk [tilespmem:v41+s3+$0x0], $0xffff;
	_ =	sdelay $0x1  }
0x44: {  	v42 =	vadd.s32 v9, v36;
	_ =	sdelay $0x2  }
0x45: {  	v37 =	vshll.u32 v37, $0x1  }
0x46: {  	[tilespmem:s0+$0xFFFFFF80] =	vst v37  }
0x47: {  	v37 =	vld.idx.msk [tilespmem:v42+s3+$0x0], $0xffff;
	_ =	sdelay $0x1  }
0x48: {  	v43 =	vadd.s32 v10, v36;
	_ =	sdelay $0x2  }
0x49: {  	v37 =	vshll.u32 v37, $0x1  }
0x4a: {  	[tilespmem:s0+$0xFFFFFF90] =	vst v37  }
0x4b: {  	v37 =	vld.idx.msk [tilespmem:v43+s3+$0x0], $0xffff;
	_ =	sdelay $0x1  }
0x4c: {  	v44 =	vadd.s32 v11, v36;
	_ =	sdelay $0x2  }
0x4d: {  	v37 =	vshll.u32 v37, $0x1  }
0x4e: {  	[tilespmem:s0+$0xFFFFFFA0] =	vst v37  }
0x4f: {  	v37 =	vld.idx.msk [tilespmem:v44+s3+$0x0], $0xffff;
	_ =	sdelay $0x1  }
0x50: {  	v45 =	vadd.s32 v12, v36;
	_ =	sdelay $0x2  }
0x51: {  	v37 =	vshll.u32 v37, $0x1  }
0x52: {  	[tilespmem:s0+$0xFFFFFFB0] =	vst v37  }
0x53: {  	v37 =	vld.idx.msk [tilespmem:v45+s3+$0x0], $0xffff;
	_ =	sdelay $0x1  }
0x54: {  	v46 =	vadd.s32 v13, v36;
	_ =	sdelay $0x2  }
0x55: {  	v37 =	vshll.u32 v37, $0x1  }
0x56: {  	[tilespmem:s0+$0xFFFFFFC0] =	vst v37  }
0x57: {  	v37 =	vld.idx.msk [tilespmem:v46+s3+$0x0], $0xffff;
	_ =	sdelay $0x1  }
0x58: {  	v47 =	vadd.s32 v14, v36;
	_ =	sdelay $0x2  }
0x59: {  	v37 =	vshll.u32 v37, $0x1  }
0x5a: {  	[tilespmem:s0+$0xFFFFFFD0] =	vst v37  }
0x5b: {  	v37 =	vld.idx.msk [tilespmem:v47+s3+$0x0], $0xffff;
	_ =	sdelay $0x1  }
0x5c: {  	v48 =	vadd.s32 v15, v36;
	_ =	sdelay $0x2  }
0x5d: {  	v37 =	vshll.u32 v37, $0x1  }
0x5e: {  	[tilespmem:s0+$0xFFFFFFE0] =	vst v37  }
0x5f: {  	v37 =	vld.idx.msk [tilespmem:v48+s3+$0x0], $0xffff;
	_ =	sdelay $0x1  }
0x60: {  	v49 =	vadd.s32 v16, v36;
	_ =	sdelay $0x2  }
0x61: {  	v37 =	vshll.u32 v37, $0x1  }
0x62: {  	[tilespmem:s0+$0xFFFFFFF0] =	vst v37  }
0x63: {  	v37 =	vld.idx.msk [tilespmem:v49+s3+$0x0], $0xffff;
	_ =	sdelay $0x1  }
0x64: {  	v50 =	vadd.s32 v17, v36;
	_ =	sdelay $0x2  }
0x65: {  	v37 =	vshll.u32 v37, $0x1  }
0x66: {  	[tilespmem:s0+$0x0] =	vst v37  }
0x67: {  	v37 =	vld.idx.msk [tilespmem:v50+s3+$0x0], $0xffff;
	_ =	sdelay $0x1  }
0x68: {  	v51 =	vadd.s32 v18, v36;
	_ =	sdelay $0x2  }
0x69: {  	v37 =	vshll.u32 v37, $0x1  }
0x6a: {  	[tilespmem:s0+$0x10] =	vst v37  }
0x6b: {  	v37 =	vld.idx.msk [tilespmem:v51+s3+$0x0], $0xffff;
	_ =	sdelay $0x1  }
0x6c: {  	v52 =	vadd.s32 v19, v36;
	_ =	sdelay $0x2  }
0x6d: {  	v37 =	vshll.u32 v37, $0x1  }
0x6e: {  	[tilespmem:s0+$0x20] =	vst v37  }
0x6f: {  	v37 =	vld.idx.msk [tilespmem:v52+s3+$0x0], $0xffff;
	_ =	sdelay $0x1  }
0x70: {  	v53 =	vadd.s32 v20, v36;
	_ =	sdelay $0x2  }
0x71: {  	v37 =	vshll.u32 v37, $0x1  }
0x72: {  	[tilespmem:s0+$0x30] =	vst v37  }
0x73: {  	v37 =	vld.idx.msk [tilespmem:v53+s3+$0x0], $0xffff;
	_ =	sdelay $0x1  }
0x74: {  	v54 =	vadd.s32 v21, v36;
	_ =	sdelay $0x2  }
0x75: {  	v37 =	vshll.u32 v37, $0x1  }
0x76: {  	[tilespmem:s0+$0x40] =	vst v37  }
0x77: {  	v37 =	vld.idx.msk [tilespmem:v54+s3+$0x0], $0xffff;
	_ =	sdelay $0x1  }
0x78: {  	v55 =	vadd.s32 v22, v36;
	_ =	sdelay $0x2  }
0x79: {  	v37 =	vshll.u32 v37, $0x1  }
0x7a: {  	[tilespmem:s0+$0x50] =	vst v37  }
0x7b: {  	v37 =	vld.idx.msk [tilespmem:v55+s3+$0x0], $0xffff;
	_ =	sdelay $0x1  }
0x7c: {  	v56 =	vadd.s32 v23, v36;
	_ =	sdelay $0x2  }
0x7d: {  	v37 =	vshll.u32 v37, $0x1  }
0x7e: {  	[tilespmem:s0+$0x60] =	vst v37  }
0x7f: {  	v37 =	vld.idx.msk [tilespmem:v56+s3+$0x0], $0xffff;
	_ =	sdelay $0x1  }
0x80: {  	v57 =	vadd.s32 v24, v36;
	_ =	sdelay $0x2  }
0x81: {  	v37 =	vshll.u32 v37, $0x1  }
0x82: {  	[tilespmem:s0+$0x70] =	vst v37  }
0x83: {  	v37 =	vld.idx.msk [tilespmem:v57+s3+$0x0], $0xffff;
	_ =	sdelay $0x1  }
0x84: {  	v58 =	vadd.s32 v25, v36;
	_ =	sdelay $0x2  }
0x85: {  	v37 =	vshll.u32 v37, $0x1  }
0x86: {  	[tilespmem:s0+$0x80] =	vst v37  }
0x87: {  	v37 =	vld.idx.msk [tilespmem:v58+s3+$0x0], $0xffff;
	_ =	sdelay $0x1  }
0x88: {  	v59 =	vadd.s32 v26, v36;
	_ =	sdelay $0x2  }
0x89: {  	v37 =	vshll.u32 v37, $0x1  }
0x8a: {  	[tilespmem:s0+$0x90] =	vst v37  }
0x8b: {  	v37 =	vld.idx.msk [tilespmem:v59+s3+$0x0], $0xffff;
	_ =	sdelay $0x1  }
0x8c: {  	v60 =	vadd.s32 v27, v36;
	_ =	sdelay $0x2  }
0x8d: {  	v37 =	vshll.u32 v37, $0x1  }
0x8e: {  	[tilespmem:s0+$0xA0] =	vst v37  }
0x8f: {  	v37 =	vld.idx.msk [tilespmem:v60+s3+$0x0], $0xffff;
	_ =	sdelay $0x1  }
0x90: {  	v61 =	vadd.s32 v28, v36;
	_ =	sdelay $0x2  }
0x91: {  	v37 =	vshll.u32 v37, $0x1  }
0x92: {  	[tilespmem:s0+$0xB0] =	vst v37  }
0x93: {  	v37 =	vld.idx.msk [tilespmem:v61+s3+$0x0], $0xffff;
	_ =	sdelay $0x1  }
0x94: {  	v62 =	vadd.s32 v30, v36;
	_ =	sdelay $0x2  }
0x95: {  	v37 =	vshll.u32 v37, $0x1  }
0x96: {  	[tilespmem:s0+$0xC0] =	vst v37  }
0x97: {  	v37 =	vld.idx.msk [tilespmem:v62+s3+$0x0], $0xffff;
	_ =	sdelay $0x1  }
0x98: {  	v63 =	vadd.s32 v31, v36;
	_ =	sdelay $0x2  }
0x99: {  	v37 =	vshll.u32 v37, $0x1  }
0x9a: {  	[tilespmem:s0+$0xD0] =	vst v37  }
0x9b: {  	v37 =	vld.idx.msk [tilespmem:v63+s3+$0x0], $0xffff;
	_ =	sdelay $0x1  }
0x9c: {  	v36 =	vadd.s32 v32, v36;
	_ =	sdelay $0x2  }
0x9d: {  	v37 =	vshll.u32 v37, $0x1  }
0x9e: {  	s1 =	simm.s32 $0x1;
	[tilespmem:s0+$0xE0] =	vst v37  }
0x9f: {  	v37 =	vld.idx.msk [tilespmem:v36+s3+$0x0], $0xffff;
	v36 =	vmov s1;
	s1 =	simm.s32 $0x2  }
.LBB2_2:
0xa0: {  	p0 =	sne.s32 s1, $0x31;
	v36 =	vand.u32 $0x3F, v36  }
0xa1: {  	v38 =	vadd.s32 v0, v36;
	_ =	sdelay $0x2  }
0xa2: {  	v37 =	vshll.u32 v37, $0x1  }
0xa3: {  	[tilespmem:s0+$0xF0] =	vst v37  }
0xa4: {  	v37 =	vld.idx.msk [tilespmem:v38+s3+$0x0], $0xffff;
	_ =	sdelay $0x2  }
0xa5: {  	v38 =	vadd.s32 v1, v36;
	_ =	sdelay $0x2  }
0xa6: {  	s0 =	sadd.s32 $0x200, s0;
	v37 =	vshll.u32 v37, $0x1  }
0xa7: {  	[tilespmem:s0+$0xFFFFFF00] =	vst v37  }
0xa8: {  	v37 =	vld.idx.msk [tilespmem:v38+s3+$0x0], $0xffff;
	_ =	sdelay $0x2  }
0xa9: {  	v38 =	vadd.s32 v2, v36;
	_ =	sdelay $0x2  }
0xaa: {  	v37 =	vshll.u32 v37, $0x1  }
0xab: {  	[tilespmem:s0+$0xFFFFFF10] =	vst v37  }
0xac: {  	v37 =	vld.idx.msk [tilespmem:v38+s3+$0x0], $0xffff;
	_ =	sdelay $0x2  }
0xad: {  	v38 =	vadd.s32 v3, v36;
	_ =	sdelay $0x2  }
0xae: {  	v37 =	vshll.u32 v37, $0x1  }
0xaf: {  	[tilespmem:s0+$0xFFFFFF20] =	vst v37  }
0xb0: {  	v37 =	vld.idx.msk [tilespmem:v38+s3+$0x0], $0xffff;
	_ =	sdelay $0x2  }
0xb1: {  	v38 =	vadd.s32 v4, v36;
	_ =	sdelay $0x2  }
0xb2: {  	v37 =	vshll.u32 v37, $0x1  }
0xb3: {  	[tilespmem:s0+$0xFFFFFF30] =	vst v37  }
0xb4: {  	v37 =	vld.idx.msk [tilespmem:v38+s3+$0x0], $0xffff;
	_ =	sdelay $0x2  }
0xb5: {  	v38 =	vadd.s32 v5, v36;
	_ =	sdelay $0x2  }
0xb6: {  	v37 =	vshll.u32 v37, $0x1  }
0xb7: {  	[tilespmem:s0+$0xFFFFFF40] =	vst v37  }
0xb8: {  	v37 =	vld.idx.msk [tilespmem:v38+s3+$0x0], $0xffff;
	_ =	sdelay $0x2  }
0xb9: {  	v38 =	vadd.s32 v6, v36;
	_ =	sdelay $0x2  }
0xba: {  	v37 =	vshll.u32 v37, $0x1  }
0xbb: {  	[tilespmem:s0+$0xFFFFFF50] =	vst v37  }
0xbc: {  	v37 =	vld.idx.msk [tilespmem:v38+s3+$0x0], $0xffff;
	_ =	sdelay $0x2  }
0xbd: {  	v38 =	vadd.s32 v7, v36;
	_ =	sdelay $0x2  }
0xbe: {  	v37 =	vshll.u32 v37, $0x1  }
0xbf: {  	[tilespmem:s0+$0xFFFFFF60] =	vst v37  }
0xc0: {  	v37 =	vld.idx.msk [tilespmem:v38+s3+$0x0], $0xffff;
	_ =	sdelay $0x2  }
0xc1: {  	v38 =	vadd.s32 v8, v36;
	_ =	sdelay $0x2  }
0xc2: {  	v37 =	vshll.u32 v37, $0x1  }
0xc3: {  	[tilespmem:s0+$0xFFFFFF70] =	vst v37  }
0xc4: {  	v37 =	vld.idx.msk [tilespmem:v38+s3+$0x0], $0xffff;
	_ =	sdelay $0x2  }
0xc5: {  	v38 =	vadd.s32 v9, v36;
	_ =	sdelay $0x2  }
0xc6: {  	v37 =	vshll.u32 v37, $0x1  }
0xc7: {  	[tilespmem:s0+$0xFFFFFF80] =	vst v37  }
0xc8: {  	v37 =	vld.idx.msk [tilespmem:v38+s3+$0x0], $0xffff;
	_ =	sdelay $0x2  }
0xc9: {  	v38 =	vadd.s32 v10, v36;
	_ =	sdelay $0x2  }
0xca: {  	v37 =	vshll.u32 v37, $0x1  }
0xcb: {  	[tilespmem:s0+$0xFFFFFF90] =	vst v37  }
0xcc: {  	v37 =	vld.idx.msk [tilespmem:v38+s3+$0x0], $0xffff;
	_ =	sdelay $0x2  }
0xcd: {  	v38 =	vadd.s32 v11, v36;
	_ =	sdelay $0x2  }
0xce: {  	v37 =	vshll.u32 v37, $0x1  }
0xcf: {  	[tilespmem:s0+$0xFFFFFFA0] =	vst v37  }
0xd0: {  	v37 =	vld.idx.msk [tilespmem:v38+s3+$0x0], $0xffff;
	_ =	sdelay $0x2  }
0xd1: {  	v38 =	vadd.s32 v12, v36;
	_ =	sdelay $0x2  }
0xd2: {  	v37 =	vshll.u32 v37, $0x1  }
0xd3: {  	[tilespmem:s0+$0xFFFFFFB0] =	vst v37  }
0xd4: {  	v37 =	vld.idx.msk [tilespmem:v38+s3+$0x0], $0xffff;
	_ =	sdelay $0x2  }
0xd5: {  	v38 =	vadd.s32 v13, v36;
	_ =	sdelay $0x2  }
0xd6: {  	v37 =	vshll.u32 v37, $0x1  }
0xd7: {  	[tilespmem:s0+$0xFFFFFFC0] =	vst v37  }
0xd8: {  	v37 =	vld.idx.msk [tilespmem:v38+s3+$0x0], $0xffff;
	_ =	sdelay $0x2  }
0xd9: {  	v38 =	vadd.s32 v14, v36;
	_ =	sdelay $0x2  }
0xda: {  	v37 =	vshll.u32 v37, $0x1  }
0xdb: {  	[tilespmem:s0+$0xFFFFFFD0] =	vst v37  }
0xdc: {  	v37 =	vld.idx.msk [tilespmem:v38+s3+$0x0], $0xffff;
	_ =	sdelay $0x2  }
0xdd: {  	v38 =	vadd.s32 v15, v36;
	_ =	sdelay $0x2  }
0xde: {  	v37 =	vshll.u32 v37, $0x1  }
0xdf: {  	[tilespmem:s0+$0xFFFFFFE0] =	vst v37  }
0xe0: {  	v37 =	vld.idx.msk [tilespmem:v38+s3+$0x0], $0xffff;
	_ =	sdelay $0x2  }
0xe1: {  	v38 =	vadd.s32 v16, v36;
	_ =	sdelay $0x2  }
0xe2: {  	v37 =	vshll.u32 v37, $0x1  }
0xe3: {  	[tilespmem:s0+$0xFFFFFFF0] =	vst v37  }
0xe4: {  	v37 =	vld.idx.msk [tilespmem:v38+s3+$0x0], $0xffff;
	_ =	sdelay $0x2  }
0xe5: {  	v38 =	vadd.s32 v17, v36;
	_ =	sdelay $0x2  }
0xe6: {  	v37 =	vshll.u32 v37, $0x1  }
0xe7: {  	[tilespmem:s0+$0x0] =	vst v37  }
0xe8: {  	v37 =	vld.idx.msk [tilespmem:v38+s3+$0x0], $0xffff;
	_ =	sdelay $0x2  }
0xe9: {  	v38 =	vadd.s32 v18, v36;
	_ =	sdelay $0x2  }
0xea: {  	v37 =	vshll.u32 v37, $0x1  }
0xeb: {  	[tilespmem:s0+$0x10] =	vst v37  }
0xec: {  	v37 =	vld.idx.msk [tilespmem:v38+s3+$0x0], $0xffff;
	_ =	sdelay $0x2  }
0xed: {  	v38 =	vadd.s32 v19, v36;
	_ =	sdelay $0x2  }
0xee: {  	v37 =	vshll.u32 v37, $0x1  }
0xef: {  	[tilespmem:s0+$0x20] =	vst v37  }
0xf0: {  	v37 =	vld.idx.msk [tilespmem:v38+s3+$0x0], $0xffff;
	_ =	sdelay $0x2  }
0xf1: {  	v38 =	vadd.s32 v20, v36;
	_ =	sdelay $0x2  }
0xf2: {  	v37 =	vshll.u32 v37, $0x1  }
0xf3: {  	[tilespmem:s0+$0x30] =	vst v37  }
0xf4: {  	v37 =	vld.idx.msk [tilespmem:v38+s3+$0x0], $0xffff;
	_ =	sdelay $0x2  }
0xf5: {  	v38 =	vadd.s32 v21, v36;
	_ =	sdelay $0x2  }
0xf6: {  	v37 =	vshll.u32 v37, $0x1  }
0xf7: {  	[tilespmem:s0+$0x40] =	vst v37  }
0xf8: {  	v37 =	vld.idx.msk [tilespmem:v38+s3+$0x0], $0xffff;
	_ =	sdelay $0x2  }
0xf9: {  	v38 =	vadd.s32 v22, v36;
	_ =	sdelay $0x2  }
0xfa: {  	v37 =	vshll.u32 v37, $0x1  }
0xfb: {  	[tilespmem:s0+$0x50] =	vst v37  }
0xfc: {  	v37 =	vld.idx.msk [tilespmem:v38+s3+$0x0], $0xffff;
	_ =	sdelay $0x2  }
0xfd: {  	v38 =	vadd.s32 v23, v36;
	_ =	sdelay $0x2  }
0xfe: {  	v37 =	vshll.u32 v37, $0x1  }
0xff: {  	[tilespmem:s0+$0x60] =	vst v37  }
0x100: {  	v37 =	vld.idx.msk [tilespmem:v38+s3+$0x0], $0xffff;
	_ =	sdelay $0x2  }
0x101: {  	v38 =	vadd.s32 v24, v36;
	_ =	sdelay $0x2  }
0x102: {  	v37 =	vshll.u32 v37, $0x1  }
0x103: {  	[tilespmem:s0+$0x70] =	vst v37  }
0x104: {  	v37 =	vld.idx.msk [tilespmem:v38+s3+$0x0], $0xffff;
	_ =	sdelay $0x2  }
0x105: {  	v38 =	vadd.s32 v25, v36;
	_ =	sdelay $0x2  }
0x106: {  	v37 =	vshll.u32 v37, $0x1  }
0x107: {  	[tilespmem:s0+$0x80] =	vst v37  }
0x108: {  	v37 =	vld.idx.msk [tilespmem:v38+s3+$0x0], $0xffff;
	_ =	sdelay $0x2  }
0x109: {  	v38 =	vadd.s32 v26, v36;
	_ =	sdelay $0x2  }
0x10a: {  	v37 =	vshll.u32 v37, $0x1  }
0x10b: {  	[tilespmem:s0+$0x90] =	vst v37  }
0x10c: {  	v37 =	vld.idx.msk [tilespmem:v38+s3+$0x0], $0xffff;
	_ =	sdelay $0x2  }
0x10d: {  	v38 =	vadd.s32 v27, v36;
	_ =	sdelay $0x2  }
0x10e: {  	v37 =	vshll.u32 v37, $0x1  }
0x10f: {  	[tilespmem:s0+$0xA0] =	vst v37  }
0x110: {  	v37 =	vld.idx.msk [tilespmem:v38+s3+$0x0], $0xffff;
	_ =	sdelay $0x2  }
0x111: {  	v38 =	vadd.s32 v28, v36;
	_ =	sdelay $0x2  }
0x112: {  	v37 =	vshll.u32 v37, $0x1  }
0x113: {  	[tilespmem:s0+$0xB0] =	vst v37  }
0x114: {  	v37 =	vld.idx.msk [tilespmem:v38+s3+$0x0], $0xffff;
	_ =	sdelay $0x2  }
0x115: {  	v38 =	vadd.s32 v30, v36;
	_ =	sdelay $0x2  }
0x116: {  	v37 =	vshll.u32 v37, $0x1  }
0x117: {  	[tilespmem:s0+$0xC0] =	vst v37  }
0x118: {  	v37 =	vld.idx.msk [tilespmem:v38+s3+$0x0], $0xffff;
	_ =	sdelay $0x2  }
0x119: {  	v38 =	vadd.s32 v31, v36;
	_ =	sdelay $0x2  }
0x11a: {  	v37 =	vshll.u32 v37, $0x1  }
0x11b: {  	[tilespmem:s0+$0xD0] =	vst v37  }
0x11c: {  	v37 =	vld.idx.msk [tilespmem:v38+s3+$0x0], $0xffff;
	_ =	sdelay $0x2  }
0x11d: {  	v36 =	vadd.s32 v32, v36;
	_ =	sdelay $0x1  }
.Ltmp2:
0x11e: {  	(pc) =	sbr.rel @p0 .LBB2_2-.Ltmp2, $4  }
0x11f: {  	v37 =	vshll.u32 v37, $0x1  }
0x120: {  	[tilespmem:s0+$0xE0] =	vst v37  }
0x121: {  	v37 =	vld.idx.msk [tilespmem:v36+s3+$0x0], $0xffff  }
0x122: {  	v36 =	vmov s1;
	s1 =	sadd.s32 $0x1, s1  }
0x123: {  	v36 =	vand.u32 $0x3F, v36  }
0x124: {  	v38 =	vadd.s32 v0, v36;
	_ =	sdelay $0x2  }
0x125: {  	v37 =	vshll.u32 v37, $0x1  }
0x126: {  	[tilespmem:s0+$0xF0] =	vst v37  }
0x127: {  	v37 =	vld.idx.msk [tilespmem:v38+s3+$0x0], $0xffff;
	_ =	sdelay $0x1  }
0x128: {  	v58 =	vadd.s32 v1, v36;
	_ =	sdelay $0x2  }
0x129: {  	s10 =	sadd.s32 $0x200, s0;
	v37 =	vshll.u32 v37, $0x1  }
0x12a: {  	[tilespmem:s10+$0xFFFFFF00] =	vst v37  }
0x12b: {  	v37 =	vld.idx.msk [tilespmem:v58+s3+$0x0], $0xffff;
	_ =	sdelay $0x1  }
0x12c: {  	v59 =	vadd.s32 v2, v36;
	_ =	sdelay $0x2  }
0x12d: {  	v37 =	vshll.u32 v37, $0x1  }
0x12e: {  	[tilespmem:s10+$0xFFFFFF10] =	vst v37  }
0x12f: {  	v37 =	vld.idx.msk [tilespmem:v59+s3+$0x0], $0xffff;
	_ =	sdelay $0x1  }
0x130: {  	v60 =	vadd.s32 v3, v36;
	_ =	sdelay $0x2  }
0x131: {  	v37 =	vshll.u32 v37, $0x1  }
0x132: {  	[tilespmem:s10+$0xFFFFFF20] =	vst v37  }
0x133: {  	v37 =	vld.idx.msk [tilespmem:v60+s3+$0x0], $0xffff;
	_ =	sdelay $0x1  }
0x134: {  	v61 =	vadd.s32 v4, v36;
	_ =	sdelay $0x2  }
0x135: {  	v37 =	vshll.u32 v37, $0x1  }
0x136: {  	[tilespmem:s10+$0xFFFFFF30] =	vst v37  }
0x137: {  	v37 =	vld.idx.msk [tilespmem:v61+s3+$0x0], $0xffff;
	_ =	sdelay $0x1  }
0x138: {  	v62 =	vadd.s32 v5, v36;
	_ =	sdelay $0x2  }
0x139: {  	v37 =	vshll.u32 v37, $0x1  }
0x13a: {  	[tilespmem:s10+$0xFFFFFF40] =	vst v37  }
0x13b: {  	v37 =	vld.idx.msk [tilespmem:v62+s3+$0x0], $0xffff;
	_ =	sdelay $0x1  }
0x13c: {  	v63 =	vadd.s32 v6, v36;
	_ =	sdelay $0x2  }
0x13d: {  	v37 =	vshll.u32 v37, $0x1  }
0x13e: {  	[tilespmem:s10+$0xFFFFFF50] =	vst v37  }
0x13f: {  	v37 =	vld.idx.msk [tilespmem:v63+s3+$0x0], $0xffff;
	_ =	sdelay $0x1  }
0x140: {  	v40 =	vadd.s32 v7, v36;
	_ =	sdelay $0x2  }
0x141: {  	v37 =	vshll.u32 v37, $0x1  }
0x142: {  	[tilespmem:s10+$0xFFFFFF60] =	vst v37  }
0x143: {  	v37 =	vld.idx.msk [tilespmem:v40+s3+$0x0], $0xffff;
	_ =	sdelay $0x1  }
0x144: {  	v41 =	vadd.s32 v8, v36;
	_ =	sdelay $0x2  }
0x145: {  	v37 =	vshll.u32 v37, $0x1  }
0x146: {  	[tilespmem:s10+$0xFFFFFF70] =	vst v37  }
0x147: {  	v37 =	vld.idx.msk [tilespmem:v41+s3+$0x0], $0xffff;
	_ =	sdelay $0x1  }
0x148: {  	v42 =	vadd.s32 v9, v36;
	_ =	sdelay $0x2  }
0x149: {  	v37 =	vshll.u32 v37, $0x1  }
0x14a: {  	[tilespmem:s10+$0xFFFFFF80] =	vst v37  }
0x14b: {  	v37 =	vld.idx.msk [tilespmem:v42+s3+$0x0], $0xffff;
	_ =	sdelay $0x1  }
0x14c: {  	v43 =	vadd.s32 v10, v36;
	_ =	sdelay $0x2  }
0x14d: {  	v37 =	vshll.u32 v37, $0x1  }
0x14e: {  	[tilespmem:s10+$0xFFFFFF90] =	vst v37  }
0x14f: {  	v37 =	vld.idx.msk [tilespmem:v43+s3+$0x0], $0xffff;
	_ =	sdelay $0x1  }
0x150: {  	v44 =	vadd.s32 v11, v36;
	_ =	sdelay $0x2  }
0x151: {  	v37 =	vshll.u32 v37, $0x1  }
0x152: {  	[tilespmem:s10+$0xFFFFFFA0] =	vst v37  }
0x153: {  	v37 =	vld.idx.msk [tilespmem:v44+s3+$0x0], $0xffff;
	_ =	sdelay $0x1  }
0x154: {  	v45 =	vadd.s32 v12, v36;
	_ =	sdelay $0x2  }
0x155: {  	v37 =	vshll.u32 v37, $0x1  }
0x156: {  	[tilespmem:s10+$0xFFFFFFB0] =	vst v37  }
0x157: {  	v37 =	vld.idx.msk [tilespmem:v45+s3+$0x0], $0xffff;
	_ =	sdelay $0x1  }
0x158: {  	v46 =	vadd.s32 v13, v36;
	_ =	sdelay $0x2  }
0x159: {  	v37 =	vshll.u32 v37, $0x1  }
0x15a: {  	[tilespmem:s10+$0xFFFFFFC0] =	vst v37  }
0x15b: {  	v37 =	vld.idx.msk [tilespmem:v46+s3+$0x0], $0xffff;
	_ =	sdelay $0x1  }
0x15c: {  	v47 =	vadd.s32 v14, v36;
	_ =	sdelay $0x2  }
0x15d: {  	v37 =	vshll.u32 v37, $0x1  }
0x15e: {  	[tilespmem:s10+$0xFFFFFFD0] =	vst v37  }
0x15f: {  	v37 =	vld.idx.msk [tilespmem:v47+s3+$0x0], $0xffff;
	_ =	sdelay $0x1  }
0x160: {  	v48 =	vadd.s32 v15, v36;
	_ =	sdelay $0x2  }
0x161: {  	v37 =	vshll.u32 v37, $0x1  }
0x162: {  	[tilespmem:s10+$0xFFFFFFE0] =	vst v37  }
0x163: {  	v37 =	vld.idx.msk [tilespmem:v48+s3+$0x0], $0xffff;
	_ =	sdelay $0x1  }
0x164: {  	v49 =	vadd.s32 v16, v36;
	_ =	sdelay $0x2  }
0x165: {  	v37 =	vshll.u32 v37, $0x1  }
0x166: {  	[tilespmem:s10+$0xFFFFFFF0] =	vst v37  }
0x167: {  	v37 =	vld.idx.msk [tilespmem:v49+s3+$0x0], $0xffff;
	_ =	sdelay $0x1  }
0x168: {  	v50 =	vadd.s32 v17, v36;
	_ =	sdelay $0x2  }
0x169: {  	v37 =	vshll.u32 v37, $0x1  }
0x16a: {  	[tilespmem:s10+$0x0] =	vst v37  }
0x16b: {  	v37 =	vld.idx.msk [tilespmem:v50+s3+$0x0], $0xffff;
	_ =	sdelay $0x1  }
0x16c: {  	v51 =	vadd.s32 v18, v36;
	_ =	sdelay $0x2  }
0x16d: {  	v37 =	vshll.u32 v37, $0x1  }
0x16e: {  	[tilespmem:s10+$0x10] =	vst v37  }
0x16f: {  	v37 =	vld.idx.msk [tilespmem:v51+s3+$0x0], $0xffff;
	_ =	sdelay $0x1  }
0x170: {  	v52 =	vadd.s32 v19, v36;
	_ =	sdelay $0x2  }
0x171: {  	v37 =	vshll.u32 v37, $0x1  }
0x172: {  	[tilespmem:s10+$0x20] =	vst v37  }
0x173: {  	v37 =	vld.idx.msk [tilespmem:v52+s3+$0x0], $0xffff;
	_ =	sdelay $0x1  }
0x174: {  	v53 =	vadd.s32 v20, v36;
	_ =	sdelay $0x2  }
0x175: {  	v37 =	vshll.u32 v37, $0x1  }
0x176: {  	[tilespmem:s10+$0x30] =	vst v37  }
0x177: {  	v37 =	vld.idx.msk [tilespmem:v53+s3+$0x0], $0xffff;
	_ =	sdelay $0x1  }
0x178: {  	v54 =	vadd.s32 v21, v36;
	_ =	sdelay $0x2  }
0x179: {  	v37 =	vshll.u32 v37, $0x1  }
0x17a: {  	[tilespmem:s10+$0x40] =	vst v37  }
0x17b: {  	v37 =	vld.idx.msk [tilespmem:v54+s3+$0x0], $0xffff;
	_ =	sdelay $0x1  }
0x17c: {  	v55 =	vadd.s32 v22, v36;
	_ =	sdelay $0x2  }
0x17d: {  	v37 =	vshll.u32 v37, $0x1  }
0x17e: {  	[tilespmem:s10+$0x50] =	vst v37  }
0x17f: {  	v37 =	vld.idx.msk [tilespmem:v55+s3+$0x0], $0xffff;
	_ =	sdelay $0x1  }
0x180: {  	v56 =	vadd.s32 v23, v36;
	_ =	sdelay $0x2  }
0x181: {  	v37 =	vshll.u32 v37, $0x1  }
0x182: {  	[tilespmem:s10+$0x60] =	vst v37  }
0x183: {  	v37 =	vld.idx.msk [tilespmem:v56+s3+$0x0], $0xffff;
	_ =	sdelay $0x1  }
0x184: {  	v57 =	vadd.s32 v24, v36;
	_ =	sdelay $0x2  }
0x185: {  	v37 =	vshll.u32 v37, $0x1  }
0x186: {  	[tilespmem:s10+$0x70] =	vst v37  }
0x187: {  	v37 =	vld.idx.msk [tilespmem:v57+s3+$0x0], $0xffff;
	_ =	sdelay $0x1  }
0x188: {  	v58 =	vadd.s32 v25, v36;
	_ =	sdelay $0x2  }
0x189: {  	v37 =	vshll.u32 v37, $0x1  }
0x18a: {  	[tilespmem:s10+$0x80] =	vst v37  }
0x18b: {  	v37 =	vld.idx.msk [tilespmem:v58+s3+$0x0], $0xffff;
	_ =	sdelay $0x1  }
0x18c: {  	v59 =	vadd.s32 v26, v36;
	_ =	sdelay $0x2  }
0x18d: {  	v37 =	vshll.u32 v37, $0x1  }
0x18e: {  	[tilespmem:s10+$0x90] =	vst v37  }
0x18f: {  	v37 =	vld.idx.msk [tilespmem:v59+s3+$0x0], $0xffff;
	_ =	sdelay $0x1  }
0x190: {  	v60 =	vadd.s32 v27, v36;
	_ =	sdelay $0x2  }
0x191: {  	v37 =	vshll.u32 v37, $0x1  }
0x192: {  	[tilespmem:s10+$0xA0] =	vst v37  }
0x193: {  	v37 =	vld.idx.msk [tilespmem:v60+s3+$0x0], $0xffff;
	_ =	sdelay $0x1  }
0x194: {  	v61 =	vadd.s32 v28, v36;
	_ =	sdelay $0x2  }
0x195: {  	v37 =	vshll.u32 v37, $0x1  }
0x196: {  	[tilespmem:s10+$0xB0] =	vst v37  }
0x197: {  	v37 =	vld.idx.msk [tilespmem:v61+s3+$0x0], $0xffff;
	_ =	sdelay $0x1  }
0x198: {  	v62 =	vadd.s32 v30, v36;
	_ =	sdelay $0x2  }
0x199: {  	v37 =	vshll.u32 v37, $0x1  }
0x19a: {  	[tilespmem:s10+$0xC0] =	vst v37  }
0x19b: {  	v37 =	vld.idx.msk [tilespmem:v62+s3+$0x0], $0xffff;
	_ =	sdelay $0x1  }
0x19c: {  	v63 =	vadd.s32 v31, v36;
	_ =	sdelay $0x2  }
0x19d: {  	v37 =	vshll.u32 v37, $0x1  }
0x19e: {  	[tilespmem:s10+$0xD0] =	vst v37  }
0x19f: {  	v37 =	vld.idx.msk [tilespmem:v63+s3+$0x0], $0xffff;
	_ =	sdelay $0x1  }
0x1a0: {  	v36 =	vadd.s32 v32, v36;
	_ =	sdelay $0x2  }
0x1a1: {  	v37 =	vshll.u32 v37, $0x1  }
0x1a2: {  	[tilespmem:s10+$0xE0] =	vst v37  }
0x1a3: {  	v36 =	vld.idx.msk [tilespmem:v36+s3+$0x0], $0xffff;
	_ =	sdelay $0x4  }
0x1a4: {  	v36 =	vshll.u32 v36, $0x1  }
0x1a5: {  	s11 =	simm.s32 $0x7000;
	s1 =	simm.s32 $0xD400;
	[tilespmem:s10+$0xF0] =	vst v36  }
0x1a6: {  	[tilespmem:s1], [sflag:$0x1] =	stream.indirect.gather [hbm4b:s4+s9], $0x40, s11, s9, $0xb8;
	[tilespmem:$0x1DC00] =	vst v63  }
0x1a7: {  	s12 =	simm.s32 $0x7200;
	s13 =	simm.s32 $0xF400  }
0x1a8: {  	[tilespmem:s13], [sflag:$0x2] =	stream.indirect.gather [hbm4b:s4+s9], $0x40, s12, s9, $0xb8;
	[tilespmem:$0x1DC00] =	vst v63  }
0x1a9: {  	s14 =	simm.s32 $0x7400;
	s15 =	simm.s32 $0x11400  }
0x1aa: {  	[tilespmem:s15], [sflag:$0x3] =	stream.indirect.gather [hbm4b:s4+s9], $0x40, s14, s9, $0xb8;
	[tilespmem:$0x1DC00] =	vst v63  }
0x1ab: {  	s16 =	simm.s32 $0x7600;
	s0 =	simm.s32 $0x0;
	s1 =	simm.s32 $0x0  }
0x1ac: {  	[tilespmem:s17], [sflag:$0x4] =	stream.indirect.gather [hbm4b:s4+s9], $0x40, s16, s9, $0xb8;
	[tilespmem:$0x1DC00] =	vst v63  }
.LBB2_4:
0x1ad: {  	_ =	swait.ge [sflag:s18], $0x2000  }
0x1ae: {  	p1 =	seq.s32 s0, $0x0;
	[sflag:s18] =	ssyncset.done $0x0  }
0x1af: {  	s10 =	simm.s32 @!p1 $0x5;
	[sflag:s18] =	ssyncadd.s32 $0xFFFFE000  }
0x1b0: {  	_ =	swait.ge @!p1 [sflag:s10], $0x2000  }
0x1b1: {  	v36 =	vmov s1;
	[sflag:s10] =	ssyncset.done @!p1 $0x0  }
0x1b2: {  	s11 =	simm.s32 $0xD480;
	v36 =	vand.u32 $0x7C, v36;
	[sflag:s10] =	ssyncadd.s32 @!p1 $0xFFFFE000  }
0x1b3: {  	v38 =	vadd.s32 v29, v36;
	v37 =	vld [tilespmem:s11+$0xFFFFFF80];
	_ =	sdelay $0x4  }
0x1b4: {  	[tilespmem:v38+s19+$0x0] =	vst.idx.msk $0xffff, v37  }
0x1b5: {  	v50 =	vadd.s32 v33, v36;
	v37 =	vld [tilespmem:s11+$0xFFFFFF90];
	_ =	sdelay $0x4  }
0x1b6: {  	[tilespmem:v50+s19+$0x0] =	vst.idx.msk $0xffff, v37  }
0x1b7: {  	v51 =	vadd.s32 v34, v36;
	v37 =	vld [tilespmem:s11+$0xFFFFFFA0];
	_ =	sdelay $0x4  }
0x1b8: {  	[tilespmem:v51+s19+$0x0] =	vst.idx.msk $0xffff, v37  }
0x1b9: {  	v36 =	vadd.s32 v35, v36;
	v37 =	vld [tilespmem:s11+$0xFFFFFFB0];
	_ =	sdelay $0x2  }
0x1ba: {  	s14 =	simm.s32 $0x1  }
0x1bb: {  	v52 =	vmov s14  }
0x1bc: {  	v53 =	vand.u32 $0x7D, v52;
	[tilespmem:v36+s19+$0x0] =	vst.idx.msk $0xffff, v37  }
0x1bd: {  	v38 =	vadd.s32 v29, v53;
	v37 =	vld [tilespmem:s11+$0xFFFFFFC0];
	_ =	sdelay $0x4  }
0x1be: {  	[tilespmem:v38+s19+$0x0] =	vst.idx.msk $0xffff, v37  }
0x1bf: {  	v54 =	vadd.s32 v33, v53;
	v37 =	vld [tilespmem:s11+$0xFFFFFFD0];
	_ =	sdelay $0x4  }
0x1c0: {  	[tilespmem:v54+s19+$0x0] =	vst.idx.msk $0xffff, v37  }
0x1c1: {  	v55 =	vadd.s32 v34, v53;
	v37 =	vld [tilespmem:s11+$0xFFFFFFE0];
	_ =	sdelay $0x4  }
0x1c2: {  	[tilespmem:v55+s19+$0x0] =	vst.idx.msk $0xffff, v37  }
0x1c3: {  	v36 =	vadd.s32 v35, v53;
	v37 =	vld [tilespmem:s11+$0xFFFFFFF0];
	_ =	sdelay $0x2  }
0x1c4: {  	s15 =	simm.s32 $0x2  }
0x1c5: {  	v56 =	vmov s15  }
0x1c6: {  	v57 =	vand.u32 $0x7E, v56;
	[tilespmem:v36+s19+$0x0] =	vst.idx.msk $0xffff, v37  }
0x1c7: {  	v38 =	vadd.s32 v29, v57;
	v37 =	vld [tilespmem:s11+$0x0];
	_ =	sdelay $0x4  }
0x1c8: {  	[tilespmem:v38+s19+$0x0] =	vst.idx.msk $0xffff, v37  }
0x1c9: {  	v58 =	vadd.s32 v33, v57;
	v37 =	vld [tilespmem:s11+$0x10];
	_ =	sdelay $0x4  }
0x1ca: {  	[tilespmem:v58+s19+$0x0] =	vst.idx.msk $0xffff, v37  }
0x1cb: {  	v59 =	vadd.s32 v34, v57;
	v37 =	vld [tilespmem:s11+$0x20];
	_ =	sdelay $0x4  }
0x1cc: {  	[tilespmem:v59+s19+$0x0] =	vst.idx.msk $0xffff, v37  }
0x1cd: {  	v36 =	vadd.s32 v35, v57;
	v37 =	vld [tilespmem:s11+$0x30];
	_ =	sdelay $0x2  }
0x1ce: {  	s16 =	simm.s32 $0x3  }
0x1cf: {  	v60 =	vmov s16  }
0x1d0: {  	v61 =	vand.u32 $0x7F, v60;
	[tilespmem:v36+s19+$0x0] =	vst.idx.msk $0xffff, v37  }
0x1d1: {  	v38 =	vadd.s32 v29, v61;
	v36 =	vld [tilespmem:s11+$0x40];
	_ =	sdelay $0x4  }
0x1d2: {  	[tilespmem:v38+s19+$0x0] =	vst.idx.msk $0xffff, v36  }
0x1d3: {  	v62 =	vadd.s32 v33, v61;
	v36 =	vld [tilespmem:s11+$0x50];
	_ =	sdelay $0x4  }
0x1d4: {  	[tilespmem:v62+s19+$0x0] =	vst.idx.msk $0xffff, v36  }
0x1d5: {  	v63 =	vadd.s32 v34, v61;
	v36 =	vld [tilespmem:s11+$0x60];
	_ =	sdelay $0x4  }
0x1d6: {  	[tilespmem:v63+s19+$0x0] =	vst.idx.msk $0xffff, v36  }
0x1d7: {  	v37 =	vadd.s32 v35, v61;
	v36 =	vld [tilespmem:s11+$0x70];
	_ =	sdelay $0x2  }
0x1d8: {  	s12 =	simm.s32 $0x4  }
0x1d9: {  	s13 =	simm.s32 $0x8;
	s10 =	sshll.u32 s0, $0x2;
	v38 =	vmov s12  }
.LBB2_5:
0x1da: {  	p0 =	sne.s32 s13, $0x7C;
	v38 =	vand.u32 $0x7C, v38;
	[tilespmem:v37+s19+$0x0] =	vst.idx.msk $0xffff, v36;
	s11 =	sadd.s32 $0x100, s11  }
0x1db: {  	v36 =	vld [tilespmem:s11+$0xFFFFFF80];
	v37 =	vadd.s32 v29, v38;
	_ =	sdelay $0x4  }
0x1dc: {  	[tilespmem:v37+s19+$0x0] =	vst.idx.msk $0xffff, v36  }
0x1dd: {  	v37 =	vadd.s32 v33, v38;
	v36 =	vld [tilespmem:s11+$0xFFFFFF90];
	_ =	sdelay $0x4  }
0x1de: {  	[tilespmem:v37+s19+$0x0] =	vst.idx.msk $0xffff, v36  }
0x1df: {  	v37 =	vadd.s32 v34, v38;
	v36 =	vld [tilespmem:s11+$0xFFFFFFA0];
	_ =	sdelay $0x4  }
0x1e0: {  	[tilespmem:v37+s19+$0x0] =	vst.idx.msk $0xffff, v36  }
0x1e1: {  	v37 =	vadd.s32 v35, v38;
	v36 =	vld [tilespmem:s11+$0xFFFFFFB0];
	_ =	sdelay $0x2  }
0x1e2: {  	s14 =	sadd.s32 $0x1, s12  }
0x1e3: {  	v38 =	vmov s14  }
0x1e4: {  	[tilespmem:v37+s19+$0x0] =	vst.idx.msk $0xffff, v36;
	v36 =	vand.u32 $0x7D, v38  }
0x1e5: {  	v37 =	vld [tilespmem:s11+$0xFFFFFFC0];
	v38 =	vadd.s32 v29, v36;
	_ =	sdelay $0x4  }
0x1e6: {  	[tilespmem:v38+s19+$0x0] =	vst.idx.msk $0xffff, v37  }
0x1e7: {  	v38 =	vadd.s32 v33, v36;
	v37 =	vld [tilespmem:s11+$0xFFFFFFD0];
	_ =	sdelay $0x4  }
0x1e8: {  	[tilespmem:v38+s19+$0x0] =	vst.idx.msk $0xffff, v37  }
0x1e9: {  	v38 =	vadd.s32 v34, v36;
	v37 =	vld [tilespmem:s11+$0xFFFFFFE0];
	_ =	sdelay $0x4  }
0x1ea: {  	[tilespmem:v38+s19+$0x0] =	vst.idx.msk $0xffff, v37  }
0x1eb: {  	v36 =	vadd.s32 v35, v36;
	v37 =	vld [tilespmem:s11+$0xFFFFFFF0];
	_ =	sdelay $0x2  }
0x1ec: {  	s14 =	sadd.s32 $0x2, s12  }
0x1ed: {  	v38 =	vmov s14  }
0x1ee: {  	[tilespmem:v36+s19+$0x0] =	vst.idx.msk $0xffff, v37;
	v36 =	vand.u32 $0x7E, v38  }
0x1ef: {  	v37 =	vld [tilespmem:s11+$0x0];
	v38 =	vadd.s32 v29, v36;
	_ =	sdelay $0x4  }
0x1f0: {  	[tilespmem:v38+s19+$0x0] =	vst.idx.msk $0xffff, v37  }
0x1f1: {  	v38 =	vadd.s32 v33, v36;
	v37 =	vld [tilespmem:s11+$0x10];
	_ =	sdelay $0x4  }
0x1f2: {  	[tilespmem:v38+s19+$0x0] =	vst.idx.msk $0xffff, v37  }
0x1f3: {  	v38 =	vadd.s32 v34, v36;
	v37 =	vld [tilespmem:s11+$0x20];
	_ =	sdelay $0x4  }
0x1f4: {  	[tilespmem:v38+s19+$0x0] =	vst.idx.msk $0xffff, v37  }
0x1f5: {  	v36 =	vadd.s32 v35, v36;
	v37 =	vld [tilespmem:s11+$0x30];
	_ =	sdelay $0x2  }
0x1f6: {  	s14 =	sadd.s32 $0x3, s12;
	s12 =	smov.u32 s13  }
0x1f7: {  	v38 =	vmov s14  }
0x1f8: {  	[tilespmem:v36+s19+$0x0] =	vst.idx.msk $0xffff, v37;
	v37 =	vand.u32 $0x7F, v38  }
0x1f9: {  	v36 =	vld [tilespmem:s11+$0x40];
	v38 =	vadd.s32 v29, v37;
	_ =	sdelay $0x4  }
0x1fa: {  	[tilespmem:v38+s19+$0x0] =	vst.idx.msk $0xffff, v36  }
0x1fb: {  	v38 =	vadd.s32 v33, v37;
	v36 =	vld [tilespmem:s11+$0x50];
	_ =	sdelay $0x4  }
0x1fc: {  	[tilespmem:v38+s19+$0x0] =	vst.idx.msk $0xffff, v36  }
0x1fd: {  	v38 =	vadd.s32 v34, v37;
	v36 =	vld [tilespmem:s11+$0x60];
	_ =	sdelay $0x4  }
0x1fe: {  	[tilespmem:v38+s19+$0x0] =	vst.idx.msk $0xffff, v36  }
.Ltmp3:
0x1ff: {  	v37 =	vadd.s32 v35, v37;
	v36 =	vld [tilespmem:s11+$0x70];
	(pc) =	sbr.rel @p0 .LBB2_5-.Ltmp3, $2  }
0x200: {  	_ =	sdelay $0x2  }
0x201: {  	s13 =	sadd.s32 $0x4, s13;
	v38 =	vmov s12  }
0x202: {  	_ =	sdelay $0x3  }
0x203: {  	v38 =	vand.u32 $0x7C, v38;
	[tilespmem:v37+s19+$0x0] =	vst.idx.msk $0xffff, v36;
	s11 =	sadd.s32 $0x100, s11  }
0x204: {  	v36 =	vld [tilespmem:s11+$0xFFFFFF80];
	v48 =	vadd.s32 v29, v38;
	_ =	sdelay $0x4  }
0x205: {  	[tilespmem:v48+s19+$0x0] =	vst.idx.msk $0xffff, v36  }
0x206: {  	v49 =	vadd.s32 v33, v38;
	v36 =	vld [tilespmem:s11+$0xFFFFFF90];
	_ =	sdelay $0x4  }
0x207: {  	[tilespmem:v49+s19+$0x0] =	vst.idx.msk $0xffff, v36  }
0x208: {  	v50 =	vadd.s32 v34, v38;
	v36 =	vld [tilespmem:s11+$0xFFFFFFA0];
	_ =	sdelay $0x4  }
0x209: {  	[tilespmem:v50+s19+$0x0] =	vst.idx.msk $0xffff, v36  }
0x20a: {  	v51 =	vadd.s32 v35, v38;
	v36 =	vld [tilespmem:s11+$0xFFFFFFB0];
	_ =	sdelay $0x2  }
0x20b: {  	s13 =	sadd.s32 $0x1, s12  }
0x20c: {  	v52 =	vmov s13  }
0x20d: {  	v53 =	vand.u32 $0x7D, v52;
	[tilespmem:v51+s19+$0x0] =	vst.idx.msk $0xffff, v36  }
0x20e: {  	v38 =	vadd.s32 v29, v53;
	v37 =	vld [tilespmem:s11+$0xFFFFFFC0];
	_ =	sdelay $0x4  }
0x20f: {  	[tilespmem:v38+s19+$0x0] =	vst.idx.msk $0xffff, v37  }
0x210: {  	v54 =	vadd.s32 v33, v53;
	v37 =	vld [tilespmem:s11+$0xFFFFFFD0];
	_ =	sdelay $0x4  }
0x211: {  	[tilespmem:v54+s19+$0x0] =	vst.idx.msk $0xffff, v37  }
0x212: {  	v55 =	vadd.s32 v34, v53;
	v37 =	vld [tilespmem:s11+$0xFFFFFFE0];
	_ =	sdelay $0x4  }
0x213: {  	[tilespmem:v55+s19+$0x0] =	vst.idx.msk $0xffff, v37  }
0x214: {  	v36 =	vadd.s32 v35, v53;
	v37 =	vld [tilespmem:s11+$0xFFFFFFF0];
	_ =	sdelay $0x2  }
0x215: {  	s6 =	sadd.s32 $0x2, s12  }
0x216: {  	v56 =	vmov s6  }
0x217: {  	v57 =	vand.u32 $0x7E, v56;
	[tilespmem:v36+s19+$0x0] =	vst.idx.msk $0xffff, v37  }
0x218: {  	v38 =	vadd.s32 v29, v57;
	v37 =	vld [tilespmem:s11+$0x0];
	_ =	sdelay $0x4  }
0x219: {  	[tilespmem:v38+s19+$0x0] =	vst.idx.msk $0xffff, v37  }
0x21a: {  	v58 =	vadd.s32 v33, v57;
	v37 =	vld [tilespmem:s11+$0x10];
	_ =	sdelay $0x4  }
0x21b: {  	[tilespmem:v58+s19+$0x0] =	vst.idx.msk $0xffff, v37  }
0x21c: {  	v59 =	vadd.s32 v34, v57;
	v37 =	vld [tilespmem:s11+$0x20];
	_ =	sdelay $0x4  }
0x21d: {  	[tilespmem:v59+s19+$0x0] =	vst.idx.msk $0xffff, v37  }
0x21e: {  	v36 =	vadd.s32 v35, v57;
	v37 =	vld [tilespmem:s11+$0x30];
	_ =	sdelay $0x2  }
0x21f: {  	s14 =	sadd.s32 $0x3, s12  }
0x220: {  	v60 =	vmov s14  }
0x221: {  	v61 =	vand.u32 $0x7F, v60;
	[tilespmem:v36+s19+$0x0] =	vst.idx.msk $0xffff, v37  }
0x222: {  	v38 =	vadd.s32 v29, v61;
	v37 =	vld [tilespmem:s11+$0x40];
	_ =	sdelay $0x4  }
0x223: {  	[tilespmem:v38+s19+$0x0] =	vst.idx.msk $0xffff, v37  }
0x224: {  	v62 =	vadd.s32 v33, v61;
	v37 =	vld [tilespmem:s11+$0x50];
	_ =	sdelay $0x4  }
0x225: {  	[tilespmem:v62+s19+$0x0] =	vst.idx.msk $0xffff, v37  }
0x226: {  	v63 =	vadd.s32 v34, v61;
	v37 =	vld [tilespmem:s11+$0x60];
	_ =	sdelay $0x2  }
0x227: {  	s15 =	smulhi.u32 $0x51EB851F, s10;
	_ =	sdelay $0x1  }
0x228: {  	s12 =	sshrl.u32 s15, $0x4;
	[tilespmem:v63+s19+$0x0] =	vst.idx.msk $0xffff, v37  }
0x229: {  	s16 =	smul.u32 $0x32, s12;
	v36 =	vadd.s32 v35, v61;
	v37 =	vld [tilespmem:s11+$0x70];
	_ =	sdelay $0x1  }
0x22a: {  	s11 =	ssub.s32 s10, s16  }
0x22b: {  	s14 =	sadd.s32 s5, s12;
	s6 =	sshll.u32 s11, $0x11  }
0x22c: {  	s11 =	sshll.u32 s14, $0x7;
	s15 =	sadd.s32 s2, s6  }
0x22d: {  	s16 =	simm.s32 $0x15400;
	s13 =	sadd.s32 s11, s15;
	[tilespmem:v36+s19+$0x0] =	vst.idx.msk $0xffff, v37  }
0x22e: {  	[hbm4b:s13+s3] =	stream.linear.scatter [tilespmem:s16], [sflag:$0x5], $0x80, $0x38;
	[tilespmem:$0x1DC00] =	vst v63  }
0x22f: {  	s6 =	simm.s32 $0x15488;
	s14 =	sadd.s32 $0x10, s13  }
0x230: {  	[hbm4b:s14+s3] =	stream.linear.scatter [tilespmem:s6], [sflag:$0x5], $0x80, $0x38;
	[tilespmem:$0x1DC00] =	vst v63  }
0x231: {  	s15 =	sadd.s32 $0x20, s13;
	s14 =	simm.s32 $0x15510  }
0x232: {  	[hbm4b:s15+s3] =	stream.linear.scatter [tilespmem:s14], [sflag:$0x5], $0x80, $0x38;
	[tilespmem:$0x1DC00] =	vst v63  }
0x233: {  	s16 =	simm.s32 $0x15598;
	s6 =	sadd.s32 $0x30, s13  }
0x234: {  	[hbm4b:s6+s3] =	stream.linear.scatter [tilespmem:s16], [sflag:$0x5], $0x80, $0x38;
	[tilespmem:$0x1DC00] =	vst v63  }
0x235: {  	s14 =	simm.s32 $0x15620;
	s15 =	sadd.s32 $0x40, s13  }
0x236: {  	[hbm4b:s15+s3] =	stream.linear.scatter [tilespmem:s14], [sflag:$0x5], $0x80, $0x38;
	[tilespmem:$0x1DC00] =	vst v63  }
0x237: {  	s12 =	simm.s32 $0x440;
	s16 =	simm.s32 $0x156A8;
	s6 =	sadd.s32 $0x50, s13  }
0x238: {  	[hbm4b:s6+s3] =	stream.linear.scatter [tilespmem:s16], [sflag:$0x5], $0x80, $0x38;
	[tilespmem:$0x1DC00] =	vst v63  }
0x239: {  	s15 =	simm.s32 $0x15730;
	s14 =	simm.s32 $0x2200;
	s16 =	sadd.s32 $0x60, s13  }
0x23a: {  	[hbm4b:s16+s3] =	stream.linear.scatter [tilespmem:s15], [sflag:$0x5], $0x80, $0x38;
	[tilespmem:$0x1DC00] =	vst v63  }
0x23b: {  	s15 =	simm.s32 $0x157B8;
	s16 =	sadd.s32 $0x70, s13;
	s13 =	sadd.s32 $0x4000, s13  }
.LBB2_7:
0x23c: {  	[hbm4b:s16+s3] =	stream.linear.scatter [tilespmem:s15], [sflag:$0x5], $0x80, $0x38;
	[tilespmem:$0x1DC00] =	vst v63  }
0x23d: {  	s15 =	smov.u32 s12;
	s12 =	smov.u32 s14  }
0x23e: {  	s6 =	sadd.s32 $0x1100, s14;
	s12 =	sshra.s32 s12, $0x2;
	s16 =	sadd.s32 $0x15400, s15  }
0x23f: {  	[hbm4b:s13+s3] =	stream.linear.scatter [tilespmem:s16], [sflag:$0x5], $0x80, $0x38;
	[tilespmem:$0x1DC00] =	vst v63  }
0x240: {  	p0 =	sne.s32 s14, $0x7700;
	s14 =	sadd.s32 $0x15488, s15;
	s16 =	sadd.s32 $0x10, s13  }
0x241: {  	[hbm4b:s16+s3] =	stream.linear.scatter [tilespmem:s14], [sflag:$0x5], $0x80, $0x38;
	[tilespmem:$0x1DC00] =	vst v63  }
0x242: {  	s14 =	sadd.s32 $0x15510, s15;
	s16 =	sadd.s32 $0x20, s13  }
0x243: {  	[hbm4b:s16+s3] =	stream.linear.scatter [tilespmem:s14], [sflag:$0x5], $0x80, $0x38;
	[tilespmem:$0x1DC00] =	vst v63  }
0x244: {  	s14 =	sadd.s32 $0x15598, s15;
	s16 =	sadd.s32 $0x30, s13  }
0x245: {  	[hbm4b:s16+s3] =	stream.linear.scatter [tilespmem:s14], [sflag:$0x5], $0x80, $0x38;
	[tilespmem:$0x1DC00] =	vst v63  }
0x246: {  	s14 =	sadd.s32 $0x15620, s15;
	s16 =	sadd.s32 $0x40, s13  }
0x247: {  	[hbm4b:s16+s3] =	stream.linear.scatter [tilespmem:s14], [sflag:$0x5], $0x80, $0x38;
	[tilespmem:$0x1DC00] =	vst v63  }
.Ltmp4:
0x248: {  	s14 =	sadd.s32 $0x156A8, s15;
	s16 =	sadd.s32 $0x50, s13;
	(pc) =	sbr.rel @p0 .LBB2_7-.Ltmp4, $4  }
0x249: {  	[hbm4b:s16+s3] =	stream.linear.scatter [tilespmem:s14], [sflag:$0x5], $0x80, $0x38;
	[tilespmem:$0x1DC00] =	vst v63  }
0x24a: {  	s14 =	sadd.s32 $0x15730, s15;
	s16 =	sadd.s32 $0x60, s13;
	s15 =	sadd.s32 $0x157B8, s15  }
0x24b: {  	[hbm4b:s16+s3] =	stream.linear.scatter [tilespmem:s14], [sflag:$0x5], $0x80, $0x38;
	[tilespmem:$0x1DC00] =	vst v63  }
0x24c: {  	s16 =	sadd.s32 $0x70, s13;
	s13 =	sadd.s32 $0x4000, s13;
	s14 =	smov.u32 s6  }
0x24d: {  	[hbm4b:s16+s3] =	stream.linear.scatter [tilespmem:s15], [sflag:$0x5], $0x80, $0x38;
	[tilespmem:$0x1DC00] =	vst v63  }
0x24e: {  	s6 =	sadd.s32 $0x15400, s12  }
0x24f: {  	[hbm4b:s13+s3] =	stream.linear.scatter [tilespmem:s6], [sflag:$0x5], $0x80, $0x38;
	[tilespmem:$0x1DC00] =	vst v63  }
0x250: {  	s16 =	sadd.s32 $0x15488, s12;
	s14 =	sadd.s32 $0x10, s13  }
0x251: {  	[hbm4b:s14+s3] =	stream.linear.scatter [tilespmem:s16], [sflag:$0x5], $0x80, $0x38;
	[tilespmem:$0x1DC00] =	vst v63  }
0x252: {  	s15 =	sadd.s32 $0x15510, s12;
	s16 =	sadd.s32 $0x20, s13  }
0x253: {  	[hbm4b:s16+s3] =	stream.linear.scatter [tilespmem:s15], [sflag:$0x5], $0x80, $0x38;
	[tilespmem:$0x1DC00] =	vst v63  }
0x254: {  	s15 =	sadd.s32 $0x15598, s12;
	s16 =	sadd.s32 $0x30, s13  }
0x255: {  	[hbm4b:s16+s3] =	stream.linear.scatter [tilespmem:s15], [sflag:$0x5], $0x80, $0x38;
	[tilespmem:$0x1DC00] =	vst v63  }
0x256: {  	p0 =	seq.s32 s0, $0x31;
	s15 =	sadd.s32 $0x15620, s12;
	s16 =	sadd.s32 $0x40, s13  }
0x257: {  	[hbm4b:s16+s3] =	stream.linear.scatter [tilespmem:s15], [sflag:$0x5], $0x80, $0x38;
	[tilespmem:$0x1DC00] =	vst v63  }
0x258: {  	s6 =	sadd.s32 @!p0 $0x4, s10;
	s15 =	sadd.s32 $0x156A8, s12;
	s16 =	sadd.s32 $0x50, s13  }
0x259: {  	[hbm4b:s16+s3] =	stream.linear.scatter [tilespmem:s15], [sflag:$0x5], $0x80, $0x38;
	[tilespmem:$0x1DC00] =	vst v63  }
0x25a: {  	s14 =	sadd.s32 $0x15730, s12;
	s15 =	sadd.s32 $0x60, s13;
	s16 =	smulhi.u32 @!p0 $0x51EB851F, s6  }
0x25b: {  	[hbm4b:s15+s3] =	stream.linear.scatter [tilespmem:s14], [sflag:$0x5], $0x80, $0x38;
	[tilespmem:$0x1DC00] =	vst v63  }
0x25c: {  	s14 =	sshrl.u32 @!p0 s16, $0x4  }
0x25d: {  	s12 =	sadd.s32 $0x157B8, s12;
	s15 =	sadd.s32 $0x70, s13;
	s14 =	smul.u32 @!p0 $0x32, s14  }
0x25e: {  	[hbm4b:s15+s3] =	stream.linear.scatter [tilespmem:s12], [sflag:$0x5], $0x80, $0x38;
	[tilespmem:$0x1DC00] =	vst v63  }
0x25f: {  	s12 =	sshll.u32 @!p0 s16, $0x3;
	s6 =	ssub.s32 @!p0 s6, s14  }
0x260: {  	s12 =	sand.u32 @!p0 $0x3FFFFF80, s12;
	s6 =	sshll.u32 @!p0 s6, $0x9  }
0x261: {  	s6 =	sadd.s32 @!p0 s12, s6  }
0x262: {  	s13 =	simm.s32 @!p0 $0xD400;
	s12 =	simm.s32 @!p0 $0x80;
	s6 =	sadd.s32 @!p0 $0x7000, s6  }
0x263: {  	[tilespmem:s13], [sflag:$0x1] =	stream.indirect.gather @!p0 [hbm4b:s4+s12], $0x40, s6, s12, $0xb8;
	[tilespmem:$0x1DC00] =	vst v63  }
0x264: {  	_ =	swait.ge [sflag:s20], $0x2000  }
0x265: {  	[sflag:s20] =	ssyncset.done $0x0  }
0x266: {  	s6 =	simm.s32 @!p1 $0x6;
	[sflag:s20] =	ssyncadd.s32 $0xFFFFE000  }
0x267: {  	s13 =	simm.s32 $0x0;
	_ =	swait.ge @!p1 [sflag:s6], $0x2000  }
0x268: {  	v36 =	vmov s13;
	[sflag:s6] =	ssyncset.done @!p1 $0x0  }
0x269: {  	s13 =	simm.s32 $0xF4F0;
	v36 =	vand.u32 $0x7C, v36;
	[sflag:s6] =	ssyncadd.s32 @!p1 $0xFFFFE000  }
0x26a: {  	v38 =	vadd.s32 v29, v36;
	v37 =	vld [tilespmem:s13+$0xFFFFFF10];
	_ =	sdelay $0x4  }
0x26b: {  	[tilespmem:v38+s21+$0x0] =	vst.idx.msk $0xffff, v37  }
0x26c: {  	v50 =	vadd.s32 v33, v36;
	v37 =	vld [tilespmem:s13+$0xFFFFFF20];
	_ =	sdelay $0x4  }
0x26d: {  	[tilespmem:v50+s21+$0x0] =	vst.idx.msk $0xffff, v37  }
0x26e: {  	v51 =	vadd.s32 v34, v36;
	v37 =	vld [tilespmem:s13+$0xFFFFFF30];
	_ =	sdelay $0x4  }
0x26f: {  	[tilespmem:v51+s21+$0x0] =	vst.idx.msk $0xffff, v37  }
0x270: {  	v36 =	vadd.s32 v35, v36;
	v37 =	vld [tilespmem:s13+$0xFFFFFF40];
	_ =	sdelay $0x2  }
0x271: {  	s14 =	simm.s32 $0x1  }
0x272: {  	v52 =	vmov s14  }
0x273: {  	v53 =	vand.u32 $0x7D, v52;
	[tilespmem:v36+s21+$0x0] =	vst.idx.msk $0xffff, v37  }
0x274: {  	v38 =	vadd.s32 v29, v53;
	v37 =	vld [tilespmem:s13+$0xFFFFFF50];
	_ =	sdelay $0x4  }
0x275: {  	[tilespmem:v38+s21+$0x0] =	vst.idx.msk $0xffff, v37  }
0x276: {  	v54 =	vadd.s32 v33, v53;
	v37 =	vld [tilespmem:s13+$0xFFFFFF60];
	_ =	sdelay $0x4  }
0x277: {  	[tilespmem:v54+s21+$0x0] =	vst.idx.msk $0xffff, v37  }
0x278: {  	v55 =	vadd.s32 v34, v53;
	v37 =	vld [tilespmem:s13+$0xFFFFFF70];
	_ =	sdelay $0x4  }
0x279: {  	[tilespmem:v55+s21+$0x0] =	vst.idx.msk $0xffff, v37  }
0x27a: {  	v36 =	vadd.s32 v35, v53;
	v37 =	vld [tilespmem:s13+$0xFFFFFF80];
	_ =	sdelay $0x2  }
0x27b: {  	s15 =	simm.s32 $0x2  }
0x27c: {  	v56 =	vmov s15  }
0x27d: {  	v57 =	vand.u32 $0x7E, v56;
	[tilespmem:v36+s21+$0x0] =	vst.idx.msk $0xffff, v37  }
0x27e: {  	v38 =	vadd.s32 v29, v57;
	v37 =	vld [tilespmem:s13+$0xFFFFFF90];
	_ =	sdelay $0x4  }
0x27f: {  	[tilespmem:v38+s21+$0x0] =	vst.idx.msk $0xffff, v37  }
0x280: {  	v58 =	vadd.s32 v33, v57;
	v37 =	vld [tilespmem:s13+$0xFFFFFFA0];
	_ =	sdelay $0x4  }
0x281: {  	[tilespmem:v58+s21+$0x0] =	vst.idx.msk $0xffff, v37  }
0x282: {  	v59 =	vadd.s32 v34, v57;
	v37 =	vld [tilespmem:s13+$0xFFFFFFB0];
	_ =	sdelay $0x4  }
0x283: {  	[tilespmem:v59+s21+$0x0] =	vst.idx.msk $0xffff, v37  }
0x284: {  	v36 =	vadd.s32 v35, v57;
	v37 =	vld [tilespmem:s13+$0xFFFFFFC0];
	_ =	sdelay $0x2  }
0x285: {  	s16 =	simm.s32 $0x3  }
0x286: {  	v60 =	vmov s16  }
0x287: {  	v61 =	vand.u32 $0x7F, v60;
	[tilespmem:v36+s21+$0x0] =	vst.idx.msk $0xffff, v37  }
0x288: {  	v38 =	vadd.s32 v29, v61;
	v36 =	vld [tilespmem:s13+$0xFFFFFFD0];
	_ =	sdelay $0x4  }
0x289: {  	[tilespmem:v38+s21+$0x0] =	vst.idx.msk $0xffff, v36  }
0x28a: {  	v62 =	vadd.s32 v33, v61;
	v36 =	vld [tilespmem:s13+$0xFFFFFFE0];
	_ =	sdelay $0x4  }
0x28b: {  	[tilespmem:v62+s21+$0x0] =	vst.idx.msk $0xffff, v36  }
0x28c: {  	v63 =	vadd.s32 v34, v61;
	v36 =	vld [tilespmem:s13+$0xFFFFFFF0];
	_ =	sdelay $0x4  }
0x28d: {  	[tilespmem:v63+s21+$0x0] =	vst.idx.msk $0xffff, v36  }
0x28e: {  	v37 =	vadd.s32 v35, v61;
	v36 =	vld [tilespmem:s13+$0x0];
	_ =	sdelay $0x2  }
0x28f: {  	s14 =	simm.s32 $0x4  }
0x290: {  	s15 =	simm.s32 $0x8;
	s12 =	sor.u32 $0x1, s10;
	v38 =	vmov s14  }
.LBB2_9:
0x291: {  	p2 =	sne.s32 s15, $0x7C;
	v38 =	vand.u32 $0x7C, v38;
	[tilespmem:v37+s21+$0x0] =	vst.idx.msk $0xffff, v36;
	s13 =	sadd.s32 $0x100, s13  }
0x292: {  	v36 =	vld [tilespmem:s13+$0xFFFFFF10];
	v37 =	vadd.s32 v29, v38;
	_ =	sdelay $0x4  }
0x293: {  	[tilespmem:v37+s21+$0x0] =	vst.idx.msk $0xffff, v36  }
0x294: {  	v37 =	vadd.s32 v33, v38;
	v36 =	vld [tilespmem:s13+$0xFFFFFF20];
	_ =	sdelay $0x4  }
0x295: {  	[tilespmem:v37+s21+$0x0] =	vst.idx.msk $0xffff, v36  }
0x296: {  	v37 =	vadd.s32 v34, v38;
	v36 =	vld [tilespmem:s13+$0xFFFFFF30];
	_ =	sdelay $0x4  }
0x297: {  	[tilespmem:v37+s21+$0x0] =	vst.idx.msk $0xffff, v36  }
0x298: {  	v37 =	vadd.s32 v35, v38;
	v36 =	vld [tilespmem:s13+$0xFFFFFF40];
	_ =	sdelay $0x2  }
0x299: {  	s6 =	sadd.s32 $0x1, s14  }
0x29a: {  	v38 =	vmov s6  }
0x29b: {  	[tilespmem:v37+s21+$0x0] =	vst.idx.msk $0xffff, v36;
	v36 =	vand.u32 $0x7D, v38  }
0x29c: {  	v37 =	vld [tilespmem:s13+$0xFFFFFF50];
	v38 =	vadd.s32 v29, v36;
	_ =	sdelay $0x4  }
0x29d: {  	[tilespmem:v38+s21+$0x0] =	vst.idx.msk $0xffff, v37  }
0x29e: {  	v38 =	vadd.s32 v33, v36;
	v37 =	vld [tilespmem:s13+$0xFFFFFF60];
	_ =	sdelay $0x4  }
0x29f: {  	[tilespmem:v38+s21+$0x0] =	vst.idx.msk $0xffff, v37  }
0x2a0: {  	v38 =	vadd.s32 v34, v36;
	v37 =	vld [tilespmem:s13+$0xFFFFFF70];
	_ =	sdelay $0x4  }
0x2a1: {  	[tilespmem:v38+s21+$0x0] =	vst.idx.msk $0xffff, v37  }
0x2a2: {  	v36 =	vadd.s32 v35, v36;
	v37 =	vld [tilespmem:s13+$0xFFFFFF80];
	_ =	sdelay $0x2  }
0x2a3: {  	s6 =	sadd.s32 $0x2, s14  }
0x2a4: {  	v38 =	vmov s6  }
0x2a5: {  	[tilespmem:v36+s21+$0x0] =	vst.idx.msk $0xffff, v37;
	v36 =	vand.u32 $0x7E, v38  }
0x2a6: {  	v37 =	vld [tilespmem:s13+$0xFFFFFF90];
	v38 =	vadd.s32 v29, v36;
	_ =	sdelay $0x4  }
0x2a7: {  	[tilespmem:v38+s21+$0x0] =	vst.idx.msk $0xffff, v37  }
0x2a8: {  	v38 =	vadd.s32 v33, v36;
	v37 =	vld [tilespmem:s13+$0xFFFFFFA0];
	_ =	sdelay $0x4  }
0x2a9: {  	[tilespmem:v38+s21+$0x0] =	vst.idx.msk $0xffff, v37  }
0x2aa: {  	v38 =	vadd.s32 v34, v36;
	v37 =	vld [tilespmem:s13+$0xFFFFFFB0];
	_ =	sdelay $0x4  }
0x2ab: {  	[tilespmem:v38+s21+$0x0] =	vst.idx.msk $0xffff, v37  }
0x2ac: {  	v36 =	vadd.s32 v35, v36;
	v37 =	vld [tilespmem:s13+$0xFFFFFFC0];
	_ =	sdelay $0x2  }
0x2ad: {  	s6 =	sadd.s32 $0x3, s14;
	s14 =	smov.u32 s15  }
0x2ae: {  	v38 =	vmov s6  }
0x2af: {  	[tilespmem:v36+s21+$0x0] =	vst.idx.msk $0xffff, v37;
	v37 =	vand.u32 $0x7F, v38  }
0x2b0: {  	v36 =	vld [tilespmem:s13+$0xFFFFFFD0];
	v38 =	vadd.s32 v29, v37;
	_ =	sdelay $0x4  }
0x2b1: {  	[tilespmem:v38+s21+$0x0] =	vst.idx.msk $0xffff, v36  }
0x2b2: {  	v38 =	vadd.s32 v33, v37;
	v36 =	vld [tilespmem:s13+$0xFFFFFFE0];
	_ =	sdelay $0x4  }
0x2b3: {  	[tilespmem:v38+s21+$0x0] =	vst.idx.msk $0xffff, v36  }
0x2b4: {  	v38 =	vadd.s32 v34, v37;
	v36 =	vld [tilespmem:s13+$0xFFFFFFF0];
	_ =	sdelay $0x4  }
0x2b5: {  	[tilespmem:v38+s21+$0x0] =	vst.idx.msk $0xffff, v36  }
.Ltmp5:
0x2b6: {  	v37 =	vadd.s32 v35, v37;
	v36 =	vld [tilespmem:s13+$0x0];
	(pc) =	sbr.rel @p2 .LBB2_9-.Ltmp5, $2  }
0x2b7: {  	_ =	sdelay $0x2  }
0x2b8: {  	s15 =	sadd.s32 $0x4, s15;
	v38 =	vmov s14  }
0x2b9: {  	_ =	sdelay $0x3  }
0x2ba: {  	v38 =	vand.u32 $0x7C, v38;
	[tilespmem:v37+s21+$0x0] =	vst.idx.msk $0xffff, v36;
	s6 =	sadd.s32 $0x100, s13  }
0x2bb: {  	v36 =	vld [tilespmem:s6+$0xFFFFFF10];
	v48 =	vadd.s32 v29, v38;
	_ =	sdelay $0x4  }
0x2bc: {  	[tilespmem:v48+s21+$0x0] =	vst.idx.msk $0xffff, v36  }
0x2bd: {  	v49 =	vadd.s32 v33, v38;
	v36 =	vld [tilespmem:s6+$0xFFFFFF20];
	_ =	sdelay $0x4  }
0x2be: {  	[tilespmem:v49+s21+$0x0] =	vst.idx.msk $0xffff, v36  }
0x2bf: {  	v50 =	vadd.s32 v34, v38;
	v36 =	vld [tilespmem:s6+$0xFFFFFF30];
	_ =	sdelay $0x4  }
0x2c0: {  	[tilespmem:v50+s21+$0x0] =	vst.idx.msk $0xffff, v36  }
0x2c1: {  	v51 =	vadd.s32 v35, v38;
	v36 =	vld [tilespmem:s6+$0xFFFFFF40];
	_ =	sdelay $0x2  }
0x2c2: {  	s15 =	sadd.s32 $0x1, s14  }
0x2c3: {  	v52 =	vmov s15  }
0x2c4: {  	v53 =	vand.u32 $0x7D, v52;
	[tilespmem:v51+s21+$0x0] =	vst.idx.msk $0xffff, v36  }
0x2c5: {  	v38 =	vadd.s32 v29, v53;
	v37 =	vld [tilespmem:s6+$0xFFFFFF50];
	_ =	sdelay $0x4  }
0x2c6: {  	[tilespmem:v38+s21+$0x0] =	vst.idx.msk $0xffff, v37  }
0x2c7: {  	v54 =	vadd.s32 v33, v53;
	v37 =	vld [tilespmem:s6+$0xFFFFFF60];
	_ =	sdelay $0x4  }
0x2c8: {  	[tilespmem:v54+s21+$0x0] =	vst.idx.msk $0xffff, v37  }
0x2c9: {  	v55 =	vadd.s32 v34, v53;
	v37 =	vld [tilespmem:s6+$0xFFFFFF70];
	_ =	sdelay $0x4  }
0x2ca: {  	[tilespmem:v55+s21+$0x0] =	vst.idx.msk $0xffff, v37  }
0x2cb: {  	v36 =	vadd.s32 v35, v53;
	v37 =	vld [tilespmem:s6+$0xFFFFFF80];
	_ =	sdelay $0x2  }
0x2cc: {  	s16 =	sadd.s32 $0x2, s14  }
0x2cd: {  	v56 =	vmov s16  }
0x2ce: {  	v57 =	vand.u32 $0x7E, v56;
	[tilespmem:v36+s21+$0x0] =	vst.idx.msk $0xffff, v37  }
0x2cf: {  	v38 =	vadd.s32 v29, v57;
	v37 =	vld [tilespmem:s6+$0xFFFFFF90];
	_ =	sdelay $0x4  }
0x2d0: {  	[tilespmem:v38+s21+$0x0] =	vst.idx.msk $0xffff, v37  }
0x2d1: {  	v58 =	vadd.s32 v33, v57;
	v37 =	vld [tilespmem:s6+$0xFFFFFFA0];
	_ =	sdelay $0x4  }
0x2d2: {  	[tilespmem:v58+s21+$0x0] =	vst.idx.msk $0xffff, v37  }
0x2d3: {  	v59 =	vadd.s32 v34, v57;
	v37 =	vld [tilespmem:s6+$0xFFFFFFB0];
	_ =	sdelay $0x4  }
0x2d4: {  	[tilespmem:v59+s21+$0x0] =	vst.idx.msk $0xffff, v37  }
0x2d5: {  	v36 =	vadd.s32 v35, v57;
	v37 =	vld [tilespmem:s6+$0xFFFFFFC0];
	_ =	sdelay $0x2  }
0x2d6: {  	s14 =	sadd.s32 $0x3, s14  }
0x2d7: {  	v60 =	vmov s14  }
0x2d8: {  	v61 =	vand.u32 $0x7F, v60;
	[tilespmem:v36+s21+$0x0] =	vst.idx.msk $0xffff, v37  }
0x2d9: {  	v38 =	vadd.s32 v29, v61;
	v37 =	vld [tilespmem:s6+$0xFFFFFFD0];
	_ =	sdelay $0x4  }
0x2da: {  	[tilespmem:v38+s21+$0x0] =	vst.idx.msk $0xffff, v37  }
0x2db: {  	v62 =	vadd.s32 v33, v61;
	v37 =	vld [tilespmem:s6+$0xFFFFFFE0];
	_ =	sdelay $0x4  }
0x2dc: {  	[tilespmem:v62+s21+$0x0] =	vst.idx.msk $0xffff, v37  }
0x2dd: {  	v63 =	vadd.s32 v34, v61;
	v37 =	vld [tilespmem:s6+$0xFFFFFFF0];
	_ =	sdelay $0x3  }
0x2de: {  	s15 =	smulhi.u32 $0x51EB851F, s12  }
0x2df: {  	[tilespmem:v63+s21+$0x0] =	vst.idx.msk $0xffff, v37  }
0x2e0: {  	s16 =	sshrl.u32 s15, $0x4;
	v36 =	vadd.s32 v35, v61;
	v37 =	vld [tilespmem:s6+$0x0]  }
0x2e1: {  	s6 =	smul.u32 $0x32, s16;
	_ =	sdelay $0x1  }
0x2e2: {  	s6 =	ssub.s32 s12, s6  }
0x2e3: {  	s11 =	sadd.s32 s2, s11;
	s6 =	sshll.u32 s6, $0x11  }
0x2e4: {  	s12 =	simm.s32 $0x17600;
	s6 =	sadd.s32 s6, s11;
	[tilespmem:v36+s21+$0x0] =	vst.idx.msk $0xffff, v37  }
0x2e5: {  	[hbm4b:s6+s3] =	stream.linear.scatter [tilespmem:s12], [sflag:$0x6], $0x80, $0x38;
	[tilespmem:$0x1DC00] =	vst v63  }
0x2e6: {  	s13 =	simm.s32 $0x17688;
	s14 =	sadd.s32 $0x10, s6  }
0x2e7: {  	[hbm4b:s14+s3] =	stream.linear.scatter [tilespmem:s13], [sflag:$0x6], $0x80, $0x38;
	[tilespmem:$0x1DC00] =	vst v63  }
0x2e8: {  	s15 =	simm.s32 $0x17710;
	s16 =	sadd.s32 $0x20, s6  }
0x2e9: {  	[hbm4b:s16+s3] =	stream.linear.scatter [tilespmem:s15], [sflag:$0x6], $0x80, $0x38;
	[tilespmem:$0x1DC00] =	vst v63  }
0x2ea: {  	s13 =	simm.s32 $0x17798;
	s14 =	sadd.s32 $0x30, s6  }
0x2eb: {  	[hbm4b:s14+s3] =	stream.linear.scatter [tilespmem:s13], [sflag:$0x6], $0x80, $0x38;
	[tilespmem:$0x1DC00] =	vst v63  }
0x2ec: {  	s15 =	simm.s32 $0x17820;
	s16 =	sadd.s32 $0x40, s6  }
0x2ed: {  	[hbm4b:s16+s3] =	stream.linear.scatter [tilespmem:s15], [sflag:$0x6], $0x80, $0x38;
	[tilespmem:$0x1DC00] =	vst v63  }
0x2ee: {  	s11 =	simm.s32 $0x440;
	s13 =	simm.s32 $0x178A8;
	s14 =	sadd.s32 $0x50, s6  }
0x2ef: {  	[hbm4b:s14+s3] =	stream.linear.scatter [tilespmem:s13], [sflag:$0x6], $0x80, $0x38;
	[tilespmem:$0x1DC00] =	vst v63  }
0x2f0: {  	s12 =	sadd.s32 $0x4000, s6;
	s15 =	simm.s32 $0x17930;
	s16 =	sadd.s32 $0x60, s6  }
0x2f1: {  	[hbm4b:s16+s3] =	stream.linear.scatter [tilespmem:s15], [sflag:$0x6], $0x80, $0x38;
	[tilespmem:$0x1DC00] =	vst v63  }
0x2f2: {  	s13 =	simm.s32 $0x2200;
	s14 =	simm.s32 $0x179B8;
	s15 =	sadd.s32 $0x70, s6  }
.LBB2_11:
0x2f3: {  	[hbm4b:s15+s3] =	stream.linear.scatter [tilespmem:s14], [sflag:$0x6], $0x80, $0x38;
	[tilespmem:$0x1DC00] =	vst v63  }
0x2f4: {  	s6 =	smov.u32 s11;
	s11 =	smov.u32 s13  }
0x2f5: {  	s16 =	sadd.s32 $0x1100, s13;
	s11 =	sshra.s32 s11, $0x2;
	s14 =	sadd.s32 $0x17600, s6  }
0x2f6: {  	[hbm4b:s12+s3] =	stream.linear.scatter [tilespmem:s14], [sflag:$0x6], $0x80, $0x38;
	[tilespmem:$0x1DC00] =	vst v63  }
0x2f7: {  	p2 =	sne.s32 s13, $0x7700;
	s13 =	sadd.s32 $0x17688, s6;
	s14 =	sadd.s32 $0x10, s12  }
0x2f8: {  	[hbm4b:s14+s3] =	stream.linear.scatter [tilespmem:s13], [sflag:$0x6], $0x80, $0x38;
	[tilespmem:$0x1DC00] =	vst v63  }
0x2f9: {  	s13 =	sadd.s32 $0x17710, s6;
	s14 =	sadd.s32 $0x20, s12  }
0x2fa: {  	[hbm4b:s14+s3] =	stream.linear.scatter [tilespmem:s13], [sflag:$0x6], $0x80, $0x38;
	[tilespmem:$0x1DC00] =	vst v63  }
0x2fb: {  	s13 =	sadd.s32 $0x17798, s6;
	s14 =	sadd.s32 $0x30, s12  }
0x2fc: {  	[hbm4b:s14+s3] =	stream.linear.scatter [tilespmem:s13], [sflag:$0x6], $0x80, $0x38;
	[tilespmem:$0x1DC00] =	vst v63  }
0x2fd: {  	s13 =	sadd.s32 $0x17820, s6;
	s14 =	sadd.s32 $0x40, s12  }
0x2fe: {  	[hbm4b:s14+s3] =	stream.linear.scatter [tilespmem:s13], [sflag:$0x6], $0x80, $0x38;
	[tilespmem:$0x1DC00] =	vst v63  }
.Ltmp6:
0x2ff: {  	s13 =	sadd.s32 $0x178A8, s6;
	s14 =	sadd.s32 $0x50, s12;
	(pc) =	sbr.rel @p2 .LBB2_11-.Ltmp6, $4  }
0x300: {  	[hbm4b:s14+s3] =	stream.linear.scatter [tilespmem:s13], [sflag:$0x6], $0x80, $0x38;
	[tilespmem:$0x1DC00] =	vst v63  }
0x301: {  	s15 =	sadd.s32 $0x70, s12;
	s13 =	sadd.s32 $0x17930, s6;
	s14 =	sadd.s32 $0x60, s12  }
0x302: {  	[hbm4b:s14+s3] =	stream.linear.scatter [tilespmem:s13], [sflag:$0x6], $0x80, $0x38;
	[tilespmem:$0x1DC00] =	vst v63  }
0x303: {  	s12 =	sadd.s32 $0x4000, s12;
	s14 =	sadd.s32 $0x179B8, s6;
	s13 =	smov.u32 s16  }
0x304: {  	[hbm4b:s15+s3] =	stream.linear.scatter [tilespmem:s14], [sflag:$0x6], $0x80, $0x38;
	[tilespmem:$0x1DC00] =	vst v63  }
0x305: {  	s6 =	sadd.s32 $0x17600, s11  }
0x306: {  	[hbm4b:s12+s3] =	stream.linear.scatter [tilespmem:s6], [sflag:$0x6], $0x80, $0x38;
	[tilespmem:$0x1DC00] =	vst v63  }
0x307: {  	s16 =	sadd.s32 $0x17688, s11;
	s13 =	sadd.s32 $0x10, s12  }
0x308: {  	[hbm4b:s13+s3] =	stream.linear.scatter [tilespmem:s16], [sflag:$0x6], $0x80, $0x38;
	[tilespmem:$0x1DC00] =	vst v63  }
0x309: {  	s14 =	sadd.s32 $0x20, s12;
	s13 =	sadd.s32 $0x17710, s11  }
0x30a: {  	[hbm4b:s14+s3] =	stream.linear.scatter [tilespmem:s13], [sflag:$0x6], $0x80, $0x38;
	[tilespmem:$0x1DC00] =	vst v63  }
0x30b: {  	s15 =	sadd.s32 $0x17798, s11;
	s16 =	sadd.s32 $0x30, s12  }
0x30c: {  	[hbm4b:s16+s3] =	stream.linear.scatter [tilespmem:s15], [sflag:$0x6], $0x80, $0x38;
	[tilespmem:$0x1DC00] =	vst v63  }
0x30d: {  	s13 =	sadd.s32 $0x17820, s11;
	s14 =	sadd.s32 $0x40, s12  }
0x30e: {  	[hbm4b:s14+s3] =	stream.linear.scatter [tilespmem:s13], [sflag:$0x6], $0x80, $0x38;
	[tilespmem:$0x1DC00] =	vst v63  }
0x30f: {  	s6 =	sadd.s32 @!p0 $0x5, s10;
	s15 =	sadd.s32 $0x178A8, s11;
	s16 =	sadd.s32 $0x50, s12  }
0x310: {  	[hbm4b:s16+s3] =	stream.linear.scatter [tilespmem:s15], [sflag:$0x6], $0x80, $0x38;
	[tilespmem:$0x1DC00] =	vst v63  }
0x311: {  	s14 =	sadd.s32 $0x17930, s11;
	s16 =	sadd.s32 $0x60, s12;
	s15 =	smulhi.u32 @!p0 $0x51EB851F, s6  }
0x312: {  	[hbm4b:s16+s3] =	stream.linear.scatter [tilespmem:s14], [sflag:$0x6], $0x80, $0x38;
	[tilespmem:$0x1DC00] =	vst v63  }
0x313: {  	s13 =	sshrl.u32 @!p0 s15, $0x4  }
0x314: {  	s16 =	sadd.s32 $0x179B8, s11;
	s14 =	sadd.s32 $0x70, s12;
	s13 =	smul.u32 @!p0 $0x32, s13  }
0x315: {  	[hbm4b:s14+s3] =	stream.linear.scatter [tilespmem:s16], [sflag:$0x6], $0x80, $0x38;
	[tilespmem:$0x1DC00] =	vst v63  }
0x316: {  	s11 =	sshll.u32 @!p0 s15, $0x3;
	s6 =	ssub.s32 @!p0 s6, s13  }
0x317: {  	s11 =	sand.u32 @!p0 $0x3FFFFF80, s11;
	s6 =	sshll.u32 @!p0 s6, $0x9  }
0x318: {  	s6 =	sadd.s32 @!p0 s11, s6  }
0x319: {  	s12 =	simm.s32 @!p0 $0xF400;
	s11 =	simm.s32 @!p0 $0x80;
	s6 =	sadd.s32 @!p0 $0x7000, s6  }
0x31a: {  	[tilespmem:s12], [sflag:$0x2] =	stream.indirect.gather @!p0 [hbm4b:s4+s11], $0x40, s6, s11, $0xb8;
	[tilespmem:$0x1DC00] =	vst v63  }
0x31b: {  	_ =	swait.ge [sflag:s22], $0x2000  }
0x31c: {  	[sflag:s22] =	ssyncset.done $0x0  }
0x31d: {  	s6 =	simm.s32 @!p1 $0x7;
	[sflag:s22] =	ssyncadd.s32 $0xFFFFE000  }
0x31e: {  	s16 =	simm.s32 $0x0;
	_ =	swait.ge @!p1 [sflag:s6], $0x2000  }
0x31f: {  	v36 =	vmov s16;
	[sflag:s6] =	ssyncset.done @!p1 $0x0  }
0x320: {  	v36 =	vand.u32 $0x7C, v36;
	s12 =	simm.s32 $0x0;
	[sflag:s6] =	ssyncadd.s32 @!p1 $0xFFFFE000  }
0x321: {  	v38 =	vadd.s32 v29, v36;
	v37 =	vld [tilespmem:s12+$0x11400];
	_ =	sdelay $0x4  }
0x322: {  	[tilespmem:v38+s23+$0x0] =	vst.idx.msk $0xffff, v37  }
0x323: {  	v50 =	vadd.s32 v33, v36;
	v37 =	vld [tilespmem:s12+$0x11410];
	_ =	sdelay $0x4  }
0x324: {  	[tilespmem:v50+s23+$0x0] =	vst.idx.msk $0xffff, v37  }
0x325: {  	v51 =	vadd.s32 v34, v36;
	v37 =	vld [tilespmem:s12+$0x11420];
	_ =	sdelay $0x4  }
0x326: {  	[tilespmem:v51+s23+$0x0] =	vst.idx.msk $0xffff, v37  }
0x327: {  	v36 =	vadd.s32 v35, v36;
	v37 =	vld [tilespmem:s12+$0x11430];
	_ =	sdelay $0x2  }
0x328: {  	s14 =	simm.s32 $0x1  }
0x329: {  	v52 =	vmov s14  }
0x32a: {  	v53 =	vand.u32 $0x7D, v52;
	[tilespmem:v36+s23+$0x0] =	vst.idx.msk $0xffff, v37  }
0x32b: {  	v38 =	vadd.s32 v29, v53;
	v37 =	vld [tilespmem:s12+$0x11440];
	_ =	sdelay $0x4  }
0x32c: {  	[tilespmem:v38+s23+$0x0] =	vst.idx.msk $0xffff, v37  }
0x32d: {  	v54 =	vadd.s32 v33, v53;
	v37 =	vld [tilespmem:s12+$0x11450];
	_ =	sdelay $0x4  }
0x32e: {  	[tilespmem:v54+s23+$0x0] =	vst.idx.msk $0xffff, v37  }
0x32f: {  	v55 =	vadd.s32 v34, v53;
	v37 =	vld [tilespmem:s12+$0x11460];
	_ =	sdelay $0x4  }
0x330: {  	[tilespmem:v55+s23+$0x0] =	vst.idx.msk $0xffff, v37  }
0x331: {  	v36 =	vadd.s32 v35, v53;
	v37 =	vld [tilespmem:s12+$0x11470];
	_ =	sdelay $0x2  }
0x332: {  	s15 =	simm.s32 $0x2  }
0x333: {  	v56 =	vmov s15  }
0x334: {  	v57 =	vand.u32 $0x7E, v56;
	[tilespmem:v36+s23+$0x0] =	vst.idx.msk $0xffff, v37  }
0x335: {  	v38 =	vadd.s32 v29, v57;
	v37 =	vld [tilespmem:s12+$0x11480];
	_ =	sdelay $0x4  }
0x336: {  	[tilespmem:v38+s23+$0x0] =	vst.idx.msk $0xffff, v37  }
0x337: {  	v58 =	vadd.s32 v33, v57;
	v37 =	vld [tilespmem:s12+$0x11490];
	_ =	sdelay $0x4  }
0x338: {  	[tilespmem:v58+s23+$0x0] =	vst.idx.msk $0xffff, v37  }
0x339: {  	v59 =	vadd.s32 v34, v57;
	v37 =	vld [tilespmem:s12+$0x114A0];
	_ =	sdelay $0x4  }
0x33a: {  	[tilespmem:v59+s23+$0x0] =	vst.idx.msk $0xffff, v37  }
0x33b: {  	v36 =	vadd.s32 v35, v57;
	v37 =	vld [tilespmem:s12+$0x114B0];
	_ =	sdelay $0x2  }
0x33c: {  	s16 =	simm.s32 $0x3  }
0x33d: {  	v60 =	vmov s16  }
0x33e: {  	v61 =	vand.u32 $0x7F, v60;
	[tilespmem:v36+s23+$0x0] =	vst.idx.msk $0xffff, v37  }
0x33f: {  	v38 =	vadd.s32 v29, v61;
	v36 =	vld [tilespmem:s12+$0x114C0];
	_ =	sdelay $0x4  }
0x340: {  	[tilespmem:v38+s23+$0x0] =	vst.idx.msk $0xffff, v36  }
0x341: {  	v62 =	vadd.s32 v33, v61;
	v36 =	vld [tilespmem:s12+$0x114D0];
	_ =	sdelay $0x4  }
0x342: {  	[tilespmem:v62+s23+$0x0] =	vst.idx.msk $0xffff, v36  }
0x343: {  	v63 =	vadd.s32 v34, v61;
	v36 =	vld [tilespmem:s12+$0x114E0];
	_ =	sdelay $0x4  }
0x344: {  	[tilespmem:v63+s23+$0x0] =	vst.idx.msk $0xffff, v36  }
0x345: {  	v37 =	vadd.s32 v35, v61;
	v36 =	vld [tilespmem:s12+$0x114F0];
	_ =	sdelay $0x1  }
0x346: {  	s15 =	simm.s32 $0x4;
	s13 =	simm.s32 $0x400  }
0x347: {  	s14 =	simm.s32 $0x800;
	s11 =	sor.u32 $0x2, s10;
	s12 =	simm.s32 $0x7  }
.LBB2_13:
0x348: {  	p2 =	sne.s32 s14, $0x7C00;
	v38 =	vmov s15  }
0x349: {  	s15 =	sshra.s32 s13, $0x2;
	s13 =	smov.u32 s14;
	v38 =	vand.u32 $0x7C, v38;
	[tilespmem:v37+s23+$0x0] =	vst.idx.msk $0xffff, v36  }
0x34a: {  	v36 =	vld [tilespmem:s15+$0x11400];
	v37 =	vadd.s32 v29, v38;
	_ =	sdelay $0x4  }
0x34b: {  	[tilespmem:v37+s23+$0x0] =	vst.idx.msk $0xffff, v36  }
0x34c: {  	v37 =	vadd.s32 v33, v38;
	v36 =	vld [tilespmem:s15+$0x11410];
	_ =	sdelay $0x4  }
0x34d: {  	[tilespmem:v37+s23+$0x0] =	vst.idx.msk $0xffff, v36  }
0x34e: {  	v37 =	vadd.s32 v34, v38;
	v36 =	vld [tilespmem:s15+$0x11420];
	_ =	sdelay $0x4  }
0x34f: {  	[tilespmem:v37+s23+$0x0] =	vst.idx.msk $0xffff, v36  }
0x350: {  	v37 =	vadd.s32 v35, v38;
	v36 =	vld [tilespmem:s15+$0x11430];
	_ =	sdelay $0x2  }
0x351: {  	s6 =	sadd.s32 $0xFFFFFFFE, s12  }
0x352: {  	v38 =	vmov s6  }
0x353: {  	[tilespmem:v37+s23+$0x0] =	vst.idx.msk $0xffff, v36;
	v36 =	vand.u32 $0x7D, v38  }
0x354: {  	v37 =	vld [tilespmem:s15+$0x11440];
	v38 =	vadd.s32 v29, v36;
	_ =	sdelay $0x4  }
0x355: {  	[tilespmem:v38+s23+$0x0] =	vst.idx.msk $0xffff, v37  }
0x356: {  	v38 =	vadd.s32 v33, v36;
	v37 =	vld [tilespmem:s15+$0x11450];
	_ =	sdelay $0x4  }
0x357: {  	[tilespmem:v38+s23+$0x0] =	vst.idx.msk $0xffff, v37  }
0x358: {  	v38 =	vadd.s32 v34, v36;
	v37 =	vld [tilespmem:s15+$0x11460];
	_ =	sdelay $0x4  }
0x359: {  	[tilespmem:v38+s23+$0x0] =	vst.idx.msk $0xffff, v37  }
0x35a: {  	v36 =	vadd.s32 v35, v36;
	v37 =	vld [tilespmem:s15+$0x11470];
	_ =	sdelay $0x2  }
0x35b: {  	s6 =	sadd.s32 $0xFFFFFFFF, s12  }
0x35c: {  	v38 =	vmov s6  }
0x35d: {  	[tilespmem:v36+s23+$0x0] =	vst.idx.msk $0xffff, v37;
	v36 =	vand.u32 $0x7E, v38  }
0x35e: {  	v37 =	vld [tilespmem:s15+$0x11480];
	v38 =	vadd.s32 v29, v36;
	_ =	sdelay $0x4  }
0x35f: {  	[tilespmem:v38+s23+$0x0] =	vst.idx.msk $0xffff, v37  }
0x360: {  	v38 =	vadd.s32 v33, v36;
	v37 =	vld [tilespmem:s15+$0x11490];
	_ =	sdelay $0x4  }
0x361: {  	[tilespmem:v38+s23+$0x0] =	vst.idx.msk $0xffff, v37  }
0x362: {  	v38 =	vadd.s32 v34, v36;
	v37 =	vld [tilespmem:s15+$0x114A0];
	_ =	sdelay $0x4  }
0x363: {  	[tilespmem:v38+s23+$0x0] =	vst.idx.msk $0xffff, v37  }
0x364: {  	v36 =	vadd.s32 v35, v36;
	v37 =	vld [tilespmem:s15+$0x114B0];
	_ =	sdelay $0x3  }
0x365: {  	v38 =	vmov s12  }
0x366: {  	[tilespmem:v36+s23+$0x0] =	vst.idx.msk $0xffff, v37;
	v37 =	vand.u32 $0x7F, v38  }
0x367: {  	v36 =	vld [tilespmem:s15+$0x114C0];
	v38 =	vadd.s32 v29, v37;
	_ =	sdelay $0x4  }
0x368: {  	[tilespmem:v38+s23+$0x0] =	vst.idx.msk $0xffff, v36  }
0x369: {  	v38 =	vadd.s32 v33, v37;
	v36 =	vld [tilespmem:s15+$0x114D0];
	_ =	sdelay $0x4  }
0x36a: {  	[tilespmem:v38+s23+$0x0] =	vst.idx.msk $0xffff, v36  }
0x36b: {  	v38 =	vadd.s32 v34, v37;
	v36 =	vld [tilespmem:s15+$0x114E0];
	_ =	sdelay $0x4  }
.Ltmp7:
0x36c: {  	[tilespmem:v38+s23+$0x0] =	vst.idx.msk $0xffff, v36;
	(pc) =	sbr.rel @p2 .LBB2_13-.Ltmp7, $3  }
0x36d: {  	v37 =	vadd.s32 v35, v37;
	v36 =	vld [tilespmem:s15+$0x114F0];
	_ =	sdelay $0x1  }
0x36e: {  	s12 =	sadd.s32 $0x4, s12  }
0x36f: {  	s14 =	sadd.s32 $0x400, s14;
	s15 =	sadd.s32 $0xFFFFFFFD, s12  }
0x370: {  	_ =	sdelay $0x2  }
0x371: {  	v38 =	vmov s15  }
0x372: {  	s6 =	sshra.s32 s13, $0x2;
	v38 =	vand.u32 $0x7C, v38;
	[tilespmem:v37+s23+$0x0] =	vst.idx.msk $0xffff, v36  }
0x373: {  	v36 =	vld [tilespmem:s6+$0x11400];
	v48 =	vadd.s32 v29, v38;
	_ =	sdelay $0x4  }
0x374: {  	[tilespmem:v48+s23+$0x0] =	vst.idx.msk $0xffff, v36  }
0x375: {  	v49 =	vadd.s32 v33, v38;
	v36 =	vld [tilespmem:s6+$0x11410];
	_ =	sdelay $0x4  }
0x376: {  	[tilespmem:v49+s23+$0x0] =	vst.idx.msk $0xffff, v36  }
0x377: {  	v50 =	vadd.s32 v34, v38;
	v36 =	vld [tilespmem:s6+$0x11420];
	_ =	sdelay $0x4  }
0x378: {  	[tilespmem:v50+s23+$0x0] =	vst.idx.msk $0xffff, v36  }
0x379: {  	v51 =	vadd.s32 v35, v38;
	v36 =	vld [tilespmem:s6+$0x11430];
	_ =	sdelay $0x2  }
0x37a: {  	s15 =	sadd.s32 $0xFFFFFFFE, s12  }
0x37b: {  	v52 =	vmov s15  }
0x37c: {  	v53 =	vand.u32 $0x7D, v52;
	[tilespmem:v51+s23+$0x0] =	vst.idx.msk $0xffff, v36  }
0x37d: {  	v38 =	vadd.s32 v29, v53;
	v37 =	vld [tilespmem:s6+$0x11440];
	_ =	sdelay $0x4  }
0x37e: {  	[tilespmem:v38+s23+$0x0] =	vst.idx.msk $0xffff, v37  }
0x37f: {  	v54 =	vadd.s32 v33, v53;
	v37 =	vld [tilespmem:s6+$0x11450];
	_ =	sdelay $0x4  }
0x380: {  	[tilespmem:v54+s23+$0x0] =	vst.idx.msk $0xffff, v37  }
0x381: {  	v55 =	vadd.s32 v34, v53;
	v37 =	vld [tilespmem:s6+$0x11460];
	_ =	sdelay $0x4  }
0x382: {  	[tilespmem:v55+s23+$0x0] =	vst.idx.msk $0xffff, v37  }
0x383: {  	v36 =	vadd.s32 v35, v53;
	v37 =	vld [tilespmem:s6+$0x11470];
	_ =	sdelay $0x2  }
0x384: {  	s16 =	sadd.s32 $0xFFFFFFFF, s12  }
0x385: {  	v56 =	vmov s16  }
0x386: {  	v57 =	vand.u32 $0x7E, v56;
	[tilespmem:v36+s23+$0x0] =	vst.idx.msk $0xffff, v37  }
0x387: {  	v38 =	vadd.s32 v29, v57;
	v37 =	vld [tilespmem:s6+$0x11480];
	_ =	sdelay $0x4  }
0x388: {  	[tilespmem:v38+s23+$0x0] =	vst.idx.msk $0xffff, v37  }
0x389: {  	v58 =	vadd.s32 v33, v57;
	v37 =	vld [tilespmem:s6+$0x11490];
	_ =	sdelay $0x4  }
0x38a: {  	[tilespmem:v58+s23+$0x0] =	vst.idx.msk $0xffff, v37  }
0x38b: {  	v59 =	vadd.s32 v34, v57;
	v37 =	vld [tilespmem:s6+$0x114A0];
	_ =	sdelay $0x4  }
0x38c: {  	[tilespmem:v59+s23+$0x0] =	vst.idx.msk $0xffff, v37  }
0x38d: {  	v36 =	vadd.s32 v35, v57;
	v37 =	vld [tilespmem:s6+$0x114B0];
	_ =	sdelay $0x3  }
0x38e: {  	v60 =	vmov s12  }
0x38f: {  	v61 =	vand.u32 $0x7F, v60;
	[tilespmem:v36+s23+$0x0] =	vst.idx.msk $0xffff, v37  }
0x390: {  	v38 =	vadd.s32 v29, v61;
	v37 =	vld [tilespmem:s6+$0x114C0];
	_ =	sdelay $0x4  }
0x391: {  	[tilespmem:v38+s23+$0x0] =	vst.idx.msk $0xffff, v37  }
0x392: {  	v62 =	vadd.s32 v33, v61;
	v37 =	vld [tilespmem:s6+$0x114D0];
	_ =	sdelay $0x4  }
0x393: {  	[tilespmem:v62+s23+$0x0] =	vst.idx.msk $0xffff, v37  }
0x394: {  	v63 =	vadd.s32 v34, v61;
	v37 =	vld [tilespmem:s6+$0x114E0];
	_ =	sdelay $0x2  }
0x395: {  	s14 =	smulhi.u32 $0x51EB851F, s11;
	_ =	sdelay $0x1  }
0x396: {  	s12 =	sshrl.u32 s14, $0x4;
	[tilespmem:v63+s23+$0x0] =	vst.idx.msk $0xffff, v37  }
0x397: {  	s15 =	smul.u32 $0x32, s12;
	v36 =	vadd.s32 v35, v61;
	v37 =	vld [tilespmem:s6+$0x114F0];
	_ =	sdelay $0x1  }
0x398: {  	s6 =	ssub.s32 s11, s15  }
0x399: {  	s16 =	sadd.s32 s5, s12;
	s6 =	sshll.u32 s6, $0x11  }
0x39a: {  	s11 =	sshll.u32 s16, $0x7;
	s6 =	sadd.s32 s2, s6  }
0x39b: {  	s12 =	simm.s32 $0x19800;
	s6 =	sadd.s32 s11, s6;
	[tilespmem:v36+s23+$0x0] =	vst.idx.msk $0xffff, v37  }
0x39c: {  	[hbm4b:s6+s3] =	stream.linear.scatter [tilespmem:s12], [sflag:$0x7], $0x80, $0x38;
	[tilespmem:$0x1DC00] =	vst v63  }
0x39d: {  	s13 =	simm.s32 $0x19888;
	s14 =	sadd.s32 $0x10, s6  }
0x39e: {  	[hbm4b:s14+s3] =	stream.linear.scatter [tilespmem:s13], [sflag:$0x7], $0x80, $0x38;
	[tilespmem:$0x1DC00] =	vst v63  }
0x39f: {  	s15 =	simm.s32 $0x19910;
	s16 =	sadd.s32 $0x20, s6  }
0x3a0: {  	[hbm4b:s16+s3] =	stream.linear.scatter [tilespmem:s15], [sflag:$0x7], $0x80, $0x38;
	[tilespmem:$0x1DC00] =	vst v63  }
0x3a1: {  	s13 =	simm.s32 $0x19998;
	s14 =	sadd.s32 $0x30, s6  }
0x3a2: {  	[hbm4b:s14+s3] =	stream.linear.scatter [tilespmem:s13], [sflag:$0x7], $0x80, $0x38;
	[tilespmem:$0x1DC00] =	vst v63  }
0x3a3: {  	s15 =	simm.s32 $0x19A20;
	s16 =	sadd.s32 $0x40, s6  }
0x3a4: {  	[hbm4b:s16+s3] =	stream.linear.scatter [tilespmem:s15], [sflag:$0x7], $0x80, $0x38;
	[tilespmem:$0x1DC00] =	vst v63  }
0x3a5: {  	s11 =	simm.s32 $0x440;
	s13 =	simm.s32 $0x19AA8;
	s14 =	sadd.s32 $0x50, s6  }
0x3a6: {  	[hbm4b:s14+s3] =	stream.linear.scatter [tilespmem:s13], [sflag:$0x7], $0x80, $0x38;
	[tilespmem:$0x1DC00] =	vst v63  }
0x3a7: {  	s12 =	sadd.s32 $0x4000, s6;
	s15 =	simm.s32 $0x19B30;
	s16 =	sadd.s32 $0x60, s6  }
0x3a8: {  	[hbm4b:s16+s3] =	stream.linear.scatter [tilespmem:s15], [sflag:$0x7], $0x80, $0x38;
	[tilespmem:$0x1DC00] =	vst v63  }
0x3a9: {  	s13 =	simm.s32 $0x2200;
	s14 =	simm.s32 $0x19BB8;
	s15 =	sadd.s32 $0x70, s6  }
.LBB2_15:
0x3aa: {  	[hbm4b:s15+s3] =	stream.linear.scatter [tilespmem:s14], [sflag:$0x7], $0x80, $0x38;
	[tilespmem:$0x1DC00] =	vst v63  }
0x3ab: {  	s6 =	smov.u32 s11;
	s11 =	smov.u32 s13  }
0x3ac: {  	s16 =	sadd.s32 $0x1100, s13;
	s11 =	sshra.s32 s11, $0x2;
	s14 =	sadd.s32 $0x19800, s6  }
0x3ad: {  	[hbm4b:s12+s3] =	stream.linear.scatter [tilespmem:s14], [sflag:$0x7], $0x80, $0x38;
	[tilespmem:$0x1DC00] =	vst v63  }
0x3ae: {  	p2 =	sne.s32 s13, $0x7700;
	s13 =	sadd.s32 $0x19888, s6;
	s14 =	sadd.s32 $0x10, s12  }
0x3af: {  	[hbm4b:s14+s3] =	stream.linear.scatter [tilespmem:s13], [sflag:$0x7], $0x80, $0x38;
	[tilespmem:$0x1DC00] =	vst v63  }
0x3b0: {  	s13 =	sadd.s32 $0x19910, s6;
	s14 =	sadd.s32 $0x20, s12  }
0x3b1: {  	[hbm4b:s14+s3] =	stream.linear.scatter [tilespmem:s13], [sflag:$0x7], $0x80, $0x38;
	[tilespmem:$0x1DC00] =	vst v63  }
0x3b2: {  	s13 =	sadd.s32 $0x19998, s6;
	s14 =	sadd.s32 $0x30, s12  }
0x3b3: {  	[hbm4b:s14+s3] =	stream.linear.scatter [tilespmem:s13], [sflag:$0x7], $0x80, $0x38;
	[tilespmem:$0x1DC00] =	vst v63  }
0x3b4: {  	s13 =	sadd.s32 $0x19A20, s6;
	s14 =	sadd.s32 $0x40, s12  }
0x3b5: {  	[hbm4b:s14+s3] =	stream.linear.scatter [tilespmem:s13], [sflag:$0x7], $0x80, $0x38;
	[tilespmem:$0x1DC00] =	vst v63  }
.Ltmp8:
0x3b6: {  	s13 =	sadd.s32 $0x19AA8, s6;
	s14 =	sadd.s32 $0x50, s12;
	(pc) =	sbr.rel @p2 .LBB2_15-.Ltmp8, $4  }
0x3b7: {  	[hbm4b:s14+s3] =	stream.linear.scatter [tilespmem:s13], [sflag:$0x7], $0x80, $0x38;
	[tilespmem:$0x1DC00] =	vst v63  }
0x3b8: {  	s15 =	sadd.s32 $0x70, s12;
	s13 =	sadd.s32 $0x19B30, s6;
	s14 =	sadd.s32 $0x60, s12  }
0x3b9: {  	[hbm4b:s14+s3] =	stream.linear.scatter [tilespmem:s13], [sflag:$0x7], $0x80, $0x38;
	[tilespmem:$0x1DC00] =	vst v63  }
0x3ba: {  	s12 =	sadd.s32 $0x4000, s12;
	s14 =	sadd.s32 $0x19BB8, s6;
	s13 =	smov.u32 s16  }
0x3bb: {  	[hbm4b:s15+s3] =	stream.linear.scatter [tilespmem:s14], [sflag:$0x7], $0x80, $0x38;
	[tilespmem:$0x1DC00] =	vst v63  }
0x3bc: {  	s6 =	sadd.s32 $0x19800, s11  }
0x3bd: {  	[hbm4b:s12+s3] =	stream.linear.scatter [tilespmem:s6], [sflag:$0x7], $0x80, $0x38;
	[tilespmem:$0x1DC00] =	vst v63  }
0x3be: {  	s16 =	sadd.s32 $0x19888, s11;
	s13 =	sadd.s32 $0x10, s12  }
0x3bf: {  	[hbm4b:s13+s3] =	stream.linear.scatter [tilespmem:s16], [sflag:$0x7], $0x80, $0x38;
	[tilespmem:$0x1DC00] =	vst v63  }
0x3c0: {  	s14 =	sadd.s32 $0x20, s12;
	s13 =	sadd.s32 $0x19910, s11  }
0x3c1: {  	[hbm4b:s14+s3] =	stream.linear.scatter [tilespmem:s13], [sflag:$0x7], $0x80, $0x38;
	[tilespmem:$0x1DC00] =	vst v63  }
0x3c2: {  	s15 =	sadd.s32 $0x19998, s11;
	s16 =	sadd.s32 $0x30, s12  }
0x3c3: {  	[hbm4b:s16+s3] =	stream.linear.scatter [tilespmem:s15], [sflag:$0x7], $0x80, $0x38;
	[tilespmem:$0x1DC00] =	vst v63  }
0x3c4: {  	s13 =	sadd.s32 $0x19A20, s11;
	s14 =	sadd.s32 $0x40, s12  }
0x3c5: {  	[hbm4b:s14+s3] =	stream.linear.scatter [tilespmem:s13], [sflag:$0x7], $0x80, $0x38;
	[tilespmem:$0x1DC00] =	vst v63  }
0x3c6: {  	s6 =	sadd.s32 @!p0 $0x6, s10;
	s15 =	sadd.s32 $0x19AA8, s11;
	s16 =	sadd.s32 $0x50, s12  }
0x3c7: {  	[hbm4b:s16+s3] =	stream.linear.scatter [tilespmem:s15], [sflag:$0x7], $0x80, $0x38;
	[tilespmem:$0x1DC00] =	vst v63  }
0x3c8: {  	s14 =	sadd.s32 $0x19B30, s11;
	s16 =	sadd.s32 $0x60, s12;
	s15 =	smulhi.u32 @!p0 $0x51EB851F, s6  }
0x3c9: {  	[hbm4b:s16+s3] =	stream.linear.scatter [tilespmem:s14], [sflag:$0x7], $0x80, $0x38;
	[tilespmem:$0x1DC00] =	vst v63  }
0x3ca: {  	s13 =	sshrl.u32 @!p0 s15, $0x4  }
0x3cb: {  	s16 =	sadd.s32 $0x19BB8, s11;
	s14 =	sadd.s32 $0x70, s12;
	s13 =	smul.u32 @!p0 $0x32, s13  }
0x3cc: {  	[hbm4b:s14+s3] =	stream.linear.scatter [tilespmem:s16], [sflag:$0x7], $0x80, $0x38;
	[tilespmem:$0x1DC00] =	vst v63  }
0x3cd: {  	s11 =	sshll.u32 @!p0 s15, $0x3;
	s6 =	ssub.s32 @!p0 s6, s13  }
0x3ce: {  	s11 =	sand.u32 @!p0 $0x3FFFFF80, s11;
	s6 =	sshll.u32 @!p0 s6, $0x9  }
0x3cf: {  	s6 =	sadd.s32 @!p0 s11, s6  }
0x3d0: {  	s12 =	simm.s32 @!p0 $0x11400;
	s11 =	simm.s32 @!p0 $0x80;
	s6 =	sadd.s32 @!p0 $0x7000, s6  }
0x3d1: {  	[tilespmem:s12], [sflag:$0x3] =	stream.indirect.gather @!p0 [hbm4b:s4+s11], $0x40, s6, s11, $0xb8;
	[tilespmem:$0x1DC00] =	vst v63  }
0x3d2: {  	_ =	swait.ge [sflag:s24], $0x2000  }
0x3d3: {  	[sflag:s24] =	ssyncset.done $0x0  }
0x3d4: {  	s6 =	simm.s32 @!p1 $0x8;
	[sflag:s24] =	ssyncadd.s32 $0xFFFFE000  }
0x3d5: {  	s16 =	simm.s32 $0x0;
	_ =	swait.ge @!p1 [sflag:s6], $0x2000  }
0x3d6: {  	v36 =	vmov s16;
	[sflag:s6] =	ssyncset.done @!p1 $0x0  }
0x3d7: {  	v36 =	vand.u32 $0x7C, v36;
	s12 =	simm.s32 $0x0;
	[sflag:s6] =	ssyncadd.s32 @!p1 $0xFFFFE000  }
0x3d8: {  	v38 =	vadd.s32 v29, v36;
	v37 =	vld [tilespmem:s12+$0x13400];
	_ =	sdelay $0x4  }
0x3d9: {  	[tilespmem:v38+s25+$0x0] =	vst.idx.msk $0xffff, v37  }
0x3da: {  	v50 =	vadd.s32 v33, v36;
	v37 =	vld [tilespmem:s12+$0x13410];
	_ =	sdelay $0x4  }
0x3db: {  	[tilespmem:v50+s25+$0x0] =	vst.idx.msk $0xffff, v37  }
0x3dc: {  	v51 =	vadd.s32 v34, v36;
	v37 =	vld [tilespmem:s12+$0x13420];
	_ =	sdelay $0x4  }
0x3dd: {  	[tilespmem:v51+s25+$0x0] =	vst.idx.msk $0xffff, v37  }
0x3de: {  	v36 =	vadd.s32 v35, v36;
	v37 =	vld [tilespmem:s12+$0x13430];
	_ =	sdelay $0x2  }
0x3df: {  	s14 =	simm.s32 $0x1  }
0x3e0: {  	v52 =	vmov s14  }
0x3e1: {  	v53 =	vand.u32 $0x7D, v52;
	[tilespmem:v36+s25+$0x0] =	vst.idx.msk $0xffff, v37  }
0x3e2: {  	v38 =	vadd.s32 v29, v53;
	v37 =	vld [tilespmem:s12+$0x13440];
	_ =	sdelay $0x4  }
0x3e3: {  	[tilespmem:v38+s25+$0x0] =	vst.idx.msk $0xffff, v37  }
0x3e4: {  	v54 =	vadd.s32 v33, v53;
	v37 =	vld [tilespmem:s12+$0x13450];
	_ =	sdelay $0x4  }
0x3e5: {  	[tilespmem:v54+s25+$0x0] =	vst.idx.msk $0xffff, v37  }
0x3e6: {  	v55 =	vadd.s32 v34, v53;
	v37 =	vld [tilespmem:s12+$0x13460];
	_ =	sdelay $0x4  }
0x3e7: {  	[tilespmem:v55+s25+$0x0] =	vst.idx.msk $0xffff, v37  }
0x3e8: {  	v36 =	vadd.s32 v35, v53;
	v37 =	vld [tilespmem:s12+$0x13470];
	_ =	sdelay $0x2  }
0x3e9: {  	s15 =	simm.s32 $0x2  }
0x3ea: {  	v56 =	vmov s15  }
0x3eb: {  	v57 =	vand.u32 $0x7E, v56;
	[tilespmem:v36+s25+$0x0] =	vst.idx.msk $0xffff, v37  }
0x3ec: {  	v38 =	vadd.s32 v29, v57;
	v37 =	vld [tilespmem:s12+$0x13480];
	_ =	sdelay $0x4  }
0x3ed: {  	[tilespmem:v38+s25+$0x0] =	vst.idx.msk $0xffff, v37  }
0x3ee: {  	v58 =	vadd.s32 v33, v57;
	v37 =	vld [tilespmem:s12+$0x13490];
	_ =	sdelay $0x4  }
0x3ef: {  	[tilespmem:v58+s25+$0x0] =	vst.idx.msk $0xffff, v37  }
0x3f0: {  	v59 =	vadd.s32 v34, v57;
	v37 =	vld [tilespmem:s12+$0x134A0];
	_ =	sdelay $0x4  }
0x3f1: {  	[tilespmem:v59+s25+$0x0] =	vst.idx.msk $0xffff, v37  }
0x3f2: {  	v36 =	vadd.s32 v35, v57;
	v37 =	vld [tilespmem:s12+$0x134B0];
	_ =	sdelay $0x2  }
0x3f3: {  	s16 =	simm.s32 $0x3  }
0x3f4: {  	v60 =	vmov s16  }
0x3f5: {  	v61 =	vand.u32 $0x7F, v60;
	[tilespmem:v36+s25+$0x0] =	vst.idx.msk $0xffff, v37  }
0x3f6: {  	v38 =	vadd.s32 v29, v61;
	v36 =	vld [tilespmem:s12+$0x134C0];
	_ =	sdelay $0x4  }
0x3f7: {  	[tilespmem:v38+s25+$0x0] =	vst.idx.msk $0xffff, v36  }
0x3f8: {  	v62 =	vadd.s32 v33, v61;
	v36 =	vld [tilespmem:s12+$0x134D0];
	_ =	sdelay $0x4  }
0x3f9: {  	[tilespmem:v62+s25+$0x0] =	vst.idx.msk $0xffff, v36  }
0x3fa: {  	v63 =	vadd.s32 v34, v61;
	v36 =	vld [tilespmem:s12+$0x134E0];
	_ =	sdelay $0x4  }
0x3fb: {  	[tilespmem:v63+s25+$0x0] =	vst.idx.msk $0xffff, v36  }
0x3fc: {  	v37 =	vadd.s32 v35, v61;
	v36 =	vld [tilespmem:s12+$0x134F0];
	_ =	sdelay $0x1  }
0x3fd: {  	s15 =	simm.s32 $0x4;
	s13 =	simm.s32 $0x400  }
0x3fe: {  	s14 =	simm.s32 $0x800;
	s11 =	sor.u32 $0x3, s10;
	s12 =	simm.s32 $0x7  }
.LBB2_17:
0x3ff: {  	p1 =	sne.s32 s14, $0x7C00;
	v38 =	vmov s15  }
0x400: {  	s15 =	sshra.s32 s13, $0x2;
	s13 =	smov.u32 s14;
	v38 =	vand.u32 $0x7C, v38;
	[tilespmem:v37+s25+$0x0] =	vst.idx.msk $0xffff, v36  }
0x401: {  	v36 =	vld [tilespmem:s15+$0x13400];
	v37 =	vadd.s32 v29, v38;
	_ =	sdelay $0x4  }
0x402: {  	[tilespmem:v37+s25+$0x0] =	vst.idx.msk $0xffff, v36  }
0x403: {  	v37 =	vadd.s32 v33, v38;
	v36 =	vld [tilespmem:s15+$0x13410];
	_ =	sdelay $0x4  }
0x404: {  	[tilespmem:v37+s25+$0x0] =	vst.idx.msk $0xffff, v36  }
0x405: {  	v37 =	vadd.s32 v34, v38;
	v36 =	vld [tilespmem:s15+$0x13420];
	_ =	sdelay $0x4  }
0x406: {  	[tilespmem:v37+s25+$0x0] =	vst.idx.msk $0xffff, v36  }
0x407: {  	v37 =	vadd.s32 v35, v38;
	v36 =	vld [tilespmem:s15+$0x13430];
	_ =	sdelay $0x2  }
0x408: {  	s6 =	sadd.s32 $0xFFFFFFFE, s12  }
0x409: {  	v38 =	vmov s6  }
0x40a: {  	[tilespmem:v37+s25+$0x0] =	vst.idx.msk $0xffff, v36;
	v36 =	vand.u32 $0x7D, v38  }
0x40b: {  	v37 =	vld [tilespmem:s15+$0x13440];
	v38 =	vadd.s32 v29, v36;
	_ =	sdelay $0x4  }
0x40c: {  	[tilespmem:v38+s25+$0x0] =	vst.idx.msk $0xffff, v37  }
0x40d: {  	v38 =	vadd.s32 v33, v36;
	v37 =	vld [tilespmem:s15+$0x13450];
	_ =	sdelay $0x4  }
0x40e: {  	[tilespmem:v38+s25+$0x0] =	vst.idx.msk $0xffff, v37  }
0x40f: {  	v38 =	vadd.s32 v34, v36;
	v37 =	vld [tilespmem:s15+$0x13460];
	_ =	sdelay $0x4  }
0x410: {  	[tilespmem:v38+s25+$0x0] =	vst.idx.msk $0xffff, v37  }
0x411: {  	v36 =	vadd.s32 v35, v36;
	v37 =	vld [tilespmem:s15+$0x13470];
	_ =	sdelay $0x2  }
0x412: {  	s6 =	sadd.s32 $0xFFFFFFFF, s12  }
0x413: {  	v38 =	vmov s6  }
0x414: {  	[tilespmem:v36+s25+$0x0] =	vst.idx.msk $0xffff, v37;
	v36 =	vand.u32 $0x7E, v38  }
0x415: {  	v37 =	vld [tilespmem:s15+$0x13480];
	v38 =	vadd.s32 v29, v36;
	_ =	sdelay $0x4  }
0x416: {  	[tilespmem:v38+s25+$0x0] =	vst.idx.msk $0xffff, v37  }
0x417: {  	v38 =	vadd.s32 v33, v36;
	v37 =	vld [tilespmem:s15+$0x13490];
	_ =	sdelay $0x4  }
0x418: {  	[tilespmem:v38+s25+$0x0] =	vst.idx.msk $0xffff, v37  }
0x419: {  	v38 =	vadd.s32 v34, v36;
	v37 =	vld [tilespmem:s15+$0x134A0];
	_ =	sdelay $0x4  }
0x41a: {  	[tilespmem:v38+s25+$0x0] =	vst.idx.msk $0xffff, v37  }
0x41b: {  	v36 =	vadd.s32 v35, v36;
	v37 =	vld [tilespmem:s15+$0x134B0];
	_ =	sdelay $0x3  }
0x41c: {  	v38 =	vmov s12  }
0x41d: {  	[tilespmem:v36+s25+$0x0] =	vst.idx.msk $0xffff, v37;
	v37 =	vand.u32 $0x7F, v38  }
0x41e: {  	v36 =	vld [tilespmem:s15+$0x134C0];
	v38 =	vadd.s32 v29, v37;
	_ =	sdelay $0x4  }
0x41f: {  	[tilespmem:v38+s25+$0x0] =	vst.idx.msk $0xffff, v36  }
0x420: {  	v38 =	vadd.s32 v33, v37;
	v36 =	vld [tilespmem:s15+$0x134D0];
	_ =	sdelay $0x4  }
0x421: {  	[tilespmem:v38+s25+$0x0] =	vst.idx.msk $0xffff, v36  }
0x422: {  	v38 =	vadd.s32 v34, v37;
	v36 =	vld [tilespmem:s15+$0x134E0];
	_ =	sdelay $0x4  }
.Ltmp9:
0x423: {  	[tilespmem:v38+s25+$0x0] =	vst.idx.msk $0xffff, v36;
	(pc) =	sbr.rel @p1 .LBB2_17-.Ltmp9, $3  }
0x424: {  	v37 =	vadd.s32 v35, v37;
	v36 =	vld [tilespmem:s15+$0x134F0];
	_ =	sdelay $0x1  }
0x425: {  	s12 =	sadd.s32 $0x4, s12  }
0x426: {  	s14 =	sadd.s32 $0x400, s14;
	s15 =	sadd.s32 $0xFFFFFFFD, s12  }
0x427: {  	_ =	sdelay $0x2  }
0x428: {  	v38 =	vmov s15  }
0x429: {  	s6 =	sshra.s32 s13, $0x2;
	v38 =	vand.u32 $0x7C, v38;
	[tilespmem:v37+s25+$0x0] =	vst.idx.msk $0xffff, v36  }
0x42a: {  	v36 =	vld [tilespmem:s6+$0x13400];
	v48 =	vadd.s32 v29, v38;
	_ =	sdelay $0x4  }
0x42b: {  	[tilespmem:v48+s25+$0x0] =	vst.idx.msk $0xffff, v36  }
0x42c: {  	v49 =	vadd.s32 v33, v38;
	v36 =	vld [tilespmem:s6+$0x13410];
	_ =	sdelay $0x4  }
0x42d: {  	[tilespmem:v49+s25+$0x0] =	vst.idx.msk $0xffff, v36  }
0x42e: {  	v50 =	vadd.s32 v34, v38;
	v36 =	vld [tilespmem:s6+$0x13420];
	_ =	sdelay $0x4  }
0x42f: {  	[tilespmem:v50+s25+$0x0] =	vst.idx.msk $0xffff, v36  }
0x430: {  	v51 =	vadd.s32 v35, v38;
	v36 =	vld [tilespmem:s6+$0x13430];
	_ =	sdelay $0x2  }
0x431: {  	s15 =	sadd.s32 $0xFFFFFFFE, s12  }
0x432: {  	v52 =	vmov s15  }
0x433: {  	v53 =	vand.u32 $0x7D, v52;
	[tilespmem:v51+s25+$0x0] =	vst.idx.msk $0xffff, v36  }
0x434: {  	v38 =	vadd.s32 v29, v53;
	v37 =	vld [tilespmem:s6+$0x13440];
	_ =	sdelay $0x4  }
0x435: {  	[tilespmem:v38+s25+$0x0] =	vst.idx.msk $0xffff, v37  }
0x436: {  	v54 =	vadd.s32 v33, v53;
	v37 =	vld [tilespmem:s6+$0x13450];
	_ =	sdelay $0x4  }
0x437: {  	[tilespmem:v54+s25+$0x0] =	vst.idx.msk $0xffff, v37  }
0x438: {  	v55 =	vadd.s32 v34, v53;
	v37 =	vld [tilespmem:s6+$0x13460];
	_ =	sdelay $0x4  }
0x439: {  	[tilespmem:v55+s25+$0x0] =	vst.idx.msk $0xffff, v37  }
0x43a: {  	v36 =	vadd.s32 v35, v53;
	v37 =	vld [tilespmem:s6+$0x13470];
	_ =	sdelay $0x2  }
0x43b: {  	s16 =	sadd.s32 $0xFFFFFFFF, s12  }
0x43c: {  	v56 =	vmov s16  }
0x43d: {  	v57 =	vand.u32 $0x7E, v56;
	[tilespmem:v36+s25+$0x0] =	vst.idx.msk $0xffff, v37  }
0x43e: {  	v38 =	vadd.s32 v29, v57;
	v37 =	vld [tilespmem:s6+$0x13480];
	_ =	sdelay $0x4  }
0x43f: {  	[tilespmem:v38+s25+$0x0] =	vst.idx.msk $0xffff, v37  }
0x440: {  	v58 =	vadd.s32 v33, v57;
	v37 =	vld [tilespmem:s6+$0x13490];
	_ =	sdelay $0x4  }
0x441: {  	[tilespmem:v58+s25+$0x0] =	vst.idx.msk $0xffff, v37  }
0x442: {  	v59 =	vadd.s32 v34, v57;
	v37 =	vld [tilespmem:s6+$0x134A0];
	_ =	sdelay $0x4  }
0x443: {  	[tilespmem:v59+s25+$0x0] =	vst.idx.msk $0xffff, v37  }
0x444: {  	v36 =	vadd.s32 v35, v57;
	v37 =	vld [tilespmem:s6+$0x134B0];
	_ =	sdelay $0x3  }
0x445: {  	v60 =	vmov s12  }
0x446: {  	v61 =	vand.u32 $0x7F, v60;
	[tilespmem:v36+s25+$0x0] =	vst.idx.msk $0xffff, v37  }
0x447: {  	v38 =	vadd.s32 v29, v61;
	v37 =	vld [tilespmem:s6+$0x134C0];
	_ =	sdelay $0x4  }
0x448: {  	[tilespmem:v38+s25+$0x0] =	vst.idx.msk $0xffff, v37  }
0x449: {  	v62 =	vadd.s32 v33, v61;
	v37 =	vld [tilespmem:s6+$0x134D0];
	_ =	sdelay $0x4  }
0x44a: {  	[tilespmem:v62+s25+$0x0] =	vst.idx.msk $0xffff, v37  }
0x44b: {  	v63 =	vadd.s32 v34, v61;
	v37 =	vld [tilespmem:s6+$0x134E0];
	_ =	sdelay $0x2  }
0x44c: {  	s14 =	smulhi.u32 $0x51EB851F, s11;
	_ =	sdelay $0x1  }
0x44d: {  	s12 =	sshrl.u32 s14, $0x4;
	[tilespmem:v63+s25+$0x0] =	vst.idx.msk $0xffff, v37  }
0x44e: {  	s15 =	smul.u32 $0x32, s12;
	v36 =	vadd.s32 v35, v61;
	v37 =	vld [tilespmem:s6+$0x134F0];
	_ =	sdelay $0x1  }
0x44f: {  	s6 =	ssub.s32 s11, s15  }
0x450: {  	s16 =	sadd.s32 s5, s12;
	s6 =	sshll.u32 s6, $0x11  }
0x451: {  	s11 =	sshll.u32 s16, $0x7;
	s6 =	sadd.s32 s2, s6  }
0x452: {  	s12 =	simm.s32 $0x1BA00;
	s6 =	sadd.s32 s11, s6;
	[tilespmem:v36+s25+$0x0] =	vst.idx.msk $0xffff, v37  }
0x453: {  	[hbm4b:s6+s3] =	stream.linear.scatter [tilespmem:s12], [sflag:$0x8], $0x80, $0x38;
	[tilespmem:$0x1DC00] =	vst v63  }
0x454: {  	s13 =	simm.s32 $0x1BA88;
	s14 =	sadd.s32 $0x10, s6  }
0x455: {  	[hbm4b:s14+s3] =	stream.linear.scatter [tilespmem:s13], [sflag:$0x8], $0x80, $0x38;
	[tilespmem:$0x1DC00] =	vst v63  }
0x456: {  	s15 =	simm.s32 $0x1BB10;
	s16 =	sadd.s32 $0x20, s6  }
0x457: {  	[hbm4b:s16+s3] =	stream.linear.scatter [tilespmem:s15], [sflag:$0x8], $0x80, $0x38;
	[tilespmem:$0x1DC00] =	vst v63  }
0x458: {  	s13 =	simm.s32 $0x1BB98;
	s14 =	sadd.s32 $0x30, s6  }
0x459: {  	[hbm4b:s14+s3] =	stream.linear.scatter [tilespmem:s13], [sflag:$0x8], $0x80, $0x38;
	[tilespmem:$0x1DC00] =	vst v63  }
0x45a: {  	s15 =	simm.s32 $0x1BC20;
	s16 =	sadd.s32 $0x40, s6  }
0x45b: {  	[hbm4b:s16+s3] =	stream.linear.scatter [tilespmem:s15], [sflag:$0x8], $0x80, $0x38;
	[tilespmem:$0x1DC00] =	vst v63  }
0x45c: {  	s11 =	simm.s32 $0x440;
	s13 =	simm.s32 $0x1BCA8;
	s14 =	sadd.s32 $0x50, s6  }
0x45d: {  	[hbm4b:s14+s3] =	stream.linear.scatter [tilespmem:s13], [sflag:$0x8], $0x80, $0x38;
	[tilespmem:$0x1DC00] =	vst v63  }
0x45e: {  	s12 =	sadd.s32 $0x4000, s6;
	s15 =	simm.s32 $0x1BD30;
	s16 =	sadd.s32 $0x60, s6  }
0x45f: {  	[hbm4b:s16+s3] =	stream.linear.scatter [tilespmem:s15], [sflag:$0x8], $0x80, $0x38;
	[tilespmem:$0x1DC00] =	vst v63  }
0x460: {  	s13 =	simm.s32 $0x2200;
	s14 =	simm.s32 $0x1BDB8;
	s15 =	sadd.s32 $0x70, s6  }
.LBB2_19:
0x461: {  	[hbm4b:s15+s3] =	stream.linear.scatter [tilespmem:s14], [sflag:$0x8], $0x80, $0x38;
	[tilespmem:$0x1DC00] =	vst v63  }
0x462: {  	s6 =	smov.u32 s11;
	s11 =	smov.u32 s13  }
0x463: {  	s16 =	sadd.s32 $0x1100, s13;
	s11 =	sshra.s32 s11, $0x2;
	s14 =	sadd.s32 $0x1BA00, s6  }
0x464: {  	[hbm4b:s12+s3] =	stream.linear.scatter [tilespmem:s14], [sflag:$0x8], $0x80, $0x38;
	[tilespmem:$0x1DC00] =	vst v63  }
0x465: {  	p1 =	sne.s32 s13, $0x7700;
	s13 =	sadd.s32 $0x1BA88, s6;
	s14 =	sadd.s32 $0x10, s12  }
0x466: {  	[hbm4b:s14+s3] =	stream.linear.scatter [tilespmem:s13], [sflag:$0x8], $0x80, $0x38;
	[tilespmem:$0x1DC00] =	vst v63  }
0x467: {  	s13 =	sadd.s32 $0x1BB10, s6;
	s14 =	sadd.s32 $0x20, s12  }
0x468: {  	[hbm4b:s14+s3] =	stream.linear.scatter [tilespmem:s13], [sflag:$0x8], $0x80, $0x38;
	[tilespmem:$0x1DC00] =	vst v63  }
0x469: {  	s13 =	sadd.s32 $0x1BB98, s6;
	s14 =	sadd.s32 $0x30, s12  }
0x46a: {  	[hbm4b:s14+s3] =	stream.linear.scatter [tilespmem:s13], [sflag:$0x8], $0x80, $0x38;
	[tilespmem:$0x1DC00] =	vst v63  }
0x46b: {  	s13 =	sadd.s32 $0x1BC20, s6;
	s14 =	sadd.s32 $0x40, s12  }
0x46c: {  	[hbm4b:s14+s3] =	stream.linear.scatter [tilespmem:s13], [sflag:$0x8], $0x80, $0x38;
	[tilespmem:$0x1DC00] =	vst v63  }
.Ltmp10:
0x46d: {  	s13 =	sadd.s32 $0x1BCA8, s6;
	s14 =	sadd.s32 $0x50, s12;
	(pc) =	sbr.rel @p1 .LBB2_19-.Ltmp10, $4  }
0x46e: {  	[hbm4b:s14+s3] =	stream.linear.scatter [tilespmem:s13], [sflag:$0x8], $0x80, $0x38;
	[tilespmem:$0x1DC00] =	vst v63  }
0x46f: {  	s15 =	sadd.s32 $0x70, s12;
	s13 =	sadd.s32 $0x1BD30, s6;
	s14 =	sadd.s32 $0x60, s12  }
0x470: {  	[hbm4b:s14+s3] =	stream.linear.scatter [tilespmem:s13], [sflag:$0x8], $0x80, $0x38;
	[tilespmem:$0x1DC00] =	vst v63  }
0x471: {  	s12 =	sadd.s32 $0x4000, s12;
	s14 =	sadd.s32 $0x1BDB8, s6;
	s13 =	smov.u32 s16  }
0x472: {  	[hbm4b:s15+s3] =	stream.linear.scatter [tilespmem:s14], [sflag:$0x8], $0x80, $0x38;
	[tilespmem:$0x1DC00] =	vst v63  }
0x473: {  	s6 =	sadd.s32 $0x1BA00, s11  }
0x474: {  	[hbm4b:s12+s3] =	stream.linear.scatter [tilespmem:s6], [sflag:$0x8], $0x80, $0x38;
	[tilespmem:$0x1DC00] =	vst v63  }
0x475: {  	s16 =	sadd.s32 $0x1BA88, s11;
	s13 =	sadd.s32 $0x10, s12  }
0x476: {  	[hbm4b:s13+s3] =	stream.linear.scatter [tilespmem:s16], [sflag:$0x8], $0x80, $0x38;
	[tilespmem:$0x1DC00] =	vst v63  }
0x477: {  	s14 =	sadd.s32 $0x20, s12;
	s13 =	sadd.s32 $0x1BB10, s11  }
0x478: {  	[hbm4b:s14+s3] =	stream.linear.scatter [tilespmem:s13], [sflag:$0x8], $0x80, $0x38;
	[tilespmem:$0x1DC00] =	vst v63  }
0x479: {  	s15 =	sadd.s32 $0x1BB98, s11;
	s16 =	sadd.s32 $0x30, s12  }
0x47a: {  	[hbm4b:s16+s3] =	stream.linear.scatter [tilespmem:s15], [sflag:$0x8], $0x80, $0x38;
	[tilespmem:$0x1DC00] =	vst v63  }
0x47b: {  	s13 =	sadd.s32 $0x1BC20, s11;
	s14 =	sadd.s32 $0x40, s12  }
0x47c: {  	[hbm4b:s14+s3] =	stream.linear.scatter [tilespmem:s13], [sflag:$0x8], $0x80, $0x38;
	[tilespmem:$0x1DC00] =	vst v63  }
0x47d: {  	s15 =	sadd.s32 $0x1BCA8, s11;
	s16 =	sadd.s32 $0x50, s12  }
0x47e: {  	[hbm4b:s16+s3] =	stream.linear.scatter [tilespmem:s15], [sflag:$0x8], $0x80, $0x38;
	[tilespmem:$0x1DC00] =	vst v63  }
.Ltmp11:
0x47f: {  	_ = 	snop;
	(pc) =	sbr.rel @p0 .LBB2_22-.Ltmp11, $4  }
0x480: {  	s13 =	sadd.s32 $0x1BD30, s11;
	s14 =	sadd.s32 $0x60, s12  }
0x481: {  	[hbm4b:s14+s3] =	stream.linear.scatter [tilespmem:s13], [sflag:$0x8], $0x80, $0x38;
	[tilespmem:$0x1DC00] =	vst v63  }
0x482: {  	s15 =	sadd.s32 $0x1BDB8, s11;
	s16 =	sadd.s32 $0x70, s12  }
0x483: {  	[hbm4b:s16+s3] =	stream.linear.scatter [tilespmem:s15], [sflag:$0x8], $0x80, $0x38;
	[tilespmem:$0x1DC00] =	vst v63  }
0x484: {  	s6 =	sadd.s32 $0x7, s10  }
0x485: {  	s10 =	smulhi.u32 $0x51EB851F, s6;
	_ =	sdelay $0x1  }
0x486: {  	s11 =	sshrl.u32 s10, $0x4  }
0x487: {  	s11 =	smul.u32 $0x32, s11;
	_ =	sdelay $0x1  }
.Ltmp12:
0x488: {  	s10 =	sshll.u32 s10, $0x3;
	s6 =	ssub.s32 s6, s11;
	(pc) =	sbr.rel .LBB2_4-.Ltmp12, $4  }
0x489: {  	s10 =	sand.u32 $0x3FFFFF80, s10;
	s6 =	sshll.u32 s6, $0x9  }
0x48a: {  	s6 =	sadd.s32 s10, s6  }
0x48b: {  	s0 =	sadd.s32 $0x1, s0;
	s6 =	sadd.s32 $0x7000, s6  }
0x48c: {  	[tilespmem:s17], [sflag:$0x4] =	stream.indirect.gather [hbm4b:s4+s9], $0x40, s6, s9, $0xb8;
	[tilespmem:$0x1DC00] =	vst v63  }
.LBB2_23:
0x48d: {  	_ =	sfence.sel $0x180000  }
0x48e: {  	[bflag:$0x0] =	sbarrier.arrive $0xFFFF  }
0x48f: {  	_ =	strace $0x9000004A  }
0x490: {  	s0 =	stileid.u32;
	[bflag:$0x2] =	sbarrier.arrive $0xFFFF  }
0x491: {  	p0 =	sne.s32 s0, $0x0;
	s0 =	rddreg [dreg:$0x2]  }
0x492: {  	s0 =	sadd.s32 @!p0 $0x100000, s0  }
0x493: {  	[sflag:s0] =	ssyncadd.tile.s32 @!p0 $0x1;
	_ =	shalt  }
.Lfunc_end2:
_tile_overlayer_lowered:
.L_overlay_start_2:
0x494: {  	(tag) =	ssettag $0x2  }
0x495: {  	s0 =	rddreg [dreg:$0x0];
	s2 =	stileid.u32  }
0x496: {  	s1 =	rddreg [dreg:$0x1];
	p0 =	sne.s32 s2, $0x0  }
0x497: {  	s3 =	rddreg [dreg:$0x2];
	[bflag:$0x3] =	sbarrier.arrive $0xFFFF;
	s2 =	simm.s32 @!p0 $0x1C09  }
0x498: {  	[timem:s3], [sflag:s2] =	dma.local @!p0 [hbm:s0], s1  }
0x499: {  	s0 =	simm.s32 @!p0 $0x9  }
0x49a: {  	_ =	swait.ge @!p0 [sflag:s0], s1  }
0x49b: {  	s1 =	ssub.s32 @!p0 $0x0, s1;
	[sflag:s0] =	ssyncset.done @!p0 $0x0  }
0x49c: {  	[sflag:s0] =	ssyncadd.s32 @!p0 s1  }
0x49d: {  	[bflag:$0x3] =	sbarrier.arrive $0xFFFF  }
0x49e: {  	_ =	shalt  }

// kernel: sparse-core-data-format-call.cloned.1.call-start
scs
called_computation_lowered:
.L_overlay_start_0:
0x0: {  	s2 =	sld [smem:$0x3FD9]  }
0x1: {  	s3 =	sld [smem:$0x3FFE];
	_ =	sdelay $0x1  }
0x2: {  	s1 =	srdreg.scid  }
0x3: {  	s0 =	sand.u32 $0x1, s1  }
0x4: {  	s18 =	sshll.u32 s0, $0xA;
	s2 =	sadd.s32 s3, s2  }
0x5: {  	s2 =	sadd.s32 s2, s18  }
0x6: {  	[smem:$0x3FC6] =	sst s2  }
0x7: {  	_ = 	snop  }
0x8: {  	s2 =	sld [smem:$0x3FC8];
	(tm) =	ssettm $0x1  }
0x9: {  	s19 =	sld [smem:$0x3FFB];
	_ =	sdelay $0x3  }
0xa: {  	_ =	strace s19  }
0xb: {  	s3 =	sld [smem:$0x3FFC];
	_ =	sdelay $0x3  }
0xc: {  	_ =	strace s3  }
0xd: {  	s3 =	sld [smem:$0x3FFD];
	_ =	sdelay $0x3  }
0xe: {  	_ =	strace s3  }
0xf: {  	_ =	strace $0x8FFFFFFF  }
0x10: {  	s20 =	sld [smem:$0x3FDB];
	_ =	sdelay $0x1  }
0x11: {  	s4 =	simm.s32 $_scs_section_size  }
0x12: {  	s5 =	simm.s32 $_size__tile_overlayer_lowered;
	s6 =	simm.s32 $_tile_overlayer_lowered  }
0x13: {  	s23 =	simm.s32 $0x1BFF;
	s22 =	sshll.u32 s6, $0x1;
	s3 =	sadd.s32 s4, s20  }
0x14: {  	s7 =	simm.s32 $0x0;
	s21 =	sshll.u32 s5, $0x1;
	s5 =	sadd.s32 s22, s3  }
0x15: {  	[timem:s7], [sflag:s23] =	dma.local [hbm:s5], s21  }
0x16: {  	_ =	swait.ge [sflag:s23], s21  }
0x17: {  	s4 =	ssub.s32 $0x0, s21;
	[sflag:s23] =	ssyncset.done $0x0  }
0x18: {  	[sflag:s23] =	ssyncadd.s32 s4;
	_ =	sdelay $0x1  }
0x19: {  	s24 =	simm.s32 $0x1B8B  }
0x1a: {  	_ =	swait.ge [sflag:s24], $0x1  }
0x1b: {  	[sflag:s24] =	ssyncset.done $0x0  }
0x1c: {  	s26 =	simm.s32 $0x1B8E;
	s25 =	sld [smem:$0x3FFE];
	[sflag:s24] =	ssyncadd.s32 $0xFFFFFFFF  }
0x1d: {  	s27 =	simm.s32 $execute0_lowered;
	[smem:$0x3FD2] =	sst s26  }
0x1e: {  	s5 =	sshll.u32 s27, $0x1;
	_ =	strace $0x80000046;
	[dreg:$0x1] =	wrdreg $0xFFFFFFFF  }
0x1f: {  	s28 =	simm.s32 $_size_execute0_lowered;
	s3 =	sadd.s32 s3, s5;
	[dreg:$0x0] =	wrdreg $0x0  }
0x20: {  	s5 =	sshll.u32 s28, $0x1;
	[dreg:$0x2] =	wrdreg s3  }
0x21: {  	[dreg:$0x3] =	wrdreg s5  }
0x22: {  	[dreg:$0x4] =	wrdreg $0xC0  }
0x23: {  	_ =	task [dreg:s7], $0x5FFFF  }
0x24: {  	[dreg:$0x1] =	wrdreg $0xFFFFFFFF  }
0x25: {  	[dreg:$0x0] =	wrdreg $0x60  }
0x26: {  	[dreg:$0x2] =	wrdreg s2  }
0x27: {  	[dreg:$0x3] =	wrdreg s25  }
0x28: {  	[dreg:$0x4] =	wrdreg $0x9  }
0x29: {  	_ =	task.clear_ibuf [dreg:s7], $0x5FFFF;
	_ =	strace $0x90000046  }
0x2a: {  	s29 =	simm.s32 $0x9;
	_ =	strace $0x80000048  }
0x2b: {  	_ =	swait.ge [sflag:s29], $0x1  }
0x2c: {  	[sflag:s29] =	ssyncadd.s32 $0xFFFFFFFF  }
0x2d: {  	_ =	strace $0x90000048  }
0x2e: {  	_ =	sfence  }
0x2f: {  	s30 =	sld [smem:$0x0];
	_ =	sdelay $0x2  }
0x30: {  	s31 =	sshll.u32 s1, $0xD;
	s1 =	sshrl.u32 s1, $0x2  }
0x31: {  	s3 =	sand.u32 $0x4000, s31;
	s1 =	sadd.s32 s1, s30  }
0x32: {  	s0 =	sor.u32 s3, s0;
	s1 =	sshll.u32 s1, $0x11  }
0x33: {  	s0 =	sor.u32 s1, s0  }
0x34: {  	s0 =	sadd.s32 $0x8F2B, s0  }
0x35: {  	[sflag:s0] =	ssyncadd.remote.s32 $0x1  }
0x36: {  	_ =	sfence.sel $0xFFFF  }
0x37: {  	[dreg:$0x0] =	wrdreg $0xFFFFFFFF;
	(pc) =	sbr.abs _section_cstart, $3  }
0x38: {  	[dreg:$0x1] =	wrdreg $0xFFFFFFFF  }
0x39: {  	_ =	task.clear_ibuf [dreg:s7], $0x2FFFF;
	_ =	strace $0x9FFFFFFF  }
0x3a: {  	(tm) =	ssettm $0x7FFFFFFF  }
0x3b: {  	_ =	shalt  }
tec
execute0_lowered:
.L_overlay_start_1:
0x0: {  	(tag) =	ssettag $0x1  }
0x1: {  	s0 =	srdreg.scid;
	s2 =	rddreg [dreg:$0x0]  }
0x2: {  	s5 =	rddreg [dreg:$0x1];
	s1 =	stileid.u32  }
0x3: {  	s4 =	simm.s32 $0x1;
	s6 =	simm.s32 $0x2;
	s15 =	simm.s32 $0x0  }
0x4: {  	p0 =	por $0x0, $0x0;
	s8 =	simm.s32 $0x80;
	s0 =	sshll.u32 s0, $0x4  }
0x5: {  	s14 =	simm.s32 $0x0;
	s9 =	simm.s32 $0x0;
	s3 =	sand.u32 $0x10, s0  }
.Ltmp0:
0x6: {  	s10 =	simm.s32 $0x0;
	s3 =	sor.u32 s1, s3;
	(pc) =	sbr.rel .LBB1_1-.Ltmp0, $4  }
0x7: {  	s0 =	rddreg [dreg:$0x2];
	_ =	strace $0x80000047;
	s3 =	sshll.u32 s3, $0x7  }
0x8: {  	s12 =	simm.s32 $0x0;
	[sflag:s4] =	ssyncpa.u1 $0x0;
	s7 =	ssub.s32 $0xF4200, s3  }
0x9: {  	s13 =	simm.s32 $0x0;
	[sflag:s6] =	ssyncpa.u1 $0x0;
	s6 =	sshrl.u32 s7, $0xC  }
0xa: {  	s5 =	sadd.s32 $0xA00, s5;
	s11 =	smov.u32 s3;
	s7 =	sadd.s32 $0x2, s6  }
.LBB1_5:
0xb: {  	p1 =	slt.u32 s13, $0x2  }
0xc: {  	s17 =	smov.u32 s15;
	p2 =	sgt.s32 @!p1 s15, $0xF41C0;
	s16 =	sshra.s32 @!p1 s15, $0x1F  }
0xd: {  	p3 =	sgt.s32 @!p1 s14, $0x40;
	s18 =	sshra.s32 @!p1 s14, $0x1F;
	p2 =	por !p2, p1  }
0xe: {  	s15 =	sand.u32 @!p1 s16, s15;
	p3 =	por !p3, p1;
	s16 =	smov.u32 s14  }
0xf: {  	s14 =	sand.u32 @!p1 s18, s14;
	s17 =	simm.s32 @p2 $0xF41C0;
	s16 =	simm.s32 @p3 $0x40  }
0x10: {  	s15 =	ssub.s32 @!p1 s17, s15;
	s14 =	ssub.s32 @!p1 s16, s14  }
0x11: {  	s18 =	smov.u32 s12;
	s16 =	sadd.s32 @!p1 $0xFFF0BE40, s15;
	s17 =	sadd.s32 @!p1 $0xFFFFFFC0, s14  }
0x12: {  	s15 =	ssub.s32 @!p1 $0xF4240, s15;
	p2 =	sgt.s32 @!p1 s16, $0x7F;
	p3 =	sgt.s32 @!p1 s17, $0x3F  }
0x13: {  	s14 =	ssub.s32 @!p1 $0x80, s14;
	p2 =	por !p2, p1;
	p3 =	por !p3, p1  }
0x14: {  	s16 =	sadd.s32 $0x1000, s11;
	s15 =	simm.s32 @!p2 $0x0;
	s14 =	simm.s32 @!p3 $0x0  }
0x15: {  	p2 =	sgt.s32 s16, $0xF423F;
	s14 =	smul.u32 @!p1 s14, s15;
	s15 =	sadd.s32 $0x40, s12  }
0x16: {  	s18 =	smov.u32 @p2 s15  }
0x17: {  	s16 =	smov.u32 @p2 s3;
	p2 =	sgt.s32 s18, $0x3F  }
0x18: {  	s18 =	simm.s32 @p2 $0x0;
	p2 =	sne.s32 s13, s7  }
.Ltmp1:
0x19: {  	p0 =	por !p0, !p0;
	s17 =	simm.s32 @!p1 $0x2;
	(pc) =	sbr.rel @!p2 .LBB1_6-.Ltmp1, $4  }
0x1a: {  	s15 =	smov.u32 s9;
	s9 =	smov.u32 s11;
	s14 =	sand.u32 @!p1 $0x3FFFFFFF, s14  }
0x1b: {  	s11 =	smov.u32 s16;
	_ =	swait.ge @!p1 [sflag:s17], s14;
	s19 =	ssub.s32 @!p1 $0x0, s14  }
0x1c: {  	s14 =	smov.u32 s10;
	s13 =	sadd.s32 $0x1, s13;
	[sflag:s17] =	ssyncset.done @!p1 $0x0  }
0x1d: {  	s10 =	smov.u32 s12;
	s12 =	smov.u32 s18;
	[sflag:s17] =	ssyncadd.s32 @!p1 s19  }
.LBB1_1:
0x1e: {  	p1 =	sgt.u32 s13, s6  }
0x1f: {  	s16 =	sshrl.u32 @!p1 s12, $0x3  }
0x20: {  	s17 =	sshll.u32 @!p1 s11, $0x3;
	s16 =	smul.u32 @!p1 $0x7A1400, s16  }
0x21: {  	s18 =	sshll.u32 @!p1 s12, $0x7;
	s17 =	sand.u32 @!p1 $0xFFFFFC00, s17  }
0x22: {  	s16 =	sadd.s32 @!p1 s16, s17;
	s17 =	sand.u32 @!p1 $0x380, s18  }
0x23: {  	s18 =	sand.u32 @!p1 $0x7F, s11;
	s16 =	sor.u32 @!p1 s17, s16  }
0x24: {  	s17 =	sor.u32 @!p1 s18, s16  }
0x25: {  	s18 =	smulhi.u32 @!p1 $0x218D6287, s17;
	_ =	sdelay $0x1  }
0x26: {  	s16 =	smulhi.u32 @!p1 $0x218D6287, s16;
	s18 =	sshrl.u32 @!p1 s18, $0x11  }
0x27: {  	s18 =	smul.u32 @!p1 $0xF4280, s18  }
0x28: {  	s19 =	sxor.u32 @!p1 $0xFFFFFFFF, s13;
	s16 =	sshrl.u32 @!p1 s16, $0x11  }
0x29: {  	s19 =	sshll.u32 @!p1 s19, $0xD;
	s16 =	sand.u32 @!p1 $0x3F, s16;
	s17 =	ssub.s32 @!p1 s17, s18  }
0x2a: {  	s16 =	smul.u32 @!p1 $0x1E850, s16;
	s18 =	sshrl.u32 @!p1 s17, $0x3;
	s17 =	sand.u32 @!p1 $0x7, s17  }
0x2b: {  	s19 =	sand.u32 @!p1 $0x2000, s19;
	s18 =	sadd.s32 @!p1 s2, s18;
	s17 =	sshll.u32 @!p1 s17, $0x12  }
0x2c: {  	s16 =	sadd.s32 @!p1 s16, s18;
	s17 =	sor.u32 @!p1 $0x400, s17;
	s18 =	simm.s32 @!p1 $0x7A1400  }
0x2d: {  	[tilespmem:s19], [sflag:$0x1] =	stream.strided.gather @!p1 [hbm4b:s16+s17], $0x2000, s18, s17, $0x38;
	[tilespmem:$0x8100] =	vst v63  }
0x2e: {  	p1 =	seq.s32 s13, $0x0  }
0x2f: {  	p2 =	sge.u32 @!p1 s13, s7  }
0x30: {  	p1 =	por p1, p2  }
.Ltmp2:
0x31: {  	_ = 	snop;
	(pc) =	sbr.rel @p1 .LBB1_5-.Ltmp2, $1  }
0x32: {  	_ =	sdelay $0x3  }
0x33: {  	s16 =	simm.s32 $0x1  }
0x34: {  	_ =	swait.ge [sflag:s4], $0x2000;
	s16 =	simm.s32 @!p0 $0x0  }
0x35: {  	[sflag:s4] =	ssyncset.done $0x0;
	s17 =	sshll.u32 s16, $0xD  }
0x36: {  	[sflag:s4] =	ssyncadd.s32 $0xFFFFE000;
	s17 =	sor.u32 $0x40, s17  }
0x37: {  	s16 =	smul.u32 $0x8200, s16;
	v0 =	vld [tilespmem:s17+$0x30]  }
0x38: {  	v1 =	vld [tilespmem:s17+$0xFFFFFFD0]  }
0x39: {  	s16 =	sshrl.u32 s16, $0x2;
	v5 =	vld [tilespmem:s17+$0xFFFFFFE0]  }
0x3a: {  	v6 =	vld [tilespmem:s17+$0xFFFFFFF0];
	s19 =	sor.u32 $0x4000, s16  }
0x3b: {  	s31 =	sand.u32 $0x1, s13;
	v4 =	vld [tilespmem:s17+$0x0];
	s18 =	sadd.s32 $0x0, s19  }
0x3c: {  	v3 =	vld [tilespmem:s17+$0x10];
	s16 =	smul.u32 $0x8200, s31;
	[tilespmem:s18+$0x1C70 ss:$0x41] =	vst.msk $0xffff, v0  }
0x3d: {  	v2 =	vld [tilespmem:s17+$0x20];
	[tilespmem:s18+$0x410 ss:$0x41] =	vst.msk $0xffff, v1  }
0x3e: {  	s16 =	sshrl.u32 s16, $0x2;
	v1 =	vld [tilespmem:s17+$0xFFFFFFC0];
	[tilespmem:s18+$0x820 ss:$0x41] =	vst.msk $0xffff, v5;
	s17 =	sadd.s32 $0x80, s17  }
0x3f: {  	s20 =	simm.s32 $0x4;
	s21 =	simm.s32 $0x8;
	s16 =	sor.u32 $0x4000, s16;
	[tilespmem:s18+$0xC30 ss:$0x41] =	vst.msk $0xffff, v6;
	v0 =	vld [tilespmem:s17+$0x30]  }
.LBB1_3:
0x40: {  	p1 =	sne.s32 s21, $0xFC;
	v5 =	vld [tilespmem:s17+$0xFFFFFFD0];
	[tilespmem:s18+$0x1040 ss:$0x41] =	vst.msk $0xffff, v4  }
0x41: {  	v6 =	vld [tilespmem:s17+$0xFFFFFFE0];
	[tilespmem:s18+$0x1450 ss:$0x41] =	vst.msk $0xffff, v3  }
0x42: {  	s22 =	sshra.s32 s20, $0x2;
	s20 =	smov.u32 s21;
	v7 =	vld [tilespmem:s17+$0xFFFFFFF0];
	[tilespmem:s18+$0x1860 ss:$0x41] =	vst.msk $0xffff, v2  }
.Ltmp3:
0x43: {  	v4 =	vld [tilespmem:s17+$0x0];
	[tilespmem:s18+$0x0 ss:$0x41] =	vst.msk $0xffff, v1;
	s18 =	sadd.s32 s22, s19;
	(pc) =	sbr.rel @p1 .LBB1_3-.Ltmp3, $4  }
0x44: {  	v3 =	vld [tilespmem:s17+$0x10];
	[tilespmem:s18+$0x1C70 ss:$0x41] =	vst.msk $0xffff, v0  }
0x45: {  	[tilespmem:s18+$0x410 ss:$0x41] =	vst.msk $0xffff, v5;
	v2 =	vld [tilespmem:s17+$0x20]  }
0x46: {  	v1 =	vld [tilespmem:s17+$0xFFFFFFC0];
	[tilespmem:s18+$0x820 ss:$0x41] =	vst.msk $0xffff, v6;
	s17 =	sadd.s32 $0x80, s17  }
0x47: {  	s21 =	sadd.s32 $0x4, s21;
	v0 =	vld [tilespmem:s17+$0x30];
	[tilespmem:s18+$0xC30 ss:$0x41] =	vst.msk $0xffff, v7  }
0x48: {  	s21 =	sshll.u32 s9, $0x7;
	s22 =	sshll.u32 s10, $0x3;
	s20 =	sshra.s32 s20, $0x2  }
0x49: {  	p1 =	sgt.s32 s9, $0xF41C0;
	s30 =	sshra.s32 s9, $0x1F;
	s25 =	sshra.s32 s10, $0x1F  }
0x4a: {  	v5 =	vld [tilespmem:s17+$0xFFFFFFD0];
	s28 =	sshrl.u32 s10, $0x3;
	s23 =	sand.u32 $0xFFFFFC00, s21;
	s22 =	sand.u32 $0xFFFFFC00, s22  }
0x4b: {  	[tilespmem:s18+$0x1040 ss:$0x41] =	vst.msk $0xffff, v4;
	v58 =	vld [tilespmem:s17+$0xFFFFFFE0];
	s21 =	sand.u32 $0x380, s21;
	s19 =	sadd.s32 s20, s19;
	s22 =	sadd.s32 s22, s23  }
0x4c: {  	v59 =	vld [tilespmem:s17+$0xFFFFFFF0];
	[tilespmem:s18+$0x1450 ss:$0x41] =	vst.msk $0xffff, v3;
	s29 =	sor.u32 s21, s22;
	s21 =	smov.u32 s9;
	s22 =	sand.u32 s30, s9  }
0x4d: {  	v60 =	vld [tilespmem:s17+$0x0];
	[tilespmem:s18+$0x1860 ss:$0x41] =	vst.msk $0xffff, v2;
	s30 =	sand.u32 $0x7, s10;
	s20 =	sshrl.u32 s29, $0x7;
	s21 =	simm.s32 @!p1 $0xF41C0  }
0x4e: {  	v61 =	vld [tilespmem:s17+$0x10];
	[tilespmem:s18+$0x0 ss:$0x41] =	vst.msk $0xffff, v1;
	p1 =	sgt.s32 s10, $0x40;
	s24 =	ssub.s32 s21, s22;
	s21 =	smov.u32 s10  }
0x4f: {  	v62 =	vld [tilespmem:s17+$0x20];
	[tilespmem:s19+$0x1C70 ss:$0x41] =	vst.msk $0xffff, v0;
	s31 =	smulhi.u32 $0x218DEF5, s20;
	s22 =	sand.u32 s25, s10;
	s21 =	simm.s32 @!p1 $0x40  }
0x50: {  	v63 =	vld [tilespmem:s17+$0xFFFFFFC0];
	[tilespmem:s19+$0x410 ss:$0x41] =	vst.msk $0xffff, v5;
	s26 =	sadd.s32 $0xFFF0BE40, s24;
	s17 =	ssub.s32 $0xF4240, s24;
	s21 =	ssub.s32 s21, s22  }
0x51: {  	[tilespmem:s19+$0x820 ss:$0x41] =	vst.msk $0xffff, v58;
	s23 =	sshrl.u32 s31, $0xD;
	p1 =	sgt.s32 s26, $0x7F;
	s27 =	sadd.s32 $0xFFFFFFC0, s21  }
0x52: {  	[tilespmem:s19+$0xC30 ss:$0x41] =	vst.msk $0xffff, v59;
	s23 =	smul.u32 $0xF4240, s23;
	s18 =	ssub.s32 $0x80, s21;
	p2 =	sgt.s32 s27, $0x3F  }
.Ltmp4:
0x53: {  	[tilespmem:s19+$0x1040 ss:$0x41] =	vst.msk $0xffff, v60;
	s17 =	simm.s32 @p1 $0x0;
	s18 =	simm.s32 @p2 $0x0;
	(pc) =	sbr.rel .LBB1_5-.Ltmp4, $4  }
0x54: {  	s29 =	sand.u32 $0xF, s28;
	[tilespmem:s19+$0x1450 ss:$0x41] =	vst.msk $0xffff, v61;
	s20 =	ssub.s32 s20, s23;
	s17 =	smul.u32 s18, s17  }
0x55: {  	[tilespmem:s19+$0x1860 ss:$0x41] =	vst.msk $0xffff, v62;
	s21 =	sshll.u32 s30, $0x12;
	s20 =	sshll.u32 s20, $0x4;
	s18 =	sadd.s32 s5, s29  }
0x56: {  	[tilespmem:s19+$0x0 ss:$0x41] =	vst.msk $0xffff, v63;
	s31 =	sor.u32 $0x40, s21;
	s18 =	sadd.s32 s20, s18;
	s17 =	sand.u32 $0x3FFFFFFF, s17  }
0x57: {  	[hbm4b:s18+s31] =	stream.strided.scatter [tilespmem:s16], [sflag:$0x2], s17, s8, s31, $0x18;
	[tilespmem:$0x8100] =	vst v63  }
.LBB1_6:
0x58: {  	_ =	sfence.sel $0x180000  }
0x59: {  	s2 =	simm.s32 $0x1;
	[bflag:$0x0] =	sbarrier.arrive $0xFFFF  }
0x5a: {  	s31 =	simm.s32 $0x2;
	[sflag:s2] =	ssyncpa.u1 $0x1  }
0x5b: {  	[sflag:s31] =	ssyncpa.u1 $0x1  }
0x5c: {  	p0 =	sne.s32 s1, $0x0;
	_ =	strace $0x90000047  }
0x5d: {  	s0 =	sadd.s32 @!p0 $0x100000, s0;
	[bflag:$0x2] =	sbarrier.arrive $0xFFFF  }
0x5e: {  	[sflag:s0] =	ssyncadd.tile.s32 @!p0 $0x1;
	_ =	shalt  }
.Lfunc_end1:
_tile_overlayer_lowered:
.L_overlay_start_2:
0x5f: {  	(tag) =	ssettag $0x2  }
0x60: {  	s0 =	rddreg [dreg:$0x0];
	s2 =	stileid.u32  }
0x61: {  	s1 =	rddreg [dreg:$0x1];
	p0 =	sne.s32 s2, $0x0  }
0x62: {  	s3 =	rddreg [dreg:$0x2];
	[bflag:$0x3] =	sbarrier.arrive $0xFFFF;
	s2 =	simm.s32 @!p0 $0x1C01  }
0x63: {  	[timem:s3], [sflag:s2] =	dma.local @!p0 [hbm:s0], s1  }
0x64: {  	s0 =	simm.s32 @!p0 $0x1  }
0x65: {  	_ =	swait.ge @!p0 [sflag:s0], s1  }
0x66: {  	s1 =	ssub.s32 @!p0 $0x0, s1;
	[sflag:s0] =	ssyncset.done @!p0 $0x0  }
0x67: {  	[sflag:s0] =	ssyncadd.s32 @!p0 s1  }
0x68: {  	[bflag:$0x3] =	sbarrier.arrive $0xFFFF  }
0x69: {  	_ =	shalt  }

</sc_bundles>
